<compile_context>
chip_gen: v7x
topology: tpu7x:2x2x1
jax: 0.10.2.dev20260603
libtpu: 0.0.44.dev20260713+nightly
codegen_flags: <defaults>
</compile_context>

<pallas_src>
import functools

import jax
import jax.numpy as jnp
from jax import lax
from jax.experimental import pallas as pl
from jax.experimental.pallas import tpu as pltpu
from jax.experimental.pallas import tpu_sc as plsc

_EB = 128


def _sc_dims():
    info = plsc.get_sparse_core_info()
    return info.num_cores, info.num_subcores




@functools.lru_cache(maxsize=None)
def _deg_kernel(E_pad, N_PAD):
    NC, NS = _sc_dims()
    ER = E_pad // _EB
    NB = ER // (NC * NS)
    rows_t = N_PAD // NS
    KT = rows_t // _EB
    mesh = plsc.VectorSubcoreMesh(core_axis_name="c", subcore_axis_name="s")

    @functools.partial(
        pl.kernel,
        mesh=mesh,
        out_type=jax.ShapeDtypeStruct((NC * N_PAD, 128), jnp.float32),
        scratch_types=[
            pltpu.VMEM((NB, _EB), jnp.int32),
            pltpu.VMEM((_EB, 128), jnp.float32),
            pltpu.VMEM_SHARED((N_PAD, 128), jnp.float32),
            pltpu.SemaphoreType.DMA,
        ],
    )
    def deg_kernel(dst_hbm, out_hbm, dstall, buf_v, table, semi):
        c = lax.axis_index("c")
        s = lax.axis_index("s")
        base_e = (c * NS + s) * NB * _EB
        row0 = s * rows_t

        def fill(val):
            def go(r, _):
                for j in range(8):
                    buf_v[r, pl.ds(j * 16, 16)] = jnp.full((16,), val, jnp.float32)
                return 0
            lax.fori_loop(0, _EB, go, 0)

        def stage(j, _):
            pltpu.async_copy(
                dst_hbm.at[pl.ds(base_e + j * _EB, _EB)], dstall.at[j], semi)
            return 0

        lax.fori_loop(0, NB, stage, 0)
        fill(0.0)
        for k in range(KT):
            pltpu.sync_copy(buf_v, table.at[pl.ds(row0 + k * _EB, _EB)])

        def drain(j, _):
            pltpu.make_async_copy(
                dst_hbm.at[pl.ds(base_e + j * _EB, _EB)], dstall.at[j], semi
            ).wait()
            return 0

        lax.fori_loop(0, NB, drain, 0)
        plsc.subcore_barrier()
        fill(1.0)

        def body(j, _):
            pltpu.sync_copy(buf_v, table.at[dstall.at[j]], add=True)
            return 0

        lax.fori_loop(0, NB, body, 0)
        plsc.subcore_barrier()
        for k in range(KT):
            r0 = row0 + k * _EB
            pltpu.sync_copy(table.at[pl.ds(r0, _EB)], buf_v)
            pltpu.sync_copy(buf_v, out_hbm.at[pl.ds(c * N_PAD + r0, _EB)])

    return deg_kernel


@functools.lru_cache(maxsize=None)
def _agg_kernel(E_pad, N_PAD, H):
    NC, NS = _sc_dims()
    ER = E_pad // _EB
    NB = ER // (NC * NS)
    NT = NB // 2
    rows_t = N_PAD // NS
    KT = rows_t // _EB
    mesh = plsc.VectorSubcoreMesh(core_axis_name="c", subcore_axis_name="s")

    NBH = (NB + 1) // 2

    @functools.partial(
        pl.kernel,
        mesh=mesh,
        out_type=jax.ShapeDtypeStruct((NC * N_PAD, H), jnp.float32),
        scratch_types=[
            pltpu.VMEM((NBH, _EB), jnp.int32),
            pltpu.VMEM((NBH, _EB), jnp.int32),
            pltpu.VMEM((2 * _EB, H), jnp.float32),
            pltpu.VMEM_SHARED((N_PAD, H), jnp.float32),
            pltpu.SemaphoreType.DMA,
            pltpu.SemaphoreType.DMA,
            pltpu.SemaphoreType.DMA,
        ],
    )
    def agg_kernel(xwp_hbm, src_hbm, dst_hbm, out_hbm,
                   srcall, dstall, rowsb, table_ref, sem0, sem1, semi):
        rows0 = rowsb.at[pl.ds(0, _EB)]
        c = lax.axis_index("c")
        s = lax.axis_index("s")
        base_e = (c * NS + s) * NB * _EB
        row0 = s * rows_t

        def zero_rows(r, _):
            for j in range(H // 16):
                rowsb[r, pl.ds(j * 16, 16)] = jnp.zeros((16,), jnp.float32)
            return 0

        def stage(h, nh):
            def go(j, _):
                e0 = base_e + (h * NBH + j) * _EB
                pltpu.async_copy(src_hbm.at[pl.ds(e0, _EB)], srcall.at[j], semi)
                pltpu.async_copy(dst_hbm.at[pl.ds(e0, _EB)], dstall.at[j], semi)
                return 0
            lax.fori_loop(0, nh, go, 0)

        def drain_stage(h, nh):
            def go(j, _):
                e0 = base_e + (h * NBH + j) * _EB
                pltpu.make_async_copy(
                    src_hbm.at[pl.ds(e0, _EB)], srcall.at[j], semi).wait()
                pltpu.make_async_copy(
                    dst_hbm.at[pl.ds(e0, _EB)], dstall.at[j], semi).wait()
                return 0
            lax.fori_loop(0, nh, go, 0)

        def run_half(nh):
            def body(j, _):
                cur = (j % 2) * _EB
                prv = ((j + 1) % 2) * _EB
                g = pltpu.async_copy(
                    xwp_hbm.at[srcall.at[j]], rowsb.at[pl.ds(cur, _EB)], sem0)

                @pl.when(j > 0)
                def _():
                    pltpu.make_async_copy(
                        rowsb.at[pl.ds(prv, _EB)],
                        table_ref.at[dstall.at[j - 1]], sem1).wait()

                g.wait()
                pltpu.async_copy(
                    rowsb.at[pl.ds(cur, _EB)],
                    table_ref.at[dstall.at[j]], sem1, add=True)
                return 0

            lax.fori_loop(0, nh, body, 0)
            pltpu.make_async_copy(
                rowsb.at[pl.ds(((nh - 1) % 2) * _EB, _EB)],
                table_ref.at[dstall.at[nh - 1]], sem1).wait()

        stage(0, NBH)
        lax.fori_loop(0, _EB, zero_rows, 0)
        for k in range(KT):
            pltpu.sync_copy(rows0, table_ref.at[pl.ds(row0 + k * _EB, _EB)])
        drain_stage(0, NBH)
        plsc.subcore_barrier()
        run_half(NBH)
        stage(1, NB - NBH)
        drain_stage(1, NB - NBH)
        run_half(NB - NBH)
        plsc.subcore_barrier()
        for k in range(KT):
            r0 = row0 + k * _EB
            pltpu.sync_copy(table_ref.at[pl.ds(r0, _EB)], rows0)
            pltpu.sync_copy(rows0, out_hbm.at[pl.ds(c * N_PAD + r0, _EB)])

    return agg_kernel



_NBLK = 256


def _tc_matmul(x_pad, W):
    N_PAD, D = x_pad.shape
    H = W.shape[1]
    G = N_PAD // _NBLK

    def body(x_ref, w_ref, xw_ref):
        xw_ref[...] = jnp.dot(
            x_ref[...], w_ref[...], preferred_element_type=jnp.float32)

    return pl.pallas_call(
        body,
        grid=(G,),
        in_specs=[
            pl.BlockSpec((_NBLK, D), lambda i: (i, 0)),
            pl.BlockSpec((D, H), lambda i: (0, 0)),
        ],
        out_specs=pl.BlockSpec((_NBLK, H), lambda i: (i, 0)),
        out_shape=jax.ShapeDtypeStruct((N_PAD, H), jnp.float32),
    )(x_pad, W)


def _tc_scale(xw, cnt):
    N_PAD, H = xw.shape
    G = N_PAD // _NBLK
    NCc = cnt.shape[0]

    def body(xw_ref, cnt_ref, xwp_ref, dinv_ref):
        deg = jnp.sum(cnt_ref[...][:, :, 0:1], axis=0) + 1.0
        dinv = lax.rsqrt(deg)
        xwp_ref[...] = xw_ref[...] * dinv
        dinv_ref[...] = jnp.broadcast_to(dinv, (_NBLK, 8))

    return pl.pallas_call(
        body,
        grid=(G,),
        in_specs=[
            pl.BlockSpec((_NBLK, H), lambda i: (i, 0)),
            pl.BlockSpec((NCc, _NBLK, 128), lambda i: (0, i, 0)),
        ],
        out_specs=[
            pl.BlockSpec((_NBLK, H), lambda i: (i, 0)),
            pl.BlockSpec((_NBLK, 8), lambda i: (i, 0)),
        ],
        out_shape=[
            jax.ShapeDtypeStruct((N_PAD, H), jnp.float32),
            jax.ShapeDtypeStruct((N_PAD, 8), jnp.float32),
        ],
    )(xw, cnt)


def _tc_layer_mid(agg, xwp, dinv2d, b, W):
    NCc, N_PAD, H = agg.shape
    HO = W.shape[1]
    G = N_PAD // _NBLK

    def body(agg_ref, xwp_ref, dinv_ref, b_ref, w_ref, out_ref):
        a = jnp.sum(agg_ref[...], axis=0)
        dinv = dinv_ref[...][:, 0:1]
        h = jnp.maximum((a + xwp_ref[...]) * dinv + b_ref[...], 0.0)
        out_ref[...] = (
            jnp.dot(h, w_ref[...], preferred_element_type=jnp.float32) * dinv
        )

    return pl.pallas_call(
        body,
        grid=(G,),
        in_specs=[
            pl.BlockSpec((NCc, _NBLK, H), lambda i: (0, i, 0)),
            pl.BlockSpec((_NBLK, H), lambda i: (i, 0)),
            pl.BlockSpec((_NBLK, 8), lambda i: (i, 0)),
            pl.BlockSpec((1, H), lambda i: (0, 0)),
            pl.BlockSpec((H, HO), lambda i: (0, 0)),
        ],
        out_specs=pl.BlockSpec((_NBLK, HO), lambda i: (i, 0)),
        out_shape=jax.ShapeDtypeStruct((N_PAD, HO), jnp.float32),
    )(agg, xwp, dinv2d, b, W)


def _tc_pool_head(agg, xwp, dinv2d, b, batch3d, Wfc, bfc, n_graphs):
    NCc, N_PAD, H = agg.shape
    O = Wfc.shape[1]
    G = N_PAD // _NBLK

    def body(agg_ref, xwp_ref, dinv_ref, b_ref, batch_ref, wfc_ref, bfc_ref,
             out_ref, acc_ref, cnt_ref):
        i = pl.program_id(0)

        @pl.when(i == 0)
        def _():
            acc_ref[...] = jnp.zeros_like(acc_ref)
            cnt_ref[...] = jnp.zeros_like(cnt_ref)

        a = jnp.sum(agg_ref[...], axis=0)
        dinv = dinv_ref[...][:, 0:1]
        h = jnp.maximum((a + xwp_ref[...]) * dinv + b_ref[...], 0.0)
        bvec = batch_ref[...].reshape(_NBLK)
        gids = lax.broadcasted_iota(jnp.int32, (n_graphs, _NBLK), 0)
        mask = (gids == bvec[None, :]).astype(jnp.float32)
        acc_ref[...] += jnp.dot(mask, h, preferred_element_type=jnp.float32)
        cnt_ref[...] += jnp.dot(
            mask, jnp.ones((_NBLK, H), jnp.float32),
            preferred_element_type=jnp.float32,
        )

        @pl.when(i == G - 1)
        def _():
            pooled = acc_ref[...] / jnp.maximum(cnt_ref[...], 1.0)
            out_ref[...] = (
                jnp.dot(pooled, wfc_ref[...], preferred_element_type=jnp.float32)
                + bfc_ref[...]
            )

    return pl.pallas_call(
        body,
        grid=(G,),
        in_specs=[
            pl.BlockSpec((NCc, _NBLK, H), lambda i: (0, i, 0)),
            pl.BlockSpec((_NBLK, H), lambda i: (i, 0)),
            pl.BlockSpec((_NBLK, 8), lambda i: (i, 0)),
            pl.BlockSpec((1, H), lambda i: (0, 0)),
            pl.BlockSpec((1, 1, _NBLK), lambda i: (i, 0, 0)),
            pl.BlockSpec((H, O), lambda i: (0, 0)),
            pl.BlockSpec((1, O), lambda i: (0, 0)),
        ],
        out_specs=pl.BlockSpec((n_graphs, O), lambda i: (0, 0)),
        out_shape=jax.ShapeDtypeStruct((n_graphs, O), jnp.float32),
        scratch_shapes=[
            pltpu.VMEM((n_graphs, H), jnp.float32),
            pltpu.VMEM((n_graphs, H), jnp.float32),
        ],
    )(agg, xwp, dinv2d, b, batch3d, Wfc, bfc)




def kernel(x, edge_index, batch, W1, b1, W2, b2, Wfc, bfc):
    N, D = x.shape
    E = edge_index.shape[1]
    H = W1.shape[1]
    NC, NS = _sc_dims()
    n_graphs = 64

    unit_n = NS * _EB
    N_PAD = -(-N // unit_n) * unit_n
    unit_e = NC * NS * _EB
    E_pad = -(-E // unit_e) * unit_e

    x_pad = jnp.pad(x, ((0, N_PAD - N), (0, 0)))
    batch_pad = jnp.pad(batch, (0, N_PAD - N), constant_values=-1)
    batch3d = batch_pad.reshape(N_PAD // _NBLK, 1, _NBLK)
    pad_idx = (N + jnp.arange(E_pad - E, dtype=jnp.int32)
               % jnp.int32(max(N_PAD - N, 1))).astype(jnp.int32)
    if N_PAD == N:
        pad_idx = jnp.full((E_pad - E,), N - 1, jnp.int32)
    src = jnp.concatenate([edge_index[0], pad_idx])
    dst = jnp.concatenate([edge_index[1], pad_idx])

    cnt = _deg_kernel(E_pad, N_PAD)(dst).reshape(NC, N_PAD, 128)
    xw1 = _tc_matmul(x_pad, W1)
    xwp1, dinv2d = _tc_scale(xw1, cnt)
    agg1 = _agg_kernel(E_pad, N_PAD, H)(xwp1, src, dst).reshape(NC, N_PAD, H)
    xwp2 = _tc_layer_mid(agg1, xwp1, dinv2d, b1.reshape(1, H), W2)
    agg2 = _agg_kernel(E_pad, N_PAD, H)(xwp2, src, dst).reshape(NC, N_PAD, H)
    return _tc_pool_head(agg2, xwp2, dinv2d, b2.reshape(1, H), batch3d,
                         Wfc, bfc.reshape(1, -1), n_graphs)

# --- scband reference (transcript-rebuilt; emitter-appended) ---
"""Pipeline reference for scband-gnn-52415780880534 (READ-ONLY COPY).

The authoritative reference and input builder live on the scoring server;
editing this copy changes nothing except your own understanding.
"""

import jax, jax.numpy as jnp
import numpy as np

N_GRAPHS = 64


def gcn_conv(x, edge_index, W, b):
    N = x.shape[0]
    loop = jnp.arange(N, dtype=edge_index.dtype)
    src = jnp.concatenate([edge_index[0], loop])
    dst = jnp.concatenate([edge_index[1], loop])
    deg = jnp.zeros((N,), dtype=x.dtype).at[dst].add(1.0)
    dinv = jnp.where(deg > 0, 1.0 / jnp.sqrt(deg), 0.0)
    norm = dinv[src] * dinv[dst]
    xw = x @ W
    msg = xw[src] * norm[:, None]
    out = jnp.zeros((N, W.shape[1]), dtype=x.dtype).at[dst].add(msg)
    return out + b


def setup_inputs(seed: int = 0):
    key = jax.random.key(seed)
    ks = jax.random.split(key, 10)
    N, E, D, H, O = 10000, 320000, 128, 128, 64
    x = jax.random.normal(ks[0], (N, D), dtype=jnp.float32)
    edge_index = jax.random.randint(ks[1], (2, E), 0, N, dtype=jnp.int32)
    batch = jnp.sort(jax.random.randint(ks[2], (N,), 0, N_GRAPHS, dtype=jnp.int32))
    W1 = jax.random.normal(ks[3], (D, H), dtype=jnp.float32) * 0.05
    b1 = jnp.zeros((H,), dtype=jnp.float32)
    W2 = jax.random.normal(ks[4], (H, H), dtype=jnp.float32) * 0.05
    b2 = jnp.zeros((H,), dtype=jnp.float32)
    Wfc = jax.random.normal(ks[5], (H, O), dtype=jnp.float32) * 0.05
    bfc = jnp.zeros((O,), dtype=jnp.float32)
    return {"x": x, "edge_index": edge_index, "batch": batch,
            "W1": W1, "b1": b1, "W2": W2, "b2": b2, "Wfc": Wfc, "bfc": bfc}


def reference(x, edge_index, batch, W1, b1, W2, b2, Wfc, bfc):
    h = jax.nn.relu(gcn_conv(x, edge_index, W1, b1))
    h = jax.nn.relu(gcn_conv(h, edge_index, W2, b2))
    summed = jax.ops.segment_sum(h, batch, num_segments=N_GRAPHS)
    cnt = jax.ops.segment_sum(jnp.ones((h.shape[0],), dtype=h.dtype), batch, num_segments=N_GRAPHS)
    pooled = summed / jnp.maximum(cnt, 1.0)[:, None]
    return pooled @ Wfc + bfc

if __name__ == "__main__":
    import jax
    _d = setup_inputs()
    print(jax.jit(kernel)(*tuple(_d.values())))

</pallas_src>

<mosaic_0001>
#map = affine_map<(d0, d1) -> (0, 0)>
#map1 = affine_map<(d0, d1) -> (0)>
module attributes {stable_mosaic.version = 14 : i64} {
  func.func @agg_kernel(%arg0: i32, %arg1: i32, %arg2: memref<10240x128xf32, #tpu.memory_space<hbm>>, %arg3: memref<323584xi32, #tpu.memory_space<hbm>>, %arg4: memref<323584xi32, #tpu.memory_space<hbm>>, %arg5: memref<20480x128xf32, #tpu.memory_space<hbm>>, %arg6: memref<40x128xi32, #tpu.memory_space<vmem>>, %arg7: memref<40x128xi32, #tpu.memory_space<vmem>>, %arg8: memref<256x128xf32, #tpu.memory_space<vmem>>, %arg9: memref<10240x128xf32, #tpu.memory_space<vmem_shared>>, %arg10: memref<!tpu.dma_semaphore, #tpu.memory_space<semaphore_mem>>, %arg11: memref<!tpu.dma_semaphore, #tpu.memory_space<semaphore_mem>>, %arg12: memref<!tpu.dma_semaphore, #tpu.memory_space<semaphore_mem>>) attributes {dimension_semantics = [#tpu.dimension_semantics<core_parallel>, #tpu.dimension_semantics<subcore_parallel>], iteration_bounds = array<i64: 2, 16>, scalar_prefetch = 0 : i64, scratch_operands = 7 : i64, tpu.core_type = #tpu.core_type<sc_vector_subcore>, window_params = [{transform_indices = #map}, {transform_indices = #map1}, {transform_indices = #map1}, {transform_indices = #map}]} {
    %mul3A = arith.constant 16 : i32
    %mul3A_0 = arith.muli %arg0, %mul3A : i32
    %add3A = arith.addi %mul3A_0, %arg1 : i32
    %mul3A_1 = arith.constant 79 : i32
    %mul3A_2 = arith.muli %add3A, %mul3A_1 : i32
    %mul3A_3 = arith.constant 128 : i32
    %mul3A_4 = arith.muli %mul3A_2, %mul3A_3 : i32
    %mul3A_5 = arith.constant 640 : i32
    %mul3A_6 = arith.muli %arg1, %mul3A_5 : i32
    %scan3A = arith.constant 0 : i32
    %scan3A_7 = arith.constant 0 : i32
    %scan3A_8 = arith.constant 40 : i32
    %scan3A_9 = arith.addi %scan3A_7, %scan3A_8 : i32
    %scan3A_10 = arith.constant 1 : i32
    %scan3A_11 = scf.for %scan3A_110 = %scan3A_7 to %scan3A_9 step %scan3A_10 iter_args(%scan3A_111 = %scan3A) -> (i32)  : i32 {
      %add3A_112 = arith.constant 0 : i32
      %add3A_113 = arith.addi %add3A_112, %scan3A_110 : i32
      %mul3A_114 = arith.constant 128 : i32
      %mul3A_115 = arith.muli %add3A_113, %mul3A_114 : i32
      %add3A_116 = arith.addi %mul3A_4, %mul3A_115 : i32
      %dma_start3A = arith.constant 0 : i32
      %dma_start3A_117 = tpu.memref_slice %arg6[%scan3A_110, %dma_start3A] : memref<40x128xi32, #tpu.memory_space<vmem>> -> memref<1x128xi32, #tpu.memory_space<vmem>>
      %dma_start3A_118 = tpu.memref_squeeze %dma_start3A_117 : memref<1x128xi32, #tpu.memory_space<vmem>> -> memref<128xi32, #tpu.memory_space<vmem>>
      %dma_start3A_119 = tpu.memref_slice %arg3[%add3A_116] : memref<323584xi32, #tpu.memory_space<hbm>> -> memref<128xi32, #tpu.memory_space<hbm>>
      %dma_start3A_120 = arith.constant 0 : i32
      %dma_start3A_121 = tpu.memref_slice %arg6[%scan3A_110, %dma_start3A_120] : memref<40x128xi32, #tpu.memory_space<vmem>> -> memref<1x128xi32, #tpu.memory_space<vmem>>
      %dma_start3A_122 = tpu.memref_squeeze %dma_start3A_121 : memref<1x128xi32, #tpu.memory_space<vmem>> -> memref<128xi32, #tpu.memory_space<vmem>>
      %dma_start3A_123 = tpu.memref_slice %arg3[%add3A_116] : memref<323584xi32, #tpu.memory_space<hbm>> -> memref<128xi32, #tpu.memory_space<hbm>>
      tpu.enqueue_dma source(%dma_start3A_123 : memref<128xi32, #tpu.memory_space<hbm>>) target(%dma_start3A_122 : memref<128xi32, #tpu.memory_space<vmem>>) target_semaphore(%arg12 : memref<!tpu.dma_semaphore, #tpu.memory_space<semaphore_mem>>)
      %dma_start3A_124 = arith.constant 0 : i32
      %dma_start3A_125 = tpu.memref_slice %arg7[%scan3A_110, %dma_start3A_124] : memref<40x128xi32, #tpu.memory_space<vmem>> -> memref<1x128xi32, #tpu.memory_space<vmem>>
      %dma_start3A_126 = tpu.memref_squeeze %dma_start3A_125 : memref<1x128xi32, #tpu.memory_space<vmem>> -> memref<128xi32, #tpu.memory_space<vmem>>
      %dma_start3A_127 = tpu.memref_slice %arg4[%add3A_116] : memref<323584xi32, #tpu.memory_space<hbm>> -> memref<128xi32, #tpu.memory_space<hbm>>
      %dma_start3A_128 = arith.constant 0 : i32
      %dma_start3A_129 = tpu.memref_slice %arg7[%scan3A_110, %dma_start3A_128] : memref<40x128xi32, #tpu.memory_space<vmem>> -> memref<1x128xi32, #tpu.memory_space<vmem>>
      %dma_start3A_130 = tpu.memref_squeeze %dma_start3A_129 : memref<1x128xi32, #tpu.memory_space<vmem>> -> memref<128xi32, #tpu.memory_space<vmem>>
      %dma_start3A_131 = tpu.memref_slice %arg4[%add3A_116] : memref<323584xi32, #tpu.memory_space<hbm>> -> memref<128xi32, #tpu.memory_space<hbm>>
      tpu.enqueue_dma source(%dma_start3A_131 : memref<128xi32, #tpu.memory_space<hbm>>) target(%dma_start3A_130 : memref<128xi32, #tpu.memory_space<vmem>>) target_semaphore(%arg12 : memref<!tpu.dma_semaphore, #tpu.memory_space<semaphore_mem>>)
      %scan3A_132 = arith.constant 0 : i32
      scf.yield %scan3A_132 : i32
    }
    %scan3A_12 = arith.constant 40 : i32
    %scan3A_13 = arith.constant 0 : i32
    %scan3A_14 = arith.constant 0 : i32
    %scan3A_15 = arith.constant 128 : i32
    %scan3A_16 = arith.addi %scan3A_14, %scan3A_15 : i32
    %scan3A_17 = arith.constant 1 : i32
    %scan3A_18 = scf.for %scan3A_110 = %scan3A_14 to %scan3A_16 step %scan3A_17 iter_args(%scan3A_111 = %scan3A_13) -> (i32)  : i32 {
      %broadcast_in_dim3A = arith.constant 0.000000e+00 : f32
      %broadcast_in_dim3A_112 = vector.broadcast %broadcast_in_dim3A : f32 to vector<16xf32>
      %swap3A = arith.index_cast %scan3A_110 : i32 to index
      %swap3A_113 = arith.constant 0 : index
      %swap3A_114 = tpu.vector_load %arg8[%swap3A, %swap3A_113] {strides = array<i32>} : memref<256x128xf32, #tpu.memory_space<vmem>>, vector<1x16xf32>,
      %swap3A_115 = vector.shape_cast %swap3A_114 : vector<1x16xf32> to vector<16xf32>
      %swap3A_116 = vector.shape_cast %broadcast_in_dim3A_112 : vector<16xf32> to vector<1x16xf32>
      tpu.vector_store %arg8[%swap3A, %swap3A_113], %swap3A_116 {strides = array<i32>} : memref<256x128xf32, #tpu.memory_space<vmem>>, vector<1x16xf32>,
      %broadcast_in_dim3A_117 = arith.constant 0.000000e+00 : f32
      %broadcast_in_dim3A_118 = vector.broadcast %broadcast_in_dim3A_117 : f32 to vector<16xf32>
      %swap3A_119 = arith.index_cast %scan3A_110 : i32 to index
      %swap3A_120 = arith.constant 16 : index
      %swap3A_121 = tpu.vector_load %arg8[%swap3A_119, %swap3A_120] {strides = array<i32>} : memref<256x128xf32, #tpu.memory_space<vmem>>, vector<1x16xf32>,
      %swap3A_122 = vector.shape_cast %swap3A_121 : vector<1x16xf32> to vector<16xf32>
      %swap3A_123 = vector.shape_cast %broadcast_in_dim3A_118 : vector<16xf32> to vector<1x16xf32>
      tpu.vector_store %arg8[%swap3A_119, %swap3A_120], %swap3A_123 {strides = array<i32>} : memref<256x128xf32, #tpu.memory_space<vmem>>, vector<1x16xf32>,
      %broadcast_in_dim3A_124 = arith.constant 0.000000e+00 : f32
      %broadcast_in_dim3A_125 = vector.broadcast %broadcast_in_dim3A_124 : f32 to vector<16xf32>
      %swap3A_126 = arith.index_cast %scan3A_110 : i32 to index
      %swap3A_127 = arith.constant 32 : index
      %swap3A_128 = tpu.vector_load %arg8[%swap3A_126, %swap3A_127] {strides = array<i32>} : memref<256x128xf32, #tpu.memory_space<vmem>>, vector<1x16xf32>,
      %swap3A_129 = vector.shape_cast %swap3A_128 : vector<1x16xf32> to vector<16xf32>
      %swap3A_130 = vector.shape_cast %broadcast_in_dim3A_125 : vector<16xf32> to vector<1x16xf32>
      tpu.vector_store %arg8[%swap3A_126, %swap3A_127], %swap3A_130 {strides = array<i32>} : memref<256x128xf32, #tpu.memory_space<vmem>>, vector<1x16xf32>,
      %broadcast_in_dim3A_131 = arith.constant 0.000000e+00 : f32
      %broadcast_in_dim3A_132 = vector.broadcast %broadcast_in_dim3A_131 : f32 to vector<16xf32>
      %swap3A_133 = arith.index_cast %scan3A_110 : i32 to index
      %swap3A_134 = arith.constant 48 : index
      %swap3A_135 = tpu.vector_load %arg8[%swap3A_133, %swap3A_134] {strides = array<i32>} : memref<256x128xf32, #tpu.memory_space<vmem>>, vector<1x16xf32>,
      %swap3A_136 = vector.shape_cast %swap3A_135 : vector<1x16xf32> to vector<16xf32>
      %swap3A_137 = vector.shape_cast %broadcast_in_dim3A_132 : vector<16xf32> to vector<1x16xf32>
      tpu.vector_store %arg8[%swap3A_133, %swap3A_134], %swap3A_137 {strides = array<i32>} : memref<256x128xf32, #tpu.memory_space<vmem>>, vector<1x16xf32>,
      %broadcast_in_dim3A_138 = arith.constant 0.000000e+00 : f32
      %broadcast_in_dim3A_139 = vector.broadcast %broadcast_in_dim3A_138 : f32 to vector<16xf32>
      %swap3A_140 = arith.index_cast %scan3A_110 : i32 to index
      %swap3A_141 = arith.constant 64 : index
      %swap3A_142 = tpu.vector_load %arg8[%swap3A_140, %swap3A_141] {strides = array<i32>} : memref<256x128xf32, #tpu.memory_space<vmem>>, vector<1x16xf32>,
      %swap3A_143 = vector.shape_cast %swap3A_142 : vector<1x16xf32> to vector<16xf32>
      %swap3A_144 = vector.shape_cast %broadcast_in_dim3A_139 : vector<16xf32> to vector<1x16xf32>
      tpu.vector_store %arg8[%swap3A_140, %swap3A_141], %swap3A_144 {strides = array<i32>} : memref<256x128xf32, #tpu.memory_space<vmem>>, vector<1x16xf32>,
      %broadcast_in_dim3A_145 = arith.constant 0.000000e+00 : f32
      %broadcast_in_dim3A_146 = vector.broadcast %broadcast_in_dim3A_145 : f32 to vector<16xf32>
      %swap3A_147 = arith.index_cast %scan3A_110 : i32 to index
      %swap3A_148 = arith.constant 80 : index
      %swap3A_149 = tpu.vector_load %arg8[%swap3A_147, %swap3A_148] {strides = array<i32>} : memref<256x128xf32, #tpu.memory_space<vmem>>, vector<1x16xf32>,
      %swap3A_150 = vector.shape_cast %swap3A_149 : vector<1x16xf32> to vector<16xf32>
      %swap3A_151 = vector.shape_cast %broadcast_in_dim3A_146 : vector<16xf32> to vector<1x16xf32>
      tpu.vector_store %arg8[%swap3A_147, %swap3A_148], %swap3A_151 {strides = array<i32>} : memref<256x128xf32, #tpu.memory_space<vmem>>, vector<1x16xf32>,
      %broadcast_in_dim3A_152 = arith.constant 0.000000e+00 : f32
      %broadcast_in_dim3A_153 = vector.broadcast %broadcast_in_dim3A_152 : f32 to vector<16xf32>
      %swap3A_154 = arith.index_cast %scan3A_110 : i32 to index
      %swap3A_155 = arith.constant 96 : index
      %swap3A_156 = tpu.vector_load %arg8[%swap3A_154, %swap3A_155] {strides = array<i32>} : memref<256x128xf32, #tpu.memory_space<vmem>>, vector<1x16xf32>,
      %swap3A_157 = vector.shape_cast %swap3A_156 : vector<1x16xf32> to vector<16xf32>
      %swap3A_158 = vector.shape_cast %broadcast_in_dim3A_153 : vector<16xf32> to vector<1x16xf32>
      tpu.vector_store %arg8[%swap3A_154, %swap3A_155], %swap3A_158 {strides = array<i32>} : memref<256x128xf32, #tpu.memory_space<vmem>>, vector<1x16xf32>,
      %broadcast_in_dim3A_159 = arith.constant 0.000000e+00 : f32
      %broadcast_in_dim3A_160 = vector.broadcast %broadcast_in_dim3A_159 : f32 to vector<16xf32>
      %swap3A_161 = arith.index_cast %scan3A_110 : i32 to index
      %swap3A_162 = arith.constant 112 : index
      %swap3A_163 = tpu.vector_load %arg8[%swap3A_161, %swap3A_162] {strides = array<i32>} : memref<256x128xf32, #tpu.memory_space<vmem>>, vector<1x16xf32>,
      %swap3A_164 = vector.shape_cast %swap3A_163 : vector<1x16xf32> to vector<16xf32>
      %swap3A_165 = vector.shape_cast %broadcast_in_dim3A_160 : vector<16xf32> to vector<1x16xf32>
      tpu.vector_store %arg8[%swap3A_161, %swap3A_162], %swap3A_165 {strides = array<i32>} : memref<256x128xf32, #tpu.memory_space<vmem>>, vector<1x16xf32>,
      %scan3A_166 = arith.constant 0 : i32
      scf.yield %scan3A_166 : i32
    }
    %scan3A_19 = arith.constant 128 : i32
    %add3A_20 = arith.constant 0 : i32
    %add3A_21 = arith.addi %mul3A_6, %add3A_20 : i32
    "tpu.region"() ({
      %run_scoped3A = tpu.sem_alloc : memref<!tpu.dma_semaphore, #tpu.memory_space<semaphore_mem>>
      %dma_start3A = arith.constant 0 : i32
      %dma_start3A_110 = arith.constant 0 : i32
      %dma_start3A_111 = tpu.memref_slice %arg8[%dma_start3A, %dma_start3A_110] : memref<256x128xf32, #tpu.memory_space<vmem>> -> memref<128x128xf32, #tpu.memory_space<vmem>>
      %dma_start3A_112 = arith.constant 0 : i32
      %dma_start3A_113 = tpu.memref_slice %arg9[%add3A_21, %dma_start3A_112] : memref<10240x128xf32, #tpu.memory_space<vmem_shared>> -> memref<128x128xf32, #tpu.memory_space<vmem_shared>>
      %dma_start3A_114 = arith.constant 0 : i32
      %dma_start3A_115 = tpu.memref_slice %arg9[%add3A_21, %dma_start3A_114] : memref<10240x128xf32, #tpu.memory_space<vmem_shared>> -> memref<128x128xf32, #tpu.memory_space<vmem_shared>>
      %dma_start3A_116 = arith.constant 0 : i32
      %dma_start3A_117 = arith.constant 0 : i32
      %dma_start3A_118 = tpu.memref_slice %arg8[%dma_start3A_116, %dma_start3A_117] : memref<256x128xf32, #tpu.memory_space<vmem>> -> memref<128x128xf32, #tpu.memory_space<vmem>>
      tpu.enqueue_dma source(%dma_start3A_118 : memref<128x128xf32, #tpu.memory_space<vmem>>) target(%dma_start3A_115 : memref<128x128xf32, #tpu.memory_space<vmem_shared>>) target_semaphore(%run_scoped3A : memref<!tpu.dma_semaphore, #tpu.memory_space<semaphore_mem>>)
      %dma_wait3A_119 = arith.constant 0 : i32
      %dma_wait3A_120 = arith.constant 0 : i32
      %dma_wait3A_121 = tpu.memref_slice %arg8[%dma_wait3A_119, %dma_wait3A_120] : memref<256x128xf32, #tpu.memory_space<vmem>> -> memref<128x128xf32, #tpu.memory_space<vmem>>
      %dma_wait3A_122 = arith.constant 0 : i32
      %dma_wait3A_123 = tpu.memref_slice %arg9[%add3A_21, %dma_wait3A_122] : memref<10240x128xf32, #tpu.memory_space<vmem_shared>> -> memref<128x128xf32, #tpu.memory_space<vmem_shared>>
      %dma_wait3A_124 = arith.constant 0 : i32
      %dma_wait3A_125 = tpu.memref_slice %arg9[%add3A_21, %dma_wait3A_124] : memref<10240x128xf32, #tpu.memory_space<vmem_shared>> -> memref<128x128xf32, #tpu.memory_space<vmem_shared>>
      %dma_wait3A_126 = arith.constant 0 : i32
      %dma_wait3A_127 = arith.constant 0 : i32
      %dma_wait3A_128 = tpu.memref_slice %arg8[%dma_wait3A_126, %dma_wait3A_127] : memref<256x128xf32, #tpu.memory_space<vmem>> -> memref<128x128xf32, #tpu.memory_space<vmem>>
      tpu.wait_dma2 semaphore(%run_scoped3A : memref<!tpu.dma_semaphore, #tpu.memory_space<semaphore_mem>>) src(%dma_wait3A_128 : memref<128x128xf32, #tpu.memory_space<vmem>>) dst(%dma_wait3A_125 : memref<128x128xf32, #tpu.memory_space<vmem_shared>>)
      tpu.yield
    }) : () -> ()
    %add3A_22 = arith.constant 128 : i32
    %add3A_23 = arith.addi %mul3A_6, %add3A_22 : i32
    "tpu.region"() ({
      %run_scoped3A = tpu.sem_alloc : memref<!tpu.dma_semaphore, #tpu.memory_space<semaphore_mem>>
      %dma_start3A = arith.constant 0 : i32
      %dma_start3A_110 = arith.constant 0 : i32
      %dma_start3A_111 = tpu.memref_slice %arg8[%dma_start3A, %dma_start3A_110] : memref<256x128xf32, #tpu.memory_space<vmem>> -> memref<128x128xf32, #tpu.memory_space<vmem>>
      %dma_start3A_112 = arith.constant 0 : i32
      %dma_start3A_113 = tpu.memref_slice %arg9[%add3A_23, %dma_start3A_112] : memref<10240x128xf32, #tpu.memory_space<vmem_shared>> -> memref<128x128xf32, #tpu.memory_space<vmem_shared>>
      %dma_start3A_114 = arith.constant 0 : i32
      %dma_start3A_115 = tpu.memref_slice %arg9[%add3A_23, %dma_start3A_114] : memref<10240x128xf32, #tpu.memory_space<vmem_shared>> -> memref<128x128xf32, #tpu.memory_space<vmem_shared>>
      %dma_start3A_116 = arith.constant 0 : i32
      %dma_start3A_117 = arith.constant 0 : i32
      %dma_start3A_118 = tpu.memref_slice %arg8[%dma_start3A_116, %dma_start3A_117] : memref<256x128xf32, #tpu.memory_space<vmem>> -> memref<128x128xf32, #tpu.memory_space<vmem>>
      tpu.enqueue_dma source(%dma_start3A_118 : memref<128x128xf32, #tpu.memory_space<vmem>>) target(%dma_start3A_115 : memref<128x128xf32, #tpu.memory_space<vmem_shared>>) target_semaphore(%run_scoped3A : memref<!tpu.dma_semaphore, #tpu.memory_space<semaphore_mem>>)
      %dma_wait3A_119 = arith.constant 0 : i32
      %dma_wait3A_120 = arith.constant 0 : i32
      %dma_wait3A_121 = tpu.memref_slice %arg8[%dma_wait3A_119, %dma_wait3A_120] : memref<256x128xf32, #tpu.memory_space<vmem>> -> memref<128x128xf32, #tpu.memory_space<vmem>>
      %dma_wait3A_122 = arith.constant 0 : i32
      %dma_wait3A_123 = tpu.memref_slice %arg9[%add3A_23, %dma_wait3A_122] : memref<10240x128xf32, #tpu.memory_space<vmem_shared>> -> memref<128x128xf32, #tpu.memory_space<vmem_shared>>
      %dma_wait3A_124 = arith.constant 0 : i32
      %dma_wait3A_125 = tpu.memref_slice %arg9[%add3A_23, %dma_wait3A_124] : memref<10240x128xf32, #tpu.memory_space<vmem_shared>> -> memref<128x128xf32, #tpu.memory_space<vmem_shared>>
      %dma_wait3A_126 = arith.constant 0 : i32
      %dma_wait3A_127 = arith.constant 0 : i32
      %dma_wait3A_128 = tpu.memref_slice %arg8[%dma_wait3A_126, %dma_wait3A_127] : memref<256x128xf32, #tpu.memory_space<vmem>> -> memref<128x128xf32, #tpu.memory_space<vmem>>
      tpu.wait_dma2 semaphore(%run_scoped3A : memref<!tpu.dma_semaphore, #tpu.memory_space<semaphore_mem>>) src(%dma_wait3A_128 : memref<128x128xf32, #tpu.memory_space<vmem>>) dst(%dma_wait3A_125 : memref<128x128xf32, #tpu.memory_space<vmem_shared>>)
      tpu.yield
    }) : () -> ()
    %add3A_24 = arith.constant 256 : i32
    %add3A_25 = arith.addi %mul3A_6, %add3A_24 : i32
    "tpu.region"() ({
      %run_scoped3A = tpu.sem_alloc : memref<!tpu.dma_semaphore, #tpu.memory_space<semaphore_mem>>
      %dma_start3A = arith.constant 0 : i32
      %dma_start3A_110 = arith.constant 0 : i32
      %dma_start3A_111 = tpu.memref_slice %arg8[%dma_start3A, %dma_start3A_110] : memref<256x128xf32, #tpu.memory_space<vmem>> -> memref<128x128xf32, #tpu.memory_space<vmem>>
      %dma_start3A_112 = arith.constant 0 : i32
      %dma_start3A_113 = tpu.memref_slice %arg9[%add3A_25, %dma_start3A_112] : memref<10240x128xf32, #tpu.memory_space<vmem_shared>> -> memref<128x128xf32, #tpu.memory_space<vmem_shared>>
      %dma_start3A_114 = arith.constant 0 : i32
      %dma_start3A_115 = tpu.memref_slice %arg9[%add3A_25, %dma_start3A_114] : memref<10240x128xf32, #tpu.memory_space<vmem_shared>> -> memref<128x128xf32, #tpu.memory_space<vmem_shared>>
      %dma_start3A_116 = arith.constant 0 : i32
      %dma_start3A_117 = arith.constant 0 : i32
      %dma_start3A_118 = tpu.memref_slice %arg8[%dma_start3A_116, %dma_start3A_117] : memref<256x128xf32, #tpu.memory_space<vmem>> -> memref<128x128xf32, #tpu.memory_space<vmem>>
      tpu.enqueue_dma source(%dma_start3A_118 : memref<128x128xf32, #tpu.memory_space<vmem>>) target(%dma_start3A_115 : memref<128x128xf32, #tpu.memory_space<vmem_shared>>) target_semaphore(%run_scoped3A : memref<!tpu.dma_semaphore, #tpu.memory_space<semaphore_mem>>)
      %dma_wait3A_119 = arith.constant 0 : i32
      %dma_wait3A_120 = arith.constant 0 : i32
      %dma_wait3A_121 = tpu.memref_slice %arg8[%dma_wait3A_119, %dma_wait3A_120] : memref<256x128xf32, #tpu.memory_space<vmem>> -> memref<128x128xf32, #tpu.memory_space<vmem>>
      %dma_wait3A_122 = arith.constant 0 : i32
      %dma_wait3A_123 = tpu.memref_slice %arg9[%add3A_25, %dma_wait3A_122] : memref<10240x128xf32, #tpu.memory_space<vmem_shared>> -> memref<128x128xf32, #tpu.memory_space<vmem_shared>>
      %dma_wait3A_124 = arith.constant 0 : i32
      %dma_wait3A_125 = tpu.memref_slice %arg9[%add3A_25, %dma_wait3A_124] : memref<10240x128xf32, #tpu.memory_space<vmem_shared>> -> memref<128x128xf32, #tpu.memory_space<vmem_shared>>
      %dma_wait3A_126 = arith.constant 0 : i32
      %dma_wait3A_127 = arith.constant 0 : i32
      %dma_wait3A_128 = tpu.memref_slice %arg8[%dma_wait3A_126, %dma_wait3A_127] : memref<256x128xf32, #tpu.memory_space<vmem>> -> memref<128x128xf32, #tpu.memory_space<vmem>>
      tpu.wait_dma2 semaphore(%run_scoped3A : memref<!tpu.dma_semaphore, #tpu.memory_space<semaphore_mem>>) src(%dma_wait3A_128 : memref<128x128xf32, #tpu.memory_space<vmem>>) dst(%dma_wait3A_125 : memref<128x128xf32, #tpu.memory_space<vmem_shared>>)
      tpu.yield
    }) : () -> ()
    %add3A_26 = arith.constant 384 : i32
    %add3A_27 = arith.addi %mul3A_6, %add3A_26 : i32
    "tpu.region"() ({
      %run_scoped3A = tpu.sem_alloc : memref<!tpu.dma_semaphore, #tpu.memory_space<semaphore_mem>>
      %dma_start3A = arith.constant 0 : i32
      %dma_start3A_110 = arith.constant 0 : i32
      %dma_start3A_111 = tpu.memref_slice %arg8[%dma_start3A, %dma_start3A_110] : memref<256x128xf32, #tpu.memory_space<vmem>> -> memref<128x128xf32, #tpu.memory_space<vmem>>
      %dma_start3A_112 = arith.constant 0 : i32
      %dma_start3A_113 = tpu.memref_slice %arg9[%add3A_27, %dma_start3A_112] : memref<10240x128xf32, #tpu.memory_space<vmem_shared>> -> memref<128x128xf32, #tpu.memory_space<vmem_shared>>
      %dma_start3A_114 = arith.constant 0 : i32
      %dma_start3A_115 = tpu.memref_slice %arg9[%add3A_27, %dma_start3A_114] : memref<10240x128xf32, #tpu.memory_space<vmem_shared>> -> memref<128x128xf32, #tpu.memory_space<vmem_shared>>
      %dma_start3A_116 = arith.constant 0 : i32
      %dma_start3A_117 = arith.constant 0 : i32
      %dma_start3A_118 = tpu.memref_slice %arg8[%dma_start3A_116, %dma_start3A_117] : memref<256x128xf32, #tpu.memory_space<vmem>> -> memref<128x128xf32, #tpu.memory_space<vmem>>
      tpu.enqueue_dma source(%dma_start3A_118 : memref<128x128xf32, #tpu.memory_space<vmem>>) target(%dma_start3A_115 : memref<128x128xf32, #tpu.memory_space<vmem_shared>>) target_semaphore(%run_scoped3A : memref<!tpu.dma_semaphore, #tpu.memory_space<semaphore_mem>>)
      %dma_wait3A_119 = arith.constant 0 : i32
      %dma_wait3A_120 = arith.constant 0 : i32
      %dma_wait3A_121 = tpu.memref_slice %arg8[%dma_wait3A_119, %dma_wait3A_120] : memref<256x128xf32, #tpu.memory_space<vmem>> -> memref<128x128xf32, #tpu.memory_space<vmem>>
      %dma_wait3A_122 = arith.constant 0 : i32
      %dma_wait3A_123 = tpu.memref_slice %arg9[%add3A_27, %dma_wait3A_122] : memref<10240x128xf32, #tpu.memory_space<vmem_shared>> -> memref<128x128xf32, #tpu.memory_space<vmem_shared>>
      %dma_wait3A_124 = arith.constant 0 : i32
      %dma_wait3A_125 = tpu.memref_slice %arg9[%add3A_27, %dma_wait3A_124] : memref<10240x128xf32, #tpu.memory_space<vmem_shared>> -> memref<128x128xf32, #tpu.memory_space<vmem_shared>>
      %dma_wait3A_126 = arith.constant 0 : i32
      %dma_wait3A_127 = arith.constant 0 : i32
      %dma_wait3A_128 = tpu.memref_slice %arg8[%dma_wait3A_126, %dma_wait3A_127] : memref<256x128xf32, #tpu.memory_space<vmem>> -> memref<128x128xf32, #tpu.memory_space<vmem>>
      tpu.wait_dma2 semaphore(%run_scoped3A : memref<!tpu.dma_semaphore, #tpu.memory_space<semaphore_mem>>) src(%dma_wait3A_128 : memref<128x128xf32, #tpu.memory_space<vmem>>) dst(%dma_wait3A_125 : memref<128x128xf32, #tpu.memory_space<vmem_shared>>)
      tpu.yield
    }) : () -> ()
    %add3A_28 = arith.constant 512 : i32
    %add3A_29 = arith.addi %mul3A_6, %add3A_28 : i32
    "tpu.region"() ({
      %run_scoped3A = tpu.sem_alloc : memref<!tpu.dma_semaphore, #tpu.memory_space<semaphore_mem>>
      %dma_start3A = arith.constant 0 : i32
      %dma_start3A_110 = arith.constant 0 : i32
      %dma_start3A_111 = tpu.memref_slice %arg8[%dma_start3A, %dma_start3A_110] : memref<256x128xf32, #tpu.memory_space<vmem>> -> memref<128x128xf32, #tpu.memory_space<vmem>>
      %dma_start3A_112 = arith.constant 0 : i32
      %dma_start3A_113 = tpu.memref_slice %arg9[%add3A_29, %dma_start3A_112] : memref<10240x128xf32, #tpu.memory_space<vmem_shared>> -> memref<128x128xf32, #tpu.memory_space<vmem_shared>>
      %dma_start3A_114 = arith.constant 0 : i32
      %dma_start3A_115 = tpu.memref_slice %arg9[%add3A_29, %dma_start3A_114] : memref<10240x128xf32, #tpu.memory_space<vmem_shared>> -> memref<128x128xf32, #tpu.memory_space<vmem_shared>>
      %dma_start3A_116 = arith.constant 0 : i32
      %dma_start3A_117 = arith.constant 0 : i32
      %dma_start3A_118 = tpu.memref_slice %arg8[%dma_start3A_116, %dma_start3A_117] : memref<256x128xf32, #tpu.memory_space<vmem>> -> memref<128x128xf32, #tpu.memory_space<vmem>>
      tpu.enqueue_dma source(%dma_start3A_118 : memref<128x128xf32, #tpu.memory_space<vmem>>) target(%dma_start3A_115 : memref<128x128xf32, #tpu.memory_space<vmem_shared>>) target_semaphore(%run_scoped3A : memref<!tpu.dma_semaphore, #tpu.memory_space<semaphore_mem>>)
      %dma_wait3A_119 = arith.constant 0 : i32
      %dma_wait3A_120 = arith.constant 0 : i32
      %dma_wait3A_121 = tpu.memref_slice %arg8[%dma_wait3A_119, %dma_wait3A_120] : memref<256x128xf32, #tpu.memory_space<vmem>> -> memref<128x128xf32, #tpu.memory_space<vmem>>
      %dma_wait3A_122 = arith.constant 0 : i32
      %dma_wait3A_123 = tpu.memref_slice %arg9[%add3A_29, %dma_wait3A_122] : memref<10240x128xf32, #tpu.memory_space<vmem_shared>> -> memref<128x128xf32, #tpu.memory_space<vmem_shared>>
      %dma_wait3A_124 = arith.constant 0 : i32
      %dma_wait3A_125 = tpu.memref_slice %arg9[%add3A_29, %dma_wait3A_124] : memref<10240x128xf32, #tpu.memory_space<vmem_shared>> -> memref<128x128xf32, #tpu.memory_space<vmem_shared>>
      %dma_wait3A_126 = arith.constant 0 : i32
      %dma_wait3A_127 = arith.constant 0 : i32
      %dma_wait3A_128 = tpu.memref_slice %arg8[%dma_wait3A_126, %dma_wait3A_127] : memref<256x128xf32, #tpu.memory_space<vmem>> -> memref<128x128xf32, #tpu.memory_space<vmem>>
      tpu.wait_dma2 semaphore(%run_scoped3A : memref<!tpu.dma_semaphore, #tpu.memory_space<semaphore_mem>>) src(%dma_wait3A_128 : memref<128x128xf32, #tpu.memory_space<vmem>>) dst(%dma_wait3A_125 : memref<128x128xf32, #tpu.memory_space<vmem_shared>>)
      tpu.yield
    }) : () -> ()
    %scan3A_30 = arith.constant 0 : i32
    %scan3A_31 = arith.constant 0 : i32
    %scan3A_32 = arith.constant 40 : i32
    %scan3A_33 = arith.addi %scan3A_31, %scan3A_32 : i32
    %scan3A_34 = arith.constant 1 : i32
    %scan3A_35 = scf.for %scan3A_110 = %scan3A_31 to %scan3A_33 step %scan3A_34 iter_args(%scan3A_111 = %scan3A_30) -> (i32)  : i32 {
      %add3A_112 = arith.constant 0 : i32
      %add3A_113 = arith.addi %add3A_112, %scan3A_110 : i32
      %mul3A_114 = arith.constant 128 : i32
      %mul3A_115 = arith.muli %add3A_113, %mul3A_114 : i32
      %add3A_116 = arith.addi %mul3A_4, %mul3A_115 : i32
      %dma_wait3A_117 = arith.constant 0 : i32
      %dma_wait3A_118 = tpu.memref_slice %arg6[%scan3A_110, %dma_wait3A_117] : memref<40x128xi32, #tpu.memory_space<vmem>> -> memref<1x128xi32, #tpu.memory_space<vmem>>
      %dma_wait3A_119 = tpu.memref_squeeze %dma_wait3A_118 : memref<1x128xi32, #tpu.memory_space<vmem>> -> memref<128xi32, #tpu.memory_space<vmem>>
      %dma_wait3A_120 = tpu.memref_slice %arg3[%add3A_116] : memref<323584xi32, #tpu.memory_space<hbm>> -> memref<128xi32, #tpu.memory_space<hbm>>
      %dma_wait3A_121 = arith.constant 0 : i32
      %dma_wait3A_122 = tpu.memref_slice %arg6[%scan3A_110, %dma_wait3A_121] : memref<40x128xi32, #tpu.memory_space<vmem>> -> memref<1x128xi32, #tpu.memory_space<vmem>>
      %dma_wait3A_123 = tpu.memref_squeeze %dma_wait3A_122 : memref<1x128xi32, #tpu.memory_space<vmem>> -> memref<128xi32, #tpu.memory_space<vmem>>
      %dma_wait3A_124 = tpu.memref_slice %arg3[%add3A_116] : memref<323584xi32, #tpu.memory_space<hbm>> -> memref<128xi32, #tpu.memory_space<hbm>>
      tpu.wait_dma2 semaphore(%arg12 : memref<!tpu.dma_semaphore, #tpu.memory_space<semaphore_mem>>) src(%dma_wait3A_124 : memref<128xi32, #tpu.memory_space<hbm>>) dst(%dma_wait3A_123 : memref<128xi32, #tpu.memory_space<vmem>>)
      %dma_wait3A_125 = arith.constant 0 : i32
      %dma_wait3A_126 = tpu.memref_slice %arg7[%scan3A_110, %dma_wait3A_125] : memref<40x128xi32, #tpu.memory_space<vmem>> -> memref<1x128xi32, #tpu.memory_space<vmem>>
      %dma_wait3A_127 = tpu.memref_squeeze %dma_wait3A_126 : memref<1x128xi32, #tpu.memory_space<vmem>> -> memref<128xi32, #tpu.memory_space<vmem>>
      %dma_wait3A_128 = tpu.memref_slice %arg4[%add3A_116] : memref<323584xi32, #tpu.memory_space<hbm>> -> memref<128xi32, #tpu.memory_space<hbm>>
      %dma_wait3A_129 = arith.constant 0 : i32
      %dma_wait3A_130 = tpu.memref_slice %arg7[%scan3A_110, %dma_wait3A_129] : memref<40x128xi32, #tpu.memory_space<vmem>> -> memref<1x128xi32, #tpu.memory_space<vmem>>
      %dma_wait3A_131 = tpu.memref_squeeze %dma_wait3A_130 : memref<1x128xi32, #tpu.memory_space<vmem>> -> memref<128xi32, #tpu.memory_space<vmem>>
      %dma_wait3A_132 = tpu.memref_slice %arg4[%add3A_116] : memref<323584xi32, #tpu.memory_space<hbm>> -> memref<128xi32, #tpu.memory_space<hbm>>
      tpu.wait_dma2 semaphore(%arg12 : memref<!tpu.dma_semaphore, #tpu.memory_space<semaphore_mem>>) src(%dma_wait3A_132 : memref<128xi32, #tpu.memory_space<hbm>>) dst(%dma_wait3A_131 : memref<128xi32, #tpu.memory_space<vmem>>)
      %scan3A_133 = arith.constant 0 : i32
      scf.yield %scan3A_133 : i32
    }
    %scan3A_36 = arith.constant 40 : i32
    %barrier3A = arith.constant 0 : index
    tpu.barrier barrier_id(%barrier3A)
    %scan3A_37 = arith.constant 0 : i32
    %scan3A_38 = arith.constant 0 : i32
    %scan3A_39 = arith.constant 40 : i32
    %scan3A_40 = arith.addi %scan3A_38, %scan3A_39 : i32
    %scan3A_41 = arith.constant 1 : i32
    %scan3A_42 = scf.for %scan3A_110 = %scan3A_38 to %scan3A_40 step %scan3A_41 iter_args(%scan3A_111 = %scan3A_37) -> (i32)  : i32 {
      %jit3A = arith.constant 2 : i32
      %eq3A = arith.constant 0 : i32
      %eq3A_112 = arith.cmpi eq, %jit3A, %eq3A : i32
      %jit3A_113 = arith.constant 1 : i32
      %select_n3A = arith.select %eq3A_112, %jit3A_113, %jit3A : i32
      %rem3A = arith.remsi %scan3A_110, %select_n3A : i32
      %ne3A = arith.constant 0 : i32
      %ne3A_114 = arith.cmpi ne, %rem3A, %ne3A : i32
      %lt3A = arith.constant 0 : i32
      %lt3A_115 = arith.cmpi slt, %rem3A, %lt3A : i32
      %lt3A_116 = arith.constant 0 : i32
      %lt3A_117 = arith.cmpi slt, %select_n3A, %lt3A_116 : i32
      %ne3A_118 = arith.xori %lt3A_115, %lt3A_117 : i1
      %and3A = arith.andi %ne3A_118, %ne3A_114 : i1
      %add3A_119 = arith.addi %rem3A, %select_n3A : i32
      %select_n3A_120 = arith.select %and3A, %add3A_119, %rem3A : i32
      %mul3A_121 = arith.constant 128 : i32
      %mul3A_122 = arith.muli %select_n3A_120, %mul3A_121 : i32
      %add3A_123 = arith.constant 1 : i32
      %add3A_124 = arith.addi %scan3A_110, %add3A_123 : i32
      %jit3A_125 = arith.constant 2 : i32
      %eq3A_126 = arith.constant 0 : i32
      %eq3A_127 = arith.cmpi eq, %jit3A_125, %eq3A_126 : i32
      %jit3A_128 = arith.constant 1 : i32
      %select_n3A_129 = arith.select %eq3A_127, %jit3A_128, %jit3A_125 : i32
      %rem3A_130 = arith.remsi %add3A_124, %select_n3A_129 : i32
      %ne3A_131 = arith.constant 0 : i32
      %ne3A_132 = arith.cmpi ne, %rem3A_130, %ne3A_131 : i32
      %lt3A_133 = arith.constant 0 : i32
      %lt3A_134 = arith.cmpi slt, %rem3A_130, %lt3A_133 : i32
      %lt3A_135 = arith.constant 0 : i32
      %lt3A_136 = arith.cmpi slt, %select_n3A_129, %lt3A_135 : i32
      %ne3A_137 = arith.xori %lt3A_134, %lt3A_136 : i1
      %and3A_138 = arith.andi %ne3A_137, %ne3A_132 : i1
      %add3A_139 = arith.addi %rem3A_130, %select_n3A_129 : i32
      %select_n3A_140 = arith.select %and3A_138, %add3A_139, %rem3A_130 : i32
      %mul3A_141 = arith.constant 128 : i32
      %mul3A_142 = arith.muli %select_n3A_140, %mul3A_141 : i32
      %dma_start3A = arith.constant 0 : i32
      %dma_start3A_143 = tpu.memref_slice %arg8[%mul3A_122, %dma_start3A] : memref<256x128xf32, #tpu.memory_space<vmem>> -> memref<128x128xf32, #tpu.memory_space<vmem>>
      %dma_start3A_144 = arith.constant 0 : i32
      %dma_start3A_145 = tpu.memref_slice %arg6[%scan3A_110, %dma_start3A_144] : memref<40x128xi32, #tpu.memory_space<vmem>> -> memref<1x128xi32, #tpu.memory_space<vmem>>
      %dma_start3A_146 = tpu.memref_squeeze %dma_start3A_145 : memref<1x128xi32, #tpu.memory_space<vmem>> -> memref<128xi32, #tpu.memory_space<vmem>>
      %dma_start3A_147 = arith.constant 0 : i32
      %dma_start3A_148 = arith.constant 0 : i32
      %dma_start3A_149 = tpu.memref_slice %arg2[%dma_start3A_147, %dma_start3A_148] : memref<10240x128xf32, #tpu.memory_space<hbm>> -> memref<10240x128xf32, #tpu.memory_space<hbm>>
      tpu.enqueue_indirect_dma source(%dma_start3A_149 : memref<10240x128xf32, #tpu.memory_space<hbm>>) target(%dma_start3A_143 : memref<128x128xf32, #tpu.memory_space<vmem>>) offsets(%dma_start3A_146 : memref<128xi32, #tpu.memory_space<vmem>>) semaphore(%arg10 : memref<!tpu.dma_semaphore, #tpu.memory_space<semaphore_mem>>)
      %gt3A = arith.constant 0 : i32
      %gt3A_150 = arith.cmpi sgt, %scan3A_110, %gt3A : i32
      %convert_element_type3A = arith.extui %gt3A_150 : i1 to i32
      %cond3A = arith.constant 0 : i32
      %cond3A_151 = arith.cmpi ne, %convert_element_type3A, %cond3A : i32
      scf.if %cond3A_151 {
        %sub3A = arith.constant 1 : i32
        %sub3A_169 = arith.subi %scan3A_110, %sub3A : i32
        %dma_wait3A_170 = arith.constant 0 : i32
        %dma_wait3A_171 = tpu.memref_slice %arg8[%mul3A_142, %dma_wait3A_170] : memref<256x128xf32, #tpu.memory_space<vmem>> -> memref<128x128xf32, #tpu.memory_space<vmem>>
        %dma_wait3A_172 = arith.constant 0 : i32
        %dma_wait3A_173 = tpu.memref_slice %arg7[%sub3A_169, %dma_wait3A_172] : memref<40x128xi32, #tpu.memory_space<vmem>> -> memref<1x128xi32, #tpu.memory_space<vmem>>
        %dma_wait3A_174 = tpu.memref_squeeze %dma_wait3A_173 : memref<1x128xi32, #tpu.memory_space<vmem>> -> memref<128xi32, #tpu.memory_space<vmem>>
        %dma_wait3A_175 = arith.constant 0 : i32
        %dma_wait3A_176 = arith.constant 0 : i32
        %dma_wait3A_177 = tpu.memref_slice %arg9[%dma_wait3A_175, %dma_wait3A_176] : memref<10240x128xf32, #tpu.memory_space<vmem_shared>> -> memref<10240x128xf32, #tpu.memory_space<vmem_shared>>
        tpu.wait_indirect_dma semaphore(%arg11 : memref<!tpu.dma_semaphore, #tpu.memory_space<semaphore_mem>>) src(%dma_wait3A_171 : memref<128x128xf32, #tpu.memory_space<vmem>>) dst(%dma_wait3A_177 : memref<10240x128xf32, #tpu.memory_space<vmem_shared>>)
      } else {
      }
      %dma_wait3A_152 = arith.constant 0 : i32
      %dma_wait3A_153 = tpu.memref_slice %arg8[%mul3A_122, %dma_wait3A_152] : memref<256x128xf32, #tpu.memory_space<vmem>> -> memref<128x128xf32, #tpu.memory_space<vmem>>
      %dma_wait3A_154 = arith.constant 0 : i32
      %dma_wait3A_155 = tpu.memref_slice %arg6[%scan3A_110, %dma_wait3A_154] : memref<40x128xi32, #tpu.memory_space<vmem>> -> memref<1x128xi32, #tpu.memory_space<vmem>>
      %dma_wait3A_156 = tpu.memref_squeeze %dma_wait3A_155 : memref<1x128xi32, #tpu.memory_space<vmem>> -> memref<128xi32, #tpu.memory_space<vmem>>
      %dma_wait3A_157 = arith.constant 0 : i32
      %dma_wait3A_158 = arith.constant 0 : i32
      %dma_wait3A_159 = tpu.memref_slice %arg2[%dma_wait3A_157, %dma_wait3A_158] : memref<10240x128xf32, #tpu.memory_space<hbm>> -> memref<10240x128xf32, #tpu.memory_space<hbm>>
      tpu.wait_indirect_dma semaphore(%arg10 : memref<!tpu.dma_semaphore, #tpu.memory_space<semaphore_mem>>) src(%dma_wait3A_159 : memref<10240x128xf32, #tpu.memory_space<hbm>>) dst(%dma_wait3A_153 : memref<128x128xf32, #tpu.memory_space<vmem>>)
      %dma_start3A_160 = arith.constant 0 : i32
      %dma_start3A_161 = tpu.memref_slice %arg8[%mul3A_122, %dma_start3A_160] : memref<256x128xf32, #tpu.memory_space<vmem>> -> memref<128x128xf32, #tpu.memory_space<vmem>>
      %dma_start3A_162 = arith.constant 0 : i32
      %dma_start3A_163 = tpu.memref_slice %arg7[%scan3A_110, %dma_start3A_162] : memref<40x128xi32, #tpu.memory_space<vmem>> -> memref<1x128xi32, #tpu.memory_space<vmem>>
      %dma_start3A_164 = tpu.memref_squeeze %dma_start3A_163 : memref<1x128xi32, #tpu.memory_space<vmem>> -> memref<128xi32, #tpu.memory_space<vmem>>
      %dma_start3A_165 = arith.constant 0 : i32
      %dma_start3A_166 = arith.constant 0 : i32
      %dma_start3A_167 = tpu.memref_slice %arg9[%dma_start3A_165, %dma_start3A_166] : memref<10240x128xf32, #tpu.memory_space<vmem_shared>> -> memref<10240x128xf32, #tpu.memory_space<vmem_shared>>
      tpu.enqueue_indirect_dma source(%dma_start3A_161 : memref<128x128xf32, #tpu.memory_space<vmem>>) target(%dma_start3A_167 : memref<10240x128xf32, #tpu.memory_space<vmem_shared>>) offsets(%dma_start3A_164 : memref<128xi32, #tpu.memory_space<vmem>>) semaphore(%arg11 : memref<!tpu.dma_semaphore, #tpu.memory_space<semaphore_mem>>) {add = true}
      %scan3A_168 = arith.constant 0 : i32
      scf.yield %scan3A_168 : i32
    }
    %scan3A_43 = arith.constant 40 : i32
    %dma_wait3A = arith.constant 39 : i32
    %dma_wait3A_44 = arith.constant 128 : i32
    %dma_wait3A_45 = arith.constant 0 : i32
    %dma_wait3A_46 = tpu.memref_slice %arg8[%dma_wait3A_44, %dma_wait3A_45] : memref<256x128xf32, #tpu.memory_space<vmem>> -> memref<128x128xf32, #tpu.memory_space<vmem>>
    %dma_wait3A_47 = arith.constant 0 : i32
    %dma_wait3A_48 = tpu.memref_slice %arg7[%dma_wait3A, %dma_wait3A_47] : memref<40x128xi32, #tpu.memory_space<vmem>> -> memref<1x128xi32, #tpu.memory_space<vmem>>
    %dma_wait3A_49 = tpu.memref_squeeze %dma_wait3A_48 : memref<1x128xi32, #tpu.memory_space<vmem>> -> memref<128xi32, #tpu.memory_space<vmem>>
    %dma_wait3A_50 = arith.constant 0 : i32
    %dma_wait3A_51 = arith.constant 0 : i32
    %dma_wait3A_52 = tpu.memref_slice %arg9[%dma_wait3A_50, %dma_wait3A_51] : memref<10240x128xf32, #tpu.memory_space<vmem_shared>> -> memref<10240x128xf32, #tpu.memory_space<vmem_shared>>
    tpu.wait_indirect_dma semaphore(%arg11 : memref<!tpu.dma_semaphore, #tpu.memory_space<semaphore_mem>>) src(%dma_wait3A_46 : memref<128x128xf32, #tpu.memory_space<vmem>>) dst(%dma_wait3A_52 : memref<10240x128xf32, #tpu.memory_space<vmem_shared>>)
    %scan3A_53 = arith.constant 0 : i32
    %scan3A_54 = arith.constant 0 : i32
    %scan3A_55 = arith.constant 39 : i32
    %scan3A_56 = arith.addi %scan3A_54, %scan3A_55 : i32
    %scan3A_57 = arith.constant 1 : i32
    %scan3A_58 = scf.for %scan3A_110 = %scan3A_54 to %scan3A_56 step %scan3A_57 iter_args(%scan3A_111 = %scan3A_53) -> (i32)  : i32 {
      %add3A_112 = arith.constant 40 : i32
      %add3A_113 = arith.addi %add3A_112, %scan3A_110 : i32
      %mul3A_114 = arith.constant 128 : i32
      %mul3A_115 = arith.muli %add3A_113, %mul3A_114 : i32
      %add3A_116 = arith.addi %mul3A_4, %mul3A_115 : i32
      %dma_start3A = arith.constant 0 : i32
      %dma_start3A_117 = tpu.memref_slice %arg6[%scan3A_110, %dma_start3A] : memref<40x128xi32, #tpu.memory_space<vmem>> -> memref<1x128xi32, #tpu.memory_space<vmem>>
      %dma_start3A_118 = tpu.memref_squeeze %dma_start3A_117 : memref<1x128xi32, #tpu.memory_space<vmem>> -> memref<128xi32, #tpu.memory_space<vmem>>
      %dma_start3A_119 = tpu.memref_slice %arg3[%add3A_116] : memref<323584xi32, #tpu.memory_space<hbm>> -> memref<128xi32, #tpu.memory_space<hbm>>
      %dma_start3A_120 = arith.constant 0 : i32
      %dma_start3A_121 = tpu.memref_slice %arg6[%scan3A_110, %dma_start3A_120] : memref<40x128xi32, #tpu.memory_space<vmem>> -> memref<1x128xi32, #tpu.memory_space<vmem>>
      %dma_start3A_122 = tpu.memref_squeeze %dma_start3A_121 : memref<1x128xi32, #tpu.memory_space<vmem>> -> memref<128xi32, #tpu.memory_space<vmem>>
      %dma_start3A_123 = tpu.memref_slice %arg3[%add3A_116] : memref<323584xi32, #tpu.memory_space<hbm>> -> memref<128xi32, #tpu.memory_space<hbm>>
      tpu.enqueue_dma source(%dma_start3A_123 : memref<128xi32, #tpu.memory_space<hbm>>) target(%dma_start3A_122 : memref<128xi32, #tpu.memory_space<vmem>>) target_semaphore(%arg12 : memref<!tpu.dma_semaphore, #tpu.memory_space<semaphore_mem>>)
      %dma_start3A_124 = arith.constant 0 : i32
      %dma_start3A_125 = tpu.memref_slice %arg7[%scan3A_110, %dma_start3A_124] : memref<40x128xi32, #tpu.memory_space<vmem>> -> memref<1x128xi32, #tpu.memory_space<vmem>>
      %dma_start3A_126 = tpu.memref_squeeze %dma_start3A_125 : memref<1x128xi32, #tpu.memory_space<vmem>> -> memref<128xi32, #tpu.memory_space<vmem>>
      %dma_start3A_127 = tpu.memref_slice %arg4[%add3A_116] : memref<323584xi32, #tpu.memory_space<hbm>> -> memref<128xi32, #tpu.memory_space<hbm>>
      %dma_start3A_128 = arith.constant 0 : i32
      %dma_start3A_129 = tpu.memref_slice %arg7[%scan3A_110, %dma_start3A_128] : memref<40x128xi32, #tpu.memory_space<vmem>> -> memref<1x128xi32, #tpu.memory_space<vmem>>
      %dma_start3A_130 = tpu.memref_squeeze %dma_start3A_129 : memref<1x128xi32, #tpu.memory_space<vmem>> -> memref<128xi32, #tpu.memory_space<vmem>>
      %dma_start3A_131 = tpu.memref_slice %arg4[%add3A_116] : memref<323584xi32, #tpu.memory_space<hbm>> -> memref<128xi32, #tpu.memory_space<hbm>>
      tpu.enqueue_dma source(%dma_start3A_131 : memref<128xi32, #tpu.memory_space<hbm>>) target(%dma_start3A_130 : memref<128xi32, #tpu.memory_space<vmem>>) target_semaphore(%arg12 : memref<!tpu.dma_semaphore, #tpu.memory_space<semaphore_mem>>)
      %scan3A_132 = arith.constant 0 : i32
      scf.yield %scan3A_132 : i32
    }
    %scan3A_59 = arith.constant 39 : i32
    %scan3A_60 = arith.constant 0 : i32
    %scan3A_61 = arith.constant 0 : i32
    %scan3A_62 = arith.constant 39 : i32
    %scan3A_63 = arith.addi %scan3A_61, %scan3A_62 : i32
    %scan3A_64 = arith.constant 1 : i32
    %scan3A_65 = scf.for %scan3A_110 = %scan3A_61 to %scan3A_63 step %scan3A_64 iter_args(%scan3A_111 = %scan3A_60) -> (i32)  : i32 {
      %add3A_112 = arith.constant 40 : i32
      %add3A_113 = arith.addi %add3A_112, %scan3A_110 : i32
      %mul3A_114 = arith.constant 128 : i32
      %mul3A_115 = arith.muli %add3A_113, %mul3A_114 : i32
      %add3A_116 = arith.addi %mul3A_4, %mul3A_115 : i32
      %dma_wait3A_117 = arith.constant 0 : i32
      %dma_wait3A_118 = tpu.memref_slice %arg6[%scan3A_110, %dma_wait3A_117] : memref<40x128xi32, #tpu.memory_space<vmem>> -> memref<1x128xi32, #tpu.memory_space<vmem>>
      %dma_wait3A_119 = tpu.memref_squeeze %dma_wait3A_118 : memref<1x128xi32, #tpu.memory_space<vmem>> -> memref<128xi32, #tpu.memory_space<vmem>>
      %dma_wait3A_120 = tpu.memref_slice %arg3[%add3A_116] : memref<323584xi32, #tpu.memory_space<hbm>> -> memref<128xi32, #tpu.memory_space<hbm>>
      %dma_wait3A_121 = arith.constant 0 : i32
      %dma_wait3A_122 = tpu.memref_slice %arg6[%scan3A_110, %dma_wait3A_121] : memref<40x128xi32, #tpu.memory_space<vmem>> -> memref<1x128xi32, #tpu.memory_space<vmem>>
      %dma_wait3A_123 = tpu.memref_squeeze %dma_wait3A_122 : memref<1x128xi32, #tpu.memory_space<vmem>> -> memref<128xi32, #tpu.memory_space<vmem>>
      %dma_wait3A_124 = tpu.memref_slice %arg3[%add3A_116] : memref<323584xi32, #tpu.memory_space<hbm>> -> memref<128xi32, #tpu.memory_space<hbm>>
      tpu.wait_dma2 semaphore(%arg12 : memref<!tpu.dma_semaphore, #tpu.memory_space<semaphore_mem>>) src(%dma_wait3A_124 : memref<128xi32, #tpu.memory_space<hbm>>) dst(%dma_wait3A_123 : memref<128xi32, #tpu.memory_space<vmem>>)
      %dma_wait3A_125 = arith.constant 0 : i32
      %dma_wait3A_126 = tpu.memref_slice %arg7[%scan3A_110, %dma_wait3A_125] : memref<40x128xi32, #tpu.memory_space<vmem>> -> memref<1x128xi32, #tpu.memory_space<vmem>>
      %dma_wait3A_127 = tpu.memref_squeeze %dma_wait3A_126 : memref<1x128xi32, #tpu.memory_space<vmem>> -> memref<128xi32, #tpu.memory_space<vmem>>
      %dma_wait3A_128 = tpu.memref_slice %arg4[%add3A_116] : memref<323584xi32, #tpu.memory_space<hbm>> -> memref<128xi32, #tpu.memory_space<hbm>>
      %dma_wait3A_129 = arith.constant 0 : i32
      %dma_wait3A_130 = tpu.memref_slice %arg7[%scan3A_110, %dma_wait3A_129] : memref<40x128xi32, #tpu.memory_space<vmem>> -> memref<1x128xi32, #tpu.memory_space<vmem>>
      %dma_wait3A_131 = tpu.memref_squeeze %dma_wait3A_130 : memref<1x128xi32, #tpu.memory_space<vmem>> -> memref<128xi32, #tpu.memory_space<vmem>>
      %dma_wait3A_132 = tpu.memref_slice %arg4[%add3A_116] : memref<323584xi32, #tpu.memory_space<hbm>> -> memref<128xi32, #tpu.memory_space<hbm>>
      tpu.wait_dma2 semaphore(%arg12 : memref<!tpu.dma_semaphore, #tpu.memory_space<semaphore_mem>>) src(%dma_wait3A_132 : memref<128xi32, #tpu.memory_space<hbm>>) dst(%dma_wait3A_131 : memref<128xi32, #tpu.memory_space<vmem>>)
      %scan3A_133 = arith.constant 0 : i32
      scf.yield %scan3A_133 : i32
    }
    %scan3A_66 = arith.constant 39 : i32
    %scan3A_67 = arith.constant 0 : i32
    %scan3A_68 = arith.constant 0 : i32
    %scan3A_69 = arith.constant 39 : i32
    %scan3A_70 = arith.addi %scan3A_68, %scan3A_69 : i32
    %scan3A_71 = arith.constant 1 : i32
    %scan3A_72 = scf.for %scan3A_110 = %scan3A_68 to %scan3A_70 step %scan3A_71 iter_args(%scan3A_111 = %scan3A_67) -> (i32)  : i32 {
      %jit3A = arith.constant 2 : i32
      %eq3A = arith.constant 0 : i32
      %eq3A_112 = arith.cmpi eq, %jit3A, %eq3A : i32
      %jit3A_113 = arith.constant 1 : i32
      %select_n3A = arith.select %eq3A_112, %jit3A_113, %jit3A : i32
      %rem3A = arith.remsi %scan3A_110, %select_n3A : i32
      %ne3A = arith.constant 0 : i32
      %ne3A_114 = arith.cmpi ne, %rem3A, %ne3A : i32
      %lt3A = arith.constant 0 : i32
      %lt3A_115 = arith.cmpi slt, %rem3A, %lt3A : i32
      %lt3A_116 = arith.constant 0 : i32
      %lt3A_117 = arith.cmpi slt, %select_n3A, %lt3A_116 : i32
      %ne3A_118 = arith.xori %lt3A_115, %lt3A_117 : i1
      %and3A = arith.andi %ne3A_118, %ne3A_114 : i1
      %add3A_119 = arith.addi %rem3A, %select_n3A : i32
      %select_n3A_120 = arith.select %and3A, %add3A_119, %rem3A : i32
      %mul3A_121 = arith.constant 128 : i32
      %mul3A_122 = arith.muli %select_n3A_120, %mul3A_121 : i32
      %add3A_123 = arith.constant 1 : i32
      %add3A_124 = arith.addi %scan3A_110, %add3A_123 : i32
      %jit3A_125 = arith.constant 2 : i32
      %eq3A_126 = arith.constant 0 : i32
      %eq3A_127 = arith.cmpi eq, %jit3A_125, %eq3A_126 : i32
      %jit3A_128 = arith.constant 1 : i32
      %select_n3A_129 = arith.select %eq3A_127, %jit3A_128, %jit3A_125 : i32
      %rem3A_130 = arith.remsi %add3A_124, %select_n3A_129 : i32
      %ne3A_131 = arith.constant 0 : i32
      %ne3A_132 = arith.cmpi ne, %rem3A_130, %ne3A_131 : i32
      %lt3A_133 = arith.constant 0 : i32
      %lt3A_134 = arith.cmpi slt, %rem3A_130, %lt3A_133 : i32
      %lt3A_135 = arith.constant 0 : i32
      %lt3A_136 = arith.cmpi slt, %select_n3A_129, %lt3A_135 : i32
      %ne3A_137 = arith.xori %lt3A_134, %lt3A_136 : i1
      %and3A_138 = arith.andi %ne3A_137, %ne3A_132 : i1
      %add3A_139 = arith.addi %rem3A_130, %select_n3A_129 : i32
      %select_n3A_140 = arith.select %and3A_138, %add3A_139, %rem3A_130 : i32
      %mul3A_141 = arith.constant 128 : i32
      %mul3A_142 = arith.muli %select_n3A_140, %mul3A_141 : i32
      %dma_start3A = arith.constant 0 : i32
      %dma_start3A_143 = tpu.memref_slice %arg8[%mul3A_122, %dma_start3A] : memref<256x128xf32, #tpu.memory_space<vmem>> -> memref<128x128xf32, #tpu.memory_space<vmem>>
      %dma_start3A_144 = arith.constant 0 : i32
      %dma_start3A_145 = tpu.memref_slice %arg6[%scan3A_110, %dma_start3A_144] : memref<40x128xi32, #tpu.memory_space<vmem>> -> memref<1x128xi32, #tpu.memory_space<vmem>>
      %dma_start3A_146 = tpu.memref_squeeze %dma_start3A_145 : memref<1x128xi32, #tpu.memory_space<vmem>> -> memref<128xi32, #tpu.memory_space<vmem>>
      %dma_start3A_147 = arith.constant 0 : i32
      %dma_start3A_148 = arith.constant 0 : i32
      %dma_start3A_149 = tpu.memref_slice %arg2[%dma_start3A_147, %dma_start3A_148] : memref<10240x128xf32, #tpu.memory_space<hbm>> -> memref<10240x128xf32, #tpu.memory_space<hbm>>
      tpu.enqueue_indirect_dma source(%dma_start3A_149 : memref<10240x128xf32, #tpu.memory_space<hbm>>) target(%dma_start3A_143 : memref<128x128xf32, #tpu.memory_space<vmem>>) offsets(%dma_start3A_146 : memref<128xi32, #tpu.memory_space<vmem>>) semaphore(%arg10 : memref<!tpu.dma_semaphore, #tpu.memory_space<semaphore_mem>>)
      %gt3A = arith.constant 0 : i32
      %gt3A_150 = arith.cmpi sgt, %scan3A_110, %gt3A : i32
      %convert_element_type3A = arith.extui %gt3A_150 : i1 to i32
      %cond3A = arith.constant 0 : i32
      %cond3A_151 = arith.cmpi ne, %convert_element_type3A, %cond3A : i32
      scf.if %cond3A_151 {
        %sub3A = arith.constant 1 : i32
        %sub3A_169 = arith.subi %scan3A_110, %sub3A : i32
        %dma_wait3A_170 = arith.constant 0 : i32
        %dma_wait3A_171 = tpu.memref_slice %arg8[%mul3A_142, %dma_wait3A_170] : memref<256x128xf32, #tpu.memory_space<vmem>> -> memref<128x128xf32, #tpu.memory_space<vmem>>
        %dma_wait3A_172 = arith.constant 0 : i32
        %dma_wait3A_173 = tpu.memref_slice %arg7[%sub3A_169, %dma_wait3A_172] : memref<40x128xi32, #tpu.memory_space<vmem>> -> memref<1x128xi32, #tpu.memory_space<vmem>>
        %dma_wait3A_174 = tpu.memref_squeeze %dma_wait3A_173 : memref<1x128xi32, #tpu.memory_space<vmem>> -> memref<128xi32, #tpu.memory_space<vmem>>
        %dma_wait3A_175 = arith.constant 0 : i32
        %dma_wait3A_176 = arith.constant 0 : i32
        %dma_wait3A_177 = tpu.memref_slice %arg9[%dma_wait3A_175, %dma_wait3A_176] : memref<10240x128xf32, #tpu.memory_space<vmem_shared>> -> memref<10240x128xf32, #tpu.memory_space<vmem_shared>>
        tpu.wait_indirect_dma semaphore(%arg11 : memref<!tpu.dma_semaphore, #tpu.memory_space<semaphore_mem>>) src(%dma_wait3A_171 : memref<128x128xf32, #tpu.memory_space<vmem>>) dst(%dma_wait3A_177 : memref<10240x128xf32, #tpu.memory_space<vmem_shared>>)
      } else {
      }
      %dma_wait3A_152 = arith.constant 0 : i32
      %dma_wait3A_153 = tpu.memref_slice %arg8[%mul3A_122, %dma_wait3A_152] : memref<256x128xf32, #tpu.memory_space<vmem>> -> memref<128x128xf32, #tpu.memory_space<vmem>>
      %dma_wait3A_154 = arith.constant 0 : i32
      %dma_wait3A_155 = tpu.memref_slice %arg6[%scan3A_110, %dma_wait3A_154] : memref<40x128xi32, #tpu.memory_space<vmem>> -> memref<1x128xi32, #tpu.memory_space<vmem>>
      %dma_wait3A_156 = tpu.memref_squeeze %dma_wait3A_155 : memref<1x128xi32, #tpu.memory_space<vmem>> -> memref<128xi32, #tpu.memory_space<vmem>>
      %dma_wait3A_157 = arith.constant 0 : i32
      %dma_wait3A_158 = arith.constant 0 : i32
      %dma_wait3A_159 = tpu.memref_slice %arg2[%dma_wait3A_157, %dma_wait3A_158] : memref<10240x128xf32, #tpu.memory_space<hbm>> -> memref<10240x128xf32, #tpu.memory_space<hbm>>
      tpu.wait_indirect_dma semaphore(%arg10 : memref<!tpu.dma_semaphore, #tpu.memory_space<semaphore_mem>>) src(%dma_wait3A_159 : memref<10240x128xf32, #tpu.memory_space<hbm>>) dst(%dma_wait3A_153 : memref<128x128xf32, #tpu.memory_space<vmem>>)
      %dma_start3A_160 = arith.constant 0 : i32
      %dma_start3A_161 = tpu.memref_slice %arg8[%mul3A_122, %dma_start3A_160] : memref<256x128xf32, #tpu.memory_space<vmem>> -> memref<128x128xf32, #tpu.memory_space<vmem>>
      %dma_start3A_162 = arith.constant 0 : i32
      %dma_start3A_163 = tpu.memref_slice %arg7[%scan3A_110, %dma_start3A_162] : memref<40x128xi32, #tpu.memory_space<vmem>> -> memref<1x128xi32, #tpu.memory_space<vmem>>
      %dma_start3A_164 = tpu.memref_squeeze %dma_start3A_163 : memref<1x128xi32, #tpu.memory_space<vmem>> -> memref<128xi32, #tpu.memory_space<vmem>>
      %dma_start3A_165 = arith.constant 0 : i32
      %dma_start3A_166 = arith.constant 0 : i32
      %dma_start3A_167 = tpu.memref_slice %arg9[%dma_start3A_165, %dma_start3A_166] : memref<10240x128xf32, #tpu.memory_space<vmem_shared>> -> memref<10240x128xf32, #tpu.memory_space<vmem_shared>>
      tpu.enqueue_indirect_dma source(%dma_start3A_161 : memref<128x128xf32, #tpu.memory_space<vmem>>) target(%dma_start3A_167 : memref<10240x128xf32, #tpu.memory_space<vmem_shared>>) offsets(%dma_start3A_164 : memref<128xi32, #tpu.memory_space<vmem>>) semaphore(%arg11 : memref<!tpu.dma_semaphore, #tpu.memory_space<semaphore_mem>>) {add = true}
      %scan3A_168 = arith.constant 0 : i32
      scf.yield %scan3A_168 : i32
    }
    %scan3A_73 = arith.constant 39 : i32
    %dma_wait3A_74 = arith.constant 38 : i32
    %dma_wait3A_75 = arith.constant 0 : i32
    %dma_wait3A_76 = arith.constant 0 : i32
    %dma_wait3A_77 = tpu.memref_slice %arg8[%dma_wait3A_75, %dma_wait3A_76] : memref<256x128xf32, #tpu.memory_space<vmem>> -> memref<128x128xf32, #tpu.memory_space<vmem>>
    %dma_wait3A_78 = arith.constant 0 : i32
    %dma_wait3A_79 = tpu.memref_slice %arg7[%dma_wait3A_74, %dma_wait3A_78] : memref<40x128xi32, #tpu.memory_space<vmem>> -> memref<1x128xi32, #tpu.memory_space<vmem>>
    %dma_wait3A_80 = tpu.memref_squeeze %dma_wait3A_79 : memref<1x128xi32, #tpu.memory_space<vmem>> -> memref<128xi32, #tpu.memory_space<vmem>>
    %dma_wait3A_81 = arith.constant 0 : i32
    %dma_wait3A_82 = arith.constant 0 : i32
    %dma_wait3A_83 = tpu.memref_slice %arg9[%dma_wait3A_81, %dma_wait3A_82] : memref<10240x128xf32, #tpu.memory_space<vmem_shared>> -> memref<10240x128xf32, #tpu.memory_space<vmem_shared>>
    tpu.wait_indirect_dma semaphore(%arg11 : memref<!tpu.dma_semaphore, #tpu.memory_space<semaphore_mem>>) src(%dma_wait3A_77 : memref<128x128xf32, #tpu.memory_space<vmem>>) dst(%dma_wait3A_83 : memref<10240x128xf32, #tpu.memory_space<vmem_shared>>)
    %barrier3A_84 = arith.constant 0 : index
    tpu.barrier barrier_id(%barrier3A_84)
    %add3A_85 = arith.constant 0 : i32
    %add3A_86 = arith.addi %mul3A_6, %add3A_85 : i32
    "tpu.region"() ({
      %run_scoped3A = tpu.sem_alloc : memref<!tpu.dma_semaphore, #tpu.memory_space<semaphore_mem>>
      %dma_start3A = arith.constant 0 : i32
      %dma_start3A_110 = arith.constant 0 : i32
      %dma_start3A_111 = tpu.memref_slice %arg8[%dma_start3A, %dma_start3A_110] : memref<256x128xf32, #tpu.memory_space<vmem>> -> memref<128x128xf32, #tpu.memory_space<vmem>>
      %dma_start3A_112 = arith.constant 0 : i32
      %dma_start3A_113 = tpu.memref_slice %arg9[%add3A_86, %dma_start3A_112] : memref<10240x128xf32, #tpu.memory_space<vmem_shared>> -> memref<128x128xf32, #tpu.memory_space<vmem_shared>>
      %dma_start3A_114 = arith.constant 0 : i32
      %dma_start3A_115 = arith.constant 0 : i32
      %dma_start3A_116 = tpu.memref_slice %arg8[%dma_start3A_114, %dma_start3A_115] : memref<256x128xf32, #tpu.memory_space<vmem>> -> memref<128x128xf32, #tpu.memory_space<vmem>>
      %dma_start3A_117 = arith.constant 0 : i32
      %dma_start3A_118 = tpu.memref_slice %arg9[%add3A_86, %dma_start3A_117] : memref<10240x128xf32, #tpu.memory_space<vmem_shared>> -> memref<128x128xf32, #tpu.memory_space<vmem_shared>>
      tpu.enqueue_dma source(%dma_start3A_118 : memref<128x128xf32, #tpu.memory_space<vmem_shared>>) target(%dma_start3A_116 : memref<128x128xf32, #tpu.memory_space<vmem>>) target_semaphore(%run_scoped3A : memref<!tpu.dma_semaphore, #tpu.memory_space<semaphore_mem>>)
      %dma_wait3A_119 = arith.constant 0 : i32
      %dma_wait3A_120 = arith.constant 0 : i32
      %dma_wait3A_121 = tpu.memref_slice %arg8[%dma_wait3A_119, %dma_wait3A_120] : memref<256x128xf32, #tpu.memory_space<vmem>> -> memref<128x128xf32, #tpu.memory_space<vmem>>
      %dma_wait3A_122 = arith.constant 0 : i32
      %dma_wait3A_123 = tpu.memref_slice %arg9[%add3A_86, %dma_wait3A_122] : memref<10240x128xf32, #tpu.memory_space<vmem_shared>> -> memref<128x128xf32, #tpu.memory_space<vmem_shared>>
      %dma_wait3A_124 = arith.constant 0 : i32
      %dma_wait3A_125 = arith.constant 0 : i32
      %dma_wait3A_126 = tpu.memref_slice %arg8[%dma_wait3A_124, %dma_wait3A_125] : memref<256x128xf32, #tpu.memory_space<vmem>> -> memref<128x128xf32, #tpu.memory_space<vmem>>
      %dma_wait3A_127 = arith.constant 0 : i32
      %dma_wait3A_128 = tpu.memref_slice %arg9[%add3A_86, %dma_wait3A_127] : memref<10240x128xf32, #tpu.memory_space<vmem_shared>> -> memref<128x128xf32, #tpu.memory_space<vmem_shared>>
      tpu.wait_dma2 semaphore(%run_scoped3A : memref<!tpu.dma_semaphore, #tpu.memory_space<semaphore_mem>>) src(%dma_wait3A_128 : memref<128x128xf32, #tpu.memory_space<vmem_shared>>) dst(%dma_wait3A_126 : memref<128x128xf32, #tpu.memory_space<vmem>>)
      tpu.yield
    }) : () -> ()
    %mul3A_87 = arith.constant 10240 : i32
    %mul3A_88 = arith.muli %arg0, %mul3A_87 : i32
    %add3A_89 = arith.addi %mul3A_88, %add3A_86 : i32
    "tpu.region"() ({
      %run_scoped3A = tpu.sem_alloc : memref<!tpu.dma_semaphore, #tpu.memory_space<semaphore_mem>>
      %dma_start3A = arith.constant 0 : i32
      %dma_start3A_110 = arith.constant 0 : i32
      %dma_start3A_111 = tpu.memref_slice %arg8[%dma_start3A, %dma_start3A_110] : memref<256x128xf32, #tpu.memory_space<vmem>> -> memref<128x128xf32, #tpu.memory_space<vmem>>
      %dma_start3A_112 = arith.constant 0 : i32
      %dma_start3A_113 = tpu.memref_slice %arg5[%add3A_89, %dma_start3A_112] : memref<20480x128xf32, #tpu.memory_space<hbm>> -> memref<128x128xf32, #tpu.memory_space<hbm>>
      %dma_start3A_114 = arith.constant 0 : i32
      %dma_start3A_115 = tpu.memref_slice %arg5[%add3A_89, %dma_start3A_114] : memref<20480x128xf32, #tpu.memory_space<hbm>> -> memref<128x128xf32, #tpu.memory_space<hbm>>
      %dma_start3A_116 = arith.constant 0 : i32
      %dma_start3A_117 = arith.constant 0 : i32
      %dma_start3A_118 = tpu.memref_slice %arg8[%dma_start3A_116, %dma_start3A_117] : memref<256x128xf32, #tpu.memory_space<vmem>> -> memref<128x128xf32, #tpu.memory_space<vmem>>
      tpu.enqueue_dma source(%dma_start3A_118 : memref<128x128xf32, #tpu.memory_space<vmem>>) target(%dma_start3A_115 : memref<128x128xf32, #tpu.memory_space<hbm>>) target_semaphore(%run_scoped3A : memref<!tpu.dma_semaphore, #tpu.memory_space<semaphore_mem>>)
      %dma_wait3A_119 = arith.constant 0 : i32
      %dma_wait3A_120 = arith.constant 0 : i32
      %dma_wait3A_121 = tpu.memref_slice %arg8[%dma_wait3A_119, %dma_wait3A_120] : memref<256x128xf32, #tpu.memory_space<vmem>> -> memref<128x128xf32, #tpu.memory_space<vmem>>
      %dma_wait3A_122 = arith.constant 0 : i32
      %dma_wait3A_123 = tpu.memref_slice %arg5[%add3A_89, %dma_wait3A_122] : memref<20480x128xf32, #tpu.memory_space<hbm>> -> memref<128x128xf32, #tpu.memory_space<hbm>>
      %dma_wait3A_124 = arith.constant 0 : i32
      %dma_wait3A_125 = tpu.memref_slice %arg5[%add3A_89, %dma_wait3A_124] : memref<20480x128xf32, #tpu.memory_space<hbm>> -> memref<128x128xf32, #tpu.memory_space<hbm>>
      %dma_wait3A_126 = arith.constant 0 : i32
      %dma_wait3A_127 = arith.constant 0 : i32
      %dma_wait3A_128 = tpu.memref_slice %arg8[%dma_wait3A_126, %dma_wait3A_127] : memref<256x128xf32, #tpu.memory_space<vmem>> -> memref<128x128xf32, #tpu.memory_space<vmem>>
      tpu.wait_dma2 semaphore(%run_scoped3A : memref<!tpu.dma_semaphore, #tpu.memory_space<semaphore_mem>>) src(%dma_wait3A_128 : memref<128x128xf32, #tpu.memory_space<vmem>>) dst(%dma_wait3A_125 : memref<128x128xf32, #tpu.memory_space<hbm>>)
      tpu.yield
    }) : () -> ()
    %add3A_90 = arith.constant 128 : i32
    %add3A_91 = arith.addi %mul3A_6, %add3A_90 : i32
    "tpu.region"() ({
      %run_scoped3A = tpu.sem_alloc : memref<!tpu.dma_semaphore, #tpu.memory_space<semaphore_mem>>
      %dma_start3A = arith.constant 0 : i32
      %dma_start3A_110 = arith.constant 0 : i32
      %dma_start3A_111 = tpu.memref_slice %arg8[%dma_start3A, %dma_start3A_110] : memref<256x128xf32, #tpu.memory_space<vmem>> -> memref<128x128xf32, #tpu.memory_space<vmem>>
      %dma_start3A_112 = arith.constant 0 : i32
      %dma_start3A_113 = tpu.memref_slice %arg9[%add3A_91, %dma_start3A_112] : memref<10240x128xf32, #tpu.memory_space<vmem_shared>> -> memref<128x128xf32, #tpu.memory_space<vmem_shared>>
      %dma_start3A_114 = arith.constant 0 : i32
      %dma_start3A_115 = arith.constant 0 : i32
      %dma_start3A_116 = tpu.memref_slice %arg8[%dma_start3A_114, %dma_start3A_115] : memref<256x128xf32, #tpu.memory_space<vmem>> -> memref<128x128xf32, #tpu.memory_space<vmem>>
      %dma_start3A_117 = arith.constant 0 : i32
      %dma_start3A_118 = tpu.memref_slice %arg9[%add3A_91, %dma_start3A_117] : memref<10240x128xf32, #tpu.memory_space<vmem_shared>> -> memref<128x128xf32, #tpu.memory_space<vmem_shared>>
      tpu.enqueue_dma source(%dma_start3A_118 : memref<128x128xf32, #tpu.memory_space<vmem_shared>>) target(%dma_start3A_116 : memref<128x128xf32, #tpu.memory_space<vmem>>) target_semaphore(%run_scoped3A : memref<!tpu.dma_semaphore, #tpu.memory_space<semaphore_mem>>)
      %dma_wait3A_119 = arith.constant 0 : i32
      %dma_wait3A_120 = arith.constant 0 : i32
      %dma_wait3A_121 = tpu.memref_slice %arg8[%dma_wait3A_119, %dma_wait3A_120] : memref<256x128xf32, #tpu.memory_space<vmem>> -> memref<128x128xf32, #tpu.memory_space<vmem>>
      %dma_wait3A_122 = arith.constant 0 : i32
      %dma_wait3A_123 = tpu.memref_slice %arg9[%add3A_91, %dma_wait3A_122] : memref<10240x128xf32, #tpu.memory_space<vmem_shared>> -> memref<128x128xf32, #tpu.memory_space<vmem_shared>>
      %dma_wait3A_124 = arith.constant 0 : i32
      %dma_wait3A_125 = arith.constant 0 : i32
      %dma_wait3A_126 = tpu.memref_slice %arg8[%dma_wait3A_124, %dma_wait3A_125] : memref<256x128xf32, #tpu.memory_space<vmem>> -> memref<128x128xf32, #tpu.memory_space<vmem>>
      %dma_wait3A_127 = arith.constant 0 : i32
      %dma_wait3A_128 = tpu.memref_slice %arg9[%add3A_91, %dma_wait3A_127] : memref<10240x128xf32, #tpu.memory_space<vmem_shared>> -> memref<128x128xf32, #tpu.memory_space<vmem_shared>>
      tpu.wait_dma2 semaphore(%run_scoped3A : memref<!tpu.dma_semaphore, #tpu.memory_space<semaphore_mem>>) src(%dma_wait3A_128 : memref<128x128xf32, #tpu.memory_space<vmem_shared>>) dst(%dma_wait3A_126 : memref<128x128xf32, #tpu.memory_space<vmem>>)
      tpu.yield
    }) : () -> ()
    %mul3A_92 = arith.constant 10240 : i32
    %mul3A_93 = arith.muli %arg0, %mul3A_92 : i32
    %add3A_94 = arith.addi %mul3A_93, %add3A_91 : i32
    "tpu.region"() ({
      %run_scoped3A = tpu.sem_alloc : memref<!tpu.dma_semaphore, #tpu.memory_space<semaphore_mem>>
      %dma_start3A = arith.constant 0 : i32
      %dma_start3A_110 = arith.constant 0 : i32
      %dma_start3A_111 = tpu.memref_slice %arg8[%dma_start3A, %dma_start3A_110] : memref<256x128xf32, #tpu.memory_space<vmem>> -> memref<128x128xf32, #tpu.memory_space<vmem>>
      %dma_start3A_112 = arith.constant 0 : i32
      %dma_start3A_113 = tpu.memref_slice %arg5[%add3A_94, %dma_start3A_112] : memref<20480x128xf32, #tpu.memory_space<hbm>> -> memref<128x128xf32, #tpu.memory_space<hbm>>
      %dma_start3A_114 = arith.constant 0 : i32
      %dma_start3A_115 = tpu.memref_slice %arg5[%add3A_94, %dma_start3A_114] : memref<20480x128xf32, #tpu.memory_space<hbm>> -> memref<128x128xf32, #tpu.memory_space<hbm>>
      %dma_start3A_116 = arith.constant 0 : i32
      %dma_start3A_117 = arith.constant 0 : i32
      %dma_start3A_118 = tpu.memref_slice %arg8[%dma_start3A_116, %dma_start3A_117] : memref<256x128xf32, #tpu.memory_space<vmem>> -> memref<128x128xf32, #tpu.memory_space<vmem>>
      tpu.enqueue_dma source(%dma_start3A_118 : memref<128x128xf32, #tpu.memory_space<vmem>>) target(%dma_start3A_115 : memref<128x128xf32, #tpu.memory_space<hbm>>) target_semaphore(%run_scoped3A : memref<!tpu.dma_semaphore, #tpu.memory_space<semaphore_mem>>)
      %dma_wait3A_119 = arith.constant 0 : i32
      %dma_wait3A_120 = arith.constant 0 : i32
      %dma_wait3A_121 = tpu.memref_slice %arg8[%dma_wait3A_119, %dma_wait3A_120] : memref<256x128xf32, #tpu.memory_space<vmem>> -> memref<128x128xf32, #tpu.memory_space<vmem>>
      %dma_wait3A_122 = arith.constant 0 : i32
      %dma_wait3A_123 = tpu.memref_slice %arg5[%add3A_94, %dma_wait3A_122] : memref<20480x128xf32, #tpu.memory_space<hbm>> -> memref<128x128xf32, #tpu.memory_space<hbm>>
      %dma_wait3A_124 = arith.constant 0 : i32
      %dma_wait3A_125 = tpu.memref_slice %arg5[%add3A_94, %dma_wait3A_124] : memref<20480x128xf32, #tpu.memory_space<hbm>> -> memref<128x128xf32, #tpu.memory_space<hbm>>
      %dma_wait3A_126 = arith.constant 0 : i32
      %dma_wait3A_127 = arith.constant 0 : i32
      %dma_wait3A_128 = tpu.memref_slice %arg8[%dma_wait3A_126, %dma_wait3A_127] : memref<256x128xf32, #tpu.memory_space<vmem>> -> memref<128x128xf32, #tpu.memory_space<vmem>>
      tpu.wait_dma2 semaphore(%run_scoped3A : memref<!tpu.dma_semaphore, #tpu.memory_space<semaphore_mem>>) src(%dma_wait3A_128 : memref<128x128xf32, #tpu.memory_space<vmem>>) dst(%dma_wait3A_125 : memref<128x128xf32, #tpu.memory_space<hbm>>)
      tpu.yield
    }) : () -> ()
    %add3A_95 = arith.constant 256 : i32
    %add3A_96 = arith.addi %mul3A_6, %add3A_95 : i32
    "tpu.region"() ({
      %run_scoped3A = tpu.sem_alloc : memref<!tpu.dma_semaphore, #tpu.memory_space<semaphore_mem>>
      %dma_start3A = arith.constant 0 : i32
      %dma_start3A_110 = arith.constant 0 : i32
      %dma_start3A_111 = tpu.memref_slice %arg8[%dma_start3A, %dma_start3A_110] : memref<256x128xf32, #tpu.memory_space<vmem>> -> memref<128x128xf32, #tpu.memory_space<vmem>>
      %dma_start3A_112 = arith.constant 0 : i32
      %dma_start3A_113 = tpu.memref_slice %arg9[%add3A_96, %dma_start3A_112] : memref<10240x128xf32, #tpu.memory_space<vmem_shared>> -> memref<128x128xf32, #tpu.memory_space<vmem_shared>>
      %dma_start3A_114 = arith.constant 0 : i32
      %dma_start3A_115 = arith.constant 0 : i32
      %dma_start3A_116 = tpu.memref_slice %arg8[%dma_start3A_114, %dma_start3A_115] : memref<256x128xf32, #tpu.memory_space<vmem>> -> memref<128x128xf32, #tpu.memory_space<vmem>>
      %dma_start3A_117 = arith.constant 0 : i32
      %dma_start3A_118 = tpu.memref_slice %arg9[%add3A_96, %dma_start3A_117] : memref<10240x128xf32, #tpu.memory_space<vmem_shared>> -> memref<128x128xf32, #tpu.memory_space<vmem_shared>>
      tpu.enqueue_dma source(%dma_start3A_118 : memref<128x128xf32, #tpu.memory_space<vmem_shared>>) target(%dma_start3A_116 : memref<128x128xf32, #tpu.memory_space<vmem>>) target_semaphore(%run_scoped3A : memref<!tpu.dma_semaphore, #tpu.memory_space<semaphore_mem>>)
      %dma_wait3A_119 = arith.constant 0 : i32
      %dma_wait3A_120 = arith.constant 0 : i32
      %dma_wait3A_121 = tpu.memref_slice %arg8[%dma_wait3A_119, %dma_wait3A_120] : memref<256x128xf32, #tpu.memory_space<vmem>> -> memref<128x128xf32, #tpu.memory_space<vmem>>
      %dma_wait3A_122 = arith.constant 0 : i32
      %dma_wait3A_123 = tpu.memref_slice %arg9[%add3A_96, %dma_wait3A_122] : memref<10240x128xf32, #tpu.memory_space<vmem_shared>> -> memref<128x128xf32, #tpu.memory_space<vmem_shared>>
      %dma_wait3A_124 = arith.constant 0 : i32
      %dma_wait3A_125 = arith.constant 0 : i32
      %dma_wait3A_126 = tpu.memref_slice %arg8[%dma_wait3A_124, %dma_wait3A_125] : memref<256x128xf32, #tpu.memory_space<vmem>> -> memref<128x128xf32, #tpu.memory_space<vmem>>
      %dma_wait3A_127 = arith.constant 0 : i32
      %dma_wait3A_128 = tpu.memref_slice %arg9[%add3A_96, %dma_wait3A_127] : memref<10240x128xf32, #tpu.memory_space<vmem_shared>> -> memref<128x128xf32, #tpu.memory_space<vmem_shared>>
      tpu.wait_dma2 semaphore(%run_scoped3A : memref<!tpu.dma_semaphore, #tpu.memory_space<semaphore_mem>>) src(%dma_wait3A_128 : memref<128x128xf32, #tpu.memory_space<vmem_shared>>) dst(%dma_wait3A_126 : memref<128x128xf32, #tpu.memory_space<vmem>>)
      tpu.yield
    }) : () -> ()
    %mul3A_97 = arith.constant 10240 : i32
    %mul3A_98 = arith.muli %arg0, %mul3A_97 : i32
    %add3A_99 = arith.addi %mul3A_98, %add3A_96 : i32
    "tpu.region"() ({
      %run_scoped3A = tpu.sem_alloc : memref<!tpu.dma_semaphore, #tpu.memory_space<semaphore_mem>>
      %dma_start3A = arith.constant 0 : i32
      %dma_start3A_110 = arith.constant 0 : i32
      %dma_start3A_111 = tpu.memref_slice %arg8[%dma_start3A, %dma_start3A_110] : memref<256x128xf32, #tpu.memory_space<vmem>> -> memref<128x128xf32, #tpu.memory_space<vmem>>
      %dma_start3A_112 = arith.constant 0 : i32
      %dma_start3A_113 = tpu.memref_slice %arg5[%add3A_99, %dma_start3A_112] : memref<20480x128xf32, #tpu.memory_space<hbm>> -> memref<128x128xf32, #tpu.memory_space<hbm>>
      %dma_start3A_114 = arith.constant 0 : i32
      %dma_start3A_115 = tpu.memref_slice %arg5[%add3A_99, %dma_start3A_114] : memref<20480x128xf32, #tpu.memory_space<hbm>> -> memref<128x128xf32, #tpu.memory_space<hbm>>
      %dma_start3A_116 = arith.constant 0 : i32
      %dma_start3A_117 = arith.constant 0 : i32
      %dma_start3A_118 = tpu.memref_slice %arg8[%dma_start3A_116, %dma_start3A_117] : memref<256x128xf32, #tpu.memory_space<vmem>> -> memref<128x128xf32, #tpu.memory_space<vmem>>
      tpu.enqueue_dma source(%dma_start3A_118 : memref<128x128xf32, #tpu.memory_space<vmem>>) target(%dma_start3A_115 : memref<128x128xf32, #tpu.memory_space<hbm>>) target_semaphore(%run_scoped3A : memref<!tpu.dma_semaphore, #tpu.memory_space<semaphore_mem>>)
      %dma_wait3A_119 = arith.constant 0 : i32
      %dma_wait3A_120 = arith.constant 0 : i32
      %dma_wait3A_121 = tpu.memref_slice %arg8[%dma_wait3A_119, %dma_wait3A_120] : memref<256x128xf32, #tpu.memory_space<vmem>> -> memref<128x128xf32, #tpu.memory_space<vmem>>
      %dma_wait3A_122 = arith.constant 0 : i32
      %dma_wait3A_123 = tpu.memref_slice %arg5[%add3A_99, %dma_wait3A_122] : memref<20480x128xf32, #tpu.memory_space<hbm>> -> memref<128x128xf32, #tpu.memory_space<hbm>>
      %dma_wait3A_124 = arith.constant 0 : i32
      %dma_wait3A_125 = tpu.memref_slice %arg5[%add3A_99, %dma_wait3A_124] : memref<20480x128xf32, #tpu.memory_space<hbm>> -> memref<128x128xf32, #tpu.memory_space<hbm>>
      %dma_wait3A_126 = arith.constant 0 : i32
      %dma_wait3A_127 = arith.constant 0 : i32
      %dma_wait3A_128 = tpu.memref_slice %arg8[%dma_wait3A_126, %dma_wait3A_127] : memref<256x128xf32, #tpu.memory_space<vmem>> -> memref<128x128xf32, #tpu.memory_space<vmem>>
      tpu.wait_dma2 semaphore(%run_scoped3A : memref<!tpu.dma_semaphore, #tpu.memory_space<semaphore_mem>>) src(%dma_wait3A_128 : memref<128x128xf32, #tpu.memory_space<vmem>>) dst(%dma_wait3A_125 : memref<128x128xf32, #tpu.memory_space<hbm>>)
      tpu.yield
    }) : () -> ()
    %add3A_100 = arith.constant 384 : i32
    %add3A_101 = arith.addi %mul3A_6, %add3A_100 : i32
    "tpu.region"() ({
      %run_scoped3A = tpu.sem_alloc : memref<!tpu.dma_semaphore, #tpu.memory_space<semaphore_mem>>
      %dma_start3A = arith.constant 0 : i32
      %dma_start3A_110 = arith.constant 0 : i32
      %dma_start3A_111 = tpu.memref_slice %arg8[%dma_start3A, %dma_start3A_110] : memref<256x128xf32, #tpu.memory_space<vmem>> -> memref<128x128xf32, #tpu.memory_space<vmem>>
      %dma_start3A_112 = arith.constant 0 : i32
      %dma_start3A_113 = tpu.memref_slice %arg9[%add3A_101, %dma_start3A_112] : memref<10240x128xf32, #tpu.memory_space<vmem_shared>> -> memref<128x128xf32, #tpu.memory_space<vmem_shared>>
      %dma_start3A_114 = arith.constant 0 : i32
      %dma_start3A_115 = arith.constant 0 : i32
      %dma_start3A_116 = tpu.memref_slice %arg8[%dma_start3A_114, %dma_start3A_115] : memref<256x128xf32, #tpu.memory_space<vmem>> -> memref<128x128xf32, #tpu.memory_space<vmem>>
      %dma_start3A_117 = arith.constant 0 : i32
      %dma_start3A_118 = tpu.memref_slice %arg9[%add3A_101, %dma_start3A_117] : memref<10240x128xf32, #tpu.memory_space<vmem_shared>> -> memref<128x128xf32, #tpu.memory_space<vmem_shared>>
      tpu.enqueue_dma source(%dma_start3A_118 : memref<128x128xf32, #tpu.memory_space<vmem_shared>>) target(%dma_start3A_116 : memref<128x128xf32, #tpu.memory_space<vmem>>) target_semaphore(%run_scoped3A : memref<!tpu.dma_semaphore, #tpu.memory_space<semaphore_mem>>)
      %dma_wait3A_119 = arith.constant 0 : i32
      %dma_wait3A_120 = arith.constant 0 : i32
      %dma_wait3A_121 = tpu.memref_slice %arg8[%dma_wait3A_119, %dma_wait3A_120] : memref<256x128xf32, #tpu.memory_space<vmem>> -> memref<128x128xf32, #tpu.memory_space<vmem>>
      %dma_wait3A_122 = arith.constant 0 : i32
      %dma_wait3A_123 = tpu.memref_slice %arg9[%add3A_101, %dma_wait3A_122] : memref<10240x128xf32, #tpu.memory_space<vmem_shared>> -> memref<128x128xf32, #tpu.memory_space<vmem_shared>>
      %dma_wait3A_124 = arith.constant 0 : i32
      %dma_wait3A_125 = arith.constant 0 : i32
      %dma_wait3A_126 = tpu.memref_slice %arg8[%dma_wait3A_124, %dma_wait3A_125] : memref<256x128xf32, #tpu.memory_space<vmem>> -> memref<128x128xf32, #tpu.memory_space<vmem>>
      %dma_wait3A_127 = arith.constant 0 : i32
      %dma_wait3A_128 = tpu.memref_slice %arg9[%add3A_101, %dma_wait3A_127] : memref<10240x128xf32, #tpu.memory_space<vmem_shared>> -> memref<128x128xf32, #tpu.memory_space<vmem_shared>>
      tpu.wait_dma2 semaphore(%run_scoped3A : memref<!tpu.dma_semaphore, #tpu.memory_space<semaphore_mem>>) src(%dma_wait3A_128 : memref<128x128xf32, #tpu.memory_space<vmem_shared>>) dst(%dma_wait3A_126 : memref<128x128xf32, #tpu.memory_space<vmem>>)
      tpu.yield
    }) : () -> ()
    %mul3A_102 = arith.constant 10240 : i32
    %mul3A_103 = arith.muli %arg0, %mul3A_102 : i32
    %add3A_104 = arith.addi %mul3A_103, %add3A_101 : i32
    "tpu.region"() ({
      %run_scoped3A = tpu.sem_alloc : memref<!tpu.dma_semaphore, #tpu.memory_space<semaphore_mem>>
      %dma_start3A = arith.constant 0 : i32
      %dma_start3A_110 = arith.constant 0 : i32
      %dma_start3A_111 = tpu.memref_slice %arg8[%dma_start3A, %dma_start3A_110] : memref<256x128xf32, #tpu.memory_space<vmem>> -> memref<128x128xf32, #tpu.memory_space<vmem>>
      %dma_start3A_112 = arith.constant 0 : i32
      %dma_start3A_113 = tpu.memref_slice %arg5[%add3A_104, %dma_start3A_112] : memref<20480x128xf32, #tpu.memory_space<hbm>> -> memref<128x128xf32, #tpu.memory_space<hbm>>
      %dma_start3A_114 = arith.constant 0 : i32
      %dma_start3A_115 = tpu.memref_slice %arg5[%add3A_104, %dma_start3A_114] : memref<20480x128xf32, #tpu.memory_space<hbm>> -> memref<128x128xf32, #tpu.memory_space<hbm>>
      %dma_start3A_116 = arith.constant 0 : i32
      %dma_start3A_117 = arith.constant 0 : i32
      %dma_start3A_118 = tpu.memref_slice %arg8[%dma_start3A_116, %dma_start3A_117] : memref<256x128xf32, #tpu.memory_space<vmem>> -> memref<128x128xf32, #tpu.memory_space<vmem>>
      tpu.enqueue_dma source(%dma_start3A_118 : memref<128x128xf32, #tpu.memory_space<vmem>>) target(%dma_start3A_115 : memref<128x128xf32, #tpu.memory_space<hbm>>) target_semaphore(%run_scoped3A : memref<!tpu.dma_semaphore, #tpu.memory_space<semaphore_mem>>)
      %dma_wait3A_119 = arith.constant 0 : i32
      %dma_wait3A_120 = arith.constant 0 : i32
      %dma_wait3A_121 = tpu.memref_slice %arg8[%dma_wait3A_119, %dma_wait3A_120] : memref<256x128xf32, #tpu.memory_space<vmem>> -> memref<128x128xf32, #tpu.memory_space<vmem>>
      %dma_wait3A_122 = arith.constant 0 : i32
      %dma_wait3A_123 = tpu.memref_slice %arg5[%add3A_104, %dma_wait3A_122] : memref<20480x128xf32, #tpu.memory_space<hbm>> -> memref<128x128xf32, #tpu.memory_space<hbm>>
      %dma_wait3A_124 = arith.constant 0 : i32
      %dma_wait3A_125 = tpu.memref_slice %arg5[%add3A_104, %dma_wait3A_124] : memref<20480x128xf32, #tpu.memory_space<hbm>> -> memref<128x128xf32, #tpu.memory_space<hbm>>
      %dma_wait3A_126 = arith.constant 0 : i32
      %dma_wait3A_127 = arith.constant 0 : i32
      %dma_wait3A_128 = tpu.memref_slice %arg8[%dma_wait3A_126, %dma_wait3A_127] : memref<256x128xf32, #tpu.memory_space<vmem>> -> memref<128x128xf32, #tpu.memory_space<vmem>>
      tpu.wait_dma2 semaphore(%run_scoped3A : memref<!tpu.dma_semaphore, #tpu.memory_space<semaphore_mem>>) src(%dma_wait3A_128 : memref<128x128xf32, #tpu.memory_space<vmem>>) dst(%dma_wait3A_125 : memref<128x128xf32, #tpu.memory_space<hbm>>)
      tpu.yield
    }) : () -> ()
    %add3A_105 = arith.constant 512 : i32
    %add3A_106 = arith.addi %mul3A_6, %add3A_105 : i32
    "tpu.region"() ({
      %run_scoped3A = tpu.sem_alloc : memref<!tpu.dma_semaphore, #tpu.memory_space<semaphore_mem>>
      %dma_start3A = arith.constant 0 : i32
      %dma_start3A_110 = arith.constant 0 : i32
      %dma_start3A_111 = tpu.memref_slice %arg8[%dma_start3A, %dma_start3A_110] : memref<256x128xf32, #tpu.memory_space<vmem>> -> memref<128x128xf32, #tpu.memory_space<vmem>>
      %dma_start3A_112 = arith.constant 0 : i32
      %dma_start3A_113 = tpu.memref_slice %arg9[%add3A_106, %dma_start3A_112] : memref<10240x128xf32, #tpu.memory_space<vmem_shared>> -> memref<128x128xf32, #tpu.memory_space<vmem_shared>>
      %dma_start3A_114 = arith.constant 0 : i32
      %dma_start3A_115 = arith.constant 0 : i32
      %dma_start3A_116 = tpu.memref_slice %arg8[%dma_start3A_114, %dma_start3A_115] : memref<256x128xf32, #tpu.memory_space<vmem>> -> memref<128x128xf32, #tpu.memory_space<vmem>>
      %dma_start3A_117 = arith.constant 0 : i32
      %dma_start3A_118 = tpu.memref_slice %arg9[%add3A_106, %dma_start3A_117] : memref<10240x128xf32, #tpu.memory_space<vmem_shared>> -> memref<128x128xf32, #tpu.memory_space<vmem_shared>>
      tpu.enqueue_dma source(%dma_start3A_118 : memref<128x128xf32, #tpu.memory_space<vmem_shared>>) target(%dma_start3A_116 : memref<128x128xf32, #tpu.memory_space<vmem>>) target_semaphore(%run_scoped3A : memref<!tpu.dma_semaphore, #tpu.memory_space<semaphore_mem>>)
      %dma_wait3A_119 = arith.constant 0 : i32
      %dma_wait3A_120 = arith.constant 0 : i32
      %dma_wait3A_121 = tpu.memref_slice %arg8[%dma_wait3A_119, %dma_wait3A_120] : memref<256x128xf32, #tpu.memory_space<vmem>> -> memref<128x128xf32, #tpu.memory_space<vmem>>
      %dma_wait3A_122 = arith.constant 0 : i32
      %dma_wait3A_123 = tpu.memref_slice %arg9[%add3A_106, %dma_wait3A_122] : memref<10240x128xf32, #tpu.memory_space<vmem_shared>> -> memref<128x128xf32, #tpu.memory_space<vmem_shared>>
      %dma_wait3A_124 = arith.constant 0 : i32
      %dma_wait3A_125 = arith.constant 0 : i32
      %dma_wait3A_126 = tpu.memref_slice %arg8[%dma_wait3A_124, %dma_wait3A_125] : memref<256x128xf32, #tpu.memory_space<vmem>> -> memref<128x128xf32, #tpu.memory_space<vmem>>
      %dma_wait3A_127 = arith.constant 0 : i32
      %dma_wait3A_128 = tpu.memref_slice %arg9[%add3A_106, %dma_wait3A_127] : memref<10240x128xf32, #tpu.memory_space<vmem_shared>> -> memref<128x128xf32, #tpu.memory_space<vmem_shared>>
      tpu.wait_dma2 semaphore(%run_scoped3A : memref<!tpu.dma_semaphore, #tpu.memory_space<semaphore_mem>>) src(%dma_wait3A_128 : memref<128x128xf32, #tpu.memory_space<vmem_shared>>) dst(%dma_wait3A_126 : memref<128x128xf32, #tpu.memory_space<vmem>>)
      tpu.yield
    }) : () -> ()
    %mul3A_107 = arith.constant 10240 : i32
    %mul3A_108 = arith.muli %arg0, %mul3A_107 : i32
    %add3A_109 = arith.addi %mul3A_108, %add3A_106 : i32
    "tpu.region"() ({
      %run_scoped3A = tpu.sem_alloc : memref<!tpu.dma_semaphore, #tpu.memory_space<semaphore_mem>>
      %dma_start3A = arith.constant 0 : i32
      %dma_start3A_110 = arith.constant 0 : i32
      %dma_start3A_111 = tpu.memref_slice %arg8[%dma_start3A, %dma_start3A_110] : memref<256x128xf32, #tpu.memory_space<vmem>> -> memref<128x128xf32, #tpu.memory_space<vmem>>
      %dma_start3A_112 = arith.constant 0 : i32
      %dma_start3A_113 = tpu.memref_slice %arg5[%add3A_109, %dma_start3A_112] : memref<20480x128xf32, #tpu.memory_space<hbm>> -> memref<128x128xf32, #tpu.memory_space<hbm>>
      %dma_start3A_114 = arith.constant 0 : i32
      %dma_start3A_115 = tpu.memref_slice %arg5[%add3A_109, %dma_start3A_114] : memref<20480x128xf32, #tpu.memory_space<hbm>> -> memref<128x128xf32, #tpu.memory_space<hbm>>
      %dma_start3A_116 = arith.constant 0 : i32
      %dma_start3A_117 = arith.constant 0 : i32
      %dma_start3A_118 = tpu.memref_slice %arg8[%dma_start3A_116, %dma_start3A_117] : memref<256x128xf32, #tpu.memory_space<vmem>> -> memref<128x128xf32, #tpu.memory_space<vmem>>
      tpu.enqueue_dma source(%dma_start3A_118 : memref<128x128xf32, #tpu.memory_space<vmem>>) target(%dma_start3A_115 : memref<128x128xf32, #tpu.memory_space<hbm>>) target_semaphore(%run_scoped3A : memref<!tpu.dma_semaphore, #tpu.memory_space<semaphore_mem>>)
      %dma_wait3A_119 = arith.constant 0 : i32
      %dma_wait3A_120 = arith.constant 0 : i32
      %dma_wait3A_121 = tpu.memref_slice %arg8[%dma_wait3A_119, %dma_wait3A_120] : memref<256x128xf32, #tpu.memory_space<vmem>> -> memref<128x128xf32, #tpu.memory_space<vmem>>
      %dma_wait3A_122 = arith.constant 0 : i32
      %dma_wait3A_123 = tpu.memref_slice %arg5[%add3A_109, %dma_wait3A_122] : memref<20480x128xf32, #tpu.memory_space<hbm>> -> memref<128x128xf32, #tpu.memory_space<hbm>>
      %dma_wait3A_124 = arith.constant 0 : i32
      %dma_wait3A_125 = tpu.memref_slice %arg5[%add3A_109, %dma_wait3A_124] : memref<20480x128xf32, #tpu.memory_space<hbm>> -> memref<128x128xf32, #tpu.memory_space<hbm>>
      %dma_wait3A_126 = arith.constant 0 : i32
      %dma_wait3A_127 = arith.constant 0 : i32
      %dma_wait3A_128 = tpu.memref_slice %arg8[%dma_wait3A_126, %dma_wait3A_127] : memref<256x128xf32, #tpu.memory_space<vmem>> -> memref<128x128xf32, #tpu.memory_space<vmem>>
      tpu.wait_dma2 semaphore(%run_scoped3A : memref<!tpu.dma_semaphore, #tpu.memory_space<semaphore_mem>>) src(%dma_wait3A_128 : memref<128x128xf32, #tpu.memory_space<vmem>>) dst(%dma_wait3A_125 : memref<128x128xf32, #tpu.memory_space<hbm>>)
      tpu.yield
    }) : () -> ()
    return
  }
}

#map = affine_map<(d0, d1) -> (0, 0)>
#map1 = affine_map<(d0, d1) -> (0)>
module attributes {stable_mosaic.version = 14 : i64} {
  func.func @agg_kernel(%arg0: i32, %arg1: i32, %arg2: memref<10240x128xf32, #tpu.memory_space<hbm>>, %arg3: memref<323584xi32, #tpu.memory_space<hbm>>, %arg4: memref<323584xi32, #tpu.memory_space<hbm>>, %arg5: memref<20480x128xf32, #tpu.memory_space<hbm>>, %arg6: memref<40x128xi32, #tpu.memory_space<vmem>>, %arg7: memref<40x128xi32, #tpu.memory_space<vmem>>, %arg8: memref<256x128xf32, #tpu.memory_space<vmem>>, %arg9: memref<10240x128xf32, #tpu.memory_space<vmem_shared>>, %arg10: memref<!tpu.dma_semaphore, #tpu.memory_space<semaphore_mem>>, %arg11: memref<!tpu.dma_semaphore, #tpu.memory_space<semaphore_mem>>, %arg12: memref<!tpu.dma_semaphore, #tpu.memory_space<semaphore_mem>>) attributes {dimension_semantics = [#tpu.dimension_semantics<core_parallel>, #tpu.dimension_semantics<subcore_parallel>], iteration_bounds = array<i64: 2, 16>, scalar_prefetch = 0 : i64, scratch_operands = 7 : i64, tpu.core_type = #tpu.core_type<sc_vector_subcore>, window_params = [{transform_indices = #map}, {transform_indices = #map1}, {transform_indices = #map1}, {transform_indices = #map}]} {
    %mul3A = arith.constant 16 : i32
    %mul3A_0 = arith.muli %arg0, %mul3A : i32
    %add3A = arith.addi %mul3A_0, %arg1 : i32
    %mul3A_1 = arith.constant 79 : i32
    %mul3A_2 = arith.muli %add3A, %mul3A_1 : i32
    %mul3A_3 = arith.constant 128 : i32
    %mul3A_4 = arith.muli %mul3A_2, %mul3A_3 : i32
    %mul3A_5 = arith.constant 640 : i32
    %mul3A_6 = arith.muli %arg1, %mul3A_5 : i32
    %scan3A = arith.constant 0 : i32
    %scan3A_7 = arith.constant 0 : i32
    %scan3A_8 = arith.constant 40 : i32
    %scan3A_9 = arith.addi %scan3A_7, %scan3A_8 : i32
    %scan3A_10 = arith.constant 1 : i32
    %scan3A_11 = scf.for %scan3A_110 = %scan3A_7 to %scan3A_9 step %scan3A_10 iter_args(%scan3A_111 = %scan3A) -> (i32)  : i32 {
      %add3A_112 = arith.constant 0 : i32
      %add3A_113 = arith.addi %add3A_112, %scan3A_110 : i32
      %mul3A_114 = arith.constant 128 : i32
      %mul3A_115 = arith.muli %add3A_113, %mul3A_114 : i32
      %add3A_116 = arith.addi %mul3A_4, %mul3A_115 : i32
      %dma_start3A = arith.constant 0 : i32
      %dma_start3A_117 = tpu.memref_slice %arg6[%scan3A_110, %dma_start3A] : memref<40x128xi32, #tpu.memory_space<vmem>> -> memref<1x128xi32, #tpu.memory_space<vmem>>
      %dma_start3A_118 = tpu.memref_squeeze %dma_start3A_117 : memref<1x128xi32, #tpu.memory_space<vmem>> -> memref<128xi32, #tpu.memory_space<vmem>>
      %dma_start3A_119 = tpu.memref_slice %arg3[%add3A_116] : memref<323584xi32, #tpu.memory_space<hbm>> -> memref<128xi32, #tpu.memory_space<hbm>>
      %dma_start3A_120 = arith.constant 0 : i32
      %dma_start3A_121 = tpu.memref_slice %arg6[%scan3A_110, %dma_start3A_120] : memref<40x128xi32, #tpu.memory_space<vmem>> -> memref<1x128xi32, #tpu.memory_space<vmem>>
      %dma_start3A_122 = tpu.memref_squeeze %dma_start3A_121 : memref<1x128xi32, #tpu.memory_space<vmem>> -> memref<128xi32, #tpu.memory_space<vmem>>
      %dma_start3A_123 = tpu.memref_slice %arg3[%add3A_116] : memref<323584xi32, #tpu.memory_space<hbm>> -> memref<128xi32, #tpu.memory_space<hbm>>
      tpu.enqueue_dma source(%dma_start3A_123 : memref<128xi32, #tpu.memory_space<hbm>>) target(%dma_start3A_122 : memref<128xi32, #tpu.memory_space<vmem>>) target_semaphore(%arg12 : memref<!tpu.dma_semaphore, #tpu.memory_space<semaphore_mem>>)
      %dma_start3A_124 = arith.constant 0 : i32
      %dma_start3A_125 = tpu.memref_slice %arg7[%scan3A_110, %dma_start3A_124] : memref<40x128xi32, #tpu.memory_space<vmem>> -> memref<1x128xi32, #tpu.memory_space<vmem>>
      %dma_start3A_126 = tpu.memref_squeeze %dma_start3A_125 : memref<1x128xi32, #tpu.memory_space<vmem>> -> memref<128xi32, #tpu.memory_space<vmem>>
      %dma_start3A_127 = tpu.memref_slice %arg4[%add3A_116] : memref<323584xi32, #tpu.memory_space<hbm>> -> memref<128xi32, #tpu.memory_space<hbm>>
      %dma_start3A_128 = arith.constant 0 : i32
      %dma_start3A_129 = tpu.memref_slice %arg7[%scan3A_110, %dma_start3A_128] : memref<40x128xi32, #tpu.memory_space<vmem>> -> memref<1x128xi32, #tpu.memory_space<vmem>>
      %dma_start3A_130 = tpu.memref_squeeze %dma_start3A_129 : memref<1x128xi32, #tpu.memory_space<vmem>> -> memref<128xi32, #tpu.memory_space<vmem>>
      %dma_start3A_131 = tpu.memref_slice %arg4[%add3A_116] : memref<323584xi32, #tpu.memory_space<hbm>> -> memref<128xi32, #tpu.memory_space<hbm>>
      tpu.enqueue_dma source(%dma_start3A_131 : memref<128xi32, #tpu.memory_space<hbm>>) target(%dma_start3A_130 : memref<128xi32, #tpu.memory_space<vmem>>) target_semaphore(%arg12 : memref<!tpu.dma_semaphore, #tpu.memory_space<semaphore_mem>>)
      %scan3A_132 = arith.constant 0 : i32
      scf.yield %scan3A_132 : i32
    }
    %scan3A_12 = arith.constant 40 : i32
    %scan3A_13 = arith.constant 0 : i32
    %scan3A_14 = arith.constant 0 : i32
    %scan3A_15 = arith.constant 128 : i32
    %scan3A_16 = arith.addi %scan3A_14, %scan3A_15 : i32
    %scan3A_17 = arith.constant 1 : i32
    %scan3A_18 = scf.for %scan3A_110 = %scan3A_14 to %scan3A_16 step %scan3A_17 iter_args(%scan3A_111 = %scan3A_13) -> (i32)  : i32 {
      %broadcast_in_dim3A = arith.constant 0.000000e+00 : f32
      %broadcast_in_dim3A_112 = vector.broadcast %broadcast_in_dim3A : f32 to vector<16xf32>
      %swap3A = arith.index_cast %scan3A_110 : i32 to index
      %swap3A_113 = arith.constant 0 : index
      %swap3A_114 = tpu.vector_load %arg8[%swap3A, %swap3A_113] {strides = array<i32>} : memref<256x128xf32, #tpu.memory_space<vmem>>, vector<1x16xf32>,
      %swap3A_115 = vector.shape_cast %swap3A_114 : vector<1x16xf32> to vector<16xf32>
      %swap3A_116 = vector.shape_cast %broadcast_in_dim3A_112 : vector<16xf32> to vector<1x16xf32>
      tpu.vector_store %arg8[%swap3A, %swap3A_113], %swap3A_116 {strides = array<i32>} : memref<256x128xf32, #tpu.memory_space<vmem>>, vector<1x16xf32>,
      %broadcast_in_dim3A_117 = arith.constant 0.000000e+00 : f32
      %broadcast_in_dim3A_118 = vector.broadcast %broadcast_in_dim3A_117 : f32 to vector<16xf32>
      %swap3A_119 = arith.index_cast %scan3A_110 : i32 to index
      %swap3A_120 = arith.constant 16 : index
      %swap3A_121 = tpu.vector_load %arg8[%swap3A_119, %swap3A_120] {strides = array<i32>} : memref<256x128xf32, #tpu.memory_space<vmem>>, vector<1x16xf32>,
      %swap3A_122 = vector.shape_cast %swap3A_121 : vector<1x16xf32> to vector<16xf32>
      %swap3A_123 = vector.shape_cast %broadcast_in_dim3A_118 : vector<16xf32> to vector<1x16xf32>
      tpu.vector_store %arg8[%swap3A_119, %swap3A_120], %swap3A_123 {strides = array<i32>} : memref<256x128xf32, #tpu.memory_space<vmem>>, vector<1x16xf32>,
      %broadcast_in_dim3A_124 = arith.constant 0.000000e+00 : f32
      %broadcast_in_dim3A_125 = vector.broadcast %broadcast_in_dim3A_124 : f32 to vector<16xf32>
      %swap3A_126 = arith.index_cast %scan3A_110 : i32 to index
      %swap3A_127 = arith.constant 32 : index
      %swap3A_128 = tpu.vector_load %arg8[%swap3A_126, %swap3A_127] {strides = array<i32>} : memref<256x128xf32, #tpu.memory_space<vmem>>, vector<1x16xf32>,
      %swap3A_129 = vector.shape_cast %swap3A_128 : vector<1x16xf32> to vector<16xf32>
      %swap3A_130 = vector.shape_cast %broadcast_in_dim3A_125 : vector<16xf32> to vector<1x16xf32>
      tpu.vector_store %arg8[%swap3A_126, %swap3A_127], %swap3A_130 {strides = array<i32>} : memref<256x128xf32, #tpu.memory_space<vmem>>, vector<1x16xf32>,
      %broadcast_in_dim3A_131 = arith.constant 0.000000e+00 : f32
      %broadcast_in_dim3A_132 = vector.broadcast %broadcast_in_dim3A_131 : f32 to vector<16xf32>
      %swap3A_133 = arith.index_cast %scan3A_110 : i32 to index
      %swap3A_134 = arith.constant 48 : index
      %swap3A_135 = tpu.vector_load %arg8[%swap3A_133, %swap3A_134] {strides = array<i32>} : memref<256x128xf32, #tpu.memory_space<vmem>>, vector<1x16xf32>,
      %swap3A_136 = vector.shape_cast %swap3A_135 : vector<1x16xf32> to vector<16xf32>
      %swap3A_137 = vector.shape_cast %broadcast_in_dim3A_132 : vector<16xf32> to vector<1x16xf32>
      tpu.vector_store %arg8[%swap3A_133, %swap3A_134], %swap3A_137 {strides = array<i32>} : memref<256x128xf32, #tpu.memory_space<vmem>>, vector<1x16xf32>,
      %broadcast_in_dim3A_138 = arith.constant 0.000000e+00 : f32
      %broadcast_in_dim3A_139 = vector.broadcast %broadcast_in_dim3A_138 : f32 to vector<16xf32>
      %swap3A_140 = arith.index_cast %scan3A_110 : i32 to index
      %swap3A_141 = arith.constant 64 : index
      %swap3A_142 = tpu.vector_load %arg8[%swap3A_140, %swap3A_141] {strides = array<i32>} : memref<256x128xf32, #tpu.memory_space<vmem>>, vector<1x16xf32>,
      %swap3A_143 = vector.shape_cast %swap3A_142 : vector<1x16xf32> to vector<16xf32>
      %swap3A_144 = vector.shape_cast %broadcast_in_dim3A_139 : vector<16xf32> to vector<1x16xf32>
      tpu.vector_store %arg8[%swap3A_140, %swap3A_141], %swap3A_144 {strides = array<i32>} : memref<256x128xf32, #tpu.memory_space<vmem>>, vector<1x16xf32>,
      %broadcast_in_dim3A_145 = arith.constant 0.000000e+00 : f32
      %broadcast_in_dim3A_146 = vector.broadcast %broadcast_in_dim3A_145 : f32 to vector<16xf32>
      %swap3A_147 = arith.index_cast %scan3A_110 : i32 to index
      %swap3A_148 = arith.constant 80 : index
      %swap3A_149 = tpu.vector_load %arg8[%swap3A_147, %swap3A_148] {strides = array<i32>} : memref<256x128xf32, #tpu.memory_space<vmem>>, vector<1x16xf32>,
      %swap3A_150 = vector.shape_cast %swap3A_149 : vector<1x16xf32> to vector<16xf32>
      %swap3A_151 = vector.shape_cast %broadcast_in_dim3A_146 : vector<16xf32> to vector<1x16xf32>
      tpu.vector_store %arg8[%swap3A_147, %swap3A_148], %swap3A_151 {strides = array<i32>} : memref<256x128xf32, #tpu.memory_space<vmem>>, vector<1x16xf32>,
      %broadcast_in_dim3A_152 = arith.constant 0.000000e+00 : f32
      %broadcast_in_dim3A_153 = vector.broadcast %broadcast_in_dim3A_152 : f32 to vector<16xf32>
      %swap3A_154 = arith.index_cast %scan3A_110 : i32 to index
      %swap3A_155 = arith.constant 96 : index
      %swap3A_156 = tpu.vector_load %arg8[%swap3A_154, %swap3A_155] {strides = array<i32>} : memref<256x128xf32, #tpu.memory_space<vmem>>, vector<1x16xf32>,
      %swap3A_157 = vector.shape_cast %swap3A_156 : vector<1x16xf32> to vector<16xf32>
      %swap3A_158 = vector.shape_cast %broadcast_in_dim3A_153 : vector<16xf32> to vector<1x16xf32>
      tpu.vector_store %arg8[%swap3A_154, %swap3A_155], %swap3A_158 {strides = array<i32>} : memref<256x128xf32, #tpu.memory_space<vmem>>, vector<1x16xf32>,
      %broadcast_in_dim3A_159 = arith.constant 0.000000e+00 : f32
      %broadcast_in_dim3A_160 = vector.broadcast %broadcast_in_dim3A_159 : f32 to vector<16xf32>
      %swap3A_161 = arith.index_cast %scan3A_110 : i32 to index
      %swap3A_162 = arith.constant 112 : index
      %swap3A_163 = tpu.vector_load %arg8[%swap3A_161, %swap3A_162] {strides = array<i32>} : memref<256x128xf32, #tpu.memory_space<vmem>>, vector<1x16xf32>,
      %swap3A_164 = vector.shape_cast %swap3A_163 : vector<1x16xf32> to vector<16xf32>
      %swap3A_165 = vector.shape_cast %broadcast_in_dim3A_160 : vector<16xf32> to vector<1x16xf32>
      tpu.vector_store %arg8[%swap3A_161, %swap3A_162], %swap3A_165 {strides = array<i32>} : memref<256x128xf32, #tpu.memory_space<vmem>>, vector<1x16xf32>,
      %scan3A_166 = arith.constant 0 : i32
      scf.yield %scan3A_166 : i32
    }
    %scan3A_19 = arith.constant 128 : i32
    %add3A_20 = arith.constant 0 : i32
    %add3A_21 = arith.addi %mul3A_6, %add3A_20 : i32
    "tpu.region"() ({
      %run_scoped3A = tpu.sem_alloc : memref<!tpu.dma_semaphore, #tpu.memory_space<semaphore_mem>>
      %dma_start3A = arith.constant 0 : i32
      %dma_start3A_110 = arith.constant 0 : i32
      %dma_start3A_111 = tpu.memref_slice %arg8[%dma_start3A, %dma_start3A_110] : memref<256x128xf32, #tpu.memory_space<vmem>> -> memref<128x128xf32, #tpu.memory_space<vmem>>
      %dma_start3A_112 = arith.constant 0 : i32
      %dma_start3A_113 = tpu.memref_slice %arg9[%add3A_21, %dma_start3A_112] : memref<10240x128xf32, #tpu.memory_space<vmem_shared>> -> memref<128x128xf32, #tpu.memory_space<vmem_shared>>
      %dma_start3A_114 = arith.constant 0 : i32
      %dma_start3A_115 = tpu.memref_slice %arg9[%add3A_21, %dma_start3A_114] : memref<10240x128xf32, #tpu.memory_space<vmem_shared>> -> memref<128x128xf32, #tpu.memory_space<vmem_shared>>
      %dma_start3A_116 = arith.constant 0 : i32
      %dma_start3A_117 = arith.constant 0 : i32
      %dma_start3A_118 = tpu.memref_slice %arg8[%dma_start3A_116, %dma_start3A_117] : memref<256x128xf32, #tpu.memory_space<vmem>> -> memref<128x128xf32, #tpu.memory_space<vmem>>
      tpu.enqueue_dma source(%dma_start3A_118 : memref<128x128xf32, #tpu.memory_space<vmem>>) target(%dma_start3A_115 : memref<128x128xf32, #tpu.memory_space<vmem_shared>>) target_semaphore(%run_scoped3A : memref<!tpu.dma_semaphore, #tpu.memory_space<semaphore_mem>>)
      %dma_wait3A_119 = arith.constant 0 : i32
      %dma_wait3A_120 = arith.constant 0 : i32
      %dma_wait3A_121 = tpu.memref_slice %arg8[%dma_wait3A_119, %dma_wait3A_120] : memref<256x128xf32, #tpu.memory_space<vmem>> -> memref<128x128xf32, #tpu.memory_space<vmem>>
      %dma_wait3A_122 = arith.constant 0 : i32
      %dma_wait3A_123 = tpu.memref_slice %arg9[%add3A_21, %dma_wait3A_122] : memref<10240x128xf32, #tpu.memory_space<vmem_shared>> -> memref<128x128xf32, #tpu.memory_space<vmem_shared>>
      %dma_wait3A_124 = arith.constant 0 : i32
      %dma_wait3A_125 = tpu.memref_slice %arg9[%add3A_21, %dma_wait3A_124] : memref<10240x128xf32, #tpu.memory_space<vmem_shared>> -> memref<128x128xf32, #tpu.memory_space<vmem_shared>>
      %dma_wait3A_126 = arith.constant 0 : i32
      %dma_wait3A_127 = arith.constant 0 : i32
      %dma_wait3A_128 = tpu.memref_slice %arg8[%dma_wait3A_126, %dma_wait3A_127] : memref<256x128xf32, #tpu.memory_space<vmem>> -> memref<128x128xf32, #tpu.memory_space<vmem>>
      tpu.wait_dma2 semaphore(%run_scoped3A : memref<!tpu.dma_semaphore, #tpu.memory_space<semaphore_mem>>) src(%dma_wait3A_128 : memref<128x128xf32, #tpu.memory_space<vmem>>) dst(%dma_wait3A_125 : memref<128x128xf32, #tpu.memory_space<vmem_shared>>)
      tpu.yield
    }) : () -> ()
    %add3A_22 = arith.constant 128 : i32
    %add3A_23 = arith.addi %mul3A_6, %add3A_22 : i32
    "tpu.region"() ({
      %run_scoped3A = tpu.sem_alloc : memref<!tpu.dma_semaphore, #tpu.memory_space<semaphore_mem>>
      %dma_start3A = arith.constant 0 : i32
      %dma_start3A_110 = arith.constant 0 : i32
      %dma_start3A_111 = tpu.memref_slice %arg8[%dma_start3A, %dma_start3A_110] : memref<256x128xf32, #tpu.memory_space<vmem>> -> memref<128x128xf32, #tpu.memory_space<vmem>>
      %dma_start3A_112 = arith.constant 0 : i32
      %dma_start3A_113 = tpu.memref_slice %arg9[%add3A_23, %dma_start3A_112] : memref<10240x128xf32, #tpu.memory_space<vmem_shared>> -> memref<128x128xf32, #tpu.memory_space<vmem_shared>>
      %dma_start3A_114 = arith.constant 0 : i32
      %dma_start3A_115 = tpu.memref_slice %arg9[%add3A_23, %dma_start3A_114] : memref<10240x128xf32, #tpu.memory_space<vmem_shared>> -> memref<128x128xf32, #tpu.memory_space<vmem_shared>>
      %dma_start3A_116 = arith.constant 0 : i32
      %dma_start3A_117 = arith.constant 0 : i32
      %dma_start3A_118 = tpu.memref_slice %arg8[%dma_start3A_116, %dma_start3A_117] : memref<256x128xf32, #tpu.memory_space<vmem>> -> memref<128x128xf32, #tpu.memory_space<vmem>>
      tpu.enqueue_dma source(%dma_start3A_118 : memref<128x128xf32, #tpu.memory_space<vmem>>) target(%dma_start3A_115 : memref<128x128xf32, #tpu.memory_space<vmem_shared>>) target_semaphore(%run_scoped3A : memref<!tpu.dma_semaphore, #tpu.memory_space<semaphore_mem>>)
      %dma_wait3A_119 = arith.constant 0 : i32
      %dma_wait3A_120 = arith.constant 0 : i32
      %dma_wait3A_121 = tpu.memref_slice %arg8[%dma_wait3A_119, %dma_wait3A_120] : memref<256x128xf32, #tpu.memory_space<vmem>> -> memref<128x128xf32, #tpu.memory_space<vmem>>
      %dma_wait3A_122 = arith.constant 0 : i32
      %dma_wait3A_123 = tpu.memref_slice %arg9[%add3A_23, %dma_wait3A_122] : memref<10240x128xf32, #tpu.memory_space<vmem_shared>> -> memref<128x128xf32, #tpu.memory_space<vmem_shared>>
      %dma_wait3A_124 = arith.constant 0 : i32
      %dma_wait3A_125 = tpu.memref_slice %arg9[%add3A_23, %dma_wait3A_124] : memref<10240x128xf32, #tpu.memory_space<vmem_shared>> -> memref<128x128xf32, #tpu.memory_space<vmem_shared>>
      %dma_wait3A_126 = arith.constant 0 : i32
      %dma_wait3A_127 = arith.constant 0 : i32
      %dma_wait3A_128 = tpu.memref_slice %arg8[%dma_wait3A_126, %dma_wait3A_127] : memref<256x128xf32, #tpu.memory_space<vmem>> -> memref<128x128xf32, #tpu.memory_space<vmem>>
      tpu.wait_dma2 semaphore(%run_scoped3A : memref<!tpu.dma_semaphore, #tpu.memory_space<semaphore_mem>>) src(%dma_wait3A_128 : memref<128x128xf32, #tpu.memory_space<vmem>>) dst(%dma_wait3A_125 : memref<128x128xf32, #tpu.memory_space<vmem_shared>>)
      tpu.yield
    }) : () -> ()
    %add3A_24 = arith.constant 256 : i32
    %add3A_25 = arith.addi %mul3A_6, %add3A_24 : i32
    "tpu.region"() ({
      %run_scoped3A = tpu.sem_alloc : memref<!tpu.dma_semaphore, #tpu.memory_space<semaphore_mem>>
      %dma_start3A = arith.constant 0 : i32
      %dma_start3A_110 = arith.constant 0 : i32
      %dma_start3A_111 = tpu.memref_slice %arg8[%dma_start3A, %dma_start3A_110] : memref<256x128xf32, #tpu.memory_space<vmem>> -> memref<128x128xf32, #tpu.memory_space<vmem>>
      %dma_start3A_112 = arith.constant 0 : i32
      %dma_start3A_113 = tpu.memref_slice %arg9[%add3A_25, %dma_start3A_112] : memref<10240x128xf32, #tpu.memory_space<vmem_shared>> -> memref<128x128xf32, #tpu.memory_space<vmem_shared>>
      %dma_start3A_114 = arith.constant 0 : i32
      %dma_start3A_115 = tpu.memref_slice %arg9[%add3A_25, %dma_start3A_114] : memref<10240x128xf32, #tpu.memory_space<vmem_shared>> -> memref<128x128xf32, #tpu.memory_space<vmem_shared>>
      %dma_start3A_116 = arith.constant 0 : i32
      %dma_start3A_117 = arith.constant 0 : i32
      %dma_start3A_118 = tpu.memref_slice %arg8[%dma_start3A_116, %dma_start3A_117] : memref<256x128xf32, #tpu.memory_space<vmem>> -> memref<128x128xf32, #tpu.memory_space<vmem>>
      tpu.enqueue_dma source(%dma_start3A_118 : memref<128x128xf32, #tpu.memory_space<vmem>>) target(%dma_start3A_115 : memref<128x128xf32, #tpu.memory_space<vmem_shared>>) target_semaphore(%run_scoped3A : memref<!tpu.dma_semaphore, #tpu.memory_space<semaphore_mem>>)
      %dma_wait3A_119 = arith.constant 0 : i32
      %dma_wait3A_120 = arith.constant 0 : i32
      %dma_wait3A_121 = tpu.memref_slice %arg8[%dma_wait3A_119, %dma_wait3A_120] : memref<256x128xf32, #tpu.memory_space<vmem>> -> memref<128x128xf32, #tpu.memory_space<vmem>>
      %dma_wait3A_122 = arith.constant 0 : i32
      %dma_wait3A_123 = tpu.memref_slice %arg9[%add3A_25, %dma_wait3A_122] : memref<10240x128xf32, #tpu.memory_space<vmem_shared>> -> memref<128x128xf32, #tpu.memory_space<vmem_shared>>
      %dma_wait3A_124 = arith.constant 0 : i32
      %dma_wait3A_125 = tpu.memref_slice %arg9[%add3A_25, %dma_wait3A_124] : memref<10240x128xf32, #tpu.memory_space<vmem_shared>> -> memref<128x128xf32, #tpu.memory_space<vmem_shared>>
      %dma_wait3A_126 = arith.constant 0 : i32
      %dma_wait3A_127 = arith.constant 0 : i32
      %dma_wait3A_128 = tpu.memref_slice %arg8[%dma_wait3A_126, %dma_wait3A_127] : memref<256x128xf32, #tpu.memory_space<vmem>> -> memref<128x128xf32, #tpu.memory_space<vmem>>
      tpu.wait_dma2 semaphore(%run_scoped3A : memref<!tpu.dma_semaphore, #tpu.memory_space<semaphore_mem>>) src(%dma_wait3A_128 : memref<128x128xf32, #tpu.memory_space<vmem>>) dst(%dma_wait3A_125 : memref<128x128xf32, #tpu.memory_space<vmem_shared>>)
      tpu.yield
    }) : () -> ()
    %add3A_26 = arith.constant 384 : i32
    %add3A_27 = arith.addi %mul3A_6, %add3A_26 : i32
    "tpu.region"() ({
      %run_scoped3A = tpu.sem_alloc : memref<!tpu.dma_semaphore, #tpu.memory_space<semaphore_mem>>
      %dma_start3A = arith.constant 0 : i32
      %dma_start3A_110 = arith.constant 0 : i32
      %dma_start3A_111 = tpu.memref_slice %arg8[%dma_start3A, %dma_start3A_110] : memref<256x128xf32, #tpu.memory_space<vmem>> -> memref<128x128xf32, #tpu.memory_space<vmem>>
      %dma_start3A_112 = arith.constant 0 : i32
      %dma_start3A_113 = tpu.memref_slice %arg9[%add3A_27, %dma_start3A_112] : memref<10240x128xf32, #tpu.memory_space<vmem_shared>> -> memref<128x128xf32, #tpu.memory_space<vmem_shared>>
      %dma_start3A_114 = arith.constant 0 : i32
      %dma_start3A_115 = tpu.memref_slice %arg9[%add3A_27, %dma_start3A_114] : memref<10240x128xf32, #tpu.memory_space<vmem_shared>> -> memref<128x128xf32, #tpu.memory_space<vmem_shared>>
      %dma_start3A_116 = arith.constant 0 : i32
      %dma_start3A_117 = arith.constant 0 : i32
      %dma_start3A_118 = tpu.memref_slice %arg8[%dma_start3A_116, %dma_start3A_117] : memref<256x128xf32, #tpu.memory_space<vmem>> -> memref<128x128xf32, #tpu.memory_space<vmem>>
      tpu.enqueue_dma source(%dma_start3A_118 : memref<128x128xf32, #tpu.memory_space<vmem>>) target(%dma_start3A_115 : memref<128x128xf32, #tpu.memory_space<vmem_shared>>) target_semaphore(%run_scoped3A : memref<!tpu.dma_semaphore, #tpu.memory_space<semaphore_mem>>)
      %dma_wait3A_119 = arith.constant 0 : i32
      %dma_wait3A_120 = arith.constant 0 : i32
      %dma_wait3A_121 = tpu.memref_slice %arg8[%dma_wait3A_119, %dma_wait3A_120] : memref<256x128xf32, #tpu.memory_space<vmem>> -> memref<128x128xf32, #tpu.memory_space<vmem>>
      %dma_wait3A_122 = arith.constant 0 : i32
      %dma_wait3A_123 = tpu.memref_slice %arg9[%add3A_27, %dma_wait3A_122] : memref<10240x128xf32, #tpu.memory_space<vmem_shared>> -> memref<128x128xf32, #tpu.memory_space<vmem_shared>>
      %dma_wait3A_124 = arith.constant 0 : i32
      %dma_wait3A_125 = tpu.memref_slice %arg9[%add3A_27, %dma_wait3A_124] : memref<10240x128xf32, #tpu.memory_space<vmem_shared>> -> memref<128x128xf32, #tpu.memory_space<vmem_shared>>
      %dma_wait3A_126 = arith.constant 0 : i32
      %dma_wait3A_127 = arith.constant 0 : i32
      %dma_wait3A_128 = tpu.memref_slice %arg8[%dma_wait3A_126, %dma_wait3A_127] : memref<256x128xf32, #tpu.memory_space<vmem>> -> memref<128x128xf32, #tpu.memory_space<vmem>>
      tpu.wait_dma2 semaphore(%run_scoped3A : memref<!tpu.dma_semaphore, #tpu.memory_space<semaphore_mem>>) src(%dma_wait3A_128 : memref<128x128xf32, #tpu.memory_space<vmem>>) dst(%dma_wait3A_125 : memref<128x128xf32, #tpu.memory_space<vmem_shared>>)
      tpu.yield
    }) : () -> ()
    %add3A_28 = arith.constant 512 : i32
    %add3A_29 = arith.addi %mul3A_6, %add3A_28 : i32
    "tpu.region"() ({
      %run_scoped3A = tpu.sem_alloc : memref<!tpu.dma_semaphore, #tpu.memory_space<semaphore_mem>>
      %dma_start3A = arith.constant 0 : i32
      %dma_start3A_110 = arith.constant 0 : i32
      %dma_start3A_111 = tpu.memref_slice %arg8[%dma_start3A, %dma_start3A_110] : memref<256x128xf32, #tpu.memory_space<vmem>> -> memref<128x128xf32, #tpu.memory_space<vmem>>
      %dma_start3A_112 = arith.constant 0 : i32
      %dma_start3A_113 = tpu.memref_slice %arg9[%add3A_29, %dma_start3A_112] : memref<10240x128xf32, #tpu.memory_space<vmem_shared>> -> memref<128x128xf32, #tpu.memory_space<vmem_shared>>
      %dma_start3A_114 = arith.constant 0 : i32
      %dma_start3A_115 = tpu.memref_slice %arg9[%add3A_29, %dma_start3A_114] : memref<10240x128xf32, #tpu.memory_space<vmem_shared>> -> memref<128x128xf32, #tpu.memory_space<vmem_shared>>
      %dma_start3A_116 = arith.constant 0 : i32
      %dma_start3A_117 = arith.constant 0 : i32
      %dma_start3A_118 = tpu.memref_slice %arg8[%dma_start3A_116, %dma_start3A_117] : memref<256x128xf32, #tpu.memory_space<vmem>> -> memref<128x128xf32, #tpu.memory_space<vmem>>
      tpu.enqueue_dma source(%dma_start3A_118 : memref<128x128xf32, #tpu.memory_space<vmem>>) target(%dma_start3A_115 : memref<128x128xf32, #tpu.memory_space<vmem_shared>>) target_semaphore(%run_scoped3A : memref<!tpu.dma_semaphore, #tpu.memory_space<semaphore_mem>>)
      %dma_wait3A_119 = arith.constant 0 : i32
      %dma_wait3A_120 = arith.constant 0 : i32
      %dma_wait3A_121 = tpu.memref_slice %arg8[%dma_wait3A_119, %dma_wait3A_120] : memref<256x128xf32, #tpu.memory_space<vmem>> -> memref<128x128xf32, #tpu.memory_space<vmem>>
      %dma_wait3A_122 = arith.constant 0 : i32
      %dma_wait3A_123 = tpu.memref_slice %arg9[%add3A_29, %dma_wait3A_122] : memref<10240x128xf32, #tpu.memory_space<vmem_shared>> -> memref<128x128xf32, #tpu.memory_space<vmem_shared>>
      %dma_wait3A_124 = arith.constant 0 : i32
      %dma_wait3A_125 = tpu.memref_slice %arg9[%add3A_29, %dma_wait3A_124] : memref<10240x128xf32, #tpu.memory_space<vmem_shared>> -> memref<128x128xf32, #tpu.memory_space<vmem_shared>>
      %dma_wait3A_126 = arith.constant 0 : i32
      %dma_wait3A_127 = arith.constant 0 : i32
      %dma_wait3A_128 = tpu.memref_slice %arg8[%dma_wait3A_126, %dma_wait3A_127] : memref<256x128xf32, #tpu.memory_space<vmem>> -> memref<128x128xf32, #tpu.memory_space<vmem>>
      tpu.wait_dma2 semaphore(%run_scoped3A : memref<!tpu.dma_semaphore, #tpu.memory_space<semaphore_mem>>) src(%dma_wait3A_128 : memref<128x128xf32, #tpu.memory_space<vmem>>) dst(%dma_wait3A_125 : memref<128x128xf32, #tpu.memory_space<vmem_shared>>)
      tpu.yield
    }) : () -> ()
    %scan3A_30 = arith.constant 0 : i32
    %scan3A_31 = arith.constant 0 : i32
    %scan3A_32 = arith.constant 40 : i32
    %scan3A_33 = arith.addi %scan3A_31, %scan3A_32 : i32
    %scan3A_34 = arith.constant 1 : i32
    %scan3A_35 = scf.for %scan3A_110 = %scan3A_31 to %scan3A_33 step %scan3A_34 iter_args(%scan3A_111 = %scan3A_30) -> (i32)  : i32 {
      %add3A_112 = arith.constant 0 : i32
      %add3A_113 = arith.addi %add3A_112, %scan3A_110 : i32
      %mul3A_114 = arith.constant 128 : i32
      %mul3A_115 = arith.muli %add3A_113, %mul3A_114 : i32
      %add3A_116 = arith.addi %mul3A_4, %mul3A_115 : i32
      %dma_wait3A_117 = arith.constant 0 : i32
      %dma_wait3A_118 = tpu.memref_slice %arg6[%scan3A_110, %dma_wait3A_117] : memref<40x128xi32, #tpu.memory_space<vmem>> -> memref<1x128xi32, #tpu.memory_space<vmem>>
      %dma_wait3A_119 = tpu.memref_squeeze %dma_wait3A_118 : memref<1x128xi32, #tpu.memory_space<vmem>> -> memref<128xi32, #tpu.memory_space<vmem>>
      %dma_wait3A_120 = tpu.memref_slice %arg3[%add3A_116] : memref<323584xi32, #tpu.memory_space<hbm>> -> memref<128xi32, #tpu.memory_space<hbm>>
      %dma_wait3A_121 = arith.constant 0 : i32
      %dma_wait3A_122 = tpu.memref_slice %arg6[%scan3A_110, %dma_wait3A_121] : memref<40x128xi32, #tpu.memory_space<vmem>> -> memref<1x128xi32, #tpu.memory_space<vmem>>
      %dma_wait3A_123 = tpu.memref_squeeze %dma_wait3A_122 : memref<1x128xi32, #tpu.memory_space<vmem>> -> memref<128xi32, #tpu.memory_space<vmem>>
      %dma_wait3A_124 = tpu.memref_slice %arg3[%add3A_116] : memref<323584xi32, #tpu.memory_space<hbm>> -> memref<128xi32, #tpu.memory_space<hbm>>
      tpu.wait_dma2 semaphore(%arg12 : memref<!tpu.dma_semaphore, #tpu.memory_space<semaphore_mem>>) src(%dma_wait3A_124 : memref<128xi32, #tpu.memory_space<hbm>>) dst(%dma_wait3A_123 : memref<128xi32, #tpu.memory_space<vmem>>)
      %dma_wait3A_125 = arith.constant 0 : i32
      %dma_wait3A_126 = tpu.memref_slice %arg7[%scan3A_110, %dma_wait3A_125] : memref<40x128xi32, #tpu.memory_space<vmem>> -> memref<1x128xi32, #tpu.memory_space<vmem>>
      %dma_wait3A_127 = tpu.memref_squeeze %dma_wait3A_126 : memref<1x128xi32, #tpu.memory_space<vmem>> -> memref<128xi32, #tpu.memory_space<vmem>>
      %dma_wait3A_128 = tpu.memref_slice %arg4[%add3A_116] : memref<323584xi32, #tpu.memory_space<hbm>> -> memref<128xi32, #tpu.memory_space<hbm>>
      %dma_wait3A_129 = arith.constant 0 : i32
      %dma_wait3A_130 = tpu.memref_slice %arg7[%scan3A_110, %dma_wait3A_129] : memref<40x128xi32, #tpu.memory_space<vmem>> -> memref<1x128xi32, #tpu.memory_space<vmem>>
      %dma_wait3A_131 = tpu.memref_squeeze %dma_wait3A_130 : memref<1x128xi32, #tpu.memory_space<vmem>> -> memref<128xi32, #tpu.memory_space<vmem>>
      %dma_wait3A_132 = tpu.memref_slice %arg4[%add3A_116] : memref<323584xi32, #tpu.memory_space<hbm>> -> memref<128xi32, #tpu.memory_space<hbm>>
      tpu.wait_dma2 semaphore(%arg12 : memref<!tpu.dma_semaphore, #tpu.memory_space<semaphore_mem>>) src(%dma_wait3A_132 : memref<128xi32, #tpu.memory_space<hbm>>) dst(%dma_wait3A_131 : memref<128xi32, #tpu.memory_space<vmem>>)
      %scan3A_133 = arith.constant 0 : i32
      scf.yield %scan3A_133 : i32
    }
    %scan3A_36 = arith.constant 40 : i32
    %barrier3A = arith.constant 0 : index
    tpu.barrier barrier_id(%barrier3A)
    %scan3A_37 = arith.constant 0 : i32
    %scan3A_38 = arith.constant 0 : i32
    %scan3A_39 = arith.constant 40 : i32
    %scan3A_40 = arith.addi %scan3A_38, %scan3A_39 : i32
    %scan3A_41 = arith.constant 1 : i32
    %scan3A_42 = scf.for %scan3A_110 = %scan3A_38 to %scan3A_40 step %scan3A_41 iter_args(%scan3A_111 = %scan3A_37) -> (i32)  : i32 {
      %jit3A = arith.constant 2 : i32
      %eq3A = arith.constant 0 : i32
      %eq3A_112 = arith.cmpi eq, %jit3A, %eq3A : i32
      %jit3A_113 = arith.constant 1 : i32
      %select_n3A = arith.select %eq3A_112, %jit3A_113, %jit3A : i32
      %rem3A = arith.remsi %scan3A_110, %select_n3A : i32
      %ne3A = arith.constant 0 : i32
      %ne3A_114 = arith.cmpi ne, %rem3A, %ne3A : i32
      %lt3A = arith.constant 0 : i32
      %lt3A_115 = arith.cmpi slt, %rem3A, %lt3A : i32
      %lt3A_116 = arith.constant 0 : i32
      %lt3A_117 = arith.cmpi slt, %select_n3A, %lt3A_116 : i32
      %ne3A_118 = arith.xori %lt3A_115, %lt3A_117 : i1
      %and3A = arith.andi %ne3A_118, %ne3A_114 : i1
      %add3A_119 = arith.addi %rem3A, %select_n3A : i32
      %select_n3A_120 = arith.select %and3A, %add3A_119, %rem3A : i32
      %mul3A_121 = arith.constant 128 : i32
      %mul3A_122 = arith.muli %select_n3A_120, %mul3A_121 : i32
      %add3A_123 = arith.constant 1 : i32
      %add3A_124 = arith.addi %scan3A_110, %add3A_123 : i32
      %jit3A_125 = arith.constant 2 : i32
      %eq3A_126 = arith.constant 0 : i32
      %eq3A_127 = arith.cmpi eq, %jit3A_125, %eq3A_126 : i32
      %jit3A_128 = arith.constant 1 : i32
      %select_n3A_129 = arith.select %eq3A_127, %jit3A_128, %jit3A_125 : i32
      %rem3A_130 = arith.remsi %add3A_124, %select_n3A_129 : i32
      %ne3A_131 = arith.constant 0 : i32
      %ne3A_132 = arith.cmpi ne, %rem3A_130, %ne3A_131 : i32
      %lt3A_133 = arith.constant 0 : i32
      %lt3A_134 = arith.cmpi slt, %rem3A_130, %lt3A_133 : i32
      %lt3A_135 = arith.constant 0 : i32
      %lt3A_136 = arith.cmpi slt, %select_n3A_129, %lt3A_135 : i32
      %ne3A_137 = arith.xori %lt3A_134, %lt3A_136 : i1
      %and3A_138 = arith.andi %ne3A_137, %ne3A_132 : i1
      %add3A_139 = arith.addi %rem3A_130, %select_n3A_129 : i32
      %select_n3A_140 = arith.select %and3A_138, %add3A_139, %rem3A_130 : i32
      %mul3A_141 = arith.constant 128 : i32
      %mul3A_142 = arith.muli %select_n3A_140, %mul3A_141 : i32
      %dma_start3A = arith.constant 0 : i32
      %dma_start3A_143 = tpu.memref_slice %arg8[%mul3A_122, %dma_start3A] : memref<256x128xf32, #tpu.memory_space<vmem>> -> memref<128x128xf32, #tpu.memory_space<vmem>>
      %dma_start3A_144 = arith.constant 0 : i32
      %dma_start3A_145 = tpu.memref_slice %arg6[%scan3A_110, %dma_start3A_144] : memref<40x128xi32, #tpu.memory_space<vmem>> -> memref<1x128xi32, #tpu.memory_space<vmem>>
      %dma_start3A_146 = tpu.memref_squeeze %dma_start3A_145 : memref<1x128xi32, #tpu.memory_space<vmem>> -> memref<128xi32, #tpu.memory_space<vmem>>
      %dma_start3A_147 = arith.constant 0 : i32
      %dma_start3A_148 = arith.constant 0 : i32
      %dma_start3A_149 = tpu.memref_slice %arg2[%dma_start3A_147, %dma_start3A_148] : memref<10240x128xf32, #tpu.memory_space<hbm>> -> memref<10240x128xf32, #tpu.memory_space<hbm>>
      tpu.enqueue_indirect_dma source(%dma_start3A_149 : memref<10240x128xf32, #tpu.memory_space<hbm>>) target(%dma_start3A_143 : memref<128x128xf32, #tpu.memory_space<vmem>>) offsets(%dma_start3A_146 : memref<128xi32, #tpu.memory_space<vmem>>) semaphore(%arg10 : memref<!tpu.dma_semaphore, #tpu.memory_space<semaphore_mem>>)
      %gt3A = arith.constant 0 : i32
      %gt3A_150 = arith.cmpi sgt, %scan3A_110, %gt3A : i32
      %convert_element_type3A = arith.extui %gt3A_150 : i1 to i32
      %cond3A = arith.constant 0 : i32
      %cond3A_151 = arith.cmpi ne, %convert_element_type3A, %cond3A : i32
      scf.if %cond3A_151 {
        %sub3A = arith.constant 1 : i32
        %sub3A_169 = arith.subi %scan3A_110, %sub3A : i32
        %dma_wait3A_170 = arith.constant 0 : i32
        %dma_wait3A_171 = tpu.memref_slice %arg8[%mul3A_142, %dma_wait3A_170] : memref<256x128xf32, #tpu.memory_space<vmem>> -> memref<128x128xf32, #tpu.memory_space<vmem>>
        %dma_wait3A_172 = arith.constant 0 : i32
        %dma_wait3A_173 = tpu.memref_slice %arg7[%sub3A_169, %dma_wait3A_172] : memref<40x128xi32, #tpu.memory_space<vmem>> -> memref<1x128xi32, #tpu.memory_space<vmem>>
        %dma_wait3A_174 = tpu.memref_squeeze %dma_wait3A_173 : memref<1x128xi32, #tpu.memory_space<vmem>> -> memref<128xi32, #tpu.memory_space<vmem>>
        %dma_wait3A_175 = arith.constant 0 : i32
        %dma_wait3A_176 = arith.constant 0 : i32
        %dma_wait3A_177 = tpu.memref_slice %arg9[%dma_wait3A_175, %dma_wait3A_176] : memref<10240x128xf32, #tpu.memory_space<vmem_shared>> -> memref<10240x128xf32, #tpu.memory_space<vmem_shared>>
        tpu.wait_indirect_dma semaphore(%arg11 : memref<!tpu.dma_semaphore, #tpu.memory_space<semaphore_mem>>) src(%dma_wait3A_171 : memref<128x128xf32, #tpu.memory_space<vmem>>) dst(%dma_wait3A_177 : memref<10240x128xf32, #tpu.memory_space<vmem_shared>>)
      } else {
      }
      %dma_wait3A_152 = arith.constant 0 : i32
      %dma_wait3A_153 = tpu.memref_slice %arg8[%mul3A_122, %dma_wait3A_152] : memref<256x128xf32, #tpu.memory_space<vmem>> -> memref<128x128xf32, #tpu.memory_space<vmem>>
      %dma_wait3A_154 = arith.constant 0 : i32
      %dma_wait3A_155 = tpu.memref_slice %arg6[%scan3A_110, %dma_wait3A_154] : memref<40x128xi32, #tpu.memory_space<vmem>> -> memref<1x128xi32, #tpu.memory_space<vmem>>
      %dma_wait3A_156 = tpu.memref_squeeze %dma_wait3A_155 : memref<1x128xi32, #tpu.memory_space<vmem>> -> memref<128xi32, #tpu.memory_space<vmem>>
      %dma_wait3A_157 = arith.constant 0 : i32
      %dma_wait3A_158 = arith.constant 0 : i32
      %dma_wait3A_159 = tpu.memref_slice %arg2[%dma_wait3A_157, %dma_wait3A_158] : memref<10240x128xf32, #tpu.memory_space<hbm>> -> memref<10240x128xf32, #tpu.memory_space<hbm>>
      tpu.wait_indirect_dma semaphore(%arg10 : memref<!tpu.dma_semaphore, #tpu.memory_space<semaphore_mem>>) src(%dma_wait3A_159 : memref<10240x128xf32, #tpu.memory_space<hbm>>) dst(%dma_wait3A_153 : memref<128x128xf32, #tpu.memory_space<vmem>>)
      %dma_start3A_160 = arith.constant 0 : i32
      %dma_start3A_161 = tpu.memref_slice %arg8[%mul3A_122, %dma_start3A_160] : memref<256x128xf32, #tpu.memory_space<vmem>> -> memref<128x128xf32, #tpu.memory_space<vmem>>
      %dma_start3A_162 = arith.constant 0 : i32
      %dma_start3A_163 = tpu.memref_slice %arg7[%scan3A_110, %dma_start3A_162] : memref<40x128xi32, #tpu.memory_space<vmem>> -> memref<1x128xi32, #tpu.memory_space<vmem>>
      %dma_start3A_164 = tpu.memref_squeeze %dma_start3A_163 : memref<1x128xi32, #tpu.memory_space<vmem>> -> memref<128xi32, #tpu.memory_space<vmem>>
      %dma_start3A_165 = arith.constant 0 : i32
      %dma_start3A_166 = arith.constant 0 : i32
      %dma_start3A_167 = tpu.memref_slice %arg9[%dma_start3A_165, %dma_start3A_166] : memref<10240x128xf32, #tpu.memory_space<vmem_shared>> -> memref<10240x128xf32, #tpu.memory_space<vmem_shared>>
      tpu.enqueue_indirect_dma source(%dma_start3A_161 : memref<128x128xf32, #tpu.memory_space<vmem>>) target(%dma_start3A_167 : memref<10240x128xf32, #tpu.memory_space<vmem_shared>>) offsets(%dma_start3A_164 : memref<128xi32, #tpu.memory_space<vmem>>) semaphore(%arg11 : memref<!tpu.dma_semaphore, #tpu.memory_space<semaphore_mem>>) {add = true}
      %scan3A_168 = arith.constant 0 : i32
      scf.yield %scan3A_168 : i32
    }
    %scan3A_43 = arith.constant 40 : i32
    %dma_wait3A = arith.constant 39 : i32
    %dma_wait3A_44 = arith.constant 128 : i32
    %dma_wait3A_45 = arith.constant 0 : i32
    %dma_wait3A_46 = tpu.memref_slice %arg8[%dma_wait3A_44, %dma_wait3A_45] : memref<256x128xf32, #tpu.memory_space<vmem>> -> memref<128x128xf32, #tpu.memory_space<vmem>>
    %dma_wait3A_47 = arith.constant 0 : i32
    %dma_wait3A_48 = tpu.memref_slice %arg7[%dma_wait3A, %dma_wait3A_47] : memref<40x128xi32, #tpu.memory_space<vmem>> -> memref<1x128xi32, #tpu.memory_space<vmem>>
    %dma_wait3A_49 = tpu.memref_squeeze %dma_wait3A_48 : memref<1x128xi32, #tpu.memory_space<vmem>> -> memref<128xi32, #tpu.memory_space<vmem>>
    %dma_wait3A_50 = arith.constant 0 : i32
    %dma_wait3A_51 = arith.constant 0 : i32
    %dma_wait3A_52 = tpu.memref_slice %arg9[%dma_wait3A_50, %dma_wait3A_51] : memref<10240x128xf32, #tpu.memory_space<vmem_shared>> -> memref<10240x128xf32, #tpu.memory_space<vmem_shared>>
    tpu.wait_indirect_dma semaphore(%arg11 : memref<!tpu.dma_semaphore, #tpu.memory_space<semaphore_mem>>) src(%dma_wait3A_46 : memref<128x128xf32, #tpu.memory_space<vmem>>) dst(%dma_wait3A_52 : memref<10240x128xf32, #tpu.memory_space<vmem_shared>>)
    %scan3A_53 = arith.constant 0 : i32
    %scan3A_54 = arith.constant 0 : i32
    %scan3A_55 = arith.constant 39 : i32
    %scan3A_56 = arith.addi %scan3A_54, %scan3A_55 : i32
    %scan3A_57 = arith.constant 1 : i32
    %scan3A_58 = scf.for %scan3A_110 = %scan3A_54 to %scan3A_56 step %scan3A_57 iter_args(%scan3A_111 = %scan3A_53) -> (i32)  : i32 {
      %add3A_112 = arith.constant 40 : i32
      %add3A_113 = arith.addi %add3A_112, %scan3A_110 : i32
      %mul3A_114 = arith.constant 128 : i32
      %mul3A_115 = arith.muli %add3A_113, %mul3A_114 : i32
      %add3A_116 = arith.addi %mul3A_4, %mul3A_115 : i32
      %dma_start3A = arith.constant 0 : i32
      %dma_start3A_117 = tpu.memref_slice %arg6[%scan3A_110, %dma_start3A] : memref<40x128xi32, #tpu.memory_space<vmem>> -> memref<1x128xi32, #tpu.memory_space<vmem>>
      %dma_start3A_118 = tpu.memref_squeeze %dma_start3A_117 : memref<1x128xi32, #tpu.memory_space<vmem>> -> memref<128xi32, #tpu.memory_space<vmem>>
      %dma_start3A_119 = tpu.memref_slice %arg3[%add3A_116] : memref<323584xi32, #tpu.memory_space<hbm>> -> memref<128xi32, #tpu.memory_space<hbm>>
      %dma_start3A_120 = arith.constant 0 : i32
      %dma_start3A_121 = tpu.memref_slice %arg6[%scan3A_110, %dma_start3A_120] : memref<40x128xi32, #tpu.memory_space<vmem>> -> memref<1x128xi32, #tpu.memory_space<vmem>>
      %dma_start3A_122 = tpu.memref_squeeze %dma_start3A_121 : memref<1x128xi32, #tpu.memory_space<vmem>> -> memref<128xi32, #tpu.memory_space<vmem>>
      %dma_start3A_123 = tpu.memref_slice %arg3[%add3A_116] : memref<323584xi32, #tpu.memory_space<hbm>> -> memref<128xi32, #tpu.memory_space<hbm>>
      tpu.enqueue_dma source(%dma_start3A_123 : memref<128xi32, #tpu.memory_space<hbm>>) target(%dma_start3A_122 : memref<128xi32, #tpu.memory_space<vmem>>) target_semaphore(%arg12 : memref<!tpu.dma_semaphore, #tpu.memory_space<semaphore_mem>>)
      %dma_start3A_124 = arith.constant 0 : i32
      %dma_start3A_125 = tpu.memref_slice %arg7[%scan3A_110, %dma_start3A_124] : memref<40x128xi32, #tpu.memory_space<vmem>> -> memref<1x128xi32, #tpu.memory_space<vmem>>
      %dma_start3A_126 = tpu.memref_squeeze %dma_start3A_125 : memref<1x128xi32, #tpu.memory_space<vmem>> -> memref<128xi32, #tpu.memory_space<vmem>>
      %dma_start3A_127 = tpu.memref_slice %arg4[%add3A_116] : memref<323584xi32, #tpu.memory_space<hbm>> -> memref<128xi32, #tpu.memory_space<hbm>>
      %dma_start3A_128 = arith.constant 0 : i32
      %dma_start3A_129 = tpu.memref_slice %arg7[%scan3A_110, %dma_start3A_128] : memref<40x128xi32, #tpu.memory_space<vmem>> -> memref<1x128xi32, #tpu.memory_space<vmem>>
      %dma_start3A_130 = tpu.memref_squeeze %dma_start3A_129 : memref<1x128xi32, #tpu.memory_space<vmem>> -> memref<128xi32, #tpu.memory_space<vmem>>
      %dma_start3A_131 = tpu.memref_slice %arg4[%add3A_116] : memref<323584xi32, #tpu.memory_space<hbm>> -> memref<128xi32, #tpu.memory_space<hbm>>
      tpu.enqueue_dma source(%dma_start3A_131 : memref<128xi32, #tpu.memory_space<hbm>>) target(%dma_start3A_130 : memref<128xi32, #tpu.memory_space<vmem>>) target_semaphore(%arg12 : memref<!tpu.dma_semaphore, #tpu.memory_space<semaphore_mem>>)
      %scan3A_132 = arith.constant 0 : i32
      scf.yield %scan3A_132 : i32
    }
    %scan3A_59 = arith.constant 39 : i32
    %scan3A_60 = arith.constant 0 : i32
    %scan3A_61 = arith.constant 0 : i32
    %scan3A_62 = arith.constant 39 : i32
    %scan3A_63 = arith.addi %scan3A_61, %scan3A_62 : i32
    %scan3A_64 = arith.constant 1 : i32
    %scan3A_65 = scf.for %scan3A_110 = %scan3A_61 to %scan3A_63 step %scan3A_64 iter_args(%scan3A_111 = %scan3A_60) -> (i32)  : i32 {
      %add3A_112 = arith.constant 40 : i32
      %add3A_113 = arith.addi %add3A_112, %scan3A_110 : i32
      %mul3A_114 = arith.constant 128 : i32
      %mul3A_115 = arith.muli %add3A_113, %mul3A_114 : i32
      %add3A_116 = arith.addi %mul3A_4, %mul3A_115 : i32
      %dma_wait3A_117 = arith.constant 0 : i32
      %dma_wait3A_118 = tpu.memref_slice %arg6[%scan3A_110, %dma_wait3A_117] : memref<40x128xi32, #tpu.memory_space<vmem>> -> memref<1x128xi32, #tpu.memory_space<vmem>>
      %dma_wait3A_119 = tpu.memref_squeeze %dma_wait3A_118 : memref<1x128xi32, #tpu.memory_space<vmem>> -> memref<128xi32, #tpu.memory_space<vmem>>
      %dma_wait3A_120 = tpu.memref_slice %arg3[%add3A_116] : memref<323584xi32, #tpu.memory_space<hbm>> -> memref<128xi32, #tpu.memory_space<hbm>>
      %dma_wait3A_121 = arith.constant 0 : i32
      %dma_wait3A_122 = tpu.memref_slice %arg6[%scan3A_110, %dma_wait3A_121] : memref<40x128xi32, #tpu.memory_space<vmem>> -> memref<1x128xi32, #tpu.memory_space<vmem>>
      %dma_wait3A_123 = tpu.memref_squeeze %dma_wait3A_122 : memref<1x128xi32, #tpu.memory_space<vmem>> -> memref<128xi32, #tpu.memory_space<vmem>>
      %dma_wait3A_124 = tpu.memref_slice %arg3[%add3A_116] : memref<323584xi32, #tpu.memory_space<hbm>> -> memref<128xi32, #tpu.memory_space<hbm>>
      tpu.wait_dma2 semaphore(%arg12 : memref<!tpu.dma_semaphore, #tpu.memory_space<semaphore_mem>>) src(%dma_wait3A_124 : memref<128xi32, #tpu.memory_space<hbm>>) dst(%dma_wait3A_123 : memref<128xi32, #tpu.memory_space<vmem>>)
      %dma_wait3A_125 = arith.constant 0 : i32
      %dma_wait3A_126 = tpu.memref_slice %arg7[%scan3A_110, %dma_wait3A_125] : memref<40x128xi32, #tpu.memory_space<vmem>> -> memref<1x128xi32, #tpu.memory_space<vmem>>
      %dma_wait3A_127 = tpu.memref_squeeze %dma_wait3A_126 : memref<1x128xi32, #tpu.memory_space<vmem>> -> memref<128xi32, #tpu.memory_space<vmem>>
      %dma_wait3A_128 = tpu.memref_slice %arg4[%add3A_116] : memref<323584xi32, #tpu.memory_space<hbm>> -> memref<128xi32, #tpu.memory_space<hbm>>
      %dma_wait3A_129 = arith.constant 0 : i32
      %dma_wait3A_130 = tpu.memref_slice %arg7[%scan3A_110, %dma_wait3A_129] : memref<40x128xi32, #tpu.memory_space<vmem>> -> memref<1x128xi32, #tpu.memory_space<vmem>>
      %dma_wait3A_131 = tpu.memref_squeeze %dma_wait3A_130 : memref<1x128xi32, #tpu.memory_space<vmem>> -> memref<128xi32, #tpu.memory_space<vmem>>
      %dma_wait3A_132 = tpu.memref_slice %arg4[%add3A_116] : memref<323584xi32, #tpu.memory_space<hbm>> -> memref<128xi32, #tpu.memory_space<hbm>>
      tpu.wait_dma2 semaphore(%arg12 : memref<!tpu.dma_semaphore, #tpu.memory_space<semaphore_mem>>) src(%dma_wait3A_132 : memref<128xi32, #tpu.memory_space<hbm>>) dst(%dma_wait3A_131 : memref<128xi32, #tpu.memory_space<vmem>>)
      %scan3A_133 = arith.constant 0 : i32
      scf.yield %scan3A_133 : i32
    }
    %scan3A_66 = arith.constant 39 : i32
    %scan3A_67 = arith.constant 0 : i32
    %scan3A_68 = arith.constant 0 : i32
    %scan3A_69 = arith.constant 39 : i32
    %scan3A_70 = arith.addi %scan3A_68, %scan3A_69 : i32
    %scan3A_71 = arith.constant 1 : i32
    %scan3A_72 = scf.for %scan3A_110 = %scan3A_68 to %scan3A_70 step %scan3A_71 iter_args(%scan3A_111 = %scan3A_67) -> (i32)  : i32 {
      %jit3A = arith.constant 2 : i32
      %eq3A = arith.constant 0 : i32
      %eq3A_112 = arith.cmpi eq, %jit3A, %eq3A : i32
      %jit3A_113 = arith.constant 1 : i32
      %select_n3A = arith.select %eq3A_112, %jit3A_113, %jit3A : i32
      %rem3A = arith.remsi %scan3A_110, %select_n3A : i32
      %ne3A = arith.constant 0 : i32
      %ne3A_114 = arith.cmpi ne, %rem3A, %ne3A : i32
      %lt3A = arith.constant 0 : i32
      %lt3A_115 = arith.cmpi slt, %rem3A, %lt3A : i32
      %lt3A_116 = arith.constant 0 : i32
      %lt3A_117 = arith.cmpi slt, %select_n3A, %lt3A_116 : i32
      %ne3A_118 = arith.xori %lt3A_115, %lt3A_117 : i1
      %and3A = arith.andi %ne3A_118, %ne3A_114 : i1
      %add3A_119 = arith.addi %rem3A, %select_n3A : i32
      %select_n3A_120 = arith.select %and3A, %add3A_119, %rem3A : i32
      %mul3A_121 = arith.constant 128 : i32
      %mul3A_122 = arith.muli %select_n3A_120, %mul3A_121 : i32
      %add3A_123 = arith.constant 1 : i32
      %add3A_124 = arith.addi %scan3A_110, %add3A_123 : i32
      %jit3A_125 = arith.constant 2 : i32
      %eq3A_126 = arith.constant 0 : i32
      %eq3A_127 = arith.cmpi eq, %jit3A_125, %eq3A_126 : i32
      %jit3A_128 = arith.constant 1 : i32
      %select_n3A_129 = arith.select %eq3A_127, %jit3A_128, %jit3A_125 : i32
      %rem3A_130 = arith.remsi %add3A_124, %select_n3A_129 : i32
      %ne3A_131 = arith.constant 0 : i32
      %ne3A_132 = arith.cmpi ne, %rem3A_130, %ne3A_131 : i32
      %lt3A_133 = arith.constant 0 : i32
      %lt3A_134 = arith.cmpi slt, %rem3A_130, %lt3A_133 : i32
      %lt3A_135 = arith.constant 0 : i32
      %lt3A_136 = arith.cmpi slt, %select_n3A_129, %lt3A_135 : i32
      %ne3A_137 = arith.xori %lt3A_134, %lt3A_136 : i1
      %and3A_138 = arith.andi %ne3A_137, %ne3A_132 : i1
      %add3A_139 = arith.addi %rem3A_130, %select_n3A_129 : i32
      %select_n3A_140 = arith.select %and3A_138, %add3A_139, %rem3A_130 : i32
      %mul3A_141 = arith.constant 128 : i32
      %mul3A_142 = arith.muli %select_n3A_140, %mul3A_141 : i32
      %dma_start3A = arith.constant 0 : i32
      %dma_start3A_143 = tpu.memref_slice %arg8[%mul3A_122, %dma_start3A] : memref<256x128xf32, #tpu.memory_space<vmem>> -> memref<128x128xf32, #tpu.memory_space<vmem>>
      %dma_start3A_144 = arith.constant 0 : i32
      %dma_start3A_145 = tpu.memref_slice %arg6[%scan3A_110, %dma_start3A_144] : memref<40x128xi32, #tpu.memory_space<vmem>> -> memref<1x128xi32, #tpu.memory_space<vmem>>
      %dma_start3A_146 = tpu.memref_squeeze %dma_start3A_145 : memref<1x128xi32, #tpu.memory_space<vmem>> -> memref<128xi32, #tpu.memory_space<vmem>>
      %dma_start3A_147 = arith.constant 0 : i32
      %dma_start3A_148 = arith.constant 0 : i32
      %dma_start3A_149 = tpu.memref_slice %arg2[%dma_start3A_147, %dma_start3A_148] : memref<10240x128xf32, #tpu.memory_space<hbm>> -> memref<10240x128xf32, #tpu.memory_space<hbm>>
      tpu.enqueue_indirect_dma source(%dma_start3A_149 : memref<10240x128xf32, #tpu.memory_space<hbm>>) target(%dma_start3A_143 : memref<128x128xf32, #tpu.memory_space<vmem>>) offsets(%dma_start3A_146 : memref<128xi32, #tpu.memory_space<vmem>>) semaphore(%arg10 : memref<!tpu.dma_semaphore, #tpu.memory_space<semaphore_mem>>)
      %gt3A = arith.constant 0 : i32
      %gt3A_150 = arith.cmpi sgt, %scan3A_110, %gt3A : i32
      %convert_element_type3A = arith.extui %gt3A_150 : i1 to i32
      %cond3A = arith.constant 0 : i32
      %cond3A_151 = arith.cmpi ne, %convert_element_type3A, %cond3A : i32
      scf.if %cond3A_151 {
        %sub3A = arith.constant 1 : i32
        %sub3A_169 = arith.subi %scan3A_110, %sub3A : i32
        %dma_wait3A_170 = arith.constant 0 : i32
        %dma_wait3A_171 = tpu.memref_slice %arg8[%mul3A_142, %dma_wait3A_170] : memref<256x128xf32, #tpu.memory_space<vmem>> -> memref<128x128xf32, #tpu.memory_space<vmem>>
        %dma_wait3A_172 = arith.constant 0 : i32
        %dma_wait3A_173 = tpu.memref_slice %arg7[%sub3A_169, %dma_wait3A_172] : memref<40x128xi32, #tpu.memory_space<vmem>> -> memref<1x128xi32, #tpu.memory_space<vmem>>
        %dma_wait3A_174 = tpu.memref_squeeze %dma_wait3A_173 : memref<1x128xi32, #tpu.memory_space<vmem>> -> memref<128xi32, #tpu.memory_space<vmem>>
        %dma_wait3A_175 = arith.constant 0 : i32
        %dma_wait3A_176 = arith.constant 0 : i32
        %dma_wait3A_177 = tpu.memref_slice %arg9[%dma_wait3A_175, %dma_wait3A_176] : memref<10240x128xf32, #tpu.memory_space<vmem_shared>> -> memref<10240x128xf32, #tpu.memory_space<vmem_shared>>
        tpu.wait_indirect_dma semaphore(%arg11 : memref<!tpu.dma_semaphore, #tpu.memory_space<semaphore_mem>>) src(%dma_wait3A_171 : memref<128x128xf32, #tpu.memory_space<vmem>>) dst(%dma_wait3A_177 : memref<10240x128xf32, #tpu.memory_space<vmem_shared>>)
      } else {
      }
      %dma_wait3A_152 = arith.constant 0 : i32
      %dma_wait3A_153 = tpu.memref_slice %arg8[%mul3A_122, %dma_wait3A_152] : memref<256x128xf32, #tpu.memory_space<vmem>> -> memref<128x128xf32, #tpu.memory_space<vmem>>
      %dma_wait3A_154 = arith.constant 0 : i32
      %dma_wait3A_155 = tpu.memref_slice %arg6[%scan3A_110, %dma_wait3A_154] : memref<40x128xi32, #tpu.memory_space<vmem>> -> memref<1x128xi32, #tpu.memory_space<vmem>>
      %dma_wait3A_156 = tpu.memref_squeeze %dma_wait3A_155 : memref<1x128xi32, #tpu.memory_space<vmem>> -> memref<128xi32, #tpu.memory_space<vmem>>
      %dma_wait3A_157 = arith.constant 0 : i32
      %dma_wait3A_158 = arith.constant 0 : i32
      %dma_wait3A_159 = tpu.memref_slice %arg2[%dma_wait3A_157, %dma_wait3A_158] : memref<10240x128xf32, #tpu.memory_space<hbm>> -> memref<10240x128xf32, #tpu.memory_space<hbm>>
      tpu.wait_indirect_dma semaphore(%arg10 : memref<!tpu.dma_semaphore, #tpu.memory_space<semaphore_mem>>) src(%dma_wait3A_159 : memref<10240x128xf32, #tpu.memory_space<hbm>>) dst(%dma_wait3A_153 : memref<128x128xf32, #tpu.memory_space<vmem>>)
      %dma_start3A_160 = arith.constant 0 : i32
      %dma_start3A_161 = tpu.memref_slice %arg8[%mul3A_122, %dma_start3A_160] : memref<256x128xf32, #tpu.memory_space<vmem>> -> memref<128x128xf32, #tpu.memory_space<vmem>>
      %dma_start3A_162 = arith.constant 0 : i32
      %dma_start3A_163 = tpu.memref_slice %arg7[%scan3A_110, %dma_start3A_162] : memref<40x128xi32, #tpu.memory_space<vmem>> -> memref<1x128xi32, #tpu.memory_space<vmem>>
      %dma_start3A_164 = tpu.memref_squeeze %dma_start3A_163 : memref<1x128xi32, #tpu.memory_space<vmem>> -> memref<128xi32, #tpu.memory_space<vmem>>
      %dma_start3A_165 = arith.constant 0 : i32
      %dma_start3A_166 = arith.constant 0 : i32
      %dma_start3A_167 = tpu.memref_slice %arg9[%dma_start3A_165, %dma_start3A_166] : memref<10240x128xf32, #tpu.memory_space<vmem_shared>> -> memref<10240x128xf32, #tpu.memory_space<vmem_shared>>
      tpu.enqueue_indirect_dma source(%dma_start3A_161 : memref<128x128xf32, #tpu.memory_space<vmem>>) target(%dma_start3A_167 : memref<10240x128xf32, #tpu.memory_space<vmem_shared>>) offsets(%dma_start3A_164 : memref<128xi32, #tpu.memory_space<vmem>>) semaphore(%arg11 : memref<!tpu.dma_semaphore, #tpu.memory_space<semaphore_mem>>) {add = true}
      %scan3A_168 = arith.constant 0 : i32
      scf.yield %scan3A_168 : i32
    }
    %scan3A_73 = arith.constant 39 : i32
    %dma_wait3A_74 = arith.constant 38 : i32
    %dma_wait3A_75 = arith.constant 0 : i32
    %dma_wait3A_76 = arith.constant 0 : i32
    %dma_wait3A_77 = tpu.memref_slice %arg8[%dma_wait3A_75, %dma_wait3A_76] : memref<256x128xf32, #tpu.memory_space<vmem>> -> memref<128x128xf32, #tpu.memory_space<vmem>>
    %dma_wait3A_78 = arith.constant 0 : i32
    %dma_wait3A_79 = tpu.memref_slice %arg7[%dma_wait3A_74, %dma_wait3A_78] : memref<40x128xi32, #tpu.memory_space<vmem>> -> memref<1x128xi32, #tpu.memory_space<vmem>>
    %dma_wait3A_80 = tpu.memref_squeeze %dma_wait3A_79 : memref<1x128xi32, #tpu.memory_space<vmem>> -> memref<128xi32, #tpu.memory_space<vmem>>
    %dma_wait3A_81 = arith.constant 0 : i32
    %dma_wait3A_82 = arith.constant 0 : i32
    %dma_wait3A_83 = tpu.memref_slice %arg9[%dma_wait3A_81, %dma_wait3A_82] : memref<10240x128xf32, #tpu.memory_space<vmem_shared>> -> memref<10240x128xf32, #tpu.memory_space<vmem_shared>>
    tpu.wait_indirect_dma semaphore(%arg11 : memref<!tpu.dma_semaphore, #tpu.memory_space<semaphore_mem>>) src(%dma_wait3A_77 : memref<128x128xf32, #tpu.memory_space<vmem>>) dst(%dma_wait3A_83 : memref<10240x128xf32, #tpu.memory_space<vmem_shared>>)
    %barrier3A_84 = arith.constant 0 : index
    tpu.barrier barrier_id(%barrier3A_84)
    %add3A_85 = arith.constant 0 : i32
    %add3A_86 = arith.addi %mul3A_6, %add3A_85 : i32
    "tpu.region"() ({
      %run_scoped3A = tpu.sem_alloc : memref<!tpu.dma_semaphore, #tpu.memory_space<semaphore_mem>>
      %dma_start3A = arith.constant 0 : i32
      %dma_start3A_110 = arith.constant 0 : i32
      %dma_start3A_111 = tpu.memref_slice %arg8[%dma_start3A, %dma_start3A_110] : memref<256x128xf32, #tpu.memory_space<vmem>> -> memref<128x128xf32, #tpu.memory_space<vmem>>
      %dma_start3A_112 = arith.constant 0 : i32
      %dma_start3A_113 = tpu.memref_slice %arg9[%add3A_86, %dma_start3A_112] : memref<10240x128xf32, #tpu.memory_space<vmem_shared>> -> memref<128x128xf32, #tpu.memory_space<vmem_shared>>
      %dma_start3A_114 = arith.constant 0 : i32
      %dma_start3A_115 = arith.constant 0 : i32
      %dma_start3A_116 = tpu.memref_slice %arg8[%dma_start3A_114, %dma_start3A_115] : memref<256x128xf32, #tpu.memory_space<vmem>> -> memref<128x128xf32, #tpu.memory_space<vmem>>
      %dma_start3A_117 = arith.constant 0 : i32
      %dma_start3A_118 = tpu.memref_slice %arg9[%add3A_86, %dma_start3A_117] : memref<10240x128xf32, #tpu.memory_space<vmem_shared>> -> memref<128x128xf32, #tpu.memory_space<vmem_shared>>
      tpu.enqueue_dma source(%dma_start3A_118 : memref<128x128xf32, #tpu.memory_space<vmem_shared>>) target(%dma_start3A_116 : memref<128x128xf32, #tpu.memory_space<vmem>>) target_semaphore(%run_scoped3A : memref<!tpu.dma_semaphore, #tpu.memory_space<semaphore_mem>>)
      %dma_wait3A_119 = arith.constant 0 : i32
      %dma_wait3A_120 = arith.constant 0 : i32
      %dma_wait3A_121 = tpu.memref_slice %arg8[%dma_wait3A_119, %dma_wait3A_120] : memref<256x128xf32, #tpu.memory_space<vmem>> -> memref<128x128xf32, #tpu.memory_space<vmem>>
      %dma_wait3A_122 = arith.constant 0 : i32
      %dma_wait3A_123 = tpu.memref_slice %arg9[%add3A_86, %dma_wait3A_122] : memref<10240x128xf32, #tpu.memory_space<vmem_shared>> -> memref<128x128xf32, #tpu.memory_space<vmem_shared>>
      %dma_wait3A_124 = arith.constant 0 : i32
      %dma_wait3A_125 = arith.constant 0 : i32
      %dma_wait3A_126 = tpu.memref_slice %arg8[%dma_wait3A_124, %dma_wait3A_125] : memref<256x128xf32, #tpu.memory_space<vmem>> -> memref<128x128xf32, #tpu.memory_space<vmem>>
      %dma_wait3A_127 = arith.constant 0 : i32
      %dma_wait3A_128 = tpu.memref_slice %arg9[%add3A_86, %dma_wait3A_127] : memref<10240x128xf32, #tpu.memory_space<vmem_shared>> -> memref<128x128xf32, #tpu.memory_space<vmem_shared>>
      tpu.wait_dma2 semaphore(%run_scoped3A : memref<!tpu.dma_semaphore, #tpu.memory_space<semaphore_mem>>) src(%dma_wait3A_128 : memref<128x128xf32, #tpu.memory_space<vmem_shared>>) dst(%dma_wait3A_126 : memref<128x128xf32, #tpu.memory_space<vmem>>)
      tpu.yield
    }) : () -> ()
    %mul3A_87 = arith.constant 10240 : i32
    %mul3A_88 = arith.muli %arg0, %mul3A_87 : i32
    %add3A_89 = arith.addi %mul3A_88, %add3A_86 : i32
    "tpu.region"() ({
      %run_scoped3A = tpu.sem_alloc : memref<!tpu.dma_semaphore, #tpu.memory_space<semaphore_mem>>
      %dma_start3A = arith.constant 0 : i32
      %dma_start3A_110 = arith.constant 0 : i32
      %dma_start3A_111 = tpu.memref_slice %arg8[%dma_start3A, %dma_start3A_110] : memref<256x128xf32, #tpu.memory_space<vmem>> -> memref<128x128xf32, #tpu.memory_space<vmem>>
      %dma_start3A_112 = arith.constant 0 : i32
      %dma_start3A_113 = tpu.memref_slice %arg5[%add3A_89, %dma_start3A_112] : memref<20480x128xf32, #tpu.memory_space<hbm>> -> memref<128x128xf32, #tpu.memory_space<hbm>>
      %dma_start3A_114 = arith.constant 0 : i32
      %dma_start3A_115 = tpu.memref_slice %arg5[%add3A_89, %dma_start3A_114] : memref<20480x128xf32, #tpu.memory_space<hbm>> -> memref<128x128xf32, #tpu.memory_space<hbm>>
      %dma_start3A_116 = arith.constant 0 : i32
      %dma_start3A_117 = arith.constant 0 : i32
      %dma_start3A_118 = tpu.memref_slice %arg8[%dma_start3A_116, %dma_start3A_117] : memref<256x128xf32, #tpu.memory_space<vmem>> -> memref<128x128xf32, #tpu.memory_space<vmem>>
      tpu.enqueue_dma source(%dma_start3A_118 : memref<128x128xf32, #tpu.memory_space<vmem>>) target(%dma_start3A_115 : memref<128x128xf32, #tpu.memory_space<hbm>>) target_semaphore(%run_scoped3A : memref<!tpu.dma_semaphore, #tpu.memory_space<semaphore_mem>>)
      %dma_wait3A_119 = arith.constant 0 : i32
      %dma_wait3A_120 = arith.constant 0 : i32
      %dma_wait3A_121 = tpu.memref_slice %arg8[%dma_wait3A_119, %dma_wait3A_120] : memref<256x128xf32, #tpu.memory_space<vmem>> -> memref<128x128xf32, #tpu.memory_space<vmem>>
      %dma_wait3A_122 = arith.constant 0 : i32
      %dma_wait3A_123 = tpu.memref_slice %arg5[%add3A_89, %dma_wait3A_122] : memref<20480x128xf32, #tpu.memory_space<hbm>> -> memref<128x128xf32, #tpu.memory_space<hbm>>
      %dma_wait3A_124 = arith.constant 0 : i32
      %dma_wait3A_125 = tpu.memref_slice %arg5[%add3A_89, %dma_wait3A_124] : memref<20480x128xf32, #tpu.memory_space<hbm>> -> memref<128x128xf32, #tpu.memory_space<hbm>>
      %dma_wait3A_126 = arith.constant 0 : i32
      %dma_wait3A_127 = arith.constant 0 : i32
      %dma_wait3A_128 = tpu.memref_slice %arg8[%dma_wait3A_126, %dma_wait3A_127] : memref<256x128xf32, #tpu.memory_space<vmem>> -> memref<128x128xf32, #tpu.memory_space<vmem>>
      tpu.wait_dma2 semaphore(%run_scoped3A : memref<!tpu.dma_semaphore, #tpu.memory_space<semaphore_mem>>) src(%dma_wait3A_128 : memref<128x128xf32, #tpu.memory_space<vmem>>) dst(%dma_wait3A_125 : memref<128x128xf32, #tpu.memory_space<hbm>>)
      tpu.yield
    }) : () -> ()
    %add3A_90 = arith.constant 128 : i32
    %add3A_91 = arith.addi %mul3A_6, %add3A_90 : i32
    "tpu.region"() ({
      %run_scoped3A = tpu.sem_alloc : memref<!tpu.dma_semaphore, #tpu.memory_space<semaphore_mem>>
      %dma_start3A = arith.constant 0 : i32
      %dma_start3A_110 = arith.constant 0 : i32
      %dma_start3A_111 = tpu.memref_slice %arg8[%dma_start3A, %dma_start3A_110] : memref<256x128xf32, #tpu.memory_space<vmem>> -> memref<128x128xf32, #tpu.memory_space<vmem>>
      %dma_start3A_112 = arith.constant 0 : i32
      %dma_start3A_113 = tpu.memref_slice %arg9[%add3A_91, %dma_start3A_112] : memref<10240x128xf32, #tpu.memory_space<vmem_shared>> -> memref<128x128xf32, #tpu.memory_space<vmem_shared>>
      %dma_start3A_114 = arith.constant 0 : i32
      %dma_start3A_115 = arith.constant 0 : i32
      %dma_start3A_116 = tpu.memref_slice %arg8[%dma_start3A_114, %dma_start3A_115] : memref<256x128xf32, #tpu.memory_space<vmem>> -> memref<128x128xf32, #tpu.memory_space<vmem>>
      %dma_start3A_117 = arith.constant 0 : i32
      %dma_start3A_118 = tpu.memref_slice %arg9[%add3A_91, %dma_start3A_117] : memref<10240x128xf32, #tpu.memory_space<vmem_shared>> -> memref<128x128xf32, #tpu.memory_space<vmem_shared>>
      tpu.enqueue_dma source(%dma_start3A_118 : memref<128x128xf32, #tpu.memory_space<vmem_shared>>) target(%dma_start3A_116 : memref<128x128xf32, #tpu.memory_space<vmem>>) target_semaphore(%run_scoped3A : memref<!tpu.dma_semaphore, #tpu.memory_space<semaphore_mem>>)
      %dma_wait3A_119 = arith.constant 0 : i32
      %dma_wait3A_120 = arith.constant 0 : i32
      %dma_wait3A_121 = tpu.memref_slice %arg8[%dma_wait3A_119, %dma_wait3A_120] : memref<256x128xf32, #tpu.memory_space<vmem>> -> memref<128x128xf32, #tpu.memory_space<vmem>>
      %dma_wait3A_122 = arith.constant 0 : i32
      %dma_wait3A_123 = tpu.memref_slice %arg9[%add3A_91, %dma_wait3A_122] : memref<10240x128xf32, #tpu.memory_space<vmem_shared>> -> memref<128x128xf32, #tpu.memory_space<vmem_shared>>
      %dma_wait3A_124 = arith.constant 0 : i32
      %dma_wait3A_125 = arith.constant 0 : i32
      %dma_wait3A_126 = tpu.memref_slice %arg8[%dma_wait3A_124, %dma_wait3A_125] : memref<256x128xf32, #tpu.memory_space<vmem>> -> memref<128x128xf32, #tpu.memory_space<vmem>>
      %dma_wait3A_127 = arith.constant 0 : i32
      %dma_wait3A_128 = tpu.memref_slice %arg9[%add3A_91, %dma_wait3A_127] : memref<10240x128xf32, #tpu.memory_space<vmem_shared>> -> memref<128x128xf32, #tpu.memory_space<vmem_shared>>
      tpu.wait_dma2 semaphore(%run_scoped3A : memref<!tpu.dma_semaphore, #tpu.memory_space<semaphore_mem>>) src(%dma_wait3A_128 : memref<128x128xf32, #tpu.memory_space<vmem_shared>>) dst(%dma_wait3A_126 : memref<128x128xf32, #tpu.memory_space<vmem>>)
      tpu.yield
    }) : () -> ()
    %mul3A_92 = arith.constant 10240 : i32
    %mul3A_93 = arith.muli %arg0, %mul3A_92 : i32
    %add3A_94 = arith.addi %mul3A_93, %add3A_91 : i32
    "tpu.region"() ({
      %run_scoped3A = tpu.sem_alloc : memref<!tpu.dma_semaphore, #tpu.memory_space<semaphore_mem>>
      %dma_start3A = arith.constant 0 : i32
      %dma_start3A_110 = arith.constant 0 : i32
      %dma_start3A_111 = tpu.memref_slice %arg8[%dma_start3A, %dma_start3A_110] : memref<256x128xf32, #tpu.memory_space<vmem>> -> memref<128x128xf32, #tpu.memory_space<vmem>>
      %dma_start3A_112 = arith.constant 0 : i32
      %dma_start3A_113 = tpu.memref_slice %arg5[%add3A_94, %dma_start3A_112] : memref<20480x128xf32, #tpu.memory_space<hbm>> -> memref<128x128xf32, #tpu.memory_space<hbm>>
      %dma_start3A_114 = arith.constant 0 : i32
      %dma_start3A_115 = tpu.memref_slice %arg5[%add3A_94, %dma_start3A_114] : memref<20480x128xf32, #tpu.memory_space<hbm>> -> memref<128x128xf32, #tpu.memory_space<hbm>>
      %dma_start3A_116 = arith.constant 0 : i32
      %dma_start3A_117 = arith.constant 0 : i32
      %dma_start3A_118 = tpu.memref_slice %arg8[%dma_start3A_116, %dma_start3A_117] : memref<256x128xf32, #tpu.memory_space<vmem>> -> memref<128x128xf32, #tpu.memory_space<vmem>>
      tpu.enqueue_dma source(%dma_start3A_118 : memref<128x128xf32, #tpu.memory_space<vmem>>) target(%dma_start3A_115 : memref<128x128xf32, #tpu.memory_space<hbm>>) target_semaphore(%run_scoped3A : memref<!tpu.dma_semaphore, #tpu.memory_space<semaphore_mem>>)
      %dma_wait3A_119 = arith.constant 0 : i32
      %dma_wait3A_120 = arith.constant 0 : i32
      %dma_wait3A_121 = tpu.memref_slice %arg8[%dma_wait3A_119, %dma_wait3A_120] : memref<256x128xf32, #tpu.memory_space<vmem>> -> memref<128x128xf32, #tpu.memory_space<vmem>>
      %dma_wait3A_122 = arith.constant 0 : i32
      %dma_wait3A_123 = tpu.memref_slice %arg5[%add3A_94, %dma_wait3A_122] : memref<20480x128xf32, #tpu.memory_space<hbm>> -> memref<128x128xf32, #tpu.memory_space<hbm>>
      %dma_wait3A_124 = arith.constant 0 : i32
      %dma_wait3A_125 = tpu.memref_slice %arg5[%add3A_94, %dma_wait3A_124] : memref<20480x128xf32, #tpu.memory_space<hbm>> -> memref<128x128xf32, #tpu.memory_space<hbm>>
      %dma_wait3A_126 = arith.constant 0 : i32
      %dma_wait3A_127 = arith.constant 0 : i32
      %dma_wait3A_128 = tpu.memref_slice %arg8[%dma_wait3A_126, %dma_wait3A_127] : memref<256x128xf32, #tpu.memory_space<vmem>> -> memref<128x128xf32, #tpu.memory_space<vmem>>
      tpu.wait_dma2 semaphore(%run_scoped3A : memref<!tpu.dma_semaphore, #tpu.memory_space<semaphore_mem>>) src(%dma_wait3A_128 : memref<128x128xf32, #tpu.memory_space<vmem>>) dst(%dma_wait3A_125 : memref<128x128xf32, #tpu.memory_space<hbm>>)
      tpu.yield
    }) : () -> ()
    %add3A_95 = arith.constant 256 : i32
    %add3A_96 = arith.addi %mul3A_6, %add3A_95 : i32
    "tpu.region"() ({
      %run_scoped3A = tpu.sem_alloc : memref<!tpu.dma_semaphore, #tpu.memory_space<semaphore_mem>>
      %dma_start3A = arith.constant 0 : i32
      %dma_start3A_110 = arith.constant 0 : i32
      %dma_start3A_111 = tpu.memref_slice %arg8[%dma_start3A, %dma_start3A_110] : memref<256x128xf32, #tpu.memory_space<vmem>> -> memref<128x128xf32, #tpu.memory_space<vmem>>
      %dma_start3A_112 = arith.constant 0 : i32
      %dma_start3A_113 = tpu.memref_slice %arg9[%add3A_96, %dma_start3A_112] : memref<10240x128xf32, #tpu.memory_space<vmem_shared>> -> memref<128x128xf32, #tpu.memory_space<vmem_shared>>
      %dma_start3A_114 = arith.constant 0 : i32
      %dma_start3A_115 = arith.constant 0 : i32
      %dma_start3A_116 = tpu.memref_slice %arg8[%dma_start3A_114, %dma_start3A_115] : memref<256x128xf32, #tpu.memory_space<vmem>> -> memref<128x128xf32, #tpu.memory_space<vmem>>
      %dma_start3A_117 = arith.constant 0 : i32
      %dma_start3A_118 = tpu.memref_slice %arg9[%add3A_96, %dma_start3A_117] : memref<10240x128xf32, #tpu.memory_space<vmem_shared>> -> memref<128x128xf32, #tpu.memory_space<vmem_shared>>
      tpu.enqueue_dma source(%dma_start3A_118 : memref<128x128xf32, #tpu.memory_space<vmem_shared>>) target(%dma_start3A_116 : memref<128x128xf32, #tpu.memory_space<vmem>>) target_semaphore(%run_scoped3A : memref<!tpu.dma_semaphore, #tpu.memory_space<semaphore_mem>>)
      %dma_wait3A_119 = arith.constant 0 : i32
      %dma_wait3A_120 = arith.constant 0 : i32
      %dma_wait3A_121 = tpu.memref_slice %arg8[%dma_wait3A_119, %dma_wait3A_120] : memref<256x128xf32, #tpu.memory_space<vmem>> -> memref<128x128xf32, #tpu.memory_space<vmem>>
      %dma_wait3A_122 = arith.constant 0 : i32
      %dma_wait3A_123 = tpu.memref_slice %arg9[%add3A_96, %dma_wait3A_122] : memref<10240x128xf32, #tpu.memory_space<vmem_shared>> -> memref<128x128xf32, #tpu.memory_space<vmem_shared>>
      %dma_wait3A_124 = arith.constant 0 : i32
      %dma_wait3A_125 = arith.constant 0 : i32
      %dma_wait3A_126 = tpu.memref_slice %arg8[%dma_wait3A_124, %dma_wait3A_125] : memref<256x128xf32, #tpu.memory_space<vmem>> -> memref<128x128xf32, #tpu.memory_space<vmem>>
      %dma_wait3A_127 = arith.constant 0 : i32
      %dma_wait3A_128 = tpu.memref_slice %arg9[%add3A_96, %dma_wait3A_127] : memref<10240x128xf32, #tpu.memory_space<vmem_shared>> -> memref<128x128xf32, #tpu.memory_space<vmem_shared>>
      tpu.wait_dma2 semaphore(%run_scoped3A : memref<!tpu.dma_semaphore, #tpu.memory_space<semaphore_mem>>) src(%dma_wait3A_128 : memref<128x128xf32, #tpu.memory_space<vmem_shared>>) dst(%dma_wait3A_126 : memref<128x128xf32, #tpu.memory_space<vmem>>)
      tpu.yield
    }) : () -> ()
    %mul3A_97 = arith.constant 10240 : i32
    %mul3A_98 = arith.muli %arg0, %mul3A_97 : i32
    %add3A_99 = arith.addi %mul3A_98, %add3A_96 : i32
    "tpu.region"() ({
      %run_scoped3A = tpu.sem_alloc : memref<!tpu.dma_semaphore, #tpu.memory_space<semaphore_mem>>
      %dma_start3A = arith.constant 0 : i32
      %dma_start3A_110 = arith.constant 0 : i32
      %dma_start3A_111 = tpu.memref_slice %arg8[%dma_start3A, %dma_start3A_110] : memref<256x128xf32, #tpu.memory_space<vmem>> -> memref<128x128xf32, #tpu.memory_space<vmem>>
      %dma_start3A_112 = arith.constant 0 : i32
      %dma_start3A_113 = tpu.memref_slice %arg5[%add3A_99, %dma_start3A_112] : memref<20480x128xf32, #tpu.memory_space<hbm>> -> memref<128x128xf32, #tpu.memory_space<hbm>>
      %dma_start3A_114 = arith.constant 0 : i32
      %dma_start3A_115 = tpu.memref_slice %arg5[%add3A_99, %dma_start3A_114] : memref<20480x128xf32, #tpu.memory_space<hbm>> -> memref<128x128xf32, #tpu.memory_space<hbm>>
      %dma_start3A_116 = arith.constant 0 : i32
      %dma_start3A_117 = arith.constant 0 : i32
      %dma_start3A_118 = tpu.memref_slice %arg8[%dma_start3A_116, %dma_start3A_117] : memref<256x128xf32, #tpu.memory_space<vmem>> -> memref<128x128xf32, #tpu.memory_space<vmem>>
      tpu.enqueue_dma source(%dma_start3A_118 : memref<128x128xf32, #tpu.memory_space<vmem>>) target(%dma_start3A_115 : memref<128x128xf32, #tpu.memory_space<hbm>>) target_semaphore(%run_scoped3A : memref<!tpu.dma_semaphore, #tpu.memory_space<semaphore_mem>>)
      %dma_wait3A_119 = arith.constant 0 : i32
      %dma_wait3A_120 = arith.constant 0 : i32
      %dma_wait3A_121 = tpu.memref_slice %arg8[%dma_wait3A_119, %dma_wait3A_120] : memref<256x128xf32, #tpu.memory_space<vmem>> -> memref<128x128xf32, #tpu.memory_space<vmem>>
      %dma_wait3A_122 = arith.constant 0 : i32
      %dma_wait3A_123 = tpu.memref_slice %arg5[%add3A_99, %dma_wait3A_122] : memref<20480x128xf32, #tpu.memory_space<hbm>> -> memref<128x128xf32, #tpu.memory_space<hbm>>
      %dma_wait3A_124 = arith.constant 0 : i32
      %dma_wait3A_125 = tpu.memref_slice %arg5[%add3A_99, %dma_wait3A_124] : memref<20480x128xf32, #tpu.memory_space<hbm>> -> memref<128x128xf32, #tpu.memory_space<hbm>>
      %dma_wait3A_126 = arith.constant 0 : i32
      %dma_wait3A_127 = arith.constant 0 : i32
      %dma_wait3A_128 = tpu.memref_slice %arg8[%dma_wait3A_126, %dma_wait3A_127] : memref<256x128xf32, #tpu.memory_space<vmem>> -> memref<128x128xf32, #tpu.memory_space<vmem>>
      tpu.wait_dma2 semaphore(%run_scoped3A : memref<!tpu.dma_semaphore, #tpu.memory_space<semaphore_mem>>) src(%dma_wait3A_128 : memref<128x128xf32, #tpu.memory_space<vmem>>) dst(%dma_wait3A_125 : memref<128x128xf32, #tpu.memory_space<hbm>>)
      tpu.yield
    }) : () -> ()
    %add3A_100 = arith.constant 384 : i32
    %add3A_101 = arith.addi %mul3A_6, %add3A_100 : i32
    "tpu.region"() ({
      %run_scoped3A = tpu.sem_alloc : memref<!tpu.dma_semaphore, #tpu.memory_space<semaphore_mem>>
      %dma_start3A = arith.constant 0 : i32
      %dma_start3A_110 = arith.constant 0 : i32
      %dma_start3A_111 = tpu.memref_slice %arg8[%dma_start3A, %dma_start3A_110] : memref<256x128xf32, #tpu.memory_space<vmem>> -> memref<128x128xf32, #tpu.memory_space<vmem>>
      %dma_start3A_112 = arith.constant 0 : i32
      %dma_start3A_113 = tpu.memref_slice %arg9[%add3A_101, %dma_start3A_112] : memref<10240x128xf32, #tpu.memory_space<vmem_shared>> -> memref<128x128xf32, #tpu.memory_space<vmem_shared>>
      %dma_start3A_114 = arith.constant 0 : i32
      %dma_start3A_115 = arith.constant 0 : i32
      %dma_start3A_116 = tpu.memref_slice %arg8[%dma_start3A_114, %dma_start3A_115] : memref<256x128xf32, #tpu.memory_space<vmem>> -> memref<128x128xf32, #tpu.memory_space<vmem>>
      %dma_start3A_117 = arith.constant 0 : i32
      %dma_start3A_118 = tpu.memref_slice %arg9[%add3A_101, %dma_start3A_117] : memref<10240x128xf32, #tpu.memory_space<vmem_shared>> -> memref<128x128xf32, #tpu.memory_space<vmem_shared>>
      tpu.enqueue_dma source(%dma_start3A_118 : memref<128x128xf32, #tpu.memory_space<vmem_shared>>) target(%dma_start3A_116 : memref<128x128xf32, #tpu.memory_space<vmem>>) target_semaphore(%run_scoped3A : memref<!tpu.dma_semaphore, #tpu.memory_space<semaphore_mem>>)
      %dma_wait3A_119 = arith.constant 0 : i32
      %dma_wait3A_120 = arith.constant 0 : i32
      %dma_wait3A_121 = tpu.memref_slice %arg8[%dma_wait3A_119, %dma_wait3A_120] : memref<256x128xf32, #tpu.memory_space<vmem>> -> memref<128x128xf32, #tpu.memory_space<vmem>>
      %dma_wait3A_122 = arith.constant 0 : i32
      %dma_wait3A_123 = tpu.memref_slice %arg9[%add3A_101, %dma_wait3A_122] : memref<10240x128xf32, #tpu.memory_space<vmem_shared>> -> memref<128x128xf32, #tpu.memory_space<vmem_shared>>
      %dma_wait3A_124 = arith.constant 0 : i32
      %dma_wait3A_125 = arith.constant 0 : i32
      %dma_wait3A_126 = tpu.memref_slice %arg8[%dma_wait3A_124, %dma_wait3A_125] : memref<256x128xf32, #tpu.memory_space<vmem>> -> memref<128x128xf32, #tpu.memory_space<vmem>>
      %dma_wait3A_127 = arith.constant 0 : i32
      %dma_wait3A_128 = tpu.memref_slice %arg9[%add3A_101, %dma_wait3A_127] : memref<10240x128xf32, #tpu.memory_space<vmem_shared>> -> memref<128x128xf32, #tpu.memory_space<vmem_shared>>
      tpu.wait_dma2 semaphore(%run_scoped3A : memref<!tpu.dma_semaphore, #tpu.memory_space<semaphore_mem>>) src(%dma_wait3A_128 : memref<128x128xf32, #tpu.memory_space<vmem_shared>>) dst(%dma_wait3A_126 : memref<128x128xf32, #tpu.memory_space<vmem>>)
      tpu.yield
    }) : () -> ()
    %mul3A_102 = arith.constant 10240 : i32
    %mul3A_103 = arith.muli %arg0, %mul3A_102 : i32
    %add3A_104 = arith.addi %mul3A_103, %add3A_101 : i32
    "tpu.region"() ({
      %run_scoped3A = tpu.sem_alloc : memref<!tpu.dma_semaphore, #tpu.memory_space<semaphore_mem>>
      %dma_start3A = arith.constant 0 : i32
      %dma_start3A_110 = arith.constant 0 : i32
      %dma_start3A_111 = tpu.memref_slice %arg8[%dma_start3A, %dma_start3A_110] : memref<256x128xf32, #tpu.memory_space<vmem>> -> memref<128x128xf32, #tpu.memory_space<vmem>>
      %dma_start3A_112 = arith.constant 0 : i32
      %dma_start3A_113 = tpu.memref_slice %arg5[%add3A_104, %dma_start3A_112] : memref<20480x128xf32, #tpu.memory_space<hbm>> -> memref<128x128xf32, #tpu.memory_space<hbm>>
      %dma_start3A_114 = arith.constant 0 : i32
      %dma_start3A_115 = tpu.memref_slice %arg5[%add3A_104, %dma_start3A_114] : memref<20480x128xf32, #tpu.memory_space<hbm>> -> memref<128x128xf32, #tpu.memory_space<hbm>>
      %dma_start3A_116 = arith.constant 0 : i32
      %dma_start3A_117 = arith.constant 0 : i32
      %dma_start3A_118 = tpu.memref_slice %arg8[%dma_start3A_116, %dma_start3A_117] : memref<256x128xf32, #tpu.memory_space<vmem>> -> memref<128x128xf32, #tpu.memory_space<vmem>>
      tpu.enqueue_dma source(%dma_start3A_118 : memref<128x128xf32, #tpu.memory_space<vmem>>) target(%dma_start3A_115 : memref<128x128xf32, #tpu.memory_space<hbm>>) target_semaphore(%run_scoped3A : memref<!tpu.dma_semaphore, #tpu.memory_space<semaphore_mem>>)
      %dma_wait3A_119 = arith.constant 0 : i32
      %dma_wait3A_120 = arith.constant 0 : i32
      %dma_wait3A_121 = tpu.memref_slice %arg8[%dma_wait3A_119, %dma_wait3A_120] : memref<256x128xf32, #tpu.memory_space<vmem>> -> memref<128x128xf32, #tpu.memory_space<vmem>>
      %dma_wait3A_122 = arith.constant 0 : i32
      %dma_wait3A_123 = tpu.memref_slice %arg5[%add3A_104, %dma_wait3A_122] : memref<20480x128xf32, #tpu.memory_space<hbm>> -> memref<128x128xf32, #tpu.memory_space<hbm>>
      %dma_wait3A_124 = arith.constant 0 : i32
      %dma_wait3A_125 = tpu.memref_slice %arg5[%add3A_104, %dma_wait3A_124] : memref<20480x128xf32, #tpu.memory_space<hbm>> -> memref<128x128xf32, #tpu.memory_space<hbm>>
      %dma_wait3A_126 = arith.constant 0 : i32
      %dma_wait3A_127 = arith.constant 0 : i32
      %dma_wait3A_128 = tpu.memref_slice %arg8[%dma_wait3A_126, %dma_wait3A_127] : memref<256x128xf32, #tpu.memory_space<vmem>> -> memref<128x128xf32, #tpu.memory_space<vmem>>
      tpu.wait_dma2 semaphore(%run_scoped3A : memref<!tpu.dma_semaphore, #tpu.memory_space<semaphore_mem>>) src(%dma_wait3A_128 : memref<128x128xf32, #tpu.memory_space<vmem>>) dst(%dma_wait3A_125 : memref<128x128xf32, #tpu.memory_space<hbm>>)
      tpu.yield
    }) : () -> ()
    %add3A_105 = arith.constant 512 : i32
    %add3A_106 = arith.addi %mul3A_6, %add3A_105 : i32
    "tpu.region"() ({
      %run_scoped3A = tpu.sem_alloc : memref<!tpu.dma_semaphore, #tpu.memory_space<semaphore_mem>>
      %dma_start3A = arith.constant 0 : i32
      %dma_start3A_110 = arith.constant 0 : i32
      %dma_start3A_111 = tpu.memref_slice %arg8[%dma_start3A, %dma_start3A_110] : memref<256x128xf32, #tpu.memory_space<vmem>> -> memref<128x128xf32, #tpu.memory_space<vmem>>
      %dma_start3A_112 = arith.constant 0 : i32
      %dma_start3A_113 = tpu.memref_slice %arg9[%add3A_106, %dma_start3A_112] : memref<10240x128xf32, #tpu.memory_space<vmem_shared>> -> memref<128x128xf32, #tpu.memory_space<vmem_shared>>
      %dma_start3A_114 = arith.constant 0 : i32
      %dma_start3A_115 = arith.constant 0 : i32
      %dma_start3A_116 = tpu.memref_slice %arg8[%dma_start3A_114, %dma_start3A_115] : memref<256x128xf32, #tpu.memory_space<vmem>> -> memref<128x128xf32, #tpu.memory_space<vmem>>
      %dma_start3A_117 = arith.constant 0 : i32
      %dma_start3A_118 = tpu.memref_slice %arg9[%add3A_106, %dma_start3A_117] : memref<10240x128xf32, #tpu.memory_space<vmem_shared>> -> memref<128x128xf32, #tpu.memory_space<vmem_shared>>
      tpu.enqueue_dma source(%dma_start3A_118 : memref<128x128xf32, #tpu.memory_space<vmem_shared>>) target(%dma_start3A_116 : memref<128x128xf32, #tpu.memory_space<vmem>>) target_semaphore(%run_scoped3A : memref<!tpu.dma_semaphore, #tpu.memory_space<semaphore_mem>>)
      %dma_wait3A_119 = arith.constant 0 : i32
      %dma_wait3A_120 = arith.constant 0 : i32
      %dma_wait3A_121 = tpu.memref_slice %arg8[%dma_wait3A_119, %dma_wait3A_120] : memref<256x128xf32, #tpu.memory_space<vmem>> -> memref<128x128xf32, #tpu.memory_space<vmem>>
      %dma_wait3A_122 = arith.constant 0 : i32
      %dma_wait3A_123 = tpu.memref_slice %arg9[%add3A_106, %dma_wait3A_122] : memref<10240x128xf32, #tpu.memory_space<vmem_shared>> -> memref<128x128xf32, #tpu.memory_space<vmem_shared>>
      %dma_wait3A_124 = arith.constant 0 : i32
      %dma_wait3A_125 = arith.constant 0 : i32
      %dma_wait3A_126 = tpu.memref_slice %arg8[%dma_wait3A_124, %dma_wait3A_125] : memref<256x128xf32, #tpu.memory_space<vmem>> -> memref<128x128xf32, #tpu.memory_space<vmem>>
      %dma_wait3A_127 = arith.constant 0 : i32
      %dma_wait3A_128 = tpu.memref_slice %arg9[%add3A_106, %dma_wait3A_127] : memref<10240x128xf32, #tpu.memory_space<vmem_shared>> -> memref<128x128xf32, #tpu.memory_space<vmem_shared>>
      tpu.wait_dma2 semaphore(%run_scoped3A : memref<!tpu.dma_semaphore, #tpu.memory_space<semaphore_mem>>) src(%dma_wait3A_128 : memref<128x128xf32, #tpu.memory_space<vmem_shared>>) dst(%dma_wait3A_126 : memref<128x128xf32, #tpu.memory_space<vmem>>)
      tpu.yield
    }) : () -> ()
    %mul3A_107 = arith.constant 10240 : i32
    %mul3A_108 = arith.muli %arg0, %mul3A_107 : i32
    %add3A_109 = arith.addi %mul3A_108, %add3A_106 : i32
    "tpu.region"() ({
      %run_scoped3A = tpu.sem_alloc : memref<!tpu.dma_semaphore, #tpu.memory_space<semaphore_mem>>
      %dma_start3A = arith.constant 0 : i32
      %dma_start3A_110 = arith.constant 0 : i32
      %dma_start3A_111 = tpu.memref_slice %arg8[%dma_start3A, %dma_start3A_110] : memref<256x128xf32, #tpu.memory_space<vmem>> -> memref<128x128xf32, #tpu.memory_space<vmem>>
      %dma_start3A_112 = arith.constant 0 : i32
      %dma_start3A_113 = tpu.memref_slice %arg5[%add3A_109, %dma_start3A_112] : memref<20480x128xf32, #tpu.memory_space<hbm>> -> memref<128x128xf32, #tpu.memory_space<hbm>>
      %dma_start3A_114 = arith.constant 0 : i32
      %dma_start3A_115 = tpu.memref_slice %arg5[%add3A_109, %dma_start3A_114] : memref<20480x128xf32, #tpu.memory_space<hbm>> -> memref<128x128xf32, #tpu.memory_space<hbm>>
      %dma_start3A_116 = arith.constant 0 : i32
      %dma_start3A_117 = arith.constant 0 : i32
      %dma_start3A_118 = tpu.memref_slice %arg8[%dma_start3A_116, %dma_start3A_117] : memref<256x128xf32, #tpu.memory_space<vmem>> -> memref<128x128xf32, #tpu.memory_space<vmem>>
      tpu.enqueue_dma source(%dma_start3A_118 : memref<128x128xf32, #tpu.memory_space<vmem>>) target(%dma_start3A_115 : memref<128x128xf32, #tpu.memory_space<hbm>>) target_semaphore(%run_scoped3A : memref<!tpu.dma_semaphore, #tpu.memory_space<semaphore_mem>>)
      %dma_wait3A_119 = arith.constant 0 : i32
      %dma_wait3A_120 = arith.constant 0 : i32
      %dma_wait3A_121 = tpu.memref_slice %arg8[%dma_wait3A_119, %dma_wait3A_120] : memref<256x128xf32, #tpu.memory_space<vmem>> -> memref<128x128xf32, #tpu.memory_space<vmem>>
      %dma_wait3A_122 = arith.constant 0 : i32
      %dma_wait3A_123 = tpu.memref_slice %arg5[%add3A_109, %dma_wait3A_122] : memref<20480x128xf32, #tpu.memory_space<hbm>> -> memref<128x128xf32, #tpu.memory_space<hbm>>
      %dma_wait3A_124 = arith.constant 0 : i32
      %dma_wait3A_125 = tpu.memref_slice %arg5[%add3A_109, %dma_wait3A_124] : memref<20480x128xf32, #tpu.memory_space<hbm>> -> memref<128x128xf32, #tpu.memory_space<hbm>>
      %dma_wait3A_126 = arith.constant 0 : i32
      %dma_wait3A_127 = arith.constant 0 : i32
      %dma_wait3A_128 = tpu.memref_slice %arg8[%dma_wait3A_126, %dma_wait3A_127] : memref<256x128xf32, #tpu.memory_space<vmem>> -> memref<128x128xf32, #tpu.memory_space<vmem>>
      tpu.wait_dma2 semaphore(%run_scoped3A : memref<!tpu.dma_semaphore, #tpu.memory_space<semaphore_mem>>) src(%dma_wait3A_128 : memref<128x128xf32, #tpu.memory_space<vmem>>) dst(%dma_wait3A_125 : memref<128x128xf32, #tpu.memory_space<hbm>>)
      tpu.yield
    }) : () -> ()
    return
  }
}

#map = affine_map<(d0, d1) -> (0)>
#map1 = affine_map<(d0, d1) -> (0, 0)>
module attributes {stable_mosaic.version = 14 : i64} {
  func.func @deg_kernel(%arg0: i32, %arg1: i32, %arg2: memref<323584xi32, #tpu.memory_space<hbm>>, %arg3: memref<20480x128xf32, #tpu.memory_space<hbm>>, %arg4: memref<79x128xi32, #tpu.memory_space<vmem>>, %arg5: memref<128x128xf32, #tpu.memory_space<vmem>>, %arg6: memref<10240x128xf32, #tpu.memory_space<vmem_shared>>, %arg7: memref<!tpu.dma_semaphore, #tpu.memory_space<semaphore_mem>>) attributes {dimension_semantics = [#tpu.dimension_semantics<core_parallel>, #tpu.dimension_semantics<subcore_parallel>], iteration_bounds = array<i64: 2, 16>, scalar_prefetch = 0 : i64, scratch_operands = 4 : i64, tpu.core_type = #tpu.core_type<sc_vector_subcore>, window_params = [{transform_indices = #map}, {transform_indices = #map1}]} {
    %mul3A = arith.constant 16 : i32
    %mul3A_0 = arith.muli %arg0, %mul3A : i32
    %add3A = arith.addi %mul3A_0, %arg1 : i32
    %mul3A_1 = arith.constant 79 : i32
    %mul3A_2 = arith.muli %add3A, %mul3A_1 : i32
    %mul3A_3 = arith.constant 128 : i32
    %mul3A_4 = arith.muli %mul3A_2, %mul3A_3 : i32
    %mul3A_5 = arith.constant 640 : i32
    %mul3A_6 = arith.muli %arg1, %mul3A_5 : i32
    %scan3A = arith.constant 0 : i32
    %scan3A_7 = arith.constant 0 : i32
    %scan3A_8 = arith.constant 79 : i32
    %scan3A_9 = arith.addi %scan3A_7, %scan3A_8 : i32
    %scan3A_10 = arith.constant 1 : i32
    %scan3A_11 = scf.for %scan3A_77 = %scan3A_7 to %scan3A_9 step %scan3A_10 iter_args(%scan3A_78 = %scan3A) -> (i32)  : i32 {
      %mul3A_79 = arith.constant 128 : i32
      %mul3A_80 = arith.muli %scan3A_77, %mul3A_79 : i32
      %add3A_81 = arith.addi %mul3A_4, %mul3A_80 : i32
      %dma_start3A = arith.constant 0 : i32
      %dma_start3A_82 = tpu.memref_slice %arg4[%scan3A_77, %dma_start3A] : memref<79x128xi32, #tpu.memory_space<vmem>> -> memref<1x128xi32, #tpu.memory_space<vmem>>
      %dma_start3A_83 = tpu.memref_squeeze %dma_start3A_82 : memref<1x128xi32, #tpu.memory_space<vmem>> -> memref<128xi32, #tpu.memory_space<vmem>>
      %dma_start3A_84 = tpu.memref_slice %arg2[%add3A_81] : memref<323584xi32, #tpu.memory_space<hbm>> -> memref<128xi32, #tpu.memory_space<hbm>>
      %dma_start3A_85 = arith.constant 0 : i32
      %dma_start3A_86 = tpu.memref_slice %arg4[%scan3A_77, %dma_start3A_85] : memref<79x128xi32, #tpu.memory_space<vmem>> -> memref<1x128xi32, #tpu.memory_space<vmem>>
      %dma_start3A_87 = tpu.memref_squeeze %dma_start3A_86 : memref<1x128xi32, #tpu.memory_space<vmem>> -> memref<128xi32, #tpu.memory_space<vmem>>
      %dma_start3A_88 = tpu.memref_slice %arg2[%add3A_81] : memref<323584xi32, #tpu.memory_space<hbm>> -> memref<128xi32, #tpu.memory_space<hbm>>
      tpu.enqueue_dma source(%dma_start3A_88 : memref<128xi32, #tpu.memory_space<hbm>>) target(%dma_start3A_87 : memref<128xi32, #tpu.memory_space<vmem>>) target_semaphore(%arg7 : memref<!tpu.dma_semaphore, #tpu.memory_space<semaphore_mem>>)
      %scan3A_89 = arith.constant 0 : i32
      scf.yield %scan3A_89 : i32
    }
    %scan3A_12 = arith.constant 79 : i32
    %scan3A_13 = arith.constant 0 : i32
    %scan3A_14 = arith.constant 0 : i32
    %scan3A_15 = arith.constant 128 : i32
    %scan3A_16 = arith.addi %scan3A_14, %scan3A_15 : i32
    %scan3A_17 = arith.constant 1 : i32
    %scan3A_18 = scf.for %scan3A_77 = %scan3A_14 to %scan3A_16 step %scan3A_17 iter_args(%scan3A_78 = %scan3A_13) -> (i32)  : i32 {
      %broadcast_in_dim3A = arith.constant 0.000000e+00 : f32
      %broadcast_in_dim3A_79 = vector.broadcast %broadcast_in_dim3A : f32 to vector<16xf32>
      %swap3A = arith.index_cast %scan3A_77 : i32 to index
      %swap3A_80 = arith.constant 0 : index
      %swap3A_81 = tpu.vector_load %arg5[%swap3A, %swap3A_80] {strides = array<i32>} : memref<128x128xf32, #tpu.memory_space<vmem>>, vector<1x16xf32>,
      %swap3A_82 = vector.shape_cast %swap3A_81 : vector<1x16xf32> to vector<16xf32>
      %swap3A_83 = vector.shape_cast %broadcast_in_dim3A_79 : vector<16xf32> to vector<1x16xf32>
      tpu.vector_store %arg5[%swap3A, %swap3A_80], %swap3A_83 {strides = array<i32>} : memref<128x128xf32, #tpu.memory_space<vmem>>, vector<1x16xf32>,
      %broadcast_in_dim3A_84 = arith.constant 0.000000e+00 : f32
      %broadcast_in_dim3A_85 = vector.broadcast %broadcast_in_dim3A_84 : f32 to vector<16xf32>
      %swap3A_86 = arith.index_cast %scan3A_77 : i32 to index
      %swap3A_87 = arith.constant 16 : index
      %swap3A_88 = tpu.vector_load %arg5[%swap3A_86, %swap3A_87] {strides = array<i32>} : memref<128x128xf32, #tpu.memory_space<vmem>>, vector<1x16xf32>,
      %swap3A_89 = vector.shape_cast %swap3A_88 : vector<1x16xf32> to vector<16xf32>
      %swap3A_90 = vector.shape_cast %broadcast_in_dim3A_85 : vector<16xf32> to vector<1x16xf32>
      tpu.vector_store %arg5[%swap3A_86, %swap3A_87], %swap3A_90 {strides = array<i32>} : memref<128x128xf32, #tpu.memory_space<vmem>>, vector<1x16xf32>,
      %broadcast_in_dim3A_91 = arith.constant 0.000000e+00 : f32
      %broadcast_in_dim3A_92 = vector.broadcast %broadcast_in_dim3A_91 : f32 to vector<16xf32>
      %swap3A_93 = arith.index_cast %scan3A_77 : i32 to index
      %swap3A_94 = arith.constant 32 : index
      %swap3A_95 = tpu.vector_load %arg5[%swap3A_93, %swap3A_94] {strides = array<i32>} : memref<128x128xf32, #tpu.memory_space<vmem>>, vector<1x16xf32>,
      %swap3A_96 = vector.shape_cast %swap3A_95 : vector<1x16xf32> to vector<16xf32>
      %swap3A_97 = vector.shape_cast %broadcast_in_dim3A_92 : vector<16xf32> to vector<1x16xf32>
      tpu.vector_store %arg5[%swap3A_93, %swap3A_94], %swap3A_97 {strides = array<i32>} : memref<128x128xf32, #tpu.memory_space<vmem>>, vector<1x16xf32>,
      %broadcast_in_dim3A_98 = arith.constant 0.000000e+00 : f32
      %broadcast_in_dim3A_99 = vector.broadcast %broadcast_in_dim3A_98 : f32 to vector<16xf32>
      %swap3A_100 = arith.index_cast %scan3A_77 : i32 to index
      %swap3A_101 = arith.constant 48 : index
      %swap3A_102 = tpu.vector_load %arg5[%swap3A_100, %swap3A_101] {strides = array<i32>} : memref<128x128xf32, #tpu.memory_space<vmem>>, vector<1x16xf32>,
      %swap3A_103 = vector.shape_cast %swap3A_102 : vector<1x16xf32> to vector<16xf32>
      %swap3A_104 = vector.shape_cast %broadcast_in_dim3A_99 : vector<16xf32> to vector<1x16xf32>
      tpu.vector_store %arg5[%swap3A_100, %swap3A_101], %swap3A_104 {strides = array<i32>} : memref<128x128xf32, #tpu.memory_space<vmem>>, vector<1x16xf32>,
      %broadcast_in_dim3A_105 = arith.constant 0.000000e+00 : f32
      %broadcast_in_dim3A_106 = vector.broadcast %broadcast_in_dim3A_105 : f32 to vector<16xf32>
      %swap3A_107 = arith.index_cast %scan3A_77 : i32 to index
      %swap3A_108 = arith.constant 64 : index
      %swap3A_109 = tpu.vector_load %arg5[%swap3A_107, %swap3A_108] {strides = array<i32>} : memref<128x128xf32, #tpu.memory_space<vmem>>, vector<1x16xf32>,
      %swap3A_110 = vector.shape_cast %swap3A_109 : vector<1x16xf32> to vector<16xf32>
      %swap3A_111 = vector.shape_cast %broadcast_in_dim3A_106 : vector<16xf32> to vector<1x16xf32>
      tpu.vector_store %arg5[%swap3A_107, %swap3A_108], %swap3A_111 {strides = array<i32>} : memref<128x128xf32, #tpu.memory_space<vmem>>, vector<1x16xf32>,
      %broadcast_in_dim3A_112 = arith.constant 0.000000e+00 : f32
      %broadcast_in_dim3A_113 = vector.broadcast %broadcast_in_dim3A_112 : f32 to vector<16xf32>
      %swap3A_114 = arith.index_cast %scan3A_77 : i32 to index
      %swap3A_115 = arith.constant 80 : index
      %swap3A_116 = tpu.vector_load %arg5[%swap3A_114, %swap3A_115] {strides = array<i32>} : memref<128x128xf32, #tpu.memory_space<vmem>>, vector<1x16xf32>,
      %swap3A_117 = vector.shape_cast %swap3A_116 : vector<1x16xf32> to vector<16xf32>
      %swap3A_118 = vector.shape_cast %broadcast_in_dim3A_113 : vector<16xf32> to vector<1x16xf32>
      tpu.vector_store %arg5[%swap3A_114, %swap3A_115], %swap3A_118 {strides = array<i32>} : memref<128x128xf32, #tpu.memory_space<vmem>>, vector<1x16xf32>,
      %broadcast_in_dim3A_119 = arith.constant 0.000000e+00 : f32
      %broadcast_in_dim3A_120 = vector.broadcast %broadcast_in_dim3A_119 : f32 to vector<16xf32>
      %swap3A_121 = arith.index_cast %scan3A_77 : i32 to index
      %swap3A_122 = arith.constant 96 : index
      %swap3A_123 = tpu.vector_load %arg5[%swap3A_121, %swap3A_122] {strides = array<i32>} : memref<128x128xf32, #tpu.memory_space<vmem>>, vector<1x16xf32>,
      %swap3A_124 = vector.shape_cast %swap3A_123 : vector<1x16xf32> to vector<16xf32>
      %swap3A_125 = vector.shape_cast %broadcast_in_dim3A_120 : vector<16xf32> to vector<1x16xf32>
      tpu.vector_store %arg5[%swap3A_121, %swap3A_122], %swap3A_125 {strides = array<i32>} : memref<128x128xf32, #tpu.memory_space<vmem>>, vector<1x16xf32>,
      %broadcast_in_dim3A_126 = arith.constant 0.000000e+00 : f32
      %broadcast_in_dim3A_127 = vector.broadcast %broadcast_in_dim3A_126 : f32 to vector<16xf32>
      %swap3A_128 = arith.index_cast %scan3A_77 : i32 to index
      %swap3A_129 = arith.constant 112 : index
      %swap3A_130 = tpu.vector_load %arg5[%swap3A_128, %swap3A_129] {strides = array<i32>} : memref<128x128xf32, #tpu.memory_space<vmem>>, vector<1x16xf32>,
      %swap3A_131 = vector.shape_cast %swap3A_130 : vector<1x16xf32> to vector<16xf32>
      %swap3A_132 = vector.shape_cast %broadcast_in_dim3A_127 : vector<16xf32> to vector<1x16xf32>
      tpu.vector_store %arg5[%swap3A_128, %swap3A_129], %swap3A_132 {strides = array<i32>} : memref<128x128xf32, #tpu.memory_space<vmem>>, vector<1x16xf32>,
      %scan3A_133 = arith.constant 0 : i32
      scf.yield %scan3A_133 : i32
    }
    %scan3A_19 = arith.constant 128 : i32
    %add3A_20 = arith.constant 0 : i32
    %add3A_21 = arith.addi %mul3A_6, %add3A_20 : i32
    "tpu.region"() ({
      %run_scoped3A = tpu.sem_alloc : memref<!tpu.dma_semaphore, #tpu.memory_space<semaphore_mem>>
      %dma_start3A = arith.constant 0 : i32
      %dma_start3A_77 = tpu.memref_slice %arg6[%add3A_21, %dma_start3A] : memref<10240x128xf32, #tpu.memory_space<vmem_shared>> -> memref<128x128xf32, #tpu.memory_space<vmem_shared>>
      %dma_start3A_78 = arith.constant 0 : i32
      %dma_start3A_79 = tpu.memref_slice %arg6[%add3A_21, %dma_start3A_78] : memref<10240x128xf32, #tpu.memory_space<vmem_shared>> -> memref<128x128xf32, #tpu.memory_space<vmem_shared>>
      tpu.enqueue_dma source(%arg5 : memref<128x128xf32, #tpu.memory_space<vmem>>) target(%dma_start3A_79 : memref<128x128xf32, #tpu.memory_space<vmem_shared>>) target_semaphore(%run_scoped3A : memref<!tpu.dma_semaphore, #tpu.memory_space<semaphore_mem>>)
      %dma_wait3A = arith.constant 0 : i32
      %dma_wait3A_80 = tpu.memref_slice %arg6[%add3A_21, %dma_wait3A] : memref<10240x128xf32, #tpu.memory_space<vmem_shared>> -> memref<128x128xf32, #tpu.memory_space<vmem_shared>>
      %dma_wait3A_81 = arith.constant 0 : i32
      %dma_wait3A_82 = tpu.memref_slice %arg6[%add3A_21, %dma_wait3A_81] : memref<10240x128xf32, #tpu.memory_space<vmem_shared>> -> memref<128x128xf32, #tpu.memory_space<vmem_shared>>
      tpu.wait_dma2 semaphore(%run_scoped3A : memref<!tpu.dma_semaphore, #tpu.memory_space<semaphore_mem>>) src(%arg5 : memref<128x128xf32, #tpu.memory_space<vmem>>) dst(%dma_wait3A_82 : memref<128x128xf32, #tpu.memory_space<vmem_shared>>)
      tpu.yield
    }) : () -> ()
    %add3A_22 = arith.constant 128 : i32
    %add3A_23 = arith.addi %mul3A_6, %add3A_22 : i32
    "tpu.region"() ({
      %run_scoped3A = tpu.sem_alloc : memref<!tpu.dma_semaphore, #tpu.memory_space<semaphore_mem>>
      %dma_start3A = arith.constant 0 : i32
      %dma_start3A_77 = tpu.memref_slice %arg6[%add3A_23, %dma_start3A] : memref<10240x128xf32, #tpu.memory_space<vmem_shared>> -> memref<128x128xf32, #tpu.memory_space<vmem_shared>>
      %dma_start3A_78 = arith.constant 0 : i32
      %dma_start3A_79 = tpu.memref_slice %arg6[%add3A_23, %dma_start3A_78] : memref<10240x128xf32, #tpu.memory_space<vmem_shared>> -> memref<128x128xf32, #tpu.memory_space<vmem_shared>>
      tpu.enqueue_dma source(%arg5 : memref<128x128xf32, #tpu.memory_space<vmem>>) target(%dma_start3A_79 : memref<128x128xf32, #tpu.memory_space<vmem_shared>>) target_semaphore(%run_scoped3A : memref<!tpu.dma_semaphore, #tpu.memory_space<semaphore_mem>>)
      %dma_wait3A = arith.constant 0 : i32
      %dma_wait3A_80 = tpu.memref_slice %arg6[%add3A_23, %dma_wait3A] : memref<10240x128xf32, #tpu.memory_space<vmem_shared>> -> memref<128x128xf32, #tpu.memory_space<vmem_shared>>
      %dma_wait3A_81 = arith.constant 0 : i32
      %dma_wait3A_82 = tpu.memref_slice %arg6[%add3A_23, %dma_wait3A_81] : memref<10240x128xf32, #tpu.memory_space<vmem_shared>> -> memref<128x128xf32, #tpu.memory_space<vmem_shared>>
      tpu.wait_dma2 semaphore(%run_scoped3A : memref<!tpu.dma_semaphore, #tpu.memory_space<semaphore_mem>>) src(%arg5 : memref<128x128xf32, #tpu.memory_space<vmem>>) dst(%dma_wait3A_82 : memref<128x128xf32, #tpu.memory_space<vmem_shared>>)
      tpu.yield
    }) : () -> ()
    %add3A_24 = arith.constant 256 : i32
    %add3A_25 = arith.addi %mul3A_6, %add3A_24 : i32
    "tpu.region"() ({
      %run_scoped3A = tpu.sem_alloc : memref<!tpu.dma_semaphore, #tpu.memory_space<semaphore_mem>>
      %dma_start3A = arith.constant 0 : i32
      %dma_start3A_77 = tpu.memref_slice %arg6[%add3A_25, %dma_start3A] : memref<10240x128xf32, #tpu.memory_space<vmem_shared>> -> memref<128x128xf32, #tpu.memory_space<vmem_shared>>
      %dma_start3A_78 = arith.constant 0 : i32
      %dma_start3A_79 = tpu.memref_slice %arg6[%add3A_25, %dma_start3A_78] : memref<10240x128xf32, #tpu.memory_space<vmem_shared>> -> memref<128x128xf32, #tpu.memory_space<vmem_shared>>
      tpu.enqueue_dma source(%arg5 : memref<128x128xf32, #tpu.memory_space<vmem>>) target(%dma_start3A_79 : memref<128x128xf32, #tpu.memory_space<vmem_shared>>) target_semaphore(%run_scoped3A : memref<!tpu.dma_semaphore, #tpu.memory_space<semaphore_mem>>)
      %dma_wait3A = arith.constant 0 : i32
      %dma_wait3A_80 = tpu.memref_slice %arg6[%add3A_25, %dma_wait3A] : memref<10240x128xf32, #tpu.memory_space<vmem_shared>> -> memref<128x128xf32, #tpu.memory_space<vmem_shared>>
      %dma_wait3A_81 = arith.constant 0 : i32
      %dma_wait3A_82 = tpu.memref_slice %arg6[%add3A_25, %dma_wait3A_81] : memref<10240x128xf32, #tpu.memory_space<vmem_shared>> -> memref<128x128xf32, #tpu.memory_space<vmem_shared>>
      tpu.wait_dma2 semaphore(%run_scoped3A : memref<!tpu.dma_semaphore, #tpu.memory_space<semaphore_mem>>) src(%arg5 : memref<128x128xf32, #tpu.memory_space<vmem>>) dst(%dma_wait3A_82 : memref<128x128xf32, #tpu.memory_space<vmem_shared>>)
      tpu.yield
    }) : () -> ()
    %add3A_26 = arith.constant 384 : i32
    %add3A_27 = arith.addi %mul3A_6, %add3A_26 : i32
    "tpu.region"() ({
      %run_scoped3A = tpu.sem_alloc : memref<!tpu.dma_semaphore, #tpu.memory_space<semaphore_mem>>
      %dma_start3A = arith.constant 0 : i32
      %dma_start3A_77 = tpu.memref_slice %arg6[%add3A_27, %dma_start3A] : memref<10240x128xf32, #tpu.memory_space<vmem_shared>> -> memref<128x128xf32, #tpu.memory_space<vmem_shared>>
      %dma_start3A_78 = arith.constant 0 : i32
      %dma_start3A_79 = tpu.memref_slice %arg6[%add3A_27, %dma_start3A_78] : memref<10240x128xf32, #tpu.memory_space<vmem_shared>> -> memref<128x128xf32, #tpu.memory_space<vmem_shared>>
      tpu.enqueue_dma source(%arg5 : memref<128x128xf32, #tpu.memory_space<vmem>>) target(%dma_start3A_79 : memref<128x128xf32, #tpu.memory_space<vmem_shared>>) target_semaphore(%run_scoped3A : memref<!tpu.dma_semaphore, #tpu.memory_space<semaphore_mem>>)
      %dma_wait3A = arith.constant 0 : i32
      %dma_wait3A_80 = tpu.memref_slice %arg6[%add3A_27, %dma_wait3A] : memref<10240x128xf32, #tpu.memory_space<vmem_shared>> -> memref<128x128xf32, #tpu.memory_space<vmem_shared>>
      %dma_wait3A_81 = arith.constant 0 : i32
      %dma_wait3A_82 = tpu.memref_slice %arg6[%add3A_27, %dma_wait3A_81] : memref<10240x128xf32, #tpu.memory_space<vmem_shared>> -> memref<128x128xf32, #tpu.memory_space<vmem_shared>>
      tpu.wait_dma2 semaphore(%run_scoped3A : memref<!tpu.dma_semaphore, #tpu.memory_space<semaphore_mem>>) src(%arg5 : memref<128x128xf32, #tpu.memory_space<vmem>>) dst(%dma_wait3A_82 : memref<128x128xf32, #tpu.memory_space<vmem_shared>>)
      tpu.yield
    }) : () -> ()
    %add3A_28 = arith.constant 512 : i32
    %add3A_29 = arith.addi %mul3A_6, %add3A_28 : i32
    "tpu.region"() ({
      %run_scoped3A = tpu.sem_alloc : memref<!tpu.dma_semaphore, #tpu.memory_space<semaphore_mem>>
      %dma_start3A = arith.constant 0 : i32
      %dma_start3A_77 = tpu.memref_slice %arg6[%add3A_29, %dma_start3A] : memref<10240x128xf32, #tpu.memory_space<vmem_shared>> -> memref<128x128xf32, #tpu.memory_space<vmem_shared>>
      %dma_start3A_78 = arith.constant 0 : i32
      %dma_start3A_79 = tpu.memref_slice %arg6[%add3A_29, %dma_start3A_78] : memref<10240x128xf32, #tpu.memory_space<vmem_shared>> -> memref<128x128xf32, #tpu.memory_space<vmem_shared>>
      tpu.enqueue_dma source(%arg5 : memref<128x128xf32, #tpu.memory_space<vmem>>) target(%dma_start3A_79 : memref<128x128xf32, #tpu.memory_space<vmem_shared>>) target_semaphore(%run_scoped3A : memref<!tpu.dma_semaphore, #tpu.memory_space<semaphore_mem>>)
      %dma_wait3A = arith.constant 0 : i32
      %dma_wait3A_80 = tpu.memref_slice %arg6[%add3A_29, %dma_wait3A] : memref<10240x128xf32, #tpu.memory_space<vmem_shared>> -> memref<128x128xf32, #tpu.memory_space<vmem_shared>>
      %dma_wait3A_81 = arith.constant 0 : i32
      %dma_wait3A_82 = tpu.memref_slice %arg6[%add3A_29, %dma_wait3A_81] : memref<10240x128xf32, #tpu.memory_space<vmem_shared>> -> memref<128x128xf32, #tpu.memory_space<vmem_shared>>
      tpu.wait_dma2 semaphore(%run_scoped3A : memref<!tpu.dma_semaphore, #tpu.memory_space<semaphore_mem>>) src(%arg5 : memref<128x128xf32, #tpu.memory_space<vmem>>) dst(%dma_wait3A_82 : memref<128x128xf32, #tpu.memory_space<vmem_shared>>)
      tpu.yield
    }) : () -> ()
    %scan3A_30 = arith.constant 0 : i32
    %scan3A_31 = arith.constant 0 : i32
    %scan3A_32 = arith.constant 79 : i32
    %scan3A_33 = arith.addi %scan3A_31, %scan3A_32 : i32
    %scan3A_34 = arith.constant 1 : i32
    %scan3A_35 = scf.for %scan3A_77 = %scan3A_31 to %scan3A_33 step %scan3A_34 iter_args(%scan3A_78 = %scan3A_30) -> (i32)  : i32 {
      %mul3A_79 = arith.constant 128 : i32
      %mul3A_80 = arith.muli %scan3A_77, %mul3A_79 : i32
      %add3A_81 = arith.addi %mul3A_4, %mul3A_80 : i32
      %dma_wait3A = arith.constant 0 : i32
      %dma_wait3A_82 = tpu.memref_slice %arg4[%scan3A_77, %dma_wait3A] : memref<79x128xi32, #tpu.memory_space<vmem>> -> memref<1x128xi32, #tpu.memory_space<vmem>>
      %dma_wait3A_83 = tpu.memref_squeeze %dma_wait3A_82 : memref<1x128xi32, #tpu.memory_space<vmem>> -> memref<128xi32, #tpu.memory_space<vmem>>
      %dma_wait3A_84 = tpu.memref_slice %arg2[%add3A_81] : memref<323584xi32, #tpu.memory_space<hbm>> -> memref<128xi32, #tpu.memory_space<hbm>>
      %dma_wait3A_85 = arith.constant 0 : i32
      %dma_wait3A_86 = tpu.memref_slice %arg4[%scan3A_77, %dma_wait3A_85] : memref<79x128xi32, #tpu.memory_space<vmem>> -> memref<1x128xi32, #tpu.memory_space<vmem>>
      %dma_wait3A_87 = tpu.memref_squeeze %dma_wait3A_86 : memref<1x128xi32, #tpu.memory_space<vmem>> -> memref<128xi32, #tpu.memory_space<vmem>>
      %dma_wait3A_88 = tpu.memref_slice %arg2[%add3A_81] : memref<323584xi32, #tpu.memory_space<hbm>> -> memref<128xi32, #tpu.memory_space<hbm>>
      tpu.wait_dma2 semaphore(%arg7 : memref<!tpu.dma_semaphore, #tpu.memory_space<semaphore_mem>>) src(%dma_wait3A_88 : memref<128xi32, #tpu.memory_space<hbm>>) dst(%dma_wait3A_87 : memref<128xi32, #tpu.memory_space<vmem>>)
      %scan3A_89 = arith.constant 0 : i32
      scf.yield %scan3A_89 : i32
    }
    %scan3A_36 = arith.constant 79 : i32
    %barrier3A = arith.constant 0 : index
    tpu.barrier barrier_id(%barrier3A)
    %scan3A_37 = arith.constant 0 : i32
    %scan3A_38 = arith.constant 0 : i32
    %scan3A_39 = arith.constant 128 : i32
    %scan3A_40 = arith.addi %scan3A_38, %scan3A_39 : i32
    %scan3A_41 = arith.constant 1 : i32
    %scan3A_42 = scf.for %scan3A_77 = %scan3A_38 to %scan3A_40 step %scan3A_41 iter_args(%scan3A_78 = %scan3A_37) -> (i32)  : i32 {
      %broadcast_in_dim3A = arith.constant 1.000000e+00 : f32
      %broadcast_in_dim3A_79 = vector.broadcast %broadcast_in_dim3A : f32 to vector<16xf32>
      %swap3A = arith.index_cast %scan3A_77 : i32 to index
      %swap3A_80 = arith.constant 0 : index
      %swap3A_81 = tpu.vector_load %arg5[%swap3A, %swap3A_80] {strides = array<i32>} : memref<128x128xf32, #tpu.memory_space<vmem>>, vector<1x16xf32>,
      %swap3A_82 = vector.shape_cast %swap3A_81 : vector<1x16xf32> to vector<16xf32>
      %swap3A_83 = vector.shape_cast %broadcast_in_dim3A_79 : vector<16xf32> to vector<1x16xf32>
      tpu.vector_store %arg5[%swap3A, %swap3A_80], %swap3A_83 {strides = array<i32>} : memref<128x128xf32, #tpu.memory_space<vmem>>, vector<1x16xf32>,
      %broadcast_in_dim3A_84 = arith.constant 1.000000e+00 : f32
      %broadcast_in_dim3A_85 = vector.broadcast %broadcast_in_dim3A_84 : f32 to vector<16xf32>
      %swap3A_86 = arith.index_cast %scan3A_77 : i32 to index
      %swap3A_87 = arith.constant 16 : index
      %swap3A_88 = tpu.vector_load %arg5[%swap3A_86, %swap3A_87] {strides = array<i32>} : memref<128x128xf32, #tpu.memory_space<vmem>>, vector<1x16xf32>,
      %swap3A_89 = vector.shape_cast %swap3A_88 : vector<1x16xf32> to vector<16xf32>
      %swap3A_90 = vector.shape_cast %broadcast_in_dim3A_85 : vector<16xf32> to vector<1x16xf32>
      tpu.vector_store %arg5[%swap3A_86, %swap3A_87], %swap3A_90 {strides = array<i32>} : memref<128x128xf32, #tpu.memory_space<vmem>>, vector<1x16xf32>,
      %broadcast_in_dim3A_91 = arith.constant 1.000000e+00 : f32
      %broadcast_in_dim3A_92 = vector.broadcast %broadcast_in_dim3A_91 : f32 to vector<16xf32>
      %swap3A_93 = arith.index_cast %scan3A_77 : i32 to index
      %swap3A_94 = arith.constant 32 : index
      %swap3A_95 = tpu.vector_load %arg5[%swap3A_93, %swap3A_94] {strides = array<i32>} : memref<128x128xf32, #tpu.memory_space<vmem>>, vector<1x16xf32>,
      %swap3A_96 = vector.shape_cast %swap3A_95 : vector<1x16xf32> to vector<16xf32>
      %swap3A_97 = vector.shape_cast %broadcast_in_dim3A_92 : vector<16xf32> to vector<1x16xf32>
      tpu.vector_store %arg5[%swap3A_93, %swap3A_94], %swap3A_97 {strides = array<i32>} : memref<128x128xf32, #tpu.memory_space<vmem>>, vector<1x16xf32>,
      %broadcast_in_dim3A_98 = arith.constant 1.000000e+00 : f32
      %broadcast_in_dim3A_99 = vector.broadcast %broadcast_in_dim3A_98 : f32 to vector<16xf32>
      %swap3A_100 = arith.index_cast %scan3A_77 : i32 to index
      %swap3A_101 = arith.constant 48 : index
      %swap3A_102 = tpu.vector_load %arg5[%swap3A_100, %swap3A_101] {strides = array<i32>} : memref<128x128xf32, #tpu.memory_space<vmem>>, vector<1x16xf32>,
      %swap3A_103 = vector.shape_cast %swap3A_102 : vector<1x16xf32> to vector<16xf32>
      %swap3A_104 = vector.shape_cast %broadcast_in_dim3A_99 : vector<16xf32> to vector<1x16xf32>
      tpu.vector_store %arg5[%swap3A_100, %swap3A_101], %swap3A_104 {strides = array<i32>} : memref<128x128xf32, #tpu.memory_space<vmem>>, vector<1x16xf32>,
      %broadcast_in_dim3A_105 = arith.constant 1.000000e+00 : f32
      %broadcast_in_dim3A_106 = vector.broadcast %broadcast_in_dim3A_105 : f32 to vector<16xf32>
      %swap3A_107 = arith.index_cast %scan3A_77 : i32 to index
      %swap3A_108 = arith.constant 64 : index
      %swap3A_109 = tpu.vector_load %arg5[%swap3A_107, %swap3A_108] {strides = array<i32>} : memref<128x128xf32, #tpu.memory_space<vmem>>, vector<1x16xf32>,
      %swap3A_110 = vector.shape_cast %swap3A_109 : vector<1x16xf32> to vector<16xf32>
      %swap3A_111 = vector.shape_cast %broadcast_in_dim3A_106 : vector<16xf32> to vector<1x16xf32>
      tpu.vector_store %arg5[%swap3A_107, %swap3A_108], %swap3A_111 {strides = array<i32>} : memref<128x128xf32, #tpu.memory_space<vmem>>, vector<1x16xf32>,
      %broadcast_in_dim3A_112 = arith.constant 1.000000e+00 : f32
      %broadcast_in_dim3A_113 = vector.broadcast %broadcast_in_dim3A_112 : f32 to vector<16xf32>
      %swap3A_114 = arith.index_cast %scan3A_77 : i32 to index
      %swap3A_115 = arith.constant 80 : index
      %swap3A_116 = tpu.vector_load %arg5[%swap3A_114, %swap3A_115] {strides = array<i32>} : memref<128x128xf32, #tpu.memory_space<vmem>>, vector<1x16xf32>,
      %swap3A_117 = vector.shape_cast %swap3A_116 : vector<1x16xf32> to vector<16xf32>
      %swap3A_118 = vector.shape_cast %broadcast_in_dim3A_113 : vector<16xf32> to vector<1x16xf32>
      tpu.vector_store %arg5[%swap3A_114, %swap3A_115], %swap3A_118 {strides = array<i32>} : memref<128x128xf32, #tpu.memory_space<vmem>>, vector<1x16xf32>,
      %broadcast_in_dim3A_119 = arith.constant 1.000000e+00 : f32
      %broadcast_in_dim3A_120 = vector.broadcast %broadcast_in_dim3A_119 : f32 to vector<16xf32>
      %swap3A_121 = arith.index_cast %scan3A_77 : i32 to index
      %swap3A_122 = arith.constant 96 : index
      %swap3A_123 = tpu.vector_load %arg5[%swap3A_121, %swap3A_122] {strides = array<i32>} : memref<128x128xf32, #tpu.memory_space<vmem>>, vector<1x16xf32>,
      %swap3A_124 = vector.shape_cast %swap3A_123 : vector<1x16xf32> to vector<16xf32>
      %swap3A_125 = vector.shape_cast %broadcast_in_dim3A_120 : vector<16xf32> to vector<1x16xf32>
      tpu.vector_store %arg5[%swap3A_121, %swap3A_122], %swap3A_125 {strides = array<i32>} : memref<128x128xf32, #tpu.memory_space<vmem>>, vector<1x16xf32>,
      %broadcast_in_dim3A_126 = arith.constant 1.000000e+00 : f32
      %broadcast_in_dim3A_127 = vector.broadcast %broadcast_in_dim3A_126 : f32 to vector<16xf32>
      %swap3A_128 = arith.index_cast %scan3A_77 : i32 to index
      %swap3A_129 = arith.constant 112 : index
      %swap3A_130 = tpu.vector_load %arg5[%swap3A_128, %swap3A_129] {strides = array<i32>} : memref<128x128xf32, #tpu.memory_space<vmem>>, vector<1x16xf32>,
      %swap3A_131 = vector.shape_cast %swap3A_130 : vector<1x16xf32> to vector<16xf32>
      %swap3A_132 = vector.shape_cast %broadcast_in_dim3A_127 : vector<16xf32> to vector<1x16xf32>
      tpu.vector_store %arg5[%swap3A_128, %swap3A_129], %swap3A_132 {strides = array<i32>} : memref<128x128xf32, #tpu.memory_space<vmem>>, vector<1x16xf32>,
      %scan3A_133 = arith.constant 0 : i32
      scf.yield %scan3A_133 : i32
    }
    %scan3A_43 = arith.constant 128 : i32
    %scan3A_44 = arith.constant 0 : i32
    %scan3A_45 = arith.constant 0 : i32
    %scan3A_46 = arith.constant 79 : i32
    %scan3A_47 = arith.addi %scan3A_45, %scan3A_46 : i32
    %scan3A_48 = arith.constant 1 : i32
    %scan3A_49 = scf.for %scan3A_77 = %scan3A_45 to %scan3A_47 step %scan3A_48 iter_args(%scan3A_78 = %scan3A_44) -> (i32)  : i32 {
      "tpu.region"() ({
        %run_scoped3A = tpu.sem_alloc : memref<!tpu.dma_semaphore, #tpu.memory_space<semaphore_mem>>
        %dma_start3A = arith.constant 0 : i32
        %dma_start3A_80 = tpu.memref_slice %arg4[%scan3A_77, %dma_start3A] : memref<79x128xi32, #tpu.memory_space<vmem>> -> memref<1x128xi32, #tpu.memory_space<vmem>>
        %dma_start3A_81 = tpu.memref_squeeze %dma_start3A_80 : memref<1x128xi32, #tpu.memory_space<vmem>> -> memref<128xi32, #tpu.memory_space<vmem>>
        %dma_start3A_82 = arith.constant 0 : i32
        %dma_start3A_83 = arith.constant 0 : i32
        %dma_start3A_84 = tpu.memref_slice %arg6[%dma_start3A_82, %dma_start3A_83] : memref<10240x128xf32, #tpu.memory_space<vmem_shared>> -> memref<10240x128xf32, #tpu.memory_space<vmem_shared>>
        tpu.enqueue_indirect_dma source(%arg5 : memref<128x128xf32, #tpu.memory_space<vmem>>) target(%dma_start3A_84 : memref<10240x128xf32, #tpu.memory_space<vmem_shared>>) offsets(%dma_start3A_81 : memref<128xi32, #tpu.memory_space<vmem>>) semaphore(%run_scoped3A : memref<!tpu.dma_semaphore, #tpu.memory_space<semaphore_mem>>) {add = true}
        %dma_wait3A = arith.constant 0 : i32
        %dma_wait3A_85 = tpu.memref_slice %arg4[%scan3A_77, %dma_wait3A] : memref<79x128xi32, #tpu.memory_space<vmem>> -> memref<1x128xi32, #tpu.memory_space<vmem>>
        %dma_wait3A_86 = tpu.memref_squeeze %dma_wait3A_85 : memref<1x128xi32, #tpu.memory_space<vmem>> -> memref<128xi32, #tpu.memory_space<vmem>>
        %dma_wait3A_87 = arith.constant 0 : i32
        %dma_wait3A_88 = arith.constant 0 : i32
        %dma_wait3A_89 = tpu.memref_slice %arg6[%dma_wait3A_87, %dma_wait3A_88] : memref<10240x128xf32, #tpu.memory_space<vmem_shared>> -> memref<10240x128xf32, #tpu.memory_space<vmem_shared>>
        tpu.wait_indirect_dma semaphore(%run_scoped3A : memref<!tpu.dma_semaphore, #tpu.memory_space<semaphore_mem>>) src(%arg5 : memref<128x128xf32, #tpu.memory_space<vmem>>) dst(%dma_wait3A_89 : memref<10240x128xf32, #tpu.memory_space<vmem_shared>>)
        tpu.yield
      }) : () -> ()
      %scan3A_79 = arith.constant 0 : i32
      scf.yield %scan3A_79 : i32
    }
    %scan3A_50 = arith.constant 79 : i32
    %barrier3A_51 = arith.constant 0 : index
    tpu.barrier barrier_id(%barrier3A_51)
    %add3A_52 = arith.constant 0 : i32
    %add3A_53 = arith.addi %mul3A_6, %add3A_52 : i32
    "tpu.region"() ({
      %run_scoped3A = tpu.sem_alloc : memref<!tpu.dma_semaphore, #tpu.memory_space<semaphore_mem>>
      %dma_start3A = arith.constant 0 : i32
      %dma_start3A_77 = tpu.memref_slice %arg6[%add3A_53, %dma_start3A] : memref<10240x128xf32, #tpu.memory_space<vmem_shared>> -> memref<128x128xf32, #tpu.memory_space<vmem_shared>>
      %dma_start3A_78 = arith.constant 0 : i32
      %dma_start3A_79 = tpu.memref_slice %arg6[%add3A_53, %dma_start3A_78] : memref<10240x128xf32, #tpu.memory_space<vmem_shared>> -> memref<128x128xf32, #tpu.memory_space<vmem_shared>>
      tpu.enqueue_dma source(%dma_start3A_79 : memref<128x128xf32, #tpu.memory_space<vmem_shared>>) target(%arg5 : memref<128x128xf32, #tpu.memory_space<vmem>>) target_semaphore(%run_scoped3A : memref<!tpu.dma_semaphore, #tpu.memory_space<semaphore_mem>>)
      %dma_wait3A = arith.constant 0 : i32
      %dma_wait3A_80 = tpu.memref_slice %arg6[%add3A_53, %dma_wait3A] : memref<10240x128xf32, #tpu.memory_space<vmem_shared>> -> memref<128x128xf32, #tpu.memory_space<vmem_shared>>
      %dma_wait3A_81 = arith.constant 0 : i32
      %dma_wait3A_82 = tpu.memref_slice %arg6[%add3A_53, %dma_wait3A_81] : memref<10240x128xf32, #tpu.memory_space<vmem_shared>> -> memref<128x128xf32, #tpu.memory_space<vmem_shared>>
      tpu.wait_dma2 semaphore(%run_scoped3A : memref<!tpu.dma_semaphore, #tpu.memory_space<semaphore_mem>>) src(%dma_wait3A_82 : memref<128x128xf32, #tpu.memory_space<vmem_shared>>) dst(%arg5 : memref<128x128xf32, #tpu.memory_space<vmem>>)
      tpu.yield
    }) : () -> ()
    %mul3A_54 = arith.constant 10240 : i32
    %mul3A_55 = arith.muli %arg0, %mul3A_54 : i32
    %add3A_56 = arith.addi %mul3A_55, %add3A_53 : i32
    "tpu.region"() ({
      %run_scoped3A = tpu.sem_alloc : memref<!tpu.dma_semaphore, #tpu.memory_space<semaphore_mem>>
      %dma_start3A = arith.constant 0 : i32
      %dma_start3A_77 = tpu.memref_slice %arg3[%add3A_56, %dma_start3A] : memref<20480x128xf32, #tpu.memory_space<hbm>> -> memref<128x128xf32, #tpu.memory_space<hbm>>
      %dma_start3A_78 = arith.constant 0 : i32
      %dma_start3A_79 = tpu.memref_slice %arg3[%add3A_56, %dma_start3A_78] : memref<20480x128xf32, #tpu.memory_space<hbm>> -> memref<128x128xf32, #tpu.memory_space<hbm>>
      tpu.enqueue_dma source(%arg5 : memref<128x128xf32, #tpu.memory_space<vmem>>) target(%dma_start3A_79 : memref<128x128xf32, #tpu.memory_space<hbm>>) target_semaphore(%run_scoped3A : memref<!tpu.dma_semaphore, #tpu.memory_space<semaphore_mem>>)
      %dma_wait3A = arith.constant 0 : i32
      %dma_wait3A_80 = tpu.memref_slice %arg3[%add3A_56, %dma_wait3A] : memref<20480x128xf32, #tpu.memory_space<hbm>> -> memref<128x128xf32, #tpu.memory_space<hbm>>
      %dma_wait3A_81 = arith.constant 0 : i32
      %dma_wait3A_82 = tpu.memref_slice %arg3[%add3A_56, %dma_wait3A_81] : memref<20480x128xf32, #tpu.memory_space<hbm>> -> memref<128x128xf32, #tpu.memory_space<hbm>>
      tpu.wait_dma2 semaphore(%run_scoped3A : memref<!tpu.dma_semaphore, #tpu.memory_space<semaphore_mem>>) src(%arg5 : memref<128x128xf32, #tpu.memory_space<vmem>>) dst(%dma_wait3A_82 : memref<128x128xf32, #tpu.memory_space<hbm>>)
      tpu.yield
    }) : () -> ()
    %add3A_57 = arith.constant 128 : i32
    %add3A_58 = arith.addi %mul3A_6, %add3A_57 : i32
    "tpu.region"() ({
      %run_scoped3A = tpu.sem_alloc : memref<!tpu.dma_semaphore, #tpu.memory_space<semaphore_mem>>
      %dma_start3A = arith.constant 0 : i32
      %dma_start3A_77 = tpu.memref_slice %arg6[%add3A_58, %dma_start3A] : memref<10240x128xf32, #tpu.memory_space<vmem_shared>> -> memref<128x128xf32, #tpu.memory_space<vmem_shared>>
      %dma_start3A_78 = arith.constant 0 : i32
      %dma_start3A_79 = tpu.memref_slice %arg6[%add3A_58, %dma_start3A_78] : memref<10240x128xf32, #tpu.memory_space<vmem_shared>> -> memref<128x128xf32, #tpu.memory_space<vmem_shared>>
      tpu.enqueue_dma source(%dma_start3A_79 : memref<128x128xf32, #tpu.memory_space<vmem_shared>>) target(%arg5 : memref<128x128xf32, #tpu.memory_space<vmem>>) target_semaphore(%run_scoped3A : memref<!tpu.dma_semaphore, #tpu.memory_space<semaphore_mem>>)
      %dma_wait3A = arith.constant 0 : i32
      %dma_wait3A_80 = tpu.memref_slice %arg6[%add3A_58, %dma_wait3A] : memref<10240x128xf32, #tpu.memory_space<vmem_shared>> -> memref<128x128xf32, #tpu.memory_space<vmem_shared>>
      %dma_wait3A_81 = arith.constant 0 : i32
      %dma_wait3A_82 = tpu.memref_slice %arg6[%add3A_58, %dma_wait3A_81] : memref<10240x128xf32, #tpu.memory_space<vmem_shared>> -> memref<128x128xf32, #tpu.memory_space<vmem_shared>>
      tpu.wait_dma2 semaphore(%run_scoped3A : memref<!tpu.dma_semaphore, #tpu.memory_space<semaphore_mem>>) src(%dma_wait3A_82 : memref<128x128xf32, #tpu.memory_space<vmem_shared>>) dst(%arg5 : memref<128x128xf32, #tpu.memory_space<vmem>>)
      tpu.yield
    }) : () -> ()
    %mul3A_59 = arith.constant 10240 : i32
    %mul3A_60 = arith.muli %arg0, %mul3A_59 : i32
    %add3A_61 = arith.addi %mul3A_60, %add3A_58 : i32
    "tpu.region"() ({
      %run_scoped3A = tpu.sem_alloc : memref<!tpu.dma_semaphore, #tpu.memory_space<semaphore_mem>>
      %dma_start3A = arith.constant 0 : i32
      %dma_start3A_77 = tpu.memref_slice %arg3[%add3A_61, %dma_start3A] : memref<20480x128xf32, #tpu.memory_space<hbm>> -> memref<128x128xf32, #tpu.memory_space<hbm>>
      %dma_start3A_78 = arith.constant 0 : i32
      %dma_start3A_79 = tpu.memref_slice %arg3[%add3A_61, %dma_start3A_78] : memref<20480x128xf32, #tpu.memory_space<hbm>> -> memref<128x128xf32, #tpu.memory_space<hbm>>
      tpu.enqueue_dma source(%arg5 : memref<128x128xf32, #tpu.memory_space<vmem>>) target(%dma_start3A_79 : memref<128x128xf32, #tpu.memory_space<hbm>>) target_semaphore(%run_scoped3A : memref<!tpu.dma_semaphore, #tpu.memory_space<semaphore_mem>>)
      %dma_wait3A = arith.constant 0 : i32
      %dma_wait3A_80 = tpu.memref_slice %arg3[%add3A_61, %dma_wait3A] : memref<20480x128xf32, #tpu.memory_space<hbm>> -> memref<128x128xf32, #tpu.memory_space<hbm>>
      %dma_wait3A_81 = arith.constant 0 : i32
      %dma_wait3A_82 = tpu.memref_slice %arg3[%add3A_61, %dma_wait3A_81] : memref<20480x128xf32, #tpu.memory_space<hbm>> -> memref<128x128xf32, #tpu.memory_space<hbm>>
      tpu.wait_dma2 semaphore(%run_scoped3A : memref<!tpu.dma_semaphore, #tpu.memory_space<semaphore_mem>>) src(%arg5 : memref<128x128xf32, #tpu.memory_space<vmem>>) dst(%dma_wait3A_82 : memref<128x128xf32, #tpu.memory_space<hbm>>)
      tpu.yield
    }) : () -> ()
    %add3A_62 = arith.constant 256 : i32
    %add3A_63 = arith.addi %mul3A_6, %add3A_62 : i32
    "tpu.region"() ({
      %run_scoped3A = tpu.sem_alloc : memref<!tpu.dma_semaphore, #tpu.memory_space<semaphore_mem>>
      %dma_start3A = arith.constant 0 : i32
      %dma_start3A_77 = tpu.memref_slice %arg6[%add3A_63, %dma_start3A] : memref<10240x128xf32, #tpu.memory_space<vmem_shared>> -> memref<128x128xf32, #tpu.memory_space<vmem_shared>>
      %dma_start3A_78 = arith.constant 0 : i32
      %dma_start3A_79 = tpu.memref_slice %arg6[%add3A_63, %dma_start3A_78] : memref<10240x128xf32, #tpu.memory_space<vmem_shared>> -> memref<128x128xf32, #tpu.memory_space<vmem_shared>>
      tpu.enqueue_dma source(%dma_start3A_79 : memref<128x128xf32, #tpu.memory_space<vmem_shared>>) target(%arg5 : memref<128x128xf32, #tpu.memory_space<vmem>>) target_semaphore(%run_scoped3A : memref<!tpu.dma_semaphore, #tpu.memory_space<semaphore_mem>>)
      %dma_wait3A = arith.constant 0 : i32
      %dma_wait3A_80 = tpu.memref_slice %arg6[%add3A_63, %dma_wait3A] : memref<10240x128xf32, #tpu.memory_space<vmem_shared>> -> memref<128x128xf32, #tpu.memory_space<vmem_shared>>
      %dma_wait3A_81 = arith.constant 0 : i32
      %dma_wait3A_82 = tpu.memref_slice %arg6[%add3A_63, %dma_wait3A_81] : memref<10240x128xf32, #tpu.memory_space<vmem_shared>> -> memref<128x128xf32, #tpu.memory_space<vmem_shared>>
      tpu.wait_dma2 semaphore(%run_scoped3A : memref<!tpu.dma_semaphore, #tpu.memory_space<semaphore_mem>>) src(%dma_wait3A_82 : memref<128x128xf32, #tpu.memory_space<vmem_shared>>) dst(%arg5 : memref<128x128xf32, #tpu.memory_space<vmem>>)
      tpu.yield
    }) : () -> ()
    %mul3A_64 = arith.constant 10240 : i32
    %mul3A_65 = arith.muli %arg0, %mul3A_64 : i32
    %add3A_66 = arith.addi %mul3A_65, %add3A_63 : i32
    "tpu.region"() ({
      %run_scoped3A = tpu.sem_alloc : memref<!tpu.dma_semaphore, #tpu.memory_space<semaphore_mem>>
      %dma_start3A = arith.constant 0 : i32
      %dma_start3A_77 = tpu.memref_slice %arg3[%add3A_66, %dma_start3A] : memref<20480x128xf32, #tpu.memory_space<hbm>> -> memref<128x128xf32, #tpu.memory_space<hbm>>
      %dma_start3A_78 = arith.constant 0 : i32
      %dma_start3A_79 = tpu.memref_slice %arg3[%add3A_66, %dma_start3A_78] : memref<20480x128xf32, #tpu.memory_space<hbm>> -> memref<128x128xf32, #tpu.memory_space<hbm>>
      tpu.enqueue_dma source(%arg5 : memref<128x128xf32, #tpu.memory_space<vmem>>) target(%dma_start3A_79 : memref<128x128xf32, #tpu.memory_space<hbm>>) target_semaphore(%run_scoped3A : memref<!tpu.dma_semaphore, #tpu.memory_space<semaphore_mem>>)
      %dma_wait3A = arith.constant 0 : i32
      %dma_wait3A_80 = tpu.memref_slice %arg3[%add3A_66, %dma_wait3A] : memref<20480x128xf32, #tpu.memory_space<hbm>> -> memref<128x128xf32, #tpu.memory_space<hbm>>
      %dma_wait3A_81 = arith.constant 0 : i32
      %dma_wait3A_82 = tpu.memref_slice %arg3[%add3A_66, %dma_wait3A_81] : memref<20480x128xf32, #tpu.memory_space<hbm>> -> memref<128x128xf32, #tpu.memory_space<hbm>>
      tpu.wait_dma2 semaphore(%run_scoped3A : memref<!tpu.dma_semaphore, #tpu.memory_space<semaphore_mem>>) src(%arg5 : memref<128x128xf32, #tpu.memory_space<vmem>>) dst(%dma_wait3A_82 : memref<128x128xf32, #tpu.memory_space<hbm>>)
      tpu.yield
    }) : () -> ()
    %add3A_67 = arith.constant 384 : i32
    %add3A_68 = arith.addi %mul3A_6, %add3A_67 : i32
    "tpu.region"() ({
      %run_scoped3A = tpu.sem_alloc : memref<!tpu.dma_semaphore, #tpu.memory_space<semaphore_mem>>
      %dma_start3A = arith.constant 0 : i32
      %dma_start3A_77 = tpu.memref_slice %arg6[%add3A_68, %dma_start3A] : memref<10240x128xf32, #tpu.memory_space<vmem_shared>> -> memref<128x128xf32, #tpu.memory_space<vmem_shared>>
      %dma_start3A_78 = arith.constant 0 : i32
      %dma_start3A_79 = tpu.memref_slice %arg6[%add3A_68, %dma_start3A_78] : memref<10240x128xf32, #tpu.memory_space<vmem_shared>> -> memref<128x128xf32, #tpu.memory_space<vmem_shared>>
      tpu.enqueue_dma source(%dma_start3A_79 : memref<128x128xf32, #tpu.memory_space<vmem_shared>>) target(%arg5 : memref<128x128xf32, #tpu.memory_space<vmem>>) target_semaphore(%run_scoped3A : memref<!tpu.dma_semaphore, #tpu.memory_space<semaphore_mem>>)
      %dma_wait3A = arith.constant 0 : i32
      %dma_wait3A_80 = tpu.memref_slice %arg6[%add3A_68, %dma_wait3A] : memref<10240x128xf32, #tpu.memory_space<vmem_shared>> -> memref<128x128xf32, #tpu.memory_space<vmem_shared>>
      %dma_wait3A_81 = arith.constant 0 : i32
      %dma_wait3A_82 = tpu.memref_slice %arg6[%add3A_68, %dma_wait3A_81] : memref<10240x128xf32, #tpu.memory_space<vmem_shared>> -> memref<128x128xf32, #tpu.memory_space<vmem_shared>>
      tpu.wait_dma2 semaphore(%run_scoped3A : memref<!tpu.dma_semaphore, #tpu.memory_space<semaphore_mem>>) src(%dma_wait3A_82 : memref<128x128xf32, #tpu.memory_space<vmem_shared>>) dst(%arg5 : memref<128x128xf32, #tpu.memory_space<vmem>>)
      tpu.yield
    }) : () -> ()
    %mul3A_69 = arith.constant 10240 : i32
    %mul3A_70 = arith.muli %arg0, %mul3A_69 : i32
    %add3A_71 = arith.addi %mul3A_70, %add3A_68 : i32
    "tpu.region"() ({
      %run_scoped3A = tpu.sem_alloc : memref<!tpu.dma_semaphore, #tpu.memory_space<semaphore_mem>>
      %dma_start3A = arith.constant 0 : i32
      %dma_start3A_77 = tpu.memref_slice %arg3[%add3A_71, %dma_start3A] : memref<20480x128xf32, #tpu.memory_space<hbm>> -> memref<128x128xf32, #tpu.memory_space<hbm>>
      %dma_start3A_78 = arith.constant 0 : i32
      %dma_start3A_79 = tpu.memref_slice %arg3[%add3A_71, %dma_start3A_78] : memref<20480x128xf32, #tpu.memory_space<hbm>> -> memref<128x128xf32, #tpu.memory_space<hbm>>
      tpu.enqueue_dma source(%arg5 : memref<128x128xf32, #tpu.memory_space<vmem>>) target(%dma_start3A_79 : memref<128x128xf32, #tpu.memory_space<hbm>>) target_semaphore(%run_scoped3A : memref<!tpu.dma_semaphore, #tpu.memory_space<semaphore_mem>>)
      %dma_wait3A = arith.constant 0 : i32
      %dma_wait3A_80 = tpu.memref_slice %arg3[%add3A_71, %dma_wait3A] : memref<20480x128xf32, #tpu.memory_space<hbm>> -> memref<128x128xf32, #tpu.memory_space<hbm>>
      %dma_wait3A_81 = arith.constant 0 : i32
      %dma_wait3A_82 = tpu.memref_slice %arg3[%add3A_71, %dma_wait3A_81] : memref<20480x128xf32, #tpu.memory_space<hbm>> -> memref<128x128xf32, #tpu.memory_space<hbm>>
      tpu.wait_dma2 semaphore(%run_scoped3A : memref<!tpu.dma_semaphore, #tpu.memory_space<semaphore_mem>>) src(%arg5 : memref<128x128xf32, #tpu.memory_space<vmem>>) dst(%dma_wait3A_82 : memref<128x128xf32, #tpu.memory_space<hbm>>)
      tpu.yield
    }) : () -> ()
    %add3A_72 = arith.constant 512 : i32
    %add3A_73 = arith.addi %mul3A_6, %add3A_72 : i32
    "tpu.region"() ({
      %run_scoped3A = tpu.sem_alloc : memref<!tpu.dma_semaphore, #tpu.memory_space<semaphore_mem>>
      %dma_start3A = arith.constant 0 : i32
      %dma_start3A_77 = tpu.memref_slice %arg6[%add3A_73, %dma_start3A] : memref<10240x128xf32, #tpu.memory_space<vmem_shared>> -> memref<128x128xf32, #tpu.memory_space<vmem_shared>>
      %dma_start3A_78 = arith.constant 0 : i32
      %dma_start3A_79 = tpu.memref_slice %arg6[%add3A_73, %dma_start3A_78] : memref<10240x128xf32, #tpu.memory_space<vmem_shared>> -> memref<128x128xf32, #tpu.memory_space<vmem_shared>>
      tpu.enqueue_dma source(%dma_start3A_79 : memref<128x128xf32, #tpu.memory_space<vmem_shared>>) target(%arg5 : memref<128x128xf32, #tpu.memory_space<vmem>>) target_semaphore(%run_scoped3A : memref<!tpu.dma_semaphore, #tpu.memory_space<semaphore_mem>>)
      %dma_wait3A = arith.constant 0 : i32
      %dma_wait3A_80 = tpu.memref_slice %arg6[%add3A_73, %dma_wait3A] : memref<10240x128xf32, #tpu.memory_space<vmem_shared>> -> memref<128x128xf32, #tpu.memory_space<vmem_shared>>
      %dma_wait3A_81 = arith.constant 0 : i32
      %dma_wait3A_82 = tpu.memref_slice %arg6[%add3A_73, %dma_wait3A_81] : memref<10240x128xf32, #tpu.memory_space<vmem_shared>> -> memref<128x128xf32, #tpu.memory_space<vmem_shared>>
      tpu.wait_dma2 semaphore(%run_scoped3A : memref<!tpu.dma_semaphore, #tpu.memory_space<semaphore_mem>>) src(%dma_wait3A_82 : memref<128x128xf32, #tpu.memory_space<vmem_shared>>) dst(%arg5 : memref<128x128xf32, #tpu.memory_space<vmem>>)
      tpu.yield
    }) : () -> ()
    %mul3A_74 = arith.constant 10240 : i32
    %mul3A_75 = arith.muli %arg0, %mul3A_74 : i32
    %add3A_76 = arith.addi %mul3A_75, %add3A_73 : i32
    "tpu.region"() ({
      %run_scoped3A = tpu.sem_alloc : memref<!tpu.dma_semaphore, #tpu.memory_space<semaphore_mem>>
      %dma_start3A = arith.constant 0 : i32
      %dma_start3A_77 = tpu.memref_slice %arg3[%add3A_76, %dma_start3A] : memref<20480x128xf32, #tpu.memory_space<hbm>> -> memref<128x128xf32, #tpu.memory_space<hbm>>
      %dma_start3A_78 = arith.constant 0 : i32
      %dma_start3A_79 = tpu.memref_slice %arg3[%add3A_76, %dma_start3A_78] : memref<20480x128xf32, #tpu.memory_space<hbm>> -> memref<128x128xf32, #tpu.memory_space<hbm>>
      tpu.enqueue_dma source(%arg5 : memref<128x128xf32, #tpu.memory_space<vmem>>) target(%dma_start3A_79 : memref<128x128xf32, #tpu.memory_space<hbm>>) target_semaphore(%run_scoped3A : memref<!tpu.dma_semaphore, #tpu.memory_space<semaphore_mem>>)
      %dma_wait3A = arith.constant 0 : i32
      %dma_wait3A_80 = tpu.memref_slice %arg3[%add3A_76, %dma_wait3A] : memref<20480x128xf32, #tpu.memory_space<hbm>> -> memref<128x128xf32, #tpu.memory_space<hbm>>
      %dma_wait3A_81 = arith.constant 0 : i32
      %dma_wait3A_82 = tpu.memref_slice %arg3[%add3A_76, %dma_wait3A_81] : memref<20480x128xf32, #tpu.memory_space<hbm>> -> memref<128x128xf32, #tpu.memory_space<hbm>>
      tpu.wait_dma2 semaphore(%run_scoped3A : memref<!tpu.dma_semaphore, #tpu.memory_space<semaphore_mem>>) src(%arg5 : memref<128x128xf32, #tpu.memory_space<vmem>>) dst(%dma_wait3A_82 : memref<128x128xf32, #tpu.memory_space<hbm>>)
      tpu.yield
    }) : () -> ()
    return
  }
}

module attributes {stable_mosaic.version = 14 : i64} {
  func.func @body(%arg0: i32, %arg1: memref<256x128xf32, #tpu.memory_space<vmem>>, %arg2: memref<128x128xf32, #tpu.memory_space<vmem>>, %arg3: memref<256x128xf32, #tpu.memory_space<vmem>>) attributes {dimension_semantics = [#tpu.dimension_semantics<arbitrary>], iteration_bounds = array<i64: 40>, scalar_prefetch = 0 : i64, scratch_operands = 0 : i64, tpu.core_type = #tpu.core_type<tc>, window_params = [{transform_indices = @transform_0, window_bounds = array<i64: 256, 128>}, {pipeline_mode = #tpu.pipeline_mode<synchronous>, transform_indices = @transform_1, window_bounds = array<i64: 128, 128>}, {transform_indices = @transform_2, window_bounds = array<i64: 256, 128>}]} {
    %get3A = arith.constant 0 : index
    %get3A_0 = arith.constant 0 : index
    %get3A_1 = vector.load %arg1[%get3A, %get3A_0] : memref<256x128xf32, #tpu.memory_space<vmem>>, vector<256x128xf32>
    %get3A_2 = arith.constant 0 : index
    %get3A_3 = arith.constant 0 : index
    %get3A_4 = vector.load %arg2[%get3A_2, %get3A_3] : memref<128x128xf32, #tpu.memory_space<vmem>>, vector<128x128xf32>
    %dot_general3A = arith.constant dense<0.000000e+00> : vector<256x128xf32>
    %dot_general3A_5 = tpu.matmul %get3A_1, %get3A_4, %dot_general3A {dimension_numbers = #tpu.dot_dimension_numbers<[1], [0], [0], [1], [0, 0, 1, 1], [], []>, transpose_lhs_hint = false} : vector<256x128xf32>, vector<128x128xf32>, vector<256x128xf32> -> vector<256x128xf32>
    %swap3A = arith.constant 0 : index
    %swap3A_6 = arith.constant 0 : index
    %swap3A_7 = vector.load %arg3[%swap3A, %swap3A_6] : memref<256x128xf32, #tpu.memory_space<vmem>>, vector<256x128xf32>
    tpu.vector_store %arg3[%swap3A, %swap3A_6], %dot_general3A_5 {strides = array<i32>} : memref<256x128xf32, #tpu.memory_space<vmem>>, vector<256x128xf32>,
    return
  }
  func.func @transform_0(%arg0: i32) -> (i32, i32) {
    %c0_i32 = arith.constant 0 : i32
    %c0_i32_0 = arith.constant 0 : i32
    return %arg0, %c0_i32 : i32, i32
  }
  func.func @transform_1(%arg0: i32) -> (i32, i32) {
    %c0_i32 = arith.constant 0 : i32
    %c0_i32_0 = arith.constant 0 : i32
    %c0_i32_1 = arith.constant 0 : i32
    return %c0_i32, %c0_i32_0 : i32, i32
  }
  func.func @transform_2(%arg0: i32) -> (i32, i32) {
    %c0_i32 = arith.constant 0 : i32
    %c0_i32_0 = arith.constant 0 : i32
    return %arg0, %c0_i32 : i32, i32
  }
}

module attributes {stable_mosaic.version = 14 : i64} {
  func.func @body(%arg0: i32, %arg1: memref<256x128xf32, #tpu.memory_space<vmem>>, %arg2: memref<2x256x128xf32, #tpu.memory_space<vmem>>, %arg3: memref<256x128xf32, #tpu.memory_space<vmem>>, %arg4: memref<256x8xf32, #tpu.memory_space<vmem>>) attributes {dimension_semantics = [#tpu.dimension_semantics<arbitrary>], iteration_bounds = array<i64: 40>, scalar_prefetch = 0 : i64, scratch_operands = 0 : i64, tpu.core_type = #tpu.core_type<tc>, window_params = [{transform_indices = @transform_0, window_bounds = array<i64: 256, 128>}, {transform_indices = @transform_1, window_bounds = array<i64: 2, 256, 128>}, {transform_indices = @transform_2, window_bounds = array<i64: 256, 128>}, {transform_indices = @transform_3, window_bounds = array<i64: 256, 8>}]} {
    %get3A = arith.constant 0 : index
    %get3A_0 = arith.constant 0 : index
    %get3A_1 = arith.constant 0 : index
    %get3A_2 = vector.load %arg2[%get3A, %get3A_0, %get3A_1] : memref<2x256x128xf32, #tpu.memory_space<vmem>>, vector<2x256x128xf32>
    %slice3A = vector.extract_strided_slice %get3A_2 {offsets = [0, 0, 0], sizes = [2, 256, 1], strides = [1, 1, 1]} : vector<2x256x128xf32> to vector<2x256x1xf32>
    %reduce_sum3A = arith.constant dense<0.000000e+00> : vector<256x1xf32>
    %reduce_sum3A_3 = vector.multi_reduction <add>, %slice3A, %reduce_sum3A [0] : vector<2x256x1xf32> to vector<256x1xf32>
    %add3A = arith.constant 1.000000e+00 : f32
    %add3A_4 = vector.broadcast %add3A : f32 to vector<256x1xf32>
    %add3A_5 = arith.addf %reduce_sum3A_3, %add3A_4 : vector<256x1xf32>
    %rsqrt3A = math.rsqrt %add3A_5 : vector<256x1xf32>
    %get3A_6 = arith.constant 0 : index
    %get3A_7 = arith.constant 0 : index
    %get3A_8 = vector.load %arg1[%get3A_6, %get3A_7] : memref<256x128xf32, #tpu.memory_space<vmem>>, vector<256x128xf32>
    %mul3A = vector.broadcast %rsqrt3A : vector<256x1xf32> to vector<256x128xf32>
    %mul3A_9 = arith.mulf %get3A_8, %mul3A : vector<256x128xf32>
    %swap3A = arith.constant 0 : index
    %swap3A_10 = arith.constant 0 : index
    %swap3A_11 = vector.load %arg3[%swap3A, %swap3A_10] : memref<256x128xf32, #tpu.memory_space<vmem>>, vector<256x128xf32>
    tpu.vector_store %arg3[%swap3A, %swap3A_10], %mul3A_9 {strides = array<i32>} : memref<256x128xf32, #tpu.memory_space<vmem>>, vector<256x128xf32>,
    %broadcast_in_dim3A = vector.shape_cast %rsqrt3A : vector<256x1xf32> to vector<256x1xf32>
    %broadcast_in_dim3A_12 = vector.broadcast %broadcast_in_dim3A : vector<256x1xf32> to vector<256x8xf32>
    %swap3A_13 = arith.constant 0 : index
    %swap3A_14 = arith.constant 0 : index
    %swap3A_15 = vector.load %arg4[%swap3A_13, %swap3A_14] : memref<256x8xf32, #tpu.memory_space<vmem>>, vector<256x8xf32>
    tpu.vector_store %arg4[%swap3A_13, %swap3A_14], %broadcast_in_dim3A_12 {strides = array<i32>} : memref<256x8xf32, #tpu.memory_space<vmem>>, vector<256x8xf32>,
    return
  }
  func.func @transform_0(%arg0: i32) -> (i32, i32) {
    %c0_i32 = arith.constant 0 : i32
    %c0_i32_0 = arith.constant 0 : i32
    return %arg0, %c0_i32 : i32, i32
  }
  func.func @transform_1(%arg0: i32) -> (i32, i32, i32) {
    %c0_i32 = arith.constant 0 : i32
    %c0_i32_0 = arith.constant 0 : i32
    %c0_i32_1 = arith.constant 0 : i32
    return %c0_i32, %arg0, %c0_i32_0 : i32, i32, i32
  }
  func.func @transform_2(%arg0: i32) -> (i32, i32) {
    %c0_i32 = arith.constant 0 : i32
    %c0_i32_0 = arith.constant 0 : i32
    return %arg0, %c0_i32 : i32, i32
  }
  func.func @transform_3(%arg0: i32) -> (i32, i32) {
    %c0_i32 = arith.constant 0 : i32
    %c0_i32_0 = arith.constant 0 : i32
    return %arg0, %c0_i32 : i32, i32
  }
}

module attributes {stable_mosaic.version = 14 : i64} {
  func.func @body(%arg0: i32, %arg1: memref<2x256x128xf32, #tpu.memory_space<vmem>>, %arg2: memref<256x128xf32, #tpu.memory_space<vmem>>, %arg3: memref<256x8xf32, #tpu.memory_space<vmem>>, %arg4: memref<1x128xf32, #tpu.memory_space<vmem>>, %arg5: memref<1x1x256xi32, #tpu.memory_space<vmem>>, %arg6: memref<128x64xf32, #tpu.memory_space<vmem>>, %arg7: memref<1x64xf32, #tpu.memory_space<vmem>>, %arg8: memref<64x64xf32, #tpu.memory_space<vmem>>, %arg9: memref<64x128xf32, #tpu.memory_space<vmem>>, %arg10: memref<64x128xf32, #tpu.memory_space<vmem>>) attributes {dimension_semantics = [#tpu.dimension_semantics<arbitrary>], iteration_bounds = array<i64: 40>, scalar_prefetch = 0 : i64, scratch_operands = 2 : i64, tpu.core_type = #tpu.core_type<tc>, window_params = [{transform_indices = @transform_0, window_bounds = array<i64: 2, 256, 128>}, {transform_indices = @transform_1, window_bounds = array<i64: 256, 128>}, {transform_indices = @transform_2, window_bounds = array<i64: 256, 8>}, {pipeline_mode = #tpu.pipeline_mode<synchronous>, transform_indices = @transform_3, window_bounds = array<i64: 1, 128>}, {transform_indices = @transform_4, window_bounds = array<i64: 1, 1, 256>}, {pipeline_mode = #tpu.pipeline_mode<synchronous>, transform_indices = @transform_5, window_bounds = array<i64: 128, 64>}, {pipeline_mode = #tpu.pipeline_mode<synchronous>, transform_indices = @transform_6, window_bounds = array<i64: 1, 64>}, {pipeline_mode = #tpu.pipeline_mode<synchronous>, transform_indices = @transform_7, window_bounds = array<i64: 64, 64>}]} {
    %eq3A = arith.constant 0 : i32
    %eq3A_0 = arith.cmpi eq, %arg0, %eq3A : i32
    %convert_element_type3A = arith.extui %eq3A_0 : i1 to i32
    %cond3A = arith.constant 0 : i32
    %cond3A_1 = arith.cmpi ne, %convert_element_type3A, %cond3A : i32
    scf.if %cond3A_1 {
      %broadcast_in_dim3A_51 = arith.constant 0.000000e+00 : f32
      %broadcast_in_dim3A_52 = vector.broadcast %broadcast_in_dim3A_51 : f32 to vector<64x128xf32>
      %swap3A_53 = arith.constant 0 : index
      %swap3A_54 = arith.constant 0 : index
      %swap3A_55 = vector.load %arg9[%swap3A_53, %swap3A_54] : memref<64x128xf32, #tpu.memory_space<vmem>>, vector<64x128xf32>
      tpu.vector_store %arg9[%swap3A_53, %swap3A_54], %broadcast_in_dim3A_52 {strides = array<i32>} : memref<64x128xf32, #tpu.memory_space<vmem>>, vector<64x128xf32>,
      %broadcast_in_dim3A_56 = arith.constant 0.000000e+00 : f32
      %broadcast_in_dim3A_57 = vector.broadcast %broadcast_in_dim3A_56 : f32 to vector<64x128xf32>
      %swap3A_58 = arith.constant 0 : index
      %swap3A_59 = arith.constant 0 : index
      %swap3A_60 = vector.load %arg10[%swap3A_58, %swap3A_59] : memref<64x128xf32, #tpu.memory_space<vmem>>, vector<64x128xf32>
      tpu.vector_store %arg10[%swap3A_58, %swap3A_59], %broadcast_in_dim3A_57 {strides = array<i32>} : memref<64x128xf32, #tpu.memory_space<vmem>>, vector<64x128xf32>,
    } else {
    }
    %get3A = arith.constant 0 : index
    %get3A_2 = arith.constant 0 : index
    %get3A_3 = arith.constant 0 : index
    %get3A_4 = vector.load %arg1[%get3A, %get3A_2, %get3A_3] : memref<2x256x128xf32, #tpu.memory_space<vmem>>, vector<2x256x128xf32>
    %reduce_sum3A = arith.constant dense<0.000000e+00> : vector<256x128xf32>
    %reduce_sum3A_5 = vector.multi_reduction <add>, %get3A_4, %reduce_sum3A [0] : vector<2x256x128xf32> to vector<256x128xf32>
    %get3A_6 = arith.constant 0 : index
    %get3A_7 = arith.constant 0 : index
    %get3A_8 = vector.load %arg3[%get3A_6, %get3A_7] : memref<256x8xf32, #tpu.memory_space<vmem>>, vector<256x8xf32>
    %slice3A = vector.extract_strided_slice %get3A_8 {offsets = [0, 0], sizes = [256, 1], strides = [1, 1]} : vector<256x8xf32> to vector<256x1xf32>
    %get3A_9 = arith.constant 0 : index
    %get3A_10 = arith.constant 0 : index
    %get3A_11 = vector.load %arg2[%get3A_9, %get3A_10] : memref<256x128xf32, #tpu.memory_space<vmem>>, vector<256x128xf32>
    %add3A = arith.addf %reduce_sum3A_5, %get3A_11 : vector<256x128xf32>
    %mul3A = vector.broadcast %slice3A : vector<256x1xf32> to vector<256x128xf32>
    %mul3A_12 = arith.mulf %add3A, %mul3A : vector<256x128xf32>
    %get3A_13 = arith.constant 0 : index
    %get3A_14 = arith.constant 0 : index
    %get3A_15 = vector.load %arg4[%get3A_13, %get3A_14] : memref<1x128xf32, #tpu.memory_space<vmem>>, vector<1x128xf32>
    %add3A_16 = vector.broadcast %get3A_15 : vector<1x128xf32> to vector<256x128xf32>
    %add3A_17 = arith.addf %mul3A_12, %add3A_16 : vector<256x128xf32>
    %max3A = arith.constant 0.000000e+00 : f32
    %max3A_18 = vector.broadcast %max3A : f32 to vector<256x128xf32>
    %max3A_19 = arith.maximumf %add3A_17, %max3A_18 : vector<256x128xf32>
    %get3A_20 = arith.constant 0 : index
    %get3A_21 = arith.constant 0 : index
    %get3A_22 = arith.constant 0 : index
    %get3A_23 = vector.load %arg5[%get3A_20, %get3A_21, %get3A_22] : memref<1x1x256xi32, #tpu.memory_space<vmem>>, vector<1x1x256xi32>
    %reshape3A = vector.shape_cast %get3A_23 : vector<1x1x256xi32> to vector<256xi32>
    %iota3A = tpu.iota {dimensions = array<i32: 0>} : vector<64x256xi32>
    %broadcast_in_dim3A = vector.shape_cast %reshape3A : vector<256xi32> to vector<1x256xi32>
    %eq3A_24 = vector.broadcast %broadcast_in_dim3A : vector<1x256xi32> to vector<64x256xi32>
    %eq3A_25 = arith.cmpi eq, %iota3A, %eq3A_24 : vector<64x256xi32>
    %convert_element_type3A_26 = arith.extui %eq3A_25 : vector<64x256xi1> to vector<64x256xi32>
    %convert_element_type3A_27 = arith.sitofp %convert_element_type3A_26 : vector<64x256xi32> to vector<64x256xf32>
    %get3A_28 = arith.constant 0 : index
    %get3A_29 = arith.constant 0 : index
    %get3A_30 = vector.load %arg9[%get3A_28, %get3A_29] : memref<64x128xf32, #tpu.memory_space<vmem>>, vector<64x128xf32>
    %dot_general3A = arith.constant dense<0.000000e+00> : vector<64x128xf32>
    %dot_general3A_31 = tpu.matmul %convert_element_type3A_27, %max3A_19, %dot_general3A {dimension_numbers = #tpu.dot_dimension_numbers<[1], [0], [0], [1], [0, 0, 1, 1], [], []>, transpose_lhs_hint = false} : vector<64x256xf32>, vector<256x128xf32>, vector<64x128xf32> -> vector<64x128xf32>
    %add3A_32 = arith.addf %get3A_30, %dot_general3A_31 : vector<64x128xf32>
    %swap3A = arith.constant 0 : index
    %swap3A_33 = arith.constant 0 : index
    %swap3A_34 = vector.load %arg9[%swap3A, %swap3A_33] : memref<64x128xf32, #tpu.memory_space<vmem>>, vector<64x128xf32>
    tpu.vector_store %arg9[%swap3A, %swap3A_33], %add3A_32 {strides = array<i32>} : memref<64x128xf32, #tpu.memory_space<vmem>>, vector<64x128xf32>,
    %get3A_35 = arith.constant 0 : index
    %get3A_36 = arith.constant 0 : index
    %get3A_37 = vector.load %arg10[%get3A_35, %get3A_36] : memref<64x128xf32, #tpu.memory_space<vmem>>, vector<64x128xf32>
    %broadcast_in_dim3A_38 = arith.constant 1.000000e+00 : f32
    %broadcast_in_dim3A_39 = vector.broadcast %broadcast_in_dim3A_38 : f32 to vector<256x128xf32>
    %dot_general3A_40 = arith.constant dense<0.000000e+00> : vector<64x128xf32>
    %dot_general3A_41 = tpu.matmul %convert_element_type3A_27, %broadcast_in_dim3A_39, %dot_general3A_40 {dimension_numbers = #tpu.dot_dimension_numbers<[1], [0], [0], [1], [0, 0, 1, 1], [], []>, transpose_lhs_hint = false} : vector<64x256xf32>, vector<256x128xf32>, vector<64x128xf32> -> vector<64x128xf32>
    %add3A_42 = arith.addf %get3A_37, %dot_general3A_41 : vector<64x128xf32>
    %swap3A_43 = arith.constant 0 : index
    %swap3A_44 = arith.constant 0 : index
    %swap3A_45 = vector.load %arg10[%swap3A_43, %swap3A_44] : memref<64x128xf32, #tpu.memory_space<vmem>>, vector<64x128xf32>
    tpu.vector_store %arg10[%swap3A_43, %swap3A_44], %add3A_42 {strides = array<i32>} : memref<64x128xf32, #tpu.memory_space<vmem>>, vector<64x128xf32>,
    %eq3A_46 = arith.constant 39 : i32
    %eq3A_47 = arith.cmpi eq, %arg0, %eq3A_46 : i32
    %convert_element_type3A_48 = arith.extui %eq3A_47 : i1 to i32
    %cond3A_49 = arith.constant 0 : i32
    %cond3A_50 = arith.cmpi ne, %convert_element_type3A_48, %cond3A_49 : i32
    scf.if %cond3A_50 {
      %get3A_51 = arith.constant 0 : index
      %get3A_52 = arith.constant 0 : index
      %get3A_53 = vector.load %arg9[%get3A_51, %get3A_52] : memref<64x128xf32, #tpu.memory_space<vmem>>, vector<64x128xf32>
      %get3A_54 = arith.constant 0 : index
      %get3A_55 = arith.constant 0 : index
      %get3A_56 = vector.load %arg10[%get3A_54, %get3A_55] : memref<64x128xf32, #tpu.memory_space<vmem>>, vector<64x128xf32>
      %max3A_57 = arith.constant 1.000000e+00 : f32
      %max3A_58 = vector.broadcast %max3A_57 : f32 to vector<64x128xf32>
      %max3A_59 = arith.maximumf %get3A_56, %max3A_58 : vector<64x128xf32>
      %div3A = arith.divf %get3A_53, %max3A_59 : vector<64x128xf32>
      %get3A_60 = arith.constant 0 : index
      %get3A_61 = arith.constant 0 : index
      %get3A_62 = vector.load %arg6[%get3A_60, %get3A_61] : memref<128x64xf32, #tpu.memory_space<vmem>>, vector<128x64xf32>
      %dot_general3A_63 = arith.constant dense<0.000000e+00> : vector<64x64xf32>
      %dot_general3A_64 = tpu.matmul %div3A, %get3A_62, %dot_general3A_63 {dimension_numbers = #tpu.dot_dimension_numbers<[1], [0], [0], [1], [0, 0, 1, 1], [], []>, transpose_lhs_hint = false} : vector<64x128xf32>, vector<128x64xf32>, vector<64x64xf32> -> vector<64x64xf32>
      %get3A_65 = arith.constant 0 : index
      %get3A_66 = arith.constant 0 : index
      %get3A_67 = vector.load %arg7[%get3A_65, %get3A_66] : memref<1x64xf32, #tpu.memory_space<vmem>>, vector<1x64xf32>
      %add3A_68 = vector.broadcast %get3A_67 : vector<1x64xf32> to vector<64x64xf32>
      %add3A_69 = arith.addf %dot_general3A_64, %add3A_68 : vector<64x64xf32>
      %swap3A_70 = arith.constant 0 : index
      %swap3A_71 = arith.constant 0 : index
      %swap3A_72 = vector.load %arg8[%swap3A_70, %swap3A_71] : memref<64x64xf32, #tpu.memory_space<vmem>>, vector<64x64xf32>
      tpu.vector_store %arg8[%swap3A_70, %swap3A_71], %add3A_69 {strides = array<i32>} : memref<64x64xf32, #tpu.memory_space<vmem>>, vector<64x64xf32>,
    } else {
    }
    return
  }
  func.func @transform_0(%arg0: i32) -> (i32, i32, i32) {
    %c0_i32 = arith.constant 0 : i32
    %c0_i32_0 = arith.constant 0 : i32
    %c0_i32_1 = arith.constant 0 : i32
    return %c0_i32, %arg0, %c0_i32_0 : i32, i32, i32
  }
  func.func @transform_1(%arg0: i32) -> (i32, i32) {
    %c0_i32 = arith.constant 0 : i32
    %c0_i32_0 = arith.constant 0 : i32
    return %arg0, %c0_i32 : i32, i32
  }
  func.func @transform_2(%arg0: i32) -> (i32, i32) {
    %c0_i32 = arith.constant 0 : i32
    %c0_i32_0 = arith.constant 0 : i32
    return %arg0, %c0_i32 : i32, i32
  }
  func.func @transform_3(%arg0: i32) -> (i32, i32) {
    %c0_i32 = arith.constant 0 : i32
    %c0_i32_0 = arith.constant 0 : i32
    %c0_i32_1 = arith.constant 0 : i32
    return %c0_i32, %c0_i32_0 : i32, i32
  }
  func.func @transform_4(%arg0: i32) -> (i32, i32, i32) {
    %c0_i32 = arith.constant 0 : i32
    %c0_i32_0 = arith.constant 0 : i32
    %c0_i32_1 = arith.constant 0 : i32
    return %arg0, %c0_i32, %c0_i32_0 : i32, i32, i32
  }
  func.func @transform_5(%arg0: i32) -> (i32, i32) {
    %c0_i32 = arith.constant 0 : i32
    %c0_i32_0 = arith.constant 0 : i32
    %c0_i32_1 = arith.constant 0 : i32
    return %c0_i32, %c0_i32_0 : i32, i32
  }
  func.func @transform_6(%arg0: i32) -> (i32, i32) {
    %c0_i32 = arith.constant 0 : i32
    %c0_i32_0 = arith.constant 0 : i32
    %c0_i32_1 = arith.constant 0 : i32
    return %c0_i32, %c0_i32_0 : i32, i32
  }
  func.func @transform_7(%arg0: i32) -> (i32, i32) {
    %c0_i32 = arith.constant 0 : i32
    %c0_i32_0 = arith.constant 0 : i32
    %c0_i32_1 = arith.constant 0 : i32
    return %c0_i32, %c0_i32_0 : i32, i32
  }
}

module attributes {stable_mosaic.version = 14 : i64} {
  func.func @body(%arg0: i32, %arg1: memref<2x256x128xf32, #tpu.memory_space<vmem>>, %arg2: memref<256x128xf32, #tpu.memory_space<vmem>>, %arg3: memref<256x8xf32, #tpu.memory_space<vmem>>, %arg4: memref<1x128xf32, #tpu.memory_space<vmem>>, %arg5: memref<128x128xf32, #tpu.memory_space<vmem>>, %arg6: memref<256x128xf32, #tpu.memory_space<vmem>>) attributes {dimension_semantics = [#tpu.dimension_semantics<arbitrary>], iteration_bounds = array<i64: 40>, scalar_prefetch = 0 : i64, scratch_operands = 0 : i64, tpu.core_type = #tpu.core_type<tc>, window_params = [{transform_indices = @transform_0, window_bounds = array<i64: 2, 256, 128>}, {transform_indices = @transform_1, window_bounds = array<i64: 256, 128>}, {transform_indices = @transform_2, window_bounds = array<i64: 256, 8>}, {pipeline_mode = #tpu.pipeline_mode<synchronous>, transform_indices = @transform_3, window_bounds = array<i64: 1, 128>}, {pipeline_mode = #tpu.pipeline_mode<synchronous>, transform_indices = @transform_4, window_bounds = array<i64: 128, 128>}, {transform_indices = @transform_5, window_bounds = array<i64: 256, 128>}]} {
    %get3A = arith.constant 0 : index
    %get3A_0 = arith.constant 0 : index
    %get3A_1 = arith.constant 0 : index
    %get3A_2 = vector.load %arg1[%get3A, %get3A_0, %get3A_1] : memref<2x256x128xf32, #tpu.memory_space<vmem>>, vector<2x256x128xf32>
    %reduce_sum3A = arith.constant dense<0.000000e+00> : vector<256x128xf32>
    %reduce_sum3A_3 = vector.multi_reduction <add>, %get3A_2, %reduce_sum3A [0] : vector<2x256x128xf32> to vector<256x128xf32>
    %get3A_4 = arith.constant 0 : index
    %get3A_5 = arith.constant 0 : index
    %get3A_6 = vector.load %arg3[%get3A_4, %get3A_5] : memref<256x8xf32, #tpu.memory_space<vmem>>, vector<256x8xf32>
    %slice3A = vector.extract_strided_slice %get3A_6 {offsets = [0, 0], sizes = [256, 1], strides = [1, 1]} : vector<256x8xf32> to vector<256x1xf32>
    %get3A_7 = arith.constant 0 : index
    %get3A_8 = arith.constant 0 : index
    %get3A_9 = vector.load %arg2[%get3A_7, %get3A_8] : memref<256x128xf32, #tpu.memory_space<vmem>>, vector<256x128xf32>
    %add3A = arith.addf %reduce_sum3A_3, %get3A_9 : vector<256x128xf32>
    %mul3A = vector.broadcast %slice3A : vector<256x1xf32> to vector<256x128xf32>
    %mul3A_10 = arith.mulf %add3A, %mul3A : vector<256x128xf32>
    %get3A_11 = arith.constant 0 : index
    %get3A_12 = arith.constant 0 : index
    %get3A_13 = vector.load %arg4[%get3A_11, %get3A_12] : memref<1x128xf32, #tpu.memory_space<vmem>>, vector<1x128xf32>
    %add3A_14 = vector.broadcast %get3A_13 : vector<1x128xf32> to vector<256x128xf32>
    %add3A_15 = arith.addf %mul3A_10, %add3A_14 : vector<256x128xf32>
    %max3A = arith.constant 0.000000e+00 : f32
    %max3A_16 = vector.broadcast %max3A : f32 to vector<256x128xf32>
    %max3A_17 = arith.maximumf %add3A_15, %max3A_16 : vector<256x128xf32>
    %get3A_18 = arith.constant 0 : index
    %get3A_19 = arith.constant 0 : index
    %get3A_20 = vector.load %arg5[%get3A_18, %get3A_19] : memref<128x128xf32, #tpu.memory_space<vmem>>, vector<128x128xf32>
    %dot_general3A = arith.constant dense<0.000000e+00> : vector<256x128xf32>
    %dot_general3A_21 = tpu.matmul %max3A_17, %get3A_20, %dot_general3A {dimension_numbers = #tpu.dot_dimension_numbers<[1], [0], [0], [1], [0, 0, 1, 1], [], []>, transpose_lhs_hint = false} : vector<256x128xf32>, vector<128x128xf32>, vector<256x128xf32> -> vector<256x128xf32>
    %mul3A_22 = vector.broadcast %slice3A : vector<256x1xf32> to vector<256x128xf32>
    %mul3A_23 = arith.mulf %dot_general3A_21, %mul3A_22 : vector<256x128xf32>
    %swap3A = arith.constant 0 : index
    %swap3A_24 = arith.constant 0 : index
    %swap3A_25 = vector.load %arg6[%swap3A, %swap3A_24] : memref<256x128xf32, #tpu.memory_space<vmem>>, vector<256x128xf32>
    tpu.vector_store %arg6[%swap3A, %swap3A_24], %mul3A_23 {strides = array<i32>} : memref<256x128xf32, #tpu.memory_space<vmem>>, vector<256x128xf32>,
    return
  }
  func.func @transform_0(%arg0: i32) -> (i32, i32, i32) {
    %c0_i32 = arith.constant 0 : i32
    %c0_i32_0 = arith.constant 0 : i32
    %c0_i32_1 = arith.constant 0 : i32
    return %c0_i32, %arg0, %c0_i32_0 : i32, i32, i32
  }
  func.func @transform_1(%arg0: i32) -> (i32, i32) {
    %c0_i32 = arith.constant 0 : i32
    %c0_i32_0 = arith.constant 0 : i32
    return %arg0, %c0_i32 : i32, i32
  }
  func.func @transform_2(%arg0: i32) -> (i32, i32) {
    %c0_i32 = arith.constant 0 : i32
    %c0_i32_0 = arith.constant 0 : i32
    return %arg0, %c0_i32 : i32, i32
  }
  func.func @transform_3(%arg0: i32) -> (i32, i32) {
    %c0_i32 = arith.constant 0 : i32
    %c0_i32_0 = arith.constant 0 : i32
    %c0_i32_1 = arith.constant 0 : i32
    return %c0_i32, %c0_i32_0 : i32, i32
  }
  func.func @transform_4(%arg0: i32) -> (i32, i32) {
    %c0_i32 = arith.constant 0 : i32
    %c0_i32_0 = arith.constant 0 : i32
    %c0_i32_1 = arith.constant 0 : i32
    return %c0_i32, %c0_i32_0 : i32, i32
  }
  func.func @transform_5(%arg0: i32) -> (i32, i32) {
    %c0_i32 = arith.constant 0 : i32
    %c0_i32_0 = arith.constant 0 : i32
    return %arg0, %c0_i32 : i32, i32
  }
}

</mosaic_0001>

<sc_bundles>
// kernel: kernel.12.cloned.1.call-start
scs
__scs_entry_jumppad:
0x0: {  	(pc) =	sbr.rel $0x88, $3  }
0x1: {  	(tag) =	ssettag $0x0;
	lr =	simm.s32 $0x1  }
0x2: {  	[smem:$0x3F98] =	sst lr;
	_ =	strace $0xD0000000  }
0x3: {  	_ = 	snop  }
0x4: {  	_ = 	snop  }
0x5: {  	_ = 	snop  }
0x6: {  	_ = 	snop  }
0x7: {  	_ = 	snop  }
__scs_overlays_trampoline_lowered:
0x8: {  	[smem:$0x3FA7] =	sst s0  }
0x9: {  	[smem:$0x3FA8] =	sst s1  }
0xa: {  	[smem:$0x3FA9] =	sst s2  }
0xb: {  	[smem:$0x3FAA] =	sst s3  }
0xc: {  	[smem:$0x3FAB] =	sst s4  }
0xd: {  	[smem:$0x3FAC] =	sst s5  }
0xe: {  	[smem:$0x3FAD] =	sst s6  }
0xf: {  	[smem:$0x3FAE] =	sst s7  }
0x10: {  	[smem:$0x3FAF] =	sst s8  }
0x11: {  	[smem:$0x3FB0] =	sst s9;
	s0 =	simm.s32 @!p0 $0x0  }
0x12: {  	s1 =	sld [smem:$0x3F96];
	s0 =	simm.s32 @p0 $0x1  }
0x13: {  	[smem:$0x3FB1] =	sst s0;
	s0 =	simm.s32 @!p1 $0x0  }
0x14: {  	s2 =	sld [smem:$0x3F95];
	s0 =	simm.s32 @p1 $0x1  }
0x15: {  	[smem:$0x3FB2] =	sst s0;
	s0 =	simm.s32 @!p2 $0x0  }
0x16: {  	s3 =	sld [smem:$0x3FDB];
	s0 =	simm.s32 @p2 $0x1  }
0x17: {  	s4 =	simm.s32 $0x1BF5;
	[smem:$0x3FB4] =	sst s0  }
0x18: {  	s0 =	sld [smem:$0x3F97];
	_ =	swait.ge [sflag:s4], $0x0  }
0x19: {  	s7 =	sld [smem:$0x3F98]  }
0x1a: {  	s8 =	sadd.s32 $0xFFFFE003, lr  }
0x1b: {  	s9 =	sadd.s32 $0xFFFFFEF7, lr;
	s5 =	simm.s32 $0xFFFFFFFF;
	p2 =	slt.u32 s8, $0xFFFFF086  }
0x1c: {  	p1 =	slt.u32 s9, $0xF7A;
	s5 =	simm.s32 @!p2 $0x0  }
0x1d: {  	s5 =	simm.s32 @p1 $0x1;
	p0 =	seq.s32 s7, s2  }
0x1e: {  	s7 =	smul.u32 @!p0 $0xF7A, s2;
	p2 =	seq.s32 @!p0 s5, $0x0  }
0x1f: {  	s9 =	smul.u32 $0xF7A, s1;
	s8 =	simm.s32 @!p0 $0x1BF5;
	p2 =	por !p2, p0  }
0x20: {  	[sflag:s8] =	ssyncset.s32 @!p0 $0xFFFFF086;
	s6 =	sadd.s32 @!p0 s3, s7;
	s7 =	simm.s32 @!p0 $0x108  }
0x21: {  	s3 =	sadd.s32 s3, s9;
	s6 =	sadd.s32 @!p0 $0x88, s6;
	s7 =	simm.s32 @p2 $0x1082  }
0x22: {  	[simem:s7], [sflag:s8] =	dma.local @!p0 [hbm:s6], $0xF7A  }
0x23: {  	s9 =	sor.u32 $0xD0000000, s2;
	s6 =	simm.s32 $0x108;
	_ =	swait.ge @!p0 [sflag:s8], $0x0  }
0x24: {  	s3 =	sadd.s32 $0x88, s3;
	s6 =	simm.s32 @!p1 $0x1082;
	[sflag:s4] =	ssyncset.s32 $0xFFFFF086  }
0x25: {  	[simem:s6], [sflag:s4] =	dma.local [hbm:s3], $0xF7A  }
0x26: {  	[smem:$0x3F98] =	sst s1;
	(tag) =	ssettag s2;
	_ =	strace s9  }
0x27: {  	s1 =	sld [smem:$0x3FA8]  }
0x28: {  	s2 =	sld [smem:$0x3FA9]  }
0x29: {  	s4 =	sld [smem:$0x3FAB]  }
0x2a: {  	p0 =	seq.s32 s5, $0x0;
	s5 =	sld [smem:$0x3FAC]  }
0x2b: {  	s6 =	sld [smem:$0x3FAD]  }
0x2c: {  	s7 =	sld [smem:$0x3FAE]  }
0x2d: {  	s3 =	simm.s32 $0x108;
	s8 =	sld [smem:$0x3FAF]  }
0x2e: {  	s3 =	simm.s32 @!p0 $0x1082;
	s9 =	sld [smem:$0x3FB0]  }
0x2f: {  	lr =	sadd.s32 s0, s3;
	s0 =	sld [smem:$0x3FA7]  }
0x30: {  	s3 =	sld [smem:$0x3FAA]  }
0x31: {  	[smem:$0x3FB3] =	sst s10  }
0x32: {  	s10 =	sld [smem:$0x3FB1];
	_ =	sdelay $0x3  }
0x33: {  	p0 =	seq.s32 s10, $0x1;
	s10 =	sld [smem:$0x3FB3];
	_ =	sdelay $0x3  }
0x34: {  	[smem:$0x3FB3] =	sst s10  }
0x35: {  	s10 =	sld [smem:$0x3FB2];
	_ =	sdelay $0x3  }
0x36: {  	p1 =	seq.s32 s10, $0x1;
	s10 =	sld [smem:$0x3FB3];
	_ =	sdelay $0x3  }
0x37: {  	[smem:$0x3FB3] =	sst s10  }
0x38: {  	s10 =	sld [smem:$0x3FB4]  }
0x39: {  	_ = 	snop;
	(pc) =	sbr.ind lr, $3  }
0x3a: {  	_ = 	snop  }
0x3b: {  	_ = 	snop  }
0x3c: {  	p2 =	seq.s32 s10, $0x1;
	s10 =	sld [smem:$0x3FB3]  }
0x3d: {  	_ =	shalt  }
0x3e: {  	_ =	shalt  }
0x3f: {  	_ =	shalt  }
0x40: {  	_ =	shalt  }
0x41: {  	_ =	shalt  }
0x42: {  	_ =	shalt  }
0x43: {  	_ =	shalt  }
0x44: {  	_ =	shalt  }
0x45: {  	_ =	shalt  }
0x46: {  	_ =	shalt  }
0x47: {  	_ =	shalt  }
0x48: {  	_ =	shalt  }
0x49: {  	_ =	shalt  }
0x4a: {  	_ =	shalt  }
0x4b: {  	_ =	shalt  }
0x4c: {  	_ =	shalt  }
0x4d: {  	_ =	shalt  }
0x4e: {  	_ =	shalt  }
0x4f: {  	_ =	shalt  }
0x50: {  	_ =	shalt  }
0x51: {  	_ =	shalt  }
0x52: {  	_ =	shalt  }
0x53: {  	_ =	shalt  }
0x54: {  	_ =	shalt  }
0x55: {  	_ =	shalt  }
0x56: {  	_ =	shalt  }
0x57: {  	_ =	shalt  }
0x58: {  	_ =	shalt  }
0x59: {  	_ =	shalt  }
0x5a: {  	_ =	shalt  }
0x5b: {  	_ =	shalt  }
0x5c: {  	_ =	shalt  }
0x5d: {  	_ =	shalt  }
0x5e: {  	_ =	shalt  }
0x5f: {  	_ =	shalt  }
0x60: {  	_ =	shalt  }
0x61: {  	_ =	shalt  }
0x62: {  	_ =	shalt  }
0x63: {  	_ =	shalt  }
0x64: {  	_ =	shalt  }
0x65: {  	_ =	shalt  }
0x66: {  	_ =	shalt  }
0x67: {  	_ =	shalt  }
0x68: {  	_ =	shalt  }
0x69: {  	_ =	shalt  }
0x6a: {  	_ =	shalt  }
0x6b: {  	_ =	shalt  }
0x6c: {  	_ =	shalt  }
0x6d: {  	_ =	shalt  }
0x6e: {  	_ =	shalt  }
0x6f: {  	_ =	shalt  }
0x70: {  	_ =	shalt  }
0x71: {  	_ =	shalt  }
0x72: {  	_ =	shalt  }
0x73: {  	_ =	shalt  }
0x74: {  	_ =	shalt  }
0x75: {  	_ =	shalt  }
0x76: {  	_ =	shalt  }
0x77: {  	_ =	shalt  }
0x78: {  	_ =	shalt  }
0x79: {  	_ =	shalt  }
0x7a: {  	_ =	shalt  }
0x7b: {  	_ =	shalt  }
0x7c: {  	_ =	shalt  }
0x7d: {  	_ =	shalt  }
0x7e: {  	_ =	shalt  }
0x7f: {  	_ =	shalt  }
0x80: {  	_ =	shalt  }
0x81: {  	_ =	shalt  }
0x82: {  	_ =	shalt  }
0x83: {  	_ =	shalt  }
0x84: {  	_ =	shalt  }
0x85: {  	_ =	shalt  }
0x86: {  	_ =	shalt  }
0x87: {  	_ =	shalt  }
.Lfunc_end0:
.L_simem_size_0:
called_computation.1_lowered:
.L_overlay_start_0:
0x88: {  	s2 =	sld [smem:$0x3FD9]  }
0x89: {  	s3 =	sld [smem:$0x3FFE];
	_ =	sdelay $0x1  }
0x8a: {  	s1 =	srdreg.scid  }
0x8b: {  	s0 =	sand.u32 $0x1, s1  }
0x8c: {  	s16 =	sshll.u32 s0, $0xA;
	s2 =	sadd.s32 s3, s2  }
0x8d: {  	s2 =	sadd.s32 s2, s16  }
0x8e: {  	[smem:$0x3FBF] =	sst s2  }
0x8f: {  	_ = 	snop  }
0x90: {  	(tm) =	ssettm $0x1  }
0x91: {  	s17 =	sld [smem:$0x3FFB];
	_ =	sdelay $0x3  }
0x92: {  	_ =	strace s17  }
0x93: {  	s2 =	sld [smem:$0x3FFC];
	_ =	sdelay $0x3  }
0x94: {  	_ =	strace s2  }
0x95: {  	s2 =	sld [smem:$0x3FFD];
	_ =	sdelay $0x3  }
0x96: {  	_ =	strace s2  }
0x97: {  	_ =	strace $0x8FFFFFFF  }
0x98: {  	s18 =	sld [smem:$0x3FDB];
	_ =	sdelay $0x1  }
0x99: {  	s19 =	simm.s32 $_scs_section_size  }
0x9a: {  	s4 =	simm.s32 $_size__tile_overlayer_lowered;
	s5 =	simm.s32 $_tile_overlayer_lowered  }
0x9b: {  	s22 =	simm.s32 $0x1BFF;
	s21 =	sshll.u32 s5, $0x1;
	s2 =	sadd.s32 s19, s18  }
0x9c: {  	s6 =	simm.s32 $0x0;
	s20 =	sshll.u32 s4, $0x1;
	s4 =	sadd.s32 s21, s2  }
0x9d: {  	[timem:s6], [sflag:s22] =	dma.local [hbm:s4], s20  }
0x9e: {  	_ =	swait.ge [sflag:s22], s20  }
0x9f: {  	s3 =	ssub.s32 $0x0, s20;
	[sflag:s22] =	ssyncset.done $0x0  }
0xa0: {  	[sflag:s22] =	ssyncadd.s32 s3;
	_ =	sdelay $0x1  }
0xa1: {  	s23 =	simm.s32 $0x1B8B  }
0xa2: {  	_ =	swait.ge [sflag:s23], $0x1  }
0xa3: {  	[sflag:s23] =	ssyncset.done $0x0  }
0xa4: {  	s25 =	simm.s32 $0x1B8E;
	s24 =	sld [smem:$0x3FFE];
	[sflag:s23] =	ssyncadd.s32 $0xFFFFFFFF  }
0xa5: {  	s26 =	simm.s32 $execute0_lowered;
	[smem:$0x3FD2] =	sst s25  }
0xa6: {  	s4 =	sshll.u32 s26, $0x1;
	_ =	strace $0x80000049;
	[dreg:$0x1] =	wrdreg $0xFFFFFFFF  }
0xa7: {  	s28 =	simm.s32 $_size_execute0_lowered;
	s2 =	sadd.s32 s2, s4;
	[dreg:$0x0] =	wrdreg $0x0  }
0xa8: {  	s4 =	sshll.u32 s28, $0x1;
	[dreg:$0x2] =	wrdreg s2  }
0xa9: {  	[dreg:$0x3] =	wrdreg s4  }
0xaa: {  	[dreg:$0x4] =	wrdreg $0xC0  }
0xab: {  	_ =	task [dreg:s6], $0x5FFFF  }
0xac: {  	[dreg:$0x1] =	wrdreg $0xFFFFFFFF  }
0xad: {  	[dreg:$0x0] =	wrdreg $0x60  }
0xae: {  	[dreg:$0x2] =	wrdreg s24  }
0xaf: {  	[dreg:$0x3] =	wrdreg $0xA8000  }
0xb0: {  	[dreg:$0x4] =	wrdreg $0x9  }
0xb1: {  	_ =	task.clear_ibuf [dreg:s6], $0x5FFFF;
	_ =	strace $0x90000049  }
0xb2: {  	s29 =	simm.s32 $0x9;
	_ =	strace $0x8000004B  }
0xb3: {  	_ =	swait.ge [sflag:s29], $0x1  }
0xb4: {  	[sflag:s29] =	ssyncadd.s32 $0xFFFFFFFF  }
0xb5: {  	_ =	strace $0x9000004B  }
0xb6: {  	_ =	sfence  }
0xb7: {  	s30 =	sld [smem:$0x0];
	_ =	sdelay $0x2  }
0xb8: {  	s31 =	sshll.u32 s1, $0xD;
	s1 =	sshrl.u32 s1, $0x2  }
0xb9: {  	s3 =	sand.u32 $0x4000, s31;
	s1 =	sadd.s32 s1, s30  }
0xba: {  	s0 =	sor.u32 s3, s0;
	s1 =	sshll.u32 s1, $0x11  }
0xbb: {  	s0 =	sor.u32 s1, s0  }
0xbc: {  	s0 =	sadd.s32 $0x8F2B, s0  }
0xbd: {  	[sflag:s0] =	ssyncadd.remote.s32 $0x1  }
0xbe: {  	_ =	sfence.sel $0xFFFF  }
0xbf: {  	[dreg:$0x0] =	wrdreg $0xFFFFFFFF;
	(pc) =	sbr.abs _section_cstart, $3  }
0xc0: {  	[dreg:$0x1] =	wrdreg $0xFFFFFFFF  }
0xc1: {  	_ =	task.clear_ibuf [dreg:s6], $0x2FFFF;
	_ =	strace $0x9FFFFFFF  }
0xc2: {  	(tm) =	ssettm $0x7FFFFFFF  }
0xc3: {  	_ =	shalt  }
tec
execute0_lowered:
.L_overlay_start_1:
0x0: {  	(tag) =	ssettag $0x1  }
0x1: {  	s0 =	rddreg [dreg:$0x0]  }
0x2: {  	s1 =	rddreg [dreg:$0x1];
	s2 =	simm.s32 $0x0  }
0x3: {  	s3 =	srdreg.scid;
	s19 =	stileid.u32;
	s20 =	simm.s32 $0x2800  }
0x4: {  	s21 =	simm.s32 $0x4;
	s22 =	simm.s32 $0x3;
	s28 =	simm.s32 $0x0  }
0x5: {  	[smem:$0x7FF] =	sst s2;
	s4 =	sadd.s32 $0x16A00, s0;
	s6 =	smul.u32 $0x50000, s19  }
0x6: {  	s3 =	sand.u32 $0x1, s3;
	s10 =	sadd.s32 $0x2E00, s0;
	s8 =	smul.u32 $0x280, s19  }
0x7: {  	s18 =	sadd.s32 $0xCC00, s0;
	s0 =	sadd.s32 $0x3EA00, s0;
	s29 =	smul.u32 $0x2780, s19  }
0x8: {  	_ =	strace $0x8000004A;
	s5 =	ssub.s32 $0x2, s3;
	s13 =	smul.u32 $0x2800, s3  }
0x9: {  	s3 =	smul.u32 $0x27800, s3;
	s7 =	sshrl.u32 s5, $0x1;
	s23 =	sshrl.u32 s6, $0x2  }
0xa: {  	s11 =	sadd.s32 $0x80, s8;
	s12 =	sadd.s32 $0x100, s8;
	s14 =	sadd.s32 $0x180, s8  }
0xb: {  	s16 =	sadd.s32 $0x200, s8;
	s15 =	ssub.s32 s5, s7;
	s5 =	sadd.s32 s23, s1  }
0xc: {  	s24 =	sshll.u32 s11, $0x7;
	s25 =	sshll.u32 s12, $0x7;
	s9 =	sshll.u32 s14, $0x7  }
0xd: {  	s17 =	sadd.s32 s8, s13;
	s26 =	sshll.u32 s16, $0x7;
	s11 =	sadd.s32 s13, s11  }
0xe: {  	s12 =	sadd.s32 s13, s12;
	s14 =	sadd.s32 s13, s14;
	s13 =	sadd.s32 s13, s16  }
0xf: {  	s3 =	sadd.s32 s29, s3;
	s23 =	simm.s32 $0x1;
	s6 =	sadd.s32 s24, s1  }
0x10: {  	s7 =	sadd.s32 s25, s1;
	s8 =	sadd.s32 s9, s1;
	s17 =	sshll.u32 s17, $0x4  }
0x11: {  	s9 =	sadd.s32 s26, s1;
	s11 =	sshll.u32 s11, $0x4;
	s12 =	sshll.u32 s12, $0x4  }
0x12: {  	s14 =	sshll.u32 s14, $0x4;
	s16 =	sshll.u32 s13, $0x4;
	s31 =	sadd.s32 $0x1400, s3  }
0x13: {  	s15 =	smax.u32 s15, $0x1;
	s3 =	sshrl.u32 s3, $0x3;
	s24 =	simm.s32 $0x1400  }
0x14: {  	s25 =	simm.s32 $0x80;
	s26 =	simm.s32 $0x2;
	s17 =	sadd.s32 s0, s17  }
0x15: {  	s11 =	sadd.s32 s0, s11;
	s30 =	sadd.s32 s0, s12;
	[dreg:$0x3] =	wrdreg s17  }
0x16: {  	s13 =	sadd.s32 s0, s14;
	s14 =	sadd.s32 s0, s16;
	[dreg:$0x4] =	wrdreg s11  }
0x17: {  	s0 =	sshrl.u32 s31, $0x3;
	s16 =	sadd.s32 s3, s18;
	[dreg:$0x5] =	wrdreg s30  }
0x18: {  	v0 =	vimm.f32 $0.0e+00;
	s17 =	sadd.s32 s3, s10;
	s18 =	sadd.s32 s0, s18;
	s19 =	sadd.s32 s0, s10  }
.LBB2_1:
0x19: {  	s0 =	sadd.s32 $0x0, s17;
	s31 =	sadd.s32 $0x0, s16  }
0x1a: {  	[tilespmem:s2], [sflag:$0x3] =	stream.linear.gather [hbm4b:s0+s2], $0x80, $0x38;
	[tilespmem:$0x1E800] =	vst v63  }
0x1b: {  	s3 =	simm.s32 $0x0;
	s10 =	simm.s32 $0x1400;
	s0 =	simm.s32 $0x10  }
0x1c: {  	[tilespmem:s24], [sflag:$0x3] =	stream.linear.gather [hbm4b:s31+s2], $0x80, $0x38;
	[tilespmem:$0x1E800] =	vst v63  }
.LBB2_2:
0x1d: {  	s29 =	sadd.s32 s0, s17;
	p0 =	sne.s32 s0, $0x270  }
.Ltmp0:
0x1e: {  	s3 =	sadd.s32 $0x80, s3;
	s30 =	smov.u32 s0;
	(pc) =	sbr.rel @p0 .LBB2_2-.Ltmp0, $4  }
0x1f: {  	s31 =	simm.s32 $0x0;
	s0 =	sadd.s32 $0x10, s0  }
0x20: {  	[tilespmem:s3], [sflag:$0x3] =	stream.linear.gather [hbm4b:s29+s31], $0x80, $0x38;
	[tilespmem:$0x1E800] =	vst v63  }
0x21: {  	s10 =	sadd.s32 $0x80, s10;
	s29 =	sadd.s32 s30, s16  }
0x22: {  	[tilespmem:s10], [sflag:$0x3] =	stream.linear.gather [hbm4b:s29+s31], $0x80, $0x38;
	[tilespmem:$0x1E800] =	vst v63  }
0x23: {  	s0 =	simm.s32 $0x0;
	s3 =	simm.s32 $0x200  }
.LBB2_4:
0x24: {  	p0 =	sne.s32 s3, $0xFE00;
	[tilespmem:s0+$0x2870] =	vst v0  }
0x25: {  	[tilespmem:s0+$0x2800] =	vst v0  }
0x26: {  	[tilespmem:s0+$0x2810] =	vst v0  }
.Ltmp1:
0x27: {  	[tilespmem:s0+$0x2820] =	vst v0;
	(pc) =	sbr.rel @p0 .LBB2_4-.Ltmp1, $4  }
0x28: {  	[tilespmem:s0+$0x2830] =	vst v0  }
0x29: {  	[tilespmem:s0+$0x2840] =	vst v0  }
0x2a: {  	[tilespmem:s0+$0x2850] =	vst v0  }
0x2b: {  	[tilespmem:s0+$0x2860] =	vst v0;
	s0 =	sshra.s32 s3, $0x2;
	s3 =	sadd.s32 $0x200, s3  }
0x2c: {  	[tilespmem:s0+$0x2870] =	vst v0  }
0x2d: {  	[tilespmem:s0+$0x2800] =	vst v0  }
0x2e: {  	[tilespmem:s0+$0x2810] =	vst v0  }
0x2f: {  	[tilespmem:s0+$0x2820] =	vst v0  }
0x30: {  	[tilespmem:s0+$0x2830] =	vst v0  }
0x31: {  	[tilespmem:s0+$0x2840] =	vst v0  }
0x32: {  	[tilespmem:s0+$0x2850] =	vst v0  }
0x33: {  	[tilespmem:s0+$0x2860] =	vst v0  }
0x34: {  	[spmem:s5] =	stream.linear.scatter [tilespmem:s20], [sflag:$0x4], $0x4000, $0x38;
	[tilespmem:$0x1E800] =	vst v63  }
0x35: {  	_ =	swait.ge [sflag:s21], $0x4000  }
0x36: {  	[sflag:s21] =	ssyncset.done $0x0  }
0x37: {  	[sflag:s21] =	ssyncadd.s32 $0xFFFFC000  }
0x38: {  	[spmem:s6] =	stream.linear.scatter [tilespmem:s20], [sflag:$0x4], $0x4000, $0x38;
	[tilespmem:$0x1E800] =	vst v63  }
0x39: {  	_ =	swait.ge [sflag:s21], $0x4000  }
0x3a: {  	[sflag:s21] =	ssyncset.done $0x0  }
0x3b: {  	[sflag:s21] =	ssyncadd.s32 $0xFFFFC000  }
0x3c: {  	[spmem:s7] =	stream.linear.scatter [tilespmem:s20], [sflag:$0x4], $0x4000, $0x38;
	[tilespmem:$0x1E800] =	vst v63  }
0x3d: {  	_ =	swait.ge [sflag:s21], $0x4000  }
0x3e: {  	[sflag:s21] =	ssyncset.done $0x0  }
0x3f: {  	[sflag:s21] =	ssyncadd.s32 $0xFFFFC000  }
0x40: {  	[spmem:s8] =	stream.linear.scatter [tilespmem:s20], [sflag:$0x4], $0x4000, $0x38;
	[tilespmem:$0x1E800] =	vst v63  }
0x41: {  	_ =	swait.ge [sflag:s21], $0x4000  }
0x42: {  	[sflag:s21] =	ssyncset.done $0x0  }
0x43: {  	[sflag:s21] =	ssyncadd.s32 $0xFFFFC000  }
0x44: {  	[spmem:s9] =	stream.linear.scatter [tilespmem:s20], [sflag:$0x4], $0x4000, $0x38;
	[tilespmem:$0x1E800] =	vst v63  }
0x45: {  	_ =	swait.ge [sflag:s21], $0x4000  }
0x46: {  	[sflag:s21] =	ssyncset.done $0x0  }
0x47: {  	[sflag:s21] =	ssyncadd.s32 $0xFFFFC000  }
0x48: {  	_ =	swait.ge [sflag:s22], $0x80  }
0x49: {  	[sflag:s22] =	ssyncset.done $0x0  }
0x4a: {  	[sflag:s22] =	ssyncadd.s32 $0xFFFFFF80  }
0x4b: {  	_ =	swait.ge [sflag:s22], $0x80  }
0x4c: {  	s0 =	simm.s32 $0x27;
	[sflag:s22] =	ssyncset.done $0x0  }
.LBB2_6:
0x4d: {  	p0 =	sne.s32 s0, $0x1;
	s0 =	sadd.s32 $0xFFFFFFFF, s0;
	[sflag:s22] =	ssyncadd.s32 $0xFFFFFF80  }
.Ltmp2:
0x4e: {  	_ =	swait.ge [sflag:s22], $0x80;
	(pc) =	sbr.rel @p0 .LBB2_6-.Ltmp2, $4  }
0x4f: {  	[sflag:s22] =	ssyncset.done $0x0  }
0x50: {  	[sflag:s22] =	ssyncadd.s32 $0xFFFFFF80  }
0x51: {  	_ =	swait.ge [sflag:s22], $0x80  }
0x52: {  	[sflag:s22] =	ssyncset.done $0x0  }
0x53: {  	[sflag:s22] =	ssyncadd.s32 $0xFFFFFF80  }
0x54: {  	s0 =	simm.s32 $0x80;
	[bflag:$0x0] =	sbarrier.arrive $0xFFFF  }
0x55: {  	[tilespmem:s20], [sflag:$0x1] =	stream.indirect.gather [hbm4b:s4+s0], $0x80, s2, s0, $0xb8;
	[tilespmem:$0x1E800] =	vst v63  }
0x56: {  	_ =	swait.ge [sflag:s23], $0x4000  }
0x57: {  	s3 =	simm.s32 $0x4000;
	[sflag:s23] =	ssyncset.done $0x0  }
0x58: {  	s3 =	sand.u32 $0x4000, s3;
	[sflag:s23] =	ssyncadd.s32 $0xFFFFC000  }
0x59: {  	[spmem:s1] =	stream.indirect.scatter.add.f32 [tilespmem:s20], [sflag:$0x2], $0x80, s24, s0, $0xb8;
	[tilespmem:$0x1E800] =	vst v63  }
0x5a: {  	s30 =	sor.u32 $0x2800, s3  }
0x5b: {  	[tilespmem:s30], [sflag:$0x1] =	stream.indirect.gather [hbm4b:s4+s25], $0x80, s0, s25, $0xb8;
	[tilespmem:$0x1E800] =	vst v63  }
0x5c: {  	_ =	swait.ge [sflag:s26], $0x4000  }
0x5d: {  	[sflag:s26] =	ssyncset.done $0x0  }
0x5e: {  	[sflag:s26] =	ssyncadd.s32 $0xFFFFC000  }
0x5f: {  	s31 =	simm.s32 $0x1480;
	s12 =	simm.s32 $0x8000;
	_ =	swait.ge [sflag:s23], $0x4000  }
0x60: {  	s10 =	simm.s32 $0xC000;
	s29 =	simm.s32 $0x1500;
	[sflag:s23] =	ssyncset.done $0x0  }
0x61: {  	s3 =	simm.s32 $0x100;
	s0 =	sand.u32 $0x4000, s12;
	[sflag:s23] =	ssyncadd.s32 $0xFFFFC000  }
.LBB2_8:
0x62: {  	[spmem:s1] =	stream.indirect.scatter.add.f32 [tilespmem:s30], [sflag:$0x2], $0x80, s31, s25, $0xb8;
	[tilespmem:$0x1E800] =	vst v63  }
0x63: {  	s11 =	smov.u32 s10;
	s31 =	smov.u32 s29  }
0x64: {  	s12 =	sadd.s32 $0x4000, s10;
	s30 =	sor.u32 $0x2800, s0;
	s0 =	sand.u32 $0x4000, s11  }
0x65: {  	[tilespmem:s30], [sflag:$0x1] =	stream.indirect.gather [hbm4b:s4+s25], $0x80, s3, s25, $0xb8;
	[tilespmem:$0x1E800] =	vst v63  }
0x66: {  	p0 =	sne.s32 s10, $0x9C000;
	_ =	swait.ge [sflag:s26], $0x4000  }
.Ltmp3:
0x67: {  	[sflag:s26] =	ssyncset.done $0x0;
	(pc) =	sbr.rel @p0 .LBB2_8-.Ltmp3, $4  }
0x68: {  	[sflag:s26] =	ssyncadd.s32 $0xFFFFC000  }
0x69: {  	_ =	swait.ge [sflag:s23], $0x4000  }
0x6a: {  	s29 =	sadd.s32 $0x80, s29;
	[sflag:s23] =	ssyncset.done $0x0  }
0x6b: {  	s10 =	smov.u32 s12;
	s3 =	sadd.s32 $0x80, s3;
	[sflag:s23] =	ssyncadd.s32 $0xFFFFC000  }
0x6c: {  	[spmem:s1] =	stream.indirect.scatter.add.f32 [tilespmem:s30], [sflag:$0x2], $0x80, s31, s25, $0xb8;
	[tilespmem:$0x1E800] =	vst v63  }
0x6d: {  	s0 =	sor.u32 $0x2800, s0  }
0x6e: {  	[tilespmem:s0], [sflag:$0x1] =	stream.indirect.gather [hbm4b:s4+s25], $0x80, s3, s25, $0xb8;
	[tilespmem:$0x1E800] =	vst v63  }
0x6f: {  	_ =	swait.ge [sflag:s26], $0x4000  }
0x70: {  	[sflag:s26] =	ssyncset.done $0x0  }
0x71: {  	[sflag:s26] =	ssyncadd.s32 $0xFFFFC000  }
0x72: {  	_ =	swait.ge [sflag:s23], $0x4000  }
0x73: {  	[sflag:s23] =	ssyncset.done $0x0  }
0x74: {  	[sflag:s23] =	ssyncadd.s32 $0xFFFFC000  }
0x75: {  	[spmem:s1] =	stream.indirect.scatter.add.f32 [tilespmem:s0], [sflag:$0x2], $0x80, s29, s25, $0xb8;
	[tilespmem:$0x1E800] =	vst v63  }
0x76: {  	_ =	swait.ge [sflag:s26], $0x4000  }
0x77: {  	s30 =	sadd.s32 $0x0, s19;
	[sflag:s26] =	ssyncset.done $0x0  }
0x78: {  	s31 =	sadd.s32 $0x0, s18;
	s29 =	simm.s32 $0x0;
	[sflag:s26] =	ssyncadd.s32 $0xFFFFC000  }
0x79: {  	[tilespmem:s29], [sflag:$0x3] =	stream.linear.gather [hbm4b:s30+s2], $0x80, $0x38;
	[tilespmem:$0x1E800] =	vst v63  }
0x7a: {  	s10 =	simm.s32 $0x80;
	s3 =	simm.s32 $0x10;
	s0 =	simm.s32 $0x1400  }
0x7b: {  	[tilespmem:s0], [sflag:$0x3] =	stream.linear.gather [hbm4b:s31+s2], $0x80, $0x38;
	[tilespmem:$0x1E800] =	vst v63  }
.LBB2_10:
0x7c: {  	s11 =	sadd.s32 s3, s19  }
0x7d: {  	p0 =	sne.s32 s3, $0x260;
	s12 =	smov.u32 s3;
	s3 =	sadd.s32 $0x10, s3  }
0x7e: {  	[tilespmem:s10], [sflag:$0x3] =	stream.linear.gather [hbm4b:s11+s2], $0x80, $0x38;
	[tilespmem:$0x1E800] =	vst v63  }
.Ltmp4:
0x7f: {  	_ = 	snop;
	(pc) =	sbr.rel @p0 .LBB2_10-.Ltmp4, $4  }
0x80: {  	s0 =	sadd.s32 $0x80, s0;
	s11 =	sadd.s32 s12, s18  }
0x81: {  	[tilespmem:s0], [sflag:$0x3] =	stream.linear.gather [hbm4b:s11+s2], $0x80, $0x38;
	[tilespmem:$0x1E800] =	vst v63  }
0x82: {  	_ = 	snop  }
0x83: {  	s10 =	sadd.s32 $0x80, s10  }
0x84: {  	_ =	swait.ge [sflag:s22], $0x80  }
0x85: {  	[sflag:s22] =	ssyncset.done $0x0  }
0x86: {  	[sflag:s22] =	ssyncadd.s32 $0xFFFFFF80  }
0x87: {  	_ =	swait.ge [sflag:s22], $0x80  }
0x88: {  	s0 =	simm.s32 $0x26;
	[sflag:s22] =	ssyncset.done $0x0  }
.LBB2_12:
0x89: {  	p0 =	sne.s32 s0, $0x1;
	s0 =	sadd.s32 $0xFFFFFFFF, s0;
	[sflag:s22] =	ssyncadd.s32 $0xFFFFFF80  }
.Ltmp5:
0x8a: {  	_ =	swait.ge [sflag:s22], $0x80;
	(pc) =	sbr.rel @p0 .LBB2_12-.Ltmp5, $4  }
0x8b: {  	[sflag:s22] =	ssyncset.done $0x0  }
0x8c: {  	[sflag:s22] =	ssyncadd.s32 $0xFFFFFF80  }
0x8d: {  	_ =	swait.ge [sflag:s22], $0x80  }
0x8e: {  	[sflag:s22] =	ssyncset.done $0x0  }
0x8f: {  	[sflag:s22] =	ssyncadd.s32 $0xFFFFFF80;
	s0 =	simm.s32 $0x80  }
0x90: {  	[tilespmem:s20], [sflag:$0x1] =	stream.indirect.gather [hbm4b:s4+s0], $0x80, s2, s0, $0xb8;
	[tilespmem:$0x1E800] =	vst v63  }
0x91: {  	_ =	swait.ge [sflag:s23], $0x4000  }
0x92: {  	s3 =	simm.s32 $0x4000;
	[sflag:s23] =	ssyncset.done $0x0  }
0x93: {  	s3 =	sand.u32 $0x4000, s3;
	[sflag:s23] =	ssyncadd.s32 $0xFFFFC000  }
0x94: {  	[spmem:s1] =	stream.indirect.scatter.add.f32 [tilespmem:s20], [sflag:$0x2], $0x80, s24, s0, $0xb8;
	[tilespmem:$0x1E800] =	vst v63  }
0x95: {  	s30 =	sor.u32 $0x2800, s3  }
0x96: {  	[tilespmem:s30], [sflag:$0x1] =	stream.indirect.gather [hbm4b:s4+s25], $0x80, s0, s25, $0xb8;
	[tilespmem:$0x1E800] =	vst v63  }
0x97: {  	_ =	swait.ge [sflag:s26], $0x4000  }
0x98: {  	[sflag:s26] =	ssyncset.done $0x0  }
0x99: {  	[sflag:s26] =	ssyncadd.s32 $0xFFFFC000  }
0x9a: {  	s31 =	simm.s32 $0x1480;
	s12 =	simm.s32 $0x8000;
	_ =	swait.ge [sflag:s23], $0x4000  }
0x9b: {  	s10 =	simm.s32 $0xC000;
	s29 =	simm.s32 $0x1500;
	[sflag:s23] =	ssyncset.done $0x0  }
0x9c: {  	s3 =	simm.s32 $0x100;
	s0 =	sand.u32 $0x4000, s12;
	[sflag:s23] =	ssyncadd.s32 $0xFFFFC000  }
.LBB2_14:
0x9d: {  	[spmem:s1] =	stream.indirect.scatter.add.f32 [tilespmem:s30], [sflag:$0x2], $0x80, s31, s25, $0xb8;
	[tilespmem:$0x1E800] =	vst v63  }
0x9e: {  	s11 =	smov.u32 s10;
	s31 =	smov.u32 s29  }
0x9f: {  	s12 =	sadd.s32 $0x4000, s10;
	s30 =	sor.u32 $0x2800, s0;
	s0 =	sand.u32 $0x4000, s11  }
0xa0: {  	[tilespmem:s30], [sflag:$0x1] =	stream.indirect.gather [hbm4b:s4+s25], $0x80, s3, s25, $0xb8;
	[tilespmem:$0x1E800] =	vst v63  }
0xa1: {  	p0 =	sne.s32 s10, $0x98000;
	_ =	swait.ge [sflag:s26], $0x4000  }
.Ltmp6:
0xa2: {  	[sflag:s26] =	ssyncset.done $0x0;
	(pc) =	sbr.rel @p0 .LBB2_14-.Ltmp6, $4  }
0xa3: {  	[sflag:s26] =	ssyncadd.s32 $0xFFFFC000  }
0xa4: {  	_ =	swait.ge [sflag:s23], $0x4000  }
0xa5: {  	s29 =	sadd.s32 $0x80, s29;
	[sflag:s23] =	ssyncset.done $0x0  }
0xa6: {  	s10 =	smov.u32 s12;
	s3 =	sadd.s32 $0x80, s3;
	[sflag:s23] =	ssyncadd.s32 $0xFFFFC000  }
0xa7: {  	[spmem:s1] =	stream.indirect.scatter.add.f32 [tilespmem:s30], [sflag:$0x2], $0x80, s31, s25, $0xb8;
	[tilespmem:$0x1E800] =	vst v63  }
0xa8: {  	s0 =	sor.u32 $0x2800, s0  }
0xa9: {  	[tilespmem:s0], [sflag:$0x1] =	stream.indirect.gather [hbm4b:s4+s25], $0x80, s3, s25, $0xb8;
	[tilespmem:$0x1E800] =	vst v63  }
0xaa: {  	_ =	swait.ge [sflag:s26], $0x4000  }
0xab: {  	[sflag:s26] =	ssyncset.done $0x0  }
0xac: {  	[sflag:s26] =	ssyncadd.s32 $0xFFFFC000  }
0xad: {  	_ =	swait.ge [sflag:s23], $0x4000  }
0xae: {  	[sflag:s23] =	ssyncset.done $0x0  }
0xaf: {  	[sflag:s23] =	ssyncadd.s32 $0xFFFFC000  }
0xb0: {  	[spmem:s1] =	stream.indirect.scatter.add.f32 [tilespmem:s0], [sflag:$0x2], $0x80, s29, s25, $0xb8;
	[tilespmem:$0x1E800] =	vst v63  }
0xb1: {  	_ =	swait.ge [sflag:s26], $0x4000  }
0xb2: {  	[sflag:s26] =	ssyncset.done $0x0  }
0xb3: {  	[sflag:s26] =	ssyncadd.s32 $0xFFFFC000  }
0xb4: {  	[bflag:$0x0] =	sbarrier.arrive $0xFFFF  }
0xb5: {  	[tilespmem:s20], [sflag:$0x4] =	stream.linear.gather [spmem:s5], $0x4000, $0x38;
	[tilespmem:$0x1E800] =	vst v63  }
0xb6: {  	_ =	swait.ge [sflag:s21], $0x4000  }
0xb7: {  	[sflag:s21] =	ssyncset.done $0x0  }
0xb8: {  	s29 =	rddreg [dreg:$0x3];
	[sflag:s21] =	ssyncadd.s32 $0xFFFFC000  }
0xb9: {  	[hbm4b:s29+s2] =	stream.linear.scatter [tilespmem:s20], [sflag:$0x4], $0x4000, $0x38;
	[tilespmem:$0x1E800] =	vst v63  }
0xba: {  	_ =	swait.ge [sflag:s21], $0x4000  }
0xbb: {  	[sflag:s21] =	ssyncset.done $0x0  }
0xbc: {  	[sflag:s21] =	ssyncadd.s32 $0xFFFFC000  }
0xbd: {  	[tilespmem:s20], [sflag:$0x4] =	stream.linear.gather [spmem:s6], $0x4000, $0x38;
	[tilespmem:$0x1E800] =	vst v63  }
0xbe: {  	_ =	swait.ge [sflag:s21], $0x4000  }
0xbf: {  	[sflag:s21] =	ssyncset.done $0x0  }
0xc0: {  	s30 =	rddreg [dreg:$0x4];
	[sflag:s21] =	ssyncadd.s32 $0xFFFFC000  }
0xc1: {  	[hbm4b:s30+s2] =	stream.linear.scatter [tilespmem:s20], [sflag:$0x4], $0x4000, $0x38;
	[tilespmem:$0x1E800] =	vst v63  }
0xc2: {  	_ =	swait.ge [sflag:s21], $0x4000  }
0xc3: {  	[sflag:s21] =	ssyncset.done $0x0  }
0xc4: {  	[sflag:s21] =	ssyncadd.s32 $0xFFFFC000  }
0xc5: {  	[tilespmem:s20], [sflag:$0x4] =	stream.linear.gather [spmem:s7], $0x4000, $0x38;
	[tilespmem:$0x1E800] =	vst v63  }
0xc6: {  	_ =	swait.ge [sflag:s21], $0x4000  }
0xc7: {  	[sflag:s21] =	ssyncset.done $0x0  }
0xc8: {  	s31 =	rddreg [dreg:$0x5];
	[sflag:s21] =	ssyncadd.s32 $0xFFFFC000  }
0xc9: {  	[hbm4b:s31+s2] =	stream.linear.scatter [tilespmem:s20], [sflag:$0x4], $0x4000, $0x38;
	[tilespmem:$0x1E800] =	vst v63  }
0xca: {  	_ =	swait.ge [sflag:s21], $0x4000  }
0xcb: {  	[sflag:s21] =	ssyncset.done $0x0  }
0xcc: {  	[sflag:s21] =	ssyncadd.s32 $0xFFFFC000  }
0xcd: {  	[tilespmem:s20], [sflag:$0x4] =	stream.linear.gather [spmem:s8], $0x4000, $0x38;
	[tilespmem:$0x1E800] =	vst v63  }
0xce: {  	_ =	swait.ge [sflag:s21], $0x4000  }
0xcf: {  	[sflag:s21] =	ssyncset.done $0x0  }
0xd0: {  	[sflag:s21] =	ssyncadd.s32 $0xFFFFC000  }
0xd1: {  	[hbm4b:s13+s2] =	stream.linear.scatter [tilespmem:s20], [sflag:$0x4], $0x4000, $0x38;
	[tilespmem:$0x1E800] =	vst v63  }
0xd2: {  	_ =	swait.ge [sflag:s21], $0x4000  }
0xd3: {  	[sflag:s21] =	ssyncset.done $0x0  }
0xd4: {  	[sflag:s21] =	ssyncadd.s32 $0xFFFFC000  }
0xd5: {  	[tilespmem:s20], [sflag:$0x4] =	stream.linear.gather [spmem:s9], $0x4000, $0x38;
	[tilespmem:$0x1E800] =	vst v63  }
0xd6: {  	s28 =	sadd.s32 $0x1, s28;
	_ =	swait.ge [sflag:s21], $0x4000  }
0xd7: {  	p0 =	sne.s32 s28, s15;
	[sflag:s21] =	ssyncset.done $0x0  }
.Ltmp7:
0xd8: {  	[sflag:s21] =	ssyncadd.s32 $0xFFFFC000;
	(pc) =	sbr.rel @p0 .LBB2_1-.Ltmp7, $4  }
0xd9: {  	[hbm4b:s14+s2] =	stream.linear.scatter [tilespmem:s20], [sflag:$0x4], $0x4000, $0x38;
	[tilespmem:$0x1E800] =	vst v63  }
0xda: {  	_ =	swait.ge [sflag:s21], $0x4000  }
0xdb: {  	[sflag:s21] =	ssyncset.done $0x0  }
0xdc: {  	[sflag:s21] =	ssyncadd.s32 $0xFFFFC000  }
0xdd: {  	_ =	sfence.sel $0x180000  }
0xde: {  	[bflag:$0x0] =	sbarrier.arrive $0xFFFF  }
0xdf: {  	_ =	strace $0x9000004A  }
0xe0: {  	s0 =	stileid.u32;
	[bflag:$0x2] =	sbarrier.arrive $0xFFFF  }
0xe1: {  	p0 =	sne.s32 s0, $0x0;
	s0 =	rddreg [dreg:$0x2]  }
0xe2: {  	s0 =	sadd.s32 @!p0 $0x100000, s0  }
0xe3: {  	[sflag:s0] =	ssyncadd.tile.s32 @!p0 $0x1;
	_ =	shalt  }
.Lfunc_end2:
_tile_overlayer_lowered:
.L_overlay_start_2:
0xe4: {  	(tag) =	ssettag $0x2  }
0xe5: {  	s0 =	rddreg [dreg:$0x0];
	s2 =	stileid.u32  }
0xe6: {  	s1 =	rddreg [dreg:$0x1];
	p0 =	sne.s32 s2, $0x0  }
0xe7: {  	s3 =	rddreg [dreg:$0x2];
	[bflag:$0x3] =	sbarrier.arrive $0xFFFF;
	s2 =	simm.s32 @!p0 $0x1C04  }
0xe8: {  	[timem:s3], [sflag:s2] =	dma.local @!p0 [hbm:s0], s1  }
0xe9: {  	s0 =	simm.s32 @!p0 $0x4  }
0xea: {  	_ =	swait.ge @!p0 [sflag:s0], s1  }
0xeb: {  	s1 =	ssub.s32 @!p0 $0x0, s1;
	[sflag:s0] =	ssyncset.done @!p0 $0x0  }
0xec: {  	[sflag:s0] =	ssyncadd.s32 @!p0 s1  }
0xed: {  	[bflag:$0x3] =	sbarrier.arrive $0xFFFF  }
0xee: {  	_ =	shalt  }

// kernel: kernel.15.cloned.1.call-start
scs
__scs_entry_jumppad:
0x0: {  	(pc) =	sbr.rel $0x88, $3  }
0x1: {  	(tag) =	ssettag $0x0;
	lr =	simm.s32 $0x1  }
0x2: {  	[smem:$0x3F98] =	sst lr;
	_ =	strace $0xD0000000  }
0x3: {  	_ = 	snop  }
0x4: {  	_ = 	snop  }
0x5: {  	_ = 	snop  }
0x6: {  	_ = 	snop  }
0x7: {  	_ = 	snop  }
__scs_overlays_trampoline_lowered:
0x8: {  	[smem:$0x3FA7] =	sst s0  }
0x9: {  	[smem:$0x3FA8] =	sst s1  }
0xa: {  	[smem:$0x3FA9] =	sst s2  }
0xb: {  	[smem:$0x3FAA] =	sst s3  }
0xc: {  	[smem:$0x3FAB] =	sst s4  }
0xd: {  	[smem:$0x3FAC] =	sst s5  }
0xe: {  	[smem:$0x3FAD] =	sst s6  }
0xf: {  	[smem:$0x3FAE] =	sst s7  }
0x10: {  	[smem:$0x3FAF] =	sst s8  }
0x11: {  	[smem:$0x3FB0] =	sst s9;
	s0 =	simm.s32 @!p0 $0x0  }
0x12: {  	s1 =	sld [smem:$0x3F96];
	s0 =	simm.s32 @p0 $0x1  }
0x13: {  	[smem:$0x3FB1] =	sst s0;
	s0 =	simm.s32 @!p1 $0x0  }
0x14: {  	s2 =	sld [smem:$0x3F95];
	s0 =	simm.s32 @p1 $0x1  }
0x15: {  	[smem:$0x3FB2] =	sst s0;
	s0 =	simm.s32 @!p2 $0x0  }
0x16: {  	s3 =	sld [smem:$0x3FDB];
	s0 =	simm.s32 @p2 $0x1  }
0x17: {  	s4 =	simm.s32 $0x1BF5;
	[smem:$0x3FB4] =	sst s0  }
0x18: {  	s0 =	sld [smem:$0x3F97];
	_ =	swait.ge [sflag:s4], $0x0  }
0x19: {  	s7 =	sld [smem:$0x3F98]  }
0x1a: {  	s8 =	sadd.s32 $0xFFFFE003, lr  }
0x1b: {  	s9 =	sadd.s32 $0xFFFFFEF7, lr;
	s5 =	simm.s32 $0xFFFFFFFF;
	p2 =	slt.u32 s8, $0xFFFFF086  }
0x1c: {  	p1 =	slt.u32 s9, $0xF7A;
	s5 =	simm.s32 @!p2 $0x0  }
0x1d: {  	s5 =	simm.s32 @p1 $0x1;
	p0 =	seq.s32 s7, s2  }
0x1e: {  	s7 =	smul.u32 @!p0 $0xF7A, s2;
	p2 =	seq.s32 @!p0 s5, $0x0  }
0x1f: {  	s9 =	smul.u32 $0xF7A, s1;
	s8 =	simm.s32 @!p0 $0x1BF5;
	p2 =	por !p2, p0  }
0x20: {  	[sflag:s8] =	ssyncset.s32 @!p0 $0xFFFFF086;
	s6 =	sadd.s32 @!p0 s3, s7;
	s7 =	simm.s32 @!p0 $0x108  }
0x21: {  	s3 =	sadd.s32 s3, s9;
	s6 =	sadd.s32 @!p0 $0x88, s6;
	s7 =	simm.s32 @p2 $0x1082  }
0x22: {  	[simem:s7], [sflag:s8] =	dma.local @!p0 [hbm:s6], $0xF7A  }
0x23: {  	s9 =	sor.u32 $0xD0000000, s2;
	s6 =	simm.s32 $0x108;
	_ =	swait.ge @!p0 [sflag:s8], $0x0  }
0x24: {  	s3 =	sadd.s32 $0x88, s3;
	s6 =	simm.s32 @!p1 $0x1082;
	[sflag:s4] =	ssyncset.s32 $0xFFFFF086  }
0x25: {  	[simem:s6], [sflag:s4] =	dma.local [hbm:s3], $0xF7A  }
0x26: {  	[smem:$0x3F98] =	sst s1;
	(tag) =	ssettag s2;
	_ =	strace s9  }
0x27: {  	s1 =	sld [smem:$0x3FA8]  }
0x28: {  	s2 =	sld [smem:$0x3FA9]  }
0x29: {  	s4 =	sld [smem:$0x3FAB]  }
0x2a: {  	p0 =	seq.s32 s5, $0x0;
	s5 =	sld [smem:$0x3FAC]  }
0x2b: {  	s6 =	sld [smem:$0x3FAD]  }
0x2c: {  	s7 =	sld [smem:$0x3FAE]  }
0x2d: {  	s3 =	simm.s32 $0x108;
	s8 =	sld [smem:$0x3FAF]  }
0x2e: {  	s3 =	simm.s32 @!p0 $0x1082;
	s9 =	sld [smem:$0x3FB0]  }
0x2f: {  	lr =	sadd.s32 s0, s3;
	s0 =	sld [smem:$0x3FA7]  }
0x30: {  	s3 =	sld [smem:$0x3FAA]  }
0x31: {  	[smem:$0x3FB3] =	sst s10  }
0x32: {  	s10 =	sld [smem:$0x3FB1];
	_ =	sdelay $0x3  }
0x33: {  	p0 =	seq.s32 s10, $0x1;
	s10 =	sld [smem:$0x3FB3];
	_ =	sdelay $0x3  }
0x34: {  	[smem:$0x3FB3] =	sst s10  }
0x35: {  	s10 =	sld [smem:$0x3FB2];
	_ =	sdelay $0x3  }
0x36: {  	p1 =	seq.s32 s10, $0x1;
	s10 =	sld [smem:$0x3FB3];
	_ =	sdelay $0x3  }
0x37: {  	[smem:$0x3FB3] =	sst s10  }
0x38: {  	s10 =	sld [smem:$0x3FB4]  }
0x39: {  	_ = 	snop;
	(pc) =	sbr.ind lr, $3  }
0x3a: {  	_ = 	snop  }
0x3b: {  	_ = 	snop  }
0x3c: {  	p2 =	seq.s32 s10, $0x1;
	s10 =	sld [smem:$0x3FB3]  }
0x3d: {  	_ =	shalt  }
0x3e: {  	_ =	shalt  }
0x3f: {  	_ =	shalt  }
0x40: {  	_ =	shalt  }
0x41: {  	_ =	shalt  }
0x42: {  	_ =	shalt  }
0x43: {  	_ =	shalt  }
0x44: {  	_ =	shalt  }
0x45: {  	_ =	shalt  }
0x46: {  	_ =	shalt  }
0x47: {  	_ =	shalt  }
0x48: {  	_ =	shalt  }
0x49: {  	_ =	shalt  }
0x4a: {  	_ =	shalt  }
0x4b: {  	_ =	shalt  }
0x4c: {  	_ =	shalt  }
0x4d: {  	_ =	shalt  }
0x4e: {  	_ =	shalt  }
0x4f: {  	_ =	shalt  }
0x50: {  	_ =	shalt  }
0x51: {  	_ =	shalt  }
0x52: {  	_ =	shalt  }
0x53: {  	_ =	shalt  }
0x54: {  	_ =	shalt  }
0x55: {  	_ =	shalt  }
0x56: {  	_ =	shalt  }
0x57: {  	_ =	shalt  }
0x58: {  	_ =	shalt  }
0x59: {  	_ =	shalt  }
0x5a: {  	_ =	shalt  }
0x5b: {  	_ =	shalt  }
0x5c: {  	_ =	shalt  }
0x5d: {  	_ =	shalt  }
0x5e: {  	_ =	shalt  }
0x5f: {  	_ =	shalt  }
0x60: {  	_ =	shalt  }
0x61: {  	_ =	shalt  }
0x62: {  	_ =	shalt  }
0x63: {  	_ =	shalt  }
0x64: {  	_ =	shalt  }
0x65: {  	_ =	shalt  }
0x66: {  	_ =	shalt  }
0x67: {  	_ =	shalt  }
0x68: {  	_ =	shalt  }
0x69: {  	_ =	shalt  }
0x6a: {  	_ =	shalt  }
0x6b: {  	_ =	shalt  }
0x6c: {  	_ =	shalt  }
0x6d: {  	_ =	shalt  }
0x6e: {  	_ =	shalt  }
0x6f: {  	_ =	shalt  }
0x70: {  	_ =	shalt  }
0x71: {  	_ =	shalt  }
0x72: {  	_ =	shalt  }
0x73: {  	_ =	shalt  }
0x74: {  	_ =	shalt  }
0x75: {  	_ =	shalt  }
0x76: {  	_ =	shalt  }
0x77: {  	_ =	shalt  }
0x78: {  	_ =	shalt  }
0x79: {  	_ =	shalt  }
0x7a: {  	_ =	shalt  }
0x7b: {  	_ =	shalt  }
0x7c: {  	_ =	shalt  }
0x7d: {  	_ =	shalt  }
0x7e: {  	_ =	shalt  }
0x7f: {  	_ =	shalt  }
0x80: {  	_ =	shalt  }
0x81: {  	_ =	shalt  }
0x82: {  	_ =	shalt  }
0x83: {  	_ =	shalt  }
0x84: {  	_ =	shalt  }
0x85: {  	_ =	shalt  }
0x86: {  	_ =	shalt  }
0x87: {  	_ =	shalt  }
.Lfunc_end0:
.L_simem_size_0:
called_computation.2_lowered:
.L_overlay_start_0:
0x88: {  	s2 =	sld [smem:$0x3FD9]  }
0x89: {  	s3 =	sld [smem:$0x3FFE];
	_ =	sdelay $0x1  }
0x8a: {  	s1 =	srdreg.scid  }
0x8b: {  	s0 =	sand.u32 $0x1, s1  }
0x8c: {  	s16 =	sshll.u32 s0, $0xA;
	s2 =	sadd.s32 s3, s2  }
0x8d: {  	s2 =	sadd.s32 s2, s16  }
0x8e: {  	[smem:$0x3FBF] =	sst s2  }
0x8f: {  	_ = 	snop  }
0x90: {  	(tm) =	ssettm $0x1  }
0x91: {  	s17 =	sld [smem:$0x3FFB];
	_ =	sdelay $0x3  }
0x92: {  	_ =	strace s17  }
0x93: {  	s2 =	sld [smem:$0x3FFC];
	_ =	sdelay $0x3  }
0x94: {  	_ =	strace s2  }
0x95: {  	s2 =	sld [smem:$0x3FFD];
	_ =	sdelay $0x3  }
0x96: {  	_ =	strace s2  }
0x97: {  	_ =	strace $0x8FFFFFFF  }
0x98: {  	s18 =	sld [smem:$0x3FDB];
	_ =	sdelay $0x1  }
0x99: {  	s19 =	simm.s32 $_scs_section_size  }
0x9a: {  	s4 =	simm.s32 $_size__tile_overlayer_lowered;
	s5 =	simm.s32 $_tile_overlayer_lowered  }
0x9b: {  	s22 =	simm.s32 $0x1BFF;
	s21 =	sshll.u32 s5, $0x1;
	s2 =	sadd.s32 s19, s18  }
0x9c: {  	s6 =	simm.s32 $0x0;
	s20 =	sshll.u32 s4, $0x1;
	s4 =	sadd.s32 s21, s2  }
0x9d: {  	[timem:s6], [sflag:s22] =	dma.local [hbm:s4], s20  }
0x9e: {  	_ =	swait.ge [sflag:s22], s20  }
0x9f: {  	s3 =	ssub.s32 $0x0, s20;
	[sflag:s22] =	ssyncset.done $0x0  }
0xa0: {  	[sflag:s22] =	ssyncadd.s32 s3;
	_ =	sdelay $0x1  }
0xa1: {  	s23 =	simm.s32 $0x1B8B  }
0xa2: {  	_ =	swait.ge [sflag:s23], $0x1  }
0xa3: {  	[sflag:s23] =	ssyncset.done $0x0  }
0xa4: {  	s25 =	simm.s32 $0x1B8E;
	s24 =	sld [smem:$0x3FFE];
	[sflag:s23] =	ssyncadd.s32 $0xFFFFFFFF  }
0xa5: {  	s26 =	simm.s32 $execute0_lowered;
	[smem:$0x3FD2] =	sst s25  }
0xa6: {  	s4 =	sshll.u32 s26, $0x1;
	_ =	strace $0x8000004C;
	[dreg:$0x1] =	wrdreg $0xFFFFFFFF  }
0xa7: {  	s28 =	simm.s32 $_size_execute0_lowered;
	s2 =	sadd.s32 s2, s4;
	[dreg:$0x0] =	wrdreg $0x0  }
0xa8: {  	s4 =	sshll.u32 s28, $0x1;
	[dreg:$0x2] =	wrdreg s2  }
0xa9: {  	[dreg:$0x3] =	wrdreg s4  }
0xaa: {  	[dreg:$0x4] =	wrdreg $0xC0  }
0xab: {  	_ =	task [dreg:s6], $0x5FFFF  }
0xac: {  	[dreg:$0x1] =	wrdreg $0xFFFFFFFF  }
0xad: {  	[dreg:$0x0] =	wrdreg $0x60  }
0xae: {  	[dreg:$0x2] =	wrdreg s24  }
0xaf: {  	[dreg:$0x3] =	wrdreg $0xA8000  }
0xb0: {  	[dreg:$0x4] =	wrdreg $0x9  }
0xb1: {  	_ =	task.clear_ibuf [dreg:s6], $0x5FFFF;
	_ =	strace $0x9000004C  }
0xb2: {  	s29 =	simm.s32 $0x9;
	_ =	strace $0x8000004E  }
0xb3: {  	_ =	swait.ge [sflag:s29], $0x1  }
0xb4: {  	[sflag:s29] =	ssyncadd.s32 $0xFFFFFFFF  }
0xb5: {  	_ =	strace $0x9000004E  }
0xb6: {  	_ =	sfence  }
0xb7: {  	s30 =	sld [smem:$0x0];
	_ =	sdelay $0x2  }
0xb8: {  	s31 =	sshll.u32 s1, $0xD;
	s1 =	sshrl.u32 s1, $0x2  }
0xb9: {  	s3 =	sand.u32 $0x4000, s31;
	s1 =	sadd.s32 s1, s30  }
0xba: {  	s0 =	sor.u32 s3, s0;
	s1 =	sshll.u32 s1, $0x11  }
0xbb: {  	s0 =	sor.u32 s1, s0  }
0xbc: {  	s0 =	sadd.s32 $0x8F2B, s0  }
0xbd: {  	[sflag:s0] =	ssyncadd.remote.s32 $0x1  }
0xbe: {  	_ =	sfence.sel $0xFFFF  }
0xbf: {  	[dreg:$0x0] =	wrdreg $0xFFFFFFFF;
	(pc) =	sbr.abs _section_cstart, $3  }
0xc0: {  	[dreg:$0x1] =	wrdreg $0xFFFFFFFF  }
0xc1: {  	_ =	task.clear_ibuf [dreg:s6], $0x2FFFF;
	_ =	strace $0x9FFFFFFF  }
0xc2: {  	(tm) =	ssettm $0x7FFFFFFF  }
0xc3: {  	_ =	shalt  }
tec
execute0_lowered:
.L_overlay_start_1:
0x0: {  	(tag) =	ssettag $0x1  }
0x1: {  	s0 =	rddreg [dreg:$0x0]  }
0x2: {  	s1 =	rddreg [dreg:$0x1];
	s2 =	simm.s32 $0x0  }
0x3: {  	s3 =	srdreg.scid;
	s19 =	stileid.u32;
	s20 =	simm.s32 $0x2800  }
0x4: {  	s21 =	simm.s32 $0x4;
	s22 =	simm.s32 $0x3;
	s28 =	simm.s32 $0x0  }
0x5: {  	[smem:$0x7FF] =	sst s2;
	s4 =	sadd.s32 $0x16A00, s0;
	s6 =	smul.u32 $0x50000, s19  }
0x6: {  	s3 =	sand.u32 $0x1, s3;
	s10 =	sadd.s32 $0x2E00, s0;
	s8 =	smul.u32 $0x280, s19  }
0x7: {  	s18 =	sadd.s32 $0xCC00, s0;
	s0 =	sadd.s32 $0x3EA00, s0;
	s29 =	smul.u32 $0x2780, s19  }
0x8: {  	_ =	strace $0x8000004D;
	s5 =	ssub.s32 $0x2, s3;
	s13 =	smul.u32 $0x2800, s3  }
0x9: {  	s3 =	smul.u32 $0x27800, s3;
	s7 =	sshrl.u32 s5, $0x1;
	s23 =	sshrl.u32 s6, $0x2  }
0xa: {  	s11 =	sadd.s32 $0x80, s8;
	s12 =	sadd.s32 $0x100, s8;
	s14 =	sadd.s32 $0x180, s8  }
0xb: {  	s16 =	sadd.s32 $0x200, s8;
	s15 =	ssub.s32 s5, s7;
	s5 =	sadd.s32 s23, s1  }
0xc: {  	s24 =	sshll.u32 s11, $0x7;
	s25 =	sshll.u32 s12, $0x7;
	s9 =	sshll.u32 s14, $0x7  }
0xd: {  	s17 =	sadd.s32 s8, s13;
	s26 =	sshll.u32 s16, $0x7;
	s11 =	sadd.s32 s13, s11  }
0xe: {  	s12 =	sadd.s32 s13, s12;
	s14 =	sadd.s32 s13, s14;
	s13 =	sadd.s32 s13, s16  }
0xf: {  	s3 =	sadd.s32 s29, s3;
	s23 =	simm.s32 $0x1;
	s6 =	sadd.s32 s24, s1  }
0x10: {  	s7 =	sadd.s32 s25, s1;
	s8 =	sadd.s32 s9, s1;
	s17 =	sshll.u32 s17, $0x4  }
0x11: {  	s9 =	sadd.s32 s26, s1;
	s11 =	sshll.u32 s11, $0x4;
	s12 =	sshll.u32 s12, $0x4  }
0x12: {  	s14 =	sshll.u32 s14, $0x4;
	s16 =	sshll.u32 s13, $0x4;
	s31 =	sadd.s32 $0x1400, s3  }
0x13: {  	s15 =	smax.u32 s15, $0x1;
	s3 =	sshrl.u32 s3, $0x3;
	s24 =	simm.s32 $0x1400  }
0x14: {  	s25 =	simm.s32 $0x80;
	s26 =	simm.s32 $0x2;
	s17 =	sadd.s32 s0, s17  }
0x15: {  	s11 =	sadd.s32 s0, s11;
	s30 =	sadd.s32 s0, s12;
	[dreg:$0x3] =	wrdreg s17  }
0x16: {  	s13 =	sadd.s32 s0, s14;
	s14 =	sadd.s32 s0, s16;
	[dreg:$0x4] =	wrdreg s11  }
0x17: {  	s0 =	sshrl.u32 s31, $0x3;
	s16 =	sadd.s32 s3, s18;
	[dreg:$0x5] =	wrdreg s30  }
0x18: {  	v0 =	vimm.f32 $0.0e+00;
	s17 =	sadd.s32 s3, s10;
	s18 =	sadd.s32 s0, s18;
	s19 =	sadd.s32 s0, s10  }
.LBB2_1:
0x19: {  	s0 =	sadd.s32 $0x0, s17;
	s31 =	sadd.s32 $0x0, s16  }
0x1a: {  	[tilespmem:s2], [sflag:$0x3] =	stream.linear.gather [hbm4b:s0+s2], $0x80, $0x38;
	[tilespmem:$0x1E800] =	vst v63  }
0x1b: {  	s3 =	simm.s32 $0x0;
	s10 =	simm.s32 $0x1400;
	s0 =	simm.s32 $0x10  }
0x1c: {  	[tilespmem:s24], [sflag:$0x3] =	stream.linear.gather [hbm4b:s31+s2], $0x80, $0x38;
	[tilespmem:$0x1E800] =	vst v63  }
.LBB2_2:
0x1d: {  	s29 =	sadd.s32 s0, s17;
	p0 =	sne.s32 s0, $0x270  }
.Ltmp0:
0x1e: {  	s3 =	sadd.s32 $0x80, s3;
	s30 =	smov.u32 s0;
	(pc) =	sbr.rel @p0 .LBB2_2-.Ltmp0, $4  }
0x1f: {  	s31 =	simm.s32 $0x0;
	s0 =	sadd.s32 $0x10, s0  }
0x20: {  	[tilespmem:s3], [sflag:$0x3] =	stream.linear.gather [hbm4b:s29+s31], $0x80, $0x38;
	[tilespmem:$0x1E800] =	vst v63  }
0x21: {  	s10 =	sadd.s32 $0x80, s10;
	s29 =	sadd.s32 s30, s16  }
0x22: {  	[tilespmem:s10], [sflag:$0x3] =	stream.linear.gather [hbm4b:s29+s31], $0x80, $0x38;
	[tilespmem:$0x1E800] =	vst v63  }
0x23: {  	s0 =	simm.s32 $0x0;
	s3 =	simm.s32 $0x200  }
.LBB2_4:
0x24: {  	p0 =	sne.s32 s3, $0xFE00;
	[tilespmem:s0+$0x2870] =	vst v0  }
0x25: {  	[tilespmem:s0+$0x2800] =	vst v0  }
0x26: {  	[tilespmem:s0+$0x2810] =	vst v0  }
.Ltmp1:
0x27: {  	[tilespmem:s0+$0x2820] =	vst v0;
	(pc) =	sbr.rel @p0 .LBB2_4-.Ltmp1, $4  }
0x28: {  	[tilespmem:s0+$0x2830] =	vst v0  }
0x29: {  	[tilespmem:s0+$0x2840] =	vst v0  }
0x2a: {  	[tilespmem:s0+$0x2850] =	vst v0  }
0x2b: {  	[tilespmem:s0+$0x2860] =	vst v0;
	s0 =	sshra.s32 s3, $0x2;
	s3 =	sadd.s32 $0x200, s3  }
0x2c: {  	[tilespmem:s0+$0x2870] =	vst v0  }
0x2d: {  	[tilespmem:s0+$0x2800] =	vst v0  }
0x2e: {  	[tilespmem:s0+$0x2810] =	vst v0  }
0x2f: {  	[tilespmem:s0+$0x2820] =	vst v0  }
0x30: {  	[tilespmem:s0+$0x2830] =	vst v0  }
0x31: {  	[tilespmem:s0+$0x2840] =	vst v0  }
0x32: {  	[tilespmem:s0+$0x2850] =	vst v0  }
0x33: {  	[tilespmem:s0+$0x2860] =	vst v0  }
0x34: {  	[spmem:s5] =	stream.linear.scatter [tilespmem:s20], [sflag:$0x4], $0x4000, $0x38;
	[tilespmem:$0x1E800] =	vst v63  }
0x35: {  	_ =	swait.ge [sflag:s21], $0x4000  }
0x36: {  	[sflag:s21] =	ssyncset.done $0x0  }
0x37: {  	[sflag:s21] =	ssyncadd.s32 $0xFFFFC000  }
0x38: {  	[spmem:s6] =	stream.linear.scatter [tilespmem:s20], [sflag:$0x4], $0x4000, $0x38;
	[tilespmem:$0x1E800] =	vst v63  }
0x39: {  	_ =	swait.ge [sflag:s21], $0x4000  }
0x3a: {  	[sflag:s21] =	ssyncset.done $0x0  }
0x3b: {  	[sflag:s21] =	ssyncadd.s32 $0xFFFFC000  }
0x3c: {  	[spmem:s7] =	stream.linear.scatter [tilespmem:s20], [sflag:$0x4], $0x4000, $0x38;
	[tilespmem:$0x1E800] =	vst v63  }
0x3d: {  	_ =	swait.ge [sflag:s21], $0x4000  }
0x3e: {  	[sflag:s21] =	ssyncset.done $0x0  }
0x3f: {  	[sflag:s21] =	ssyncadd.s32 $0xFFFFC000  }
0x40: {  	[spmem:s8] =	stream.linear.scatter [tilespmem:s20], [sflag:$0x4], $0x4000, $0x38;
	[tilespmem:$0x1E800] =	vst v63  }
0x41: {  	_ =	swait.ge [sflag:s21], $0x4000  }
0x42: {  	[sflag:s21] =	ssyncset.done $0x0  }
0x43: {  	[sflag:s21] =	ssyncadd.s32 $0xFFFFC000  }
0x44: {  	[spmem:s9] =	stream.linear.scatter [tilespmem:s20], [sflag:$0x4], $0x4000, $0x38;
	[tilespmem:$0x1E800] =	vst v63  }
0x45: {  	_ =	swait.ge [sflag:s21], $0x4000  }
0x46: {  	[sflag:s21] =	ssyncset.done $0x0  }
0x47: {  	[sflag:s21] =	ssyncadd.s32 $0xFFFFC000  }
0x48: {  	_ =	swait.ge [sflag:s22], $0x80  }
0x49: {  	[sflag:s22] =	ssyncset.done $0x0  }
0x4a: {  	[sflag:s22] =	ssyncadd.s32 $0xFFFFFF80  }
0x4b: {  	_ =	swait.ge [sflag:s22], $0x80  }
0x4c: {  	s0 =	simm.s32 $0x27;
	[sflag:s22] =	ssyncset.done $0x0  }
.LBB2_6:
0x4d: {  	p0 =	sne.s32 s0, $0x1;
	s0 =	sadd.s32 $0xFFFFFFFF, s0;
	[sflag:s22] =	ssyncadd.s32 $0xFFFFFF80  }
.Ltmp2:
0x4e: {  	_ =	swait.ge [sflag:s22], $0x80;
	(pc) =	sbr.rel @p0 .LBB2_6-.Ltmp2, $4  }
0x4f: {  	[sflag:s22] =	ssyncset.done $0x0  }
0x50: {  	[sflag:s22] =	ssyncadd.s32 $0xFFFFFF80  }
0x51: {  	_ =	swait.ge [sflag:s22], $0x80  }
0x52: {  	[sflag:s22] =	ssyncset.done $0x0  }
0x53: {  	[sflag:s22] =	ssyncadd.s32 $0xFFFFFF80  }
0x54: {  	s0 =	simm.s32 $0x80;
	[bflag:$0x0] =	sbarrier.arrive $0xFFFF  }
0x55: {  	[tilespmem:s20], [sflag:$0x1] =	stream.indirect.gather [hbm4b:s4+s0], $0x80, s2, s0, $0xb8;
	[tilespmem:$0x1E800] =	vst v63  }
0x56: {  	_ =	swait.ge [sflag:s23], $0x4000  }
0x57: {  	s3 =	simm.s32 $0x4000;
	[sflag:s23] =	ssyncset.done $0x0  }
0x58: {  	s3 =	sand.u32 $0x4000, s3;
	[sflag:s23] =	ssyncadd.s32 $0xFFFFC000  }
0x59: {  	[spmem:s1] =	stream.indirect.scatter.add.f32 [tilespmem:s20], [sflag:$0x2], $0x80, s24, s0, $0xb8;
	[tilespmem:$0x1E800] =	vst v63  }
0x5a: {  	s30 =	sor.u32 $0x2800, s3  }
0x5b: {  	[tilespmem:s30], [sflag:$0x1] =	stream.indirect.gather [hbm4b:s4+s25], $0x80, s0, s25, $0xb8;
	[tilespmem:$0x1E800] =	vst v63  }
0x5c: {  	_ =	swait.ge [sflag:s26], $0x4000  }
0x5d: {  	[sflag:s26] =	ssyncset.done $0x0  }
0x5e: {  	[sflag:s26] =	ssyncadd.s32 $0xFFFFC000  }
0x5f: {  	s31 =	simm.s32 $0x1480;
	s12 =	simm.s32 $0x8000;
	_ =	swait.ge [sflag:s23], $0x4000  }
0x60: {  	s10 =	simm.s32 $0xC000;
	s29 =	simm.s32 $0x1500;
	[sflag:s23] =	ssyncset.done $0x0  }
0x61: {  	s3 =	simm.s32 $0x100;
	s0 =	sand.u32 $0x4000, s12;
	[sflag:s23] =	ssyncadd.s32 $0xFFFFC000  }
.LBB2_8:
0x62: {  	[spmem:s1] =	stream.indirect.scatter.add.f32 [tilespmem:s30], [sflag:$0x2], $0x80, s31, s25, $0xb8;
	[tilespmem:$0x1E800] =	vst v63  }
0x63: {  	s11 =	smov.u32 s10;
	s31 =	smov.u32 s29  }
0x64: {  	s12 =	sadd.s32 $0x4000, s10;
	s30 =	sor.u32 $0x2800, s0;
	s0 =	sand.u32 $0x4000, s11  }
0x65: {  	[tilespmem:s30], [sflag:$0x1] =	stream.indirect.gather [hbm4b:s4+s25], $0x80, s3, s25, $0xb8;
	[tilespmem:$0x1E800] =	vst v63  }
0x66: {  	p0 =	sne.s32 s10, $0x9C000;
	_ =	swait.ge [sflag:s26], $0x4000  }
.Ltmp3:
0x67: {  	[sflag:s26] =	ssyncset.done $0x0;
	(pc) =	sbr.rel @p0 .LBB2_8-.Ltmp3, $4  }
0x68: {  	[sflag:s26] =	ssyncadd.s32 $0xFFFFC000  }
0x69: {  	_ =	swait.ge [sflag:s23], $0x4000  }
0x6a: {  	s29 =	sadd.s32 $0x80, s29;
	[sflag:s23] =	ssyncset.done $0x0  }
0x6b: {  	s10 =	smov.u32 s12;
	s3 =	sadd.s32 $0x80, s3;
	[sflag:s23] =	ssyncadd.s32 $0xFFFFC000  }
0x6c: {  	[spmem:s1] =	stream.indirect.scatter.add.f32 [tilespmem:s30], [sflag:$0x2], $0x80, s31, s25, $0xb8;
	[tilespmem:$0x1E800] =	vst v63  }
0x6d: {  	s0 =	sor.u32 $0x2800, s0  }
0x6e: {  	[tilespmem:s0], [sflag:$0x1] =	stream.indirect.gather [hbm4b:s4+s25], $0x80, s3, s25, $0xb8;
	[tilespmem:$0x1E800] =	vst v63  }
0x6f: {  	_ =	swait.ge [sflag:s26], $0x4000  }
0x70: {  	[sflag:s26] =	ssyncset.done $0x0  }
0x71: {  	[sflag:s26] =	ssyncadd.s32 $0xFFFFC000  }
0x72: {  	_ =	swait.ge [sflag:s23], $0x4000  }
0x73: {  	[sflag:s23] =	ssyncset.done $0x0  }
0x74: {  	[sflag:s23] =	ssyncadd.s32 $0xFFFFC000  }
0x75: {  	[spmem:s1] =	stream.indirect.scatter.add.f32 [tilespmem:s0], [sflag:$0x2], $0x80, s29, s25, $0xb8;
	[tilespmem:$0x1E800] =	vst v63  }
0x76: {  	_ =	swait.ge [sflag:s26], $0x4000  }
0x77: {  	s30 =	sadd.s32 $0x0, s19;
	[sflag:s26] =	ssyncset.done $0x0  }
0x78: {  	s31 =	sadd.s32 $0x0, s18;
	s29 =	simm.s32 $0x0;
	[sflag:s26] =	ssyncadd.s32 $0xFFFFC000  }
0x79: {  	[tilespmem:s29], [sflag:$0x3] =	stream.linear.gather [hbm4b:s30+s2], $0x80, $0x38;
	[tilespmem:$0x1E800] =	vst v63  }
0x7a: {  	s10 =	simm.s32 $0x80;
	s3 =	simm.s32 $0x10;
	s0 =	simm.s32 $0x1400  }
0x7b: {  	[tilespmem:s0], [sflag:$0x3] =	stream.linear.gather [hbm4b:s31+s2], $0x80, $0x38;
	[tilespmem:$0x1E800] =	vst v63  }
.LBB2_10:
0x7c: {  	s11 =	sadd.s32 s3, s19  }
0x7d: {  	p0 =	sne.s32 s3, $0x260;
	s12 =	smov.u32 s3;
	s3 =	sadd.s32 $0x10, s3  }
0x7e: {  	[tilespmem:s10], [sflag:$0x3] =	stream.linear.gather [hbm4b:s11+s2], $0x80, $0x38;
	[tilespmem:$0x1E800] =	vst v63  }
.Ltmp4:
0x7f: {  	_ = 	snop;
	(pc) =	sbr.rel @p0 .LBB2_10-.Ltmp4, $4  }
0x80: {  	s0 =	sadd.s32 $0x80, s0;
	s11 =	sadd.s32 s12, s18  }
0x81: {  	[tilespmem:s0], [sflag:$0x3] =	stream.linear.gather [hbm4b:s11+s2], $0x80, $0x38;
	[tilespmem:$0x1E800] =	vst v63  }
0x82: {  	_ = 	snop  }
0x83: {  	s10 =	sadd.s32 $0x80, s10  }
0x84: {  	_ =	swait.ge [sflag:s22], $0x80  }
0x85: {  	[sflag:s22] =	ssyncset.done $0x0  }
0x86: {  	[sflag:s22] =	ssyncadd.s32 $0xFFFFFF80  }
0x87: {  	_ =	swait.ge [sflag:s22], $0x80  }
0x88: {  	s0 =	simm.s32 $0x26;
	[sflag:s22] =	ssyncset.done $0x0  }
.LBB2_12:
0x89: {  	p0 =	sne.s32 s0, $0x1;
	s0 =	sadd.s32 $0xFFFFFFFF, s0;
	[sflag:s22] =	ssyncadd.s32 $0xFFFFFF80  }
.Ltmp5:
0x8a: {  	_ =	swait.ge [sflag:s22], $0x80;
	(pc) =	sbr.rel @p0 .LBB2_12-.Ltmp5, $4  }
0x8b: {  	[sflag:s22] =	ssyncset.done $0x0  }
0x8c: {  	[sflag:s22] =	ssyncadd.s32 $0xFFFFFF80  }
0x8d: {  	_ =	swait.ge [sflag:s22], $0x80  }
0x8e: {  	[sflag:s22] =	ssyncset.done $0x0  }
0x8f: {  	[sflag:s22] =	ssyncadd.s32 $0xFFFFFF80;
	s0 =	simm.s32 $0x80  }
0x90: {  	[tilespmem:s20], [sflag:$0x1] =	stream.indirect.gather [hbm4b:s4+s0], $0x80, s2, s0, $0xb8;
	[tilespmem:$0x1E800] =	vst v63  }
0x91: {  	_ =	swait.ge [sflag:s23], $0x4000  }
0x92: {  	s3 =	simm.s32 $0x4000;
	[sflag:s23] =	ssyncset.done $0x0  }
0x93: {  	s3 =	sand.u32 $0x4000, s3;
	[sflag:s23] =	ssyncadd.s32 $0xFFFFC000  }
0x94: {  	[spmem:s1] =	stream.indirect.scatter.add.f32 [tilespmem:s20], [sflag:$0x2], $0x80, s24, s0, $0xb8;
	[tilespmem:$0x1E800] =	vst v63  }
0x95: {  	s30 =	sor.u32 $0x2800, s3  }
0x96: {  	[tilespmem:s30], [sflag:$0x1] =	stream.indirect.gather [hbm4b:s4+s25], $0x80, s0, s25, $0xb8;
	[tilespmem:$0x1E800] =	vst v63  }
0x97: {  	_ =	swait.ge [sflag:s26], $0x4000  }
0x98: {  	[sflag:s26] =	ssyncset.done $0x0  }
0x99: {  	[sflag:s26] =	ssyncadd.s32 $0xFFFFC000  }
0x9a: {  	s31 =	simm.s32 $0x1480;
	s12 =	simm.s32 $0x8000;
	_ =	swait.ge [sflag:s23], $0x4000  }
0x9b: {  	s10 =	simm.s32 $0xC000;
	s29 =	simm.s32 $0x1500;
	[sflag:s23] =	ssyncset.done $0x0  }
0x9c: {  	s3 =	simm.s32 $0x100;
	s0 =	sand.u32 $0x4000, s12;
	[sflag:s23] =	ssyncadd.s32 $0xFFFFC000  }
.LBB2_14:
0x9d: {  	[spmem:s1] =	stream.indirect.scatter.add.f32 [tilespmem:s30], [sflag:$0x2], $0x80, s31, s25, $0xb8;
	[tilespmem:$0x1E800] =	vst v63  }
0x9e: {  	s11 =	smov.u32 s10;
	s31 =	smov.u32 s29  }
0x9f: {  	s12 =	sadd.s32 $0x4000, s10;
	s30 =	sor.u32 $0x2800, s0;
	s0 =	sand.u32 $0x4000, s11  }
0xa0: {  	[tilespmem:s30], [sflag:$0x1] =	stream.indirect.gather [hbm4b:s4+s25], $0x80, s3, s25, $0xb8;
	[tilespmem:$0x1E800] =	vst v63  }
0xa1: {  	p0 =	sne.s32 s10, $0x98000;
	_ =	swait.ge [sflag:s26], $0x4000  }
.Ltmp6:
0xa2: {  	[sflag:s26] =	ssyncset.done $0x0;
	(pc) =	sbr.rel @p0 .LBB2_14-.Ltmp6, $4  }
0xa3: {  	[sflag:s26] =	ssyncadd.s32 $0xFFFFC000  }
0xa4: {  	_ =	swait.ge [sflag:s23], $0x4000  }
0xa5: {  	s29 =	sadd.s32 $0x80, s29;
	[sflag:s23] =	ssyncset.done $0x0  }
0xa6: {  	s10 =	smov.u32 s12;
	s3 =	sadd.s32 $0x80, s3;
	[sflag:s23] =	ssyncadd.s32 $0xFFFFC000  }
0xa7: {  	[spmem:s1] =	stream.indirect.scatter.add.f32 [tilespmem:s30], [sflag:$0x2], $0x80, s31, s25, $0xb8;
	[tilespmem:$0x1E800] =	vst v63  }
0xa8: {  	s0 =	sor.u32 $0x2800, s0  }
0xa9: {  	[tilespmem:s0], [sflag:$0x1] =	stream.indirect.gather [hbm4b:s4+s25], $0x80, s3, s25, $0xb8;
	[tilespmem:$0x1E800] =	vst v63  }
0xaa: {  	_ =	swait.ge [sflag:s26], $0x4000  }
0xab: {  	[sflag:s26] =	ssyncset.done $0x0  }
0xac: {  	[sflag:s26] =	ssyncadd.s32 $0xFFFFC000  }
0xad: {  	_ =	swait.ge [sflag:s23], $0x4000  }
0xae: {  	[sflag:s23] =	ssyncset.done $0x0  }
0xaf: {  	[sflag:s23] =	ssyncadd.s32 $0xFFFFC000  }
0xb0: {  	[spmem:s1] =	stream.indirect.scatter.add.f32 [tilespmem:s0], [sflag:$0x2], $0x80, s29, s25, $0xb8;
	[tilespmem:$0x1E800] =	vst v63  }
0xb1: {  	_ =	swait.ge [sflag:s26], $0x4000  }
0xb2: {  	[sflag:s26] =	ssyncset.done $0x0  }
0xb3: {  	[sflag:s26] =	ssyncadd.s32 $0xFFFFC000  }
0xb4: {  	[bflag:$0x0] =	sbarrier.arrive $0xFFFF  }
0xb5: {  	[tilespmem:s20], [sflag:$0x4] =	stream.linear.gather [spmem:s5], $0x4000, $0x38;
	[tilespmem:$0x1E800] =	vst v63  }
0xb6: {  	_ =	swait.ge [sflag:s21], $0x4000  }
0xb7: {  	[sflag:s21] =	ssyncset.done $0x0  }
0xb8: {  	s29 =	rddreg [dreg:$0x3];
	[sflag:s21] =	ssyncadd.s32 $0xFFFFC000  }
0xb9: {  	[hbm4b:s29+s2] =	stream.linear.scatter [tilespmem:s20], [sflag:$0x4], $0x4000, $0x38;
	[tilespmem:$0x1E800] =	vst v63  }
0xba: {  	_ =	swait.ge [sflag:s21], $0x4000  }
0xbb: {  	[sflag:s21] =	ssyncset.done $0x0  }
0xbc: {  	[sflag:s21] =	ssyncadd.s32 $0xFFFFC000  }
0xbd: {  	[tilespmem:s20], [sflag:$0x4] =	stream.linear.gather [spmem:s6], $0x4000, $0x38;
	[tilespmem:$0x1E800] =	vst v63  }
0xbe: {  	_ =	swait.ge [sflag:s21], $0x4000  }
0xbf: {  	[sflag:s21] =	ssyncset.done $0x0  }
0xc0: {  	s30 =	rddreg [dreg:$0x4];
	[sflag:s21] =	ssyncadd.s32 $0xFFFFC000  }
0xc1: {  	[hbm4b:s30+s2] =	stream.linear.scatter [tilespmem:s20], [sflag:$0x4], $0x4000, $0x38;
	[tilespmem:$0x1E800] =	vst v63  }
0xc2: {  	_ =	swait.ge [sflag:s21], $0x4000  }
0xc3: {  	[sflag:s21] =	ssyncset.done $0x0  }
0xc4: {  	[sflag:s21] =	ssyncadd.s32 $0xFFFFC000  }
0xc5: {  	[tilespmem:s20], [sflag:$0x4] =	stream.linear.gather [spmem:s7], $0x4000, $0x38;
	[tilespmem:$0x1E800] =	vst v63  }
0xc6: {  	_ =	swait.ge [sflag:s21], $0x4000  }
0xc7: {  	[sflag:s21] =	ssyncset.done $0x0  }
0xc8: {  	s31 =	rddreg [dreg:$0x5];
	[sflag:s21] =	ssyncadd.s32 $0xFFFFC000  }
0xc9: {  	[hbm4b:s31+s2] =	stream.linear.scatter [tilespmem:s20], [sflag:$0x4], $0x4000, $0x38;
	[tilespmem:$0x1E800] =	vst v63  }
0xca: {  	_ =	swait.ge [sflag:s21], $0x4000  }
0xcb: {  	[sflag:s21] =	ssyncset.done $0x0  }
0xcc: {  	[sflag:s21] =	ssyncadd.s32 $0xFFFFC000  }
0xcd: {  	[tilespmem:s20], [sflag:$0x4] =	stream.linear.gather [spmem:s8], $0x4000, $0x38;
	[tilespmem:$0x1E800] =	vst v63  }
0xce: {  	_ =	swait.ge [sflag:s21], $0x4000  }
0xcf: {  	[sflag:s21] =	ssyncset.done $0x0  }
0xd0: {  	[sflag:s21] =	ssyncadd.s32 $0xFFFFC000  }
0xd1: {  	[hbm4b:s13+s2] =	stream.linear.scatter [tilespmem:s20], [sflag:$0x4], $0x4000, $0x38;
	[tilespmem:$0x1E800] =	vst v63  }
0xd2: {  	_ =	swait.ge [sflag:s21], $0x4000  }
0xd3: {  	[sflag:s21] =	ssyncset.done $0x0  }
0xd4: {  	[sflag:s21] =	ssyncadd.s32 $0xFFFFC000  }
0xd5: {  	[tilespmem:s20], [sflag:$0x4] =	stream.linear.gather [spmem:s9], $0x4000, $0x38;
	[tilespmem:$0x1E800] =	vst v63  }
0xd6: {  	s28 =	sadd.s32 $0x1, s28;
	_ =	swait.ge [sflag:s21], $0x4000  }
0xd7: {  	p0 =	sne.s32 s28, s15;
	[sflag:s21] =	ssyncset.done $0x0  }
.Ltmp7:
0xd8: {  	[sflag:s21] =	ssyncadd.s32 $0xFFFFC000;
	(pc) =	sbr.rel @p0 .LBB2_1-.Ltmp7, $4  }
0xd9: {  	[hbm4b:s14+s2] =	stream.linear.scatter [tilespmem:s20], [sflag:$0x4], $0x4000, $0x38;
	[tilespmem:$0x1E800] =	vst v63  }
0xda: {  	_ =	swait.ge [sflag:s21], $0x4000  }
0xdb: {  	[sflag:s21] =	ssyncset.done $0x0  }
0xdc: {  	[sflag:s21] =	ssyncadd.s32 $0xFFFFC000  }
0xdd: {  	_ =	sfence.sel $0x180000  }
0xde: {  	[bflag:$0x0] =	sbarrier.arrive $0xFFFF  }
0xdf: {  	_ =	strace $0x9000004D  }
0xe0: {  	s0 =	stileid.u32;
	[bflag:$0x2] =	sbarrier.arrive $0xFFFF  }
0xe1: {  	p0 =	sne.s32 s0, $0x0;
	s0 =	rddreg [dreg:$0x2]  }
0xe2: {  	s0 =	sadd.s32 @!p0 $0x100000, s0  }
0xe3: {  	[sflag:s0] =	ssyncadd.tile.s32 @!p0 $0x1;
	_ =	shalt  }
.Lfunc_end2:
_tile_overlayer_lowered:
.L_overlay_start_2:
0xe4: {  	(tag) =	ssettag $0x2  }
0xe5: {  	s0 =	rddreg [dreg:$0x0];
	s2 =	stileid.u32  }
0xe6: {  	s1 =	rddreg [dreg:$0x1];
	p0 =	sne.s32 s2, $0x0  }
0xe7: {  	s3 =	rddreg [dreg:$0x2];
	[bflag:$0x3] =	sbarrier.arrive $0xFFFF;
	s2 =	simm.s32 @!p0 $0x1C04  }
0xe8: {  	[timem:s3], [sflag:s2] =	dma.local @!p0 [hbm:s0], s1  }
0xe9: {  	s0 =	simm.s32 @!p0 $0x4  }
0xea: {  	_ =	swait.ge @!p0 [sflag:s0], s1  }
0xeb: {  	s1 =	ssub.s32 @!p0 $0x0, s1;
	[sflag:s0] =	ssyncset.done @!p0 $0x0  }
0xec: {  	[sflag:s0] =	ssyncadd.s32 @!p0 s1  }
0xed: {  	[bflag:$0x3] =	sbarrier.arrive $0xFFFF  }
0xee: {  	_ =	shalt  }

// kernel: kernel.9.cloned.1.call-start
scs
__scs_entry_jumppad:
0x0: {  	(pc) =	sbr.rel $0x88, $3  }
0x1: {  	(tag) =	ssettag $0x0;
	lr =	simm.s32 $0x1  }
0x2: {  	[smem:$0x3F98] =	sst lr;
	_ =	strace $0xD0000000  }
0x3: {  	_ = 	snop  }
0x4: {  	_ = 	snop  }
0x5: {  	_ = 	snop  }
0x6: {  	_ = 	snop  }
0x7: {  	_ = 	snop  }
__scs_overlays_trampoline_lowered:
0x8: {  	[smem:$0x3FA7] =	sst s0  }
0x9: {  	[smem:$0x3FA8] =	sst s1  }
0xa: {  	[smem:$0x3FA9] =	sst s2  }
0xb: {  	[smem:$0x3FAA] =	sst s3  }
0xc: {  	[smem:$0x3FAB] =	sst s4  }
0xd: {  	[smem:$0x3FAC] =	sst s5  }
0xe: {  	[smem:$0x3FAD] =	sst s6  }
0xf: {  	[smem:$0x3FAE] =	sst s7  }
0x10: {  	[smem:$0x3FAF] =	sst s8  }
0x11: {  	[smem:$0x3FB0] =	sst s9;
	s0 =	simm.s32 @!p0 $0x0  }
0x12: {  	s1 =	sld [smem:$0x3F96];
	s0 =	simm.s32 @p0 $0x1  }
0x13: {  	[smem:$0x3FB1] =	sst s0;
	s0 =	simm.s32 @!p1 $0x0  }
0x14: {  	s2 =	sld [smem:$0x3F95];
	s0 =	simm.s32 @p1 $0x1  }
0x15: {  	[smem:$0x3FB2] =	sst s0;
	s0 =	simm.s32 @!p2 $0x0  }
0x16: {  	s3 =	sld [smem:$0x3FDB];
	s0 =	simm.s32 @p2 $0x1  }
0x17: {  	s4 =	simm.s32 $0x1BF5;
	[smem:$0x3FB4] =	sst s0  }
0x18: {  	s0 =	sld [smem:$0x3F97];
	_ =	swait.ge [sflag:s4], $0x0  }
0x19: {  	s7 =	sld [smem:$0x3F98]  }
0x1a: {  	s8 =	sadd.s32 $0xFFFFE003, lr  }
0x1b: {  	s9 =	sadd.s32 $0xFFFFFEF7, lr;
	s5 =	simm.s32 $0xFFFFFFFF;
	p2 =	slt.u32 s8, $0xFFFFF086  }
0x1c: {  	p1 =	slt.u32 s9, $0xF7A;
	s5 =	simm.s32 @!p2 $0x0  }
0x1d: {  	s5 =	simm.s32 @p1 $0x1;
	p0 =	seq.s32 s7, s2  }
0x1e: {  	s7 =	smul.u32 @!p0 $0xF7A, s2;
	p2 =	seq.s32 @!p0 s5, $0x0  }
0x1f: {  	s9 =	smul.u32 $0xF7A, s1;
	s8 =	simm.s32 @!p0 $0x1BF5;
	p2 =	por !p2, p0  }
0x20: {  	[sflag:s8] =	ssyncset.s32 @!p0 $0xFFFFF086;
	s6 =	sadd.s32 @!p0 s3, s7;
	s7 =	simm.s32 @!p0 $0x108  }
0x21: {  	s3 =	sadd.s32 s3, s9;
	s6 =	sadd.s32 @!p0 $0x88, s6;
	s7 =	simm.s32 @p2 $0x1082  }
0x22: {  	[simem:s7], [sflag:s8] =	dma.local @!p0 [hbm:s6], $0xF7A  }
0x23: {  	s9 =	sor.u32 $0xD0000000, s2;
	s6 =	simm.s32 $0x108;
	_ =	swait.ge @!p0 [sflag:s8], $0x0  }
0x24: {  	s3 =	sadd.s32 $0x88, s3;
	s6 =	simm.s32 @!p1 $0x1082;
	[sflag:s4] =	ssyncset.s32 $0xFFFFF086  }
0x25: {  	[simem:s6], [sflag:s4] =	dma.local [hbm:s3], $0xF7A  }
0x26: {  	[smem:$0x3F98] =	sst s1;
	(tag) =	ssettag s2;
	_ =	strace s9  }
0x27: {  	s1 =	sld [smem:$0x3FA8]  }
0x28: {  	s2 =	sld [smem:$0x3FA9]  }
0x29: {  	s4 =	sld [smem:$0x3FAB]  }
0x2a: {  	p0 =	seq.s32 s5, $0x0;
	s5 =	sld [smem:$0x3FAC]  }
0x2b: {  	s6 =	sld [smem:$0x3FAD]  }
0x2c: {  	s7 =	sld [smem:$0x3FAE]  }
0x2d: {  	s3 =	simm.s32 $0x108;
	s8 =	sld [smem:$0x3FAF]  }
0x2e: {  	s3 =	simm.s32 @!p0 $0x1082;
	s9 =	sld [smem:$0x3FB0]  }
0x2f: {  	lr =	sadd.s32 s0, s3;
	s0 =	sld [smem:$0x3FA7]  }
0x30: {  	s3 =	sld [smem:$0x3FAA]  }
0x31: {  	[smem:$0x3FB3] =	sst s10  }
0x32: {  	s10 =	sld [smem:$0x3FB1];
	_ =	sdelay $0x3  }
0x33: {  	p0 =	seq.s32 s10, $0x1;
	s10 =	sld [smem:$0x3FB3];
	_ =	sdelay $0x3  }
0x34: {  	[smem:$0x3FB3] =	sst s10  }
0x35: {  	s10 =	sld [smem:$0x3FB2];
	_ =	sdelay $0x3  }
0x36: {  	p1 =	seq.s32 s10, $0x1;
	s10 =	sld [smem:$0x3FB3];
	_ =	sdelay $0x3  }
0x37: {  	[smem:$0x3FB3] =	sst s10  }
0x38: {  	s10 =	sld [smem:$0x3FB4]  }
0x39: {  	_ = 	snop;
	(pc) =	sbr.ind lr, $3  }
0x3a: {  	_ = 	snop  }
0x3b: {  	_ = 	snop  }
0x3c: {  	p2 =	seq.s32 s10, $0x1;
	s10 =	sld [smem:$0x3FB3]  }
0x3d: {  	_ =	shalt  }
0x3e: {  	_ =	shalt  }
0x3f: {  	_ =	shalt  }
0x40: {  	_ =	shalt  }
0x41: {  	_ =	shalt  }
0x42: {  	_ =	shalt  }
0x43: {  	_ =	shalt  }
0x44: {  	_ =	shalt  }
0x45: {  	_ =	shalt  }
0x46: {  	_ =	shalt  }
0x47: {  	_ =	shalt  }
0x48: {  	_ =	shalt  }
0x49: {  	_ =	shalt  }
0x4a: {  	_ =	shalt  }
0x4b: {  	_ =	shalt  }
0x4c: {  	_ =	shalt  }
0x4d: {  	_ =	shalt  }
0x4e: {  	_ =	shalt  }
0x4f: {  	_ =	shalt  }
0x50: {  	_ =	shalt  }
0x51: {  	_ =	shalt  }
0x52: {  	_ =	shalt  }
0x53: {  	_ =	shalt  }
0x54: {  	_ =	shalt  }
0x55: {  	_ =	shalt  }
0x56: {  	_ =	shalt  }
0x57: {  	_ =	shalt  }
0x58: {  	_ =	shalt  }
0x59: {  	_ =	shalt  }
0x5a: {  	_ =	shalt  }
0x5b: {  	_ =	shalt  }
0x5c: {  	_ =	shalt  }
0x5d: {  	_ =	shalt  }
0x5e: {  	_ =	shalt  }
0x5f: {  	_ =	shalt  }
0x60: {  	_ =	shalt  }
0x61: {  	_ =	shalt  }
0x62: {  	_ =	shalt  }
0x63: {  	_ =	shalt  }
0x64: {  	_ =	shalt  }
0x65: {  	_ =	shalt  }
0x66: {  	_ =	shalt  }
0x67: {  	_ =	shalt  }
0x68: {  	_ =	shalt  }
0x69: {  	_ =	shalt  }
0x6a: {  	_ =	shalt  }
0x6b: {  	_ =	shalt  }
0x6c: {  	_ =	shalt  }
0x6d: {  	_ =	shalt  }
0x6e: {  	_ =	shalt  }
0x6f: {  	_ =	shalt  }
0x70: {  	_ =	shalt  }
0x71: {  	_ =	shalt  }
0x72: {  	_ =	shalt  }
0x73: {  	_ =	shalt  }
0x74: {  	_ =	shalt  }
0x75: {  	_ =	shalt  }
0x76: {  	_ =	shalt  }
0x77: {  	_ =	shalt  }
0x78: {  	_ =	shalt  }
0x79: {  	_ =	shalt  }
0x7a: {  	_ =	shalt  }
0x7b: {  	_ =	shalt  }
0x7c: {  	_ =	shalt  }
0x7d: {  	_ =	shalt  }
0x7e: {  	_ =	shalt  }
0x7f: {  	_ =	shalt  }
0x80: {  	_ =	shalt  }
0x81: {  	_ =	shalt  }
0x82: {  	_ =	shalt  }
0x83: {  	_ =	shalt  }
0x84: {  	_ =	shalt  }
0x85: {  	_ =	shalt  }
0x86: {  	_ =	shalt  }
0x87: {  	_ =	shalt  }
.Lfunc_end0:
.L_simem_size_0:
called_computation_lowered:
.L_overlay_start_0:
0x88: {  	s2 =	sld [smem:$0x3FD9]  }
0x89: {  	s3 =	sld [smem:$0x3FFE];
	_ =	sdelay $0x1  }
0x8a: {  	s1 =	srdreg.scid  }
0x8b: {  	s0 =	sand.u32 $0x1, s1  }
0x8c: {  	s16 =	sshll.u32 s0, $0xA;
	s2 =	sadd.s32 s3, s2  }
0x8d: {  	s2 =	sadd.s32 s2, s16  }
0x8e: {  	[smem:$0x3FBF] =	sst s2  }
0x8f: {  	_ = 	snop  }
0x90: {  	(tm) =	ssettm $0x1  }
0x91: {  	s17 =	sld [smem:$0x3FFB];
	_ =	sdelay $0x3  }
0x92: {  	_ =	strace s17  }
0x93: {  	s2 =	sld [smem:$0x3FFC];
	_ =	sdelay $0x3  }
0x94: {  	_ =	strace s2  }
0x95: {  	s2 =	sld [smem:$0x3FFD];
	_ =	sdelay $0x3  }
0x96: {  	_ =	strace s2  }
0x97: {  	_ =	strace $0x8FFFFFFF  }
0x98: {  	s18 =	sld [smem:$0x3FDB];
	_ =	sdelay $0x1  }
0x99: {  	s19 =	simm.s32 $_scs_section_size  }
0x9a: {  	s4 =	simm.s32 $_size__tile_overlayer_lowered;
	s5 =	simm.s32 $_tile_overlayer_lowered  }
0x9b: {  	s22 =	simm.s32 $0x1BFF;
	s21 =	sshll.u32 s5, $0x1;
	s2 =	sadd.s32 s19, s18  }
0x9c: {  	s6 =	simm.s32 $0x0;
	s20 =	sshll.u32 s4, $0x1;
	s4 =	sadd.s32 s21, s2  }
0x9d: {  	[timem:s6], [sflag:s22] =	dma.local [hbm:s4], s20  }
0x9e: {  	_ =	swait.ge [sflag:s22], s20  }
0x9f: {  	s3 =	ssub.s32 $0x0, s20;
	[sflag:s22] =	ssyncset.done $0x0  }
0xa0: {  	[sflag:s22] =	ssyncadd.s32 s3;
	_ =	sdelay $0x1  }
0xa1: {  	s23 =	simm.s32 $0x1B8B  }
0xa2: {  	_ =	swait.ge [sflag:s23], $0x1  }
0xa3: {  	[sflag:s23] =	ssyncset.done $0x0  }
0xa4: {  	s25 =	simm.s32 $0x1B8E;
	s24 =	sld [smem:$0x3FFE];
	[sflag:s23] =	ssyncadd.s32 $0xFFFFFFFF  }
0xa5: {  	s26 =	simm.s32 $execute0_lowered;
	[smem:$0x3FD2] =	sst s25  }
0xa6: {  	s4 =	sshll.u32 s26, $0x1;
	_ =	strace $0x80000046;
	[dreg:$0x1] =	wrdreg $0xFFFFFFFF  }
0xa7: {  	s28 =	simm.s32 $_size_execute0_lowered;
	s2 =	sadd.s32 s2, s4;
	[dreg:$0x0] =	wrdreg $0x0  }
0xa8: {  	s4 =	sshll.u32 s28, $0x1;
	[dreg:$0x2] =	wrdreg s2  }
0xa9: {  	[dreg:$0x3] =	wrdreg s4  }
0xaa: {  	[dreg:$0x4] =	wrdreg $0xC0  }
0xab: {  	_ =	task [dreg:s6], $0x5FFFF  }
0xac: {  	[dreg:$0x1] =	wrdreg $0xFFFFFFFF  }
0xad: {  	[dreg:$0x0] =	wrdreg $0x60  }
0xae: {  	[dreg:$0x2] =	wrdreg s24  }
0xaf: {  	[dreg:$0x3] =	wrdreg $0x68000  }
0xb0: {  	[dreg:$0x4] =	wrdreg $0x9  }
0xb1: {  	_ =	task.clear_ibuf [dreg:s6], $0x5FFFF;
	_ =	strace $0x90000046  }
0xb2: {  	s29 =	simm.s32 $0x9;
	_ =	strace $0x80000048  }
0xb3: {  	_ =	swait.ge [sflag:s29], $0x1  }
0xb4: {  	[sflag:s29] =	ssyncadd.s32 $0xFFFFFFFF  }
0xb5: {  	_ =	strace $0x90000048  }
0xb6: {  	_ =	sfence  }
0xb7: {  	s30 =	sld [smem:$0x0];
	_ =	sdelay $0x2  }
0xb8: {  	s31 =	sshll.u32 s1, $0xD;
	s1 =	sshrl.u32 s1, $0x2  }
0xb9: {  	s3 =	sand.u32 $0x4000, s31;
	s1 =	sadd.s32 s1, s30  }
0xba: {  	s0 =	sor.u32 s3, s0;
	s1 =	sshll.u32 s1, $0x11  }
0xbb: {  	s0 =	sor.u32 s1, s0  }
0xbc: {  	s0 =	sadd.s32 $0x8F2B, s0  }
0xbd: {  	[sflag:s0] =	ssyncadd.remote.s32 $0x1  }
0xbe: {  	_ =	sfence.sel $0xFFFF  }
0xbf: {  	[dreg:$0x0] =	wrdreg $0xFFFFFFFF;
	(pc) =	sbr.abs _section_cstart, $3  }
0xc0: {  	[dreg:$0x1] =	wrdreg $0xFFFFFFFF  }
0xc1: {  	_ =	task.clear_ibuf [dreg:s6], $0x2FFFF;
	_ =	strace $0x9FFFFFFF  }
0xc2: {  	(tm) =	ssettm $0x7FFFFFFF  }
0xc3: {  	_ =	shalt  }
tec
execute0_lowered:
.L_overlay_start_1:
0x0: {  	(tag) =	ssettag $0x1  }
0x1: {  	s4 =	rddreg [dreg:$0x0]  }
0x2: {  	s0 =	srdreg.scid;
	s2 =	rddreg [dreg:$0x1]  }
0x3: {  	s1 =	rddreg [dreg:$0x2];
	s6 =	sand.u32 $0x1, s0  }
0x4: {  	s0 =	stileid.u32;
	s5 =	smul.u32 $0x27800, s6  }
0x5: {  	s3 =	simm.s32 $0x0;
	s19 =	simm.s32 $0x80;
	s7 =	smul.u32 $0x2780, s0  }
0x6: {  	s20 =	simm.s32 $0x0;
	[smem:$0x7FF] =	sst s3;
	s8 =	smul.u32 $0x280, s0  }
0x7: {  	s13 =	sadd.s32 $0x16A00, s4;
	s23 =	smul.u32 $0x50000, s0;
	s24 =	ssub.s32 $0x2, s6  }
0x8: {  	_ =	strace $0x80000047;
	s16 =	smul.u32 $0x2800, s6;
	s25 =	sshrl.u32 s24, $0x1  }
0x9: {  	s5 =	sadd.s32 s7, s5;
	s7 =	sshrl.u32 s23, $0x2;
	s9 =	sadd.s32 $0x80, s8  }
0xa: {  	s14 =	ssub.s32 s24, s25;
	s11 =	sadd.s32 $0x100, s8;
	s12 =	sadd.s32 $0x180, s8  }
0xb: {  	s17 =	sadd.s32 $0x200, s8;
	s18 =	sadd.s32 s8, s16;
	s24 =	simm.s32 $0x0  }
0xc: {  	s5 =	sshrl.u32 s5, $0x3;
	s26 =	sshll.u32 s9, $0x7;
	s28 =	sshll.u32 s11, $0x7  }
0xd: {  	s10 =	sshll.u32 s12, $0x7;
	s29 =	sshll.u32 s17, $0x7;
	s9 =	sadd.s32 s16, s9  }
0xe: {  	s30 =	sshll.u32 s18, $0x4;
	s11 =	sadd.s32 s16, s11;
	s12 =	sadd.s32 s16, s12  }
0xf: {  	s16 =	sadd.s32 s16, s17;
	s14 =	smax.u32 s14, $0x1;
	s17 =	simm.s32 $0x2  }
0x10: {  	s18 =	simm.s32 $0x1;
	s15 =	sadd.s32 s5, s4;
	s4 =	sadd.s32 s7, s2  }
0x11: {  	s5 =	sadd.s32 s26, s2;
	s6 =	sadd.s32 s28, s2;
	s7 =	sadd.s32 s10, s2  }
0x12: {  	s8 =	sadd.s32 s29, s2;
	s31 =	sshll.u32 s9, $0x4;
	s9 =	sadd.s32 s13, s30  }
0x13: {  	s11 =	sshll.u32 s11, $0x4;
	s12 =	sshll.u32 s12, $0x4;
	s16 =	sshll.u32 s16, $0x4  }
0x14: {  	s10 =	sadd.s32 s13, s31;
	s11 =	sadd.s32 s13, s11;
	s12 =	sadd.s32 s13, s12  }
0x15: {  	v0 =	vimm.f32 $0.0e+00;
	v1 =	vimm.f32 $1.000000000e+00;
	s13 =	sadd.s32 s13, s16;
	s15 =	sadd.s32 $0xCC00, s15;
	s16 =	simm.s32 $0x2800  }
.LBB2_1:
0x16: {  	s21 =	sadd.s32 $0x0, s15  }
0x17: {  	[tilespmem:s3], [sflag:$0x1] =	stream.linear.gather [hbm4b:s21+s3], $0x80, $0x38;
	[tilespmem:$0x1A800] =	vst v63  }
0x18: {  	s22 =	simm.s32 $0x0;
	s21 =	simm.s32 $0x10  }
.LBB2_2:
0x19: {  	p0 =	sne.s32 s21, $0x4E0  }
.Ltmp0:
0x1a: {  	_ = 	snop;
	(pc) =	sbr.rel @p0 .LBB2_2-.Ltmp0, $4  }
0x1b: {  	_ = 	snop  }
0x1c: {  	s23 =	sadd.s32 s21, s15;
	s22 =	sadd.s32 $0x80, s22  }
0x1d: {  	s21 =	sadd.s32 $0x10, s21  }
0x1e: {  	[tilespmem:s22], [sflag:$0x1] =	stream.linear.gather [hbm4b:s23+s24], $0x80, $0x38;
	[tilespmem:$0x1A800] =	vst v63  }
0x1f: {  	s21 =	simm.s32 $0x0;
	s22 =	simm.s32 $0x200  }
.LBB2_4:
0x20: {  	p0 =	sne.s32 s22, $0xFE00;
	[tilespmem:s21+$0x2870] =	vst v0  }
0x21: {  	[tilespmem:s21+$0x2800] =	vst v0  }
0x22: {  	[tilespmem:s21+$0x2810] =	vst v0  }
.Ltmp1:
0x23: {  	[tilespmem:s21+$0x2820] =	vst v0;
	(pc) =	sbr.rel @p0 .LBB2_4-.Ltmp1, $4  }
0x24: {  	[tilespmem:s21+$0x2830] =	vst v0  }
0x25: {  	[tilespmem:s21+$0x2840] =	vst v0  }
0x26: {  	[tilespmem:s21+$0x2850] =	vst v0  }
0x27: {  	[tilespmem:s21+$0x2860] =	vst v0;
	s21 =	sshra.s32 s22, $0x2;
	s22 =	sadd.s32 $0x200, s22  }
0x28: {  	[tilespmem:s21+$0x2870] =	vst v0  }
0x29: {  	[tilespmem:s21+$0x2800] =	vst v0  }
0x2a: {  	[tilespmem:s21+$0x2810] =	vst v0  }
0x2b: {  	[tilespmem:s21+$0x2820] =	vst v0  }
0x2c: {  	[tilespmem:s21+$0x2830] =	vst v0  }
0x2d: {  	[tilespmem:s21+$0x2840] =	vst v0  }
0x2e: {  	[tilespmem:s21+$0x2850] =	vst v0  }
0x2f: {  	[tilespmem:s21+$0x2860] =	vst v0  }
0x30: {  	[spmem:s4] =	stream.linear.scatter [tilespmem:s16], [sflag:$0x2], $0x4000, $0x38;
	[tilespmem:$0x1A800] =	vst v63  }
0x31: {  	_ =	swait.ge [sflag:s17], $0x4000  }
0x32: {  	[sflag:s17] =	ssyncset.done $0x0  }
0x33: {  	[sflag:s17] =	ssyncadd.s32 $0xFFFFC000  }
0x34: {  	[spmem:s5] =	stream.linear.scatter [tilespmem:s16], [sflag:$0x2], $0x4000, $0x38;
	[tilespmem:$0x1A800] =	vst v63  }
0x35: {  	_ =	swait.ge [sflag:s17], $0x4000  }
0x36: {  	[sflag:s17] =	ssyncset.done $0x0  }
0x37: {  	[sflag:s17] =	ssyncadd.s32 $0xFFFFC000  }
0x38: {  	[spmem:s6] =	stream.linear.scatter [tilespmem:s16], [sflag:$0x2], $0x4000, $0x38;
	[tilespmem:$0x1A800] =	vst v63  }
0x39: {  	_ =	swait.ge [sflag:s17], $0x4000  }
0x3a: {  	[sflag:s17] =	ssyncset.done $0x0  }
0x3b: {  	[sflag:s17] =	ssyncadd.s32 $0xFFFFC000  }
0x3c: {  	[spmem:s7] =	stream.linear.scatter [tilespmem:s16], [sflag:$0x2], $0x4000, $0x38;
	[tilespmem:$0x1A800] =	vst v63  }
0x3d: {  	_ =	swait.ge [sflag:s17], $0x4000  }
0x3e: {  	[sflag:s17] =	ssyncset.done $0x0  }
0x3f: {  	[sflag:s17] =	ssyncadd.s32 $0xFFFFC000  }
0x40: {  	[spmem:s8] =	stream.linear.scatter [tilespmem:s16], [sflag:$0x2], $0x4000, $0x38;
	[tilespmem:$0x1A800] =	vst v63  }
0x41: {  	_ =	swait.ge [sflag:s17], $0x4000  }
0x42: {  	[sflag:s17] =	ssyncset.done $0x0  }
0x43: {  	[sflag:s17] =	ssyncadd.s32 $0xFFFFC000  }
0x44: {  	_ =	swait.ge [sflag:s18], $0x80  }
0x45: {  	s21 =	simm.s32 $0x4E;
	[sflag:s18] =	ssyncset.done $0x0  }
.LBB2_6:
0x46: {  	p0 =	sne.s32 s21, $0x1;
	s21 =	sadd.s32 $0xFFFFFFFF, s21;
	[sflag:s18] =	ssyncadd.s32 $0xFFFFFF80  }
.Ltmp2:
0x47: {  	(pc) =	sbr.rel @p0 .LBB2_6-.Ltmp2, $3  }
0x48: {  	_ =	sdelay $0x1  }
0x49: {  	_ =	swait.ge [sflag:s18], $0x80  }
0x4a: {  	[sflag:s18] =	ssyncset.done $0x0  }
0x4b: {  	[sflag:s18] =	ssyncadd.s32 $0xFFFFFF80  }
0x4c: {  	s21 =	simm.s32 $0x0;
	s22 =	simm.s32 $0x200;
	[bflag:$0x0] =	sbarrier.arrive $0xFFFF  }
.LBB2_8:
0x4d: {  	p0 =	sne.s32 s22, $0xFE00;
	[tilespmem:s21+$0x2870] =	vst v1  }
0x4e: {  	[tilespmem:s21+$0x2800] =	vst v1  }
0x4f: {  	[tilespmem:s21+$0x2810] =	vst v1  }
.Ltmp3:
0x50: {  	[tilespmem:s21+$0x2820] =	vst v1;
	(pc) =	sbr.rel @p0 .LBB2_8-.Ltmp3, $4  }
0x51: {  	[tilespmem:s21+$0x2830] =	vst v1  }
0x52: {  	[tilespmem:s21+$0x2840] =	vst v1  }
0x53: {  	[tilespmem:s21+$0x2850] =	vst v1  }
0x54: {  	[tilespmem:s21+$0x2860] =	vst v1;
	s21 =	sshra.s32 s22, $0x2;
	s22 =	sadd.s32 $0x200, s22  }
0x55: {  	[tilespmem:s21+$0x2870] =	vst v1  }
0x56: {  	[tilespmem:s21+$0x2800] =	vst v1  }
0x57: {  	[tilespmem:s21+$0x2810] =	vst v1  }
0x58: {  	[tilespmem:s21+$0x2820] =	vst v1  }
0x59: {  	[tilespmem:s21+$0x2830] =	vst v1  }
0x5a: {  	[tilespmem:s21+$0x2840] =	vst v1  }
0x5b: {  	[tilespmem:s21+$0x2850] =	vst v1  }
0x5c: {  	[tilespmem:s21+$0x2860] =	vst v1;
	s31 =	simm.s32 $0x0  }
0x5d: {  	[spmem:s2] =	stream.indirect.scatter.add.f32 [tilespmem:s16], [sflag:$0x2], $0x80, s31, s19, $0xb8;
	[tilespmem:$0x1A800] =	vst v63  }
0x5e: {  	_ =	swait.ge [sflag:s17], $0x4000  }
0x5f: {  	s21 =	simm.s32 $0x200;
	[sflag:s17] =	ssyncset.done $0x0  }
.LBB2_10:
0x60: {  	s22 =	sshra.s32 s21, $0x2;
	[sflag:s17] =	ssyncadd.s32 $0xFFFFC000;
	p0 =	sne.s32 s21, $0x9C00  }
0x61: {  	[spmem:s2] =	stream.indirect.scatter.add.f32 [tilespmem:s16], [sflag:$0x2], $0x80, s22, s19, $0xb8;
	[tilespmem:$0x1A800] =	vst v63  }
.Ltmp4:
0x62: {  	_ = 	snop;
	(pc) =	sbr.rel @p0 .LBB2_10-.Ltmp4, $4  }
0x63: {  	_ = 	snop  }
0x64: {  	s21 =	sadd.s32 $0x200, s21  }
0x65: {  	_ =	swait.ge [sflag:s17], $0x4000  }
0x66: {  	[sflag:s17] =	ssyncset.done $0x0  }
0x67: {  	[sflag:s17] =	ssyncadd.s32 $0xFFFFC000  }
0x68: {  	[bflag:$0x0] =	sbarrier.arrive $0xFFFF  }
0x69: {  	[tilespmem:s16], [sflag:$0x2] =	stream.linear.gather [spmem:s4], $0x4000, $0x38;
	[tilespmem:$0x1A800] =	vst v63  }
0x6a: {  	_ =	swait.ge [sflag:s17], $0x4000  }
0x6b: {  	[sflag:s17] =	ssyncset.done $0x0  }
0x6c: {  	[sflag:s17] =	ssyncadd.s32 $0xFFFFC000  }
0x6d: {  	[hbm4b:s9+s3] =	stream.linear.scatter [tilespmem:s16], [sflag:$0x2], $0x4000, $0x38;
	[tilespmem:$0x1A800] =	vst v63  }
0x6e: {  	_ =	swait.ge [sflag:s17], $0x4000  }
0x6f: {  	[sflag:s17] =	ssyncset.done $0x0  }
0x70: {  	[sflag:s17] =	ssyncadd.s32 $0xFFFFC000  }
0x71: {  	[tilespmem:s16], [sflag:$0x2] =	stream.linear.gather [spmem:s5], $0x4000, $0x38;
	[tilespmem:$0x1A800] =	vst v63  }
0x72: {  	_ =	swait.ge [sflag:s17], $0x4000  }
0x73: {  	[sflag:s17] =	ssyncset.done $0x0  }
0x74: {  	[sflag:s17] =	ssyncadd.s32 $0xFFFFC000  }
0x75: {  	[hbm4b:s10+s3] =	stream.linear.scatter [tilespmem:s16], [sflag:$0x2], $0x4000, $0x38;
	[tilespmem:$0x1A800] =	vst v63  }
0x76: {  	_ =	swait.ge [sflag:s17], $0x4000  }
0x77: {  	[sflag:s17] =	ssyncset.done $0x0  }
0x78: {  	[sflag:s17] =	ssyncadd.s32 $0xFFFFC000  }
0x79: {  	[tilespmem:s16], [sflag:$0x2] =	stream.linear.gather [spmem:s6], $0x4000, $0x38;
	[tilespmem:$0x1A800] =	vst v63  }
0x7a: {  	_ =	swait.ge [sflag:s17], $0x4000  }
0x7b: {  	[sflag:s17] =	ssyncset.done $0x0  }
0x7c: {  	[sflag:s17] =	ssyncadd.s32 $0xFFFFC000  }
0x7d: {  	[hbm4b:s11+s3] =	stream.linear.scatter [tilespmem:s16], [sflag:$0x2], $0x4000, $0x38;
	[tilespmem:$0x1A800] =	vst v63  }
0x7e: {  	_ =	swait.ge [sflag:s17], $0x4000  }
0x7f: {  	[sflag:s17] =	ssyncset.done $0x0  }
0x80: {  	[sflag:s17] =	ssyncadd.s32 $0xFFFFC000  }
0x81: {  	[tilespmem:s16], [sflag:$0x2] =	stream.linear.gather [spmem:s7], $0x4000, $0x38;
	[tilespmem:$0x1A800] =	vst v63  }
0x82: {  	_ =	swait.ge [sflag:s17], $0x4000  }
0x83: {  	[sflag:s17] =	ssyncset.done $0x0  }
0x84: {  	[sflag:s17] =	ssyncadd.s32 $0xFFFFC000  }
0x85: {  	[hbm4b:s12+s3] =	stream.linear.scatter [tilespmem:s16], [sflag:$0x2], $0x4000, $0x38;
	[tilespmem:$0x1A800] =	vst v63  }
0x86: {  	_ =	swait.ge [sflag:s17], $0x4000  }
0x87: {  	[sflag:s17] =	ssyncset.done $0x0  }
0x88: {  	[sflag:s17] =	ssyncadd.s32 $0xFFFFC000  }
0x89: {  	[tilespmem:s16], [sflag:$0x2] =	stream.linear.gather [spmem:s8], $0x4000, $0x38;
	[tilespmem:$0x1A800] =	vst v63  }
0x8a: {  	s20 =	sadd.s32 $0x1, s20;
	_ =	swait.ge [sflag:s17], $0x4000  }
0x8b: {  	p0 =	sne.s32 s20, s14;
	[sflag:s17] =	ssyncset.done $0x0  }
.Ltmp5:
0x8c: {  	[sflag:s17] =	ssyncadd.s32 $0xFFFFC000;
	(pc) =	sbr.rel @p0 .LBB2_1-.Ltmp5, $4  }
0x8d: {  	[hbm4b:s13+s3] =	stream.linear.scatter [tilespmem:s16], [sflag:$0x2], $0x4000, $0x38;
	[tilespmem:$0x1A800] =	vst v63  }
0x8e: {  	_ =	swait.ge [sflag:s17], $0x4000  }
0x8f: {  	[sflag:s17] =	ssyncset.done $0x0  }
0x90: {  	[sflag:s17] =	ssyncadd.s32 $0xFFFFC000  }
0x91: {  	_ =	sfence.sel $0x180000  }
0x92: {  	[bflag:$0x0] =	sbarrier.arrive $0xFFFF  }
0x93: {  	p0 =	sne.s32 s0, $0x0;
	_ =	strace $0x90000047  }
0x94: {  	s0 =	sadd.s32 @!p0 $0x100000, s1;
	[bflag:$0x2] =	sbarrier.arrive $0xFFFF  }
0x95: {  	[sflag:s0] =	ssyncadd.tile.s32 @!p0 $0x1;
	_ =	shalt  }
.Lfunc_end2:
_tile_overlayer_lowered:
.L_overlay_start_2:
0x96: {  	(tag) =	ssettag $0x2  }
0x97: {  	s0 =	rddreg [dreg:$0x0];
	s2 =	stileid.u32  }
0x98: {  	s1 =	rddreg [dreg:$0x1];
	p0 =	sne.s32 s2, $0x0  }
0x99: {  	s3 =	rddreg [dreg:$0x2];
	[bflag:$0x3] =	sbarrier.arrive $0xFFFF;
	s2 =	simm.s32 @!p0 $0x1C02  }
0x9a: {  	[timem:s3], [sflag:s2] =	dma.local @!p0 [hbm:s0], s1  }
0x9b: {  	s0 =	simm.s32 @!p0 $0x2  }
0x9c: {  	_ =	swait.ge @!p0 [sflag:s0], s1  }
0x9d: {  	s1 =	ssub.s32 @!p0 $0x0, s1;
	[sflag:s0] =	ssyncset.done @!p0 $0x0  }
0x9e: {  	[sflag:s0] =	ssyncadd.s32 @!p0 s1  }
0x9f: {  	[bflag:$0x3] =	sbarrier.arrive $0xFFFF  }
0xa0: {  	_ =	shalt  }

</sc_bundles>
